<compile_context>
chip_gen: v7x
topology: tpu7x:2x2x1
jax: 0.10.2.dev20260603
libtpu: 0.0.44.dev20260713+nightly
codegen_flags: <defaults>
</compile_context>

<pallas_src>
import functools

import jax
import jax.numpy as jnp
from jax import lax
from jax.experimental import pallas as pl
from jax.experimental.pallas import tpu as pltpu, tpu_sc as plsc

L = 16
NC, NS = 1, 16
NW = NC * NS
SCAN_U = 8


def _alpha_body(x_ref, wg_ref, asrc_ref, adst_ref, out_ref):
    d = wg_ref.shape[0]
    heads, hd = asrc_ref.shape
    wg3 = wg_ref[...].reshape(d, heads, hd)
    a_s = (wg3 * asrc_ref[...][None]).sum(-1)
    a_d = (wg3 * adst_ref[...][None]).sum(-1)
    a = jnp.concatenate(
        [a_s, a_d, jnp.zeros((d, 128 - 2 * heads), jnp.float32)], axis=1)
    out_ref[...] = jnp.dot(x_ref[...], a, preferred_element_type=jnp.float32)


def _make_sc_kernel(n, e, d, heads, seg):
    acc_len = L * heads * d
    assert e % (NW * L) == 0
    epw = e // NW
    nsteps = epw // L
    nfull = nsteps // SCAN_U
    nrem = nsteps - nfull * SCAN_U
    shift = 25
    magic = -(-(1 << shift) // seg)
    assert (n - 1) * (magic * seg - (1 << shift)) < (1 << shift)
    assert (n - 1) * magic < (1 << 31)
    tmax = L * seg >= n
    mesh = plsc.VectorSubcoreMesh(core_axis_name="c", subcore_axis_name="s",
                                  num_cores=NC)

    @functools.partial(
        pl.kernel,
        out_type=[
            jax.ShapeDtypeStruct((NW, acc_len), jnp.float32),
            jax.ShapeDtypeStruct((NW, L * L), jnp.float32),
            jax.ShapeDtypeStruct((L, d), jnp.float32),
        ],
        mesh=mesh,
        compiler_params=pltpu.CompilerParams(needs_layout_passes=False),
        scratch_types=[
            pltpu.VMEM((epw,), jnp.int32),
            pltpu.VMEM((epw,), jnp.int32),
            pltpu.VMEM((epw,), jnp.int32),
            pltpu.VMEM((epw,), jnp.int32),
            pltpu.VMEM((L,), jnp.int32),
            pltpu.VMEM((L, 128), jnp.float32),
            pltpu.VMEM((L, 128), jnp.float32),
            pltpu.VMEM((L, d), jnp.float32),
            pltpu.VMEM((L * heads,), jnp.float32),
            pltpu.VMEM((L,), jnp.int32),
            pltpu.VMEM((acc_len,), jnp.float32),
            pltpu.VMEM((L * L,), jnp.float32),
            pltpu.SemaphoreType.DMA,
            pltpu.SemaphoreType.DMA,
        ],
    )
    def sc_kernel(ei_hbm, adj_hbm, alpha_hbm, x_hbm,
                  xacc_out, denom_out, xtgt_out,
                  src_v, dst_v, slist, tlist, adj_v, adstt_v,
                  abuf, xbuf, pbuf, idx_v, xacc_v, denom_v, sem0, sem1):
        wid = lax.axis_index("s") * NC + lax.axis_index("c")
        iota = lax.iota(jnp.int32, L)
        zero16 = jnp.zeros((L,), jnp.float32)

        cp_src = pltpu.async_copy(
            ei_hbm.at[pl.ds(wid * epw, epw)], src_v, sem0)
        cp_dst = pltpu.async_copy(
            ei_hbm.at[pl.ds(NW * epw + wid * epw, epw)], dst_v, sem0)
        pltpu.sync_copy(adj_hbm, adj_v)
        cp_adst = pltpu.async_copy(alpha_hbm.at[adj_v], adstt_v, sem1)

        def _zero_acc(i, _):
            for u in range(16):
                xacc_v[pl.ds(i * (16 * L) + u * L, L)] = zero16
            return 0
        with jax.named_scope("sc_zero"):
            lax.fori_loop(0, acc_len // (16 * L), _zero_acc, 0)
            for i in range(L):
                denom_v[pl.ds(i * L, L)] = zero16

        cp_src.wait()
        cp_dst.wait()
        cp_adst.wait()

        @pl.when(wid == 0)
        def _():
            pltpu.async_copy(x_hbm.at[adj_v], xbuf, sem1).wait()
            pltpu.sync_copy(xbuf, xtgt_out)

        def _scan_block(i0, ublocks, base):
            ms = []
            for u in range(ublocks):
                d16 = dst_v[pl.ds(i0 + u * L, L)]
                t16 = (d16 * magic) >> shift
                if not tmax:
                    t16 = jnp.minimum(t16, L - 1)
                av = plsc.load_gather(adj_v, [t16])
                ms.append((d16 == av, t16))
            anym = ms[0][0]
            for u in range(1, ublocks):
                anym = anym | ms[u][0]

            def _compact(base):
                for u in range(ublocks):
                    m, t16 = ms[u]
                    s16 = src_v[pl.ds(i0 + u * L, L)]
                    mi = m.astype(jnp.int32)
                    pos = jnp.maximum(plsc.cumsum(mi) - 1 + base, 0)
                    plsc.store_scatter(slist, [pos], s16, mask=m)
                    plsc.store_scatter(tlist, [pos], t16, mask=m)
                    base = base + plsc.all_reduce_population_count(m)
                return base

            return lax.cond(jnp.any(anym), _compact, lambda b: b, base)

        with jax.named_scope("sc_scan"):
            base = lax.fori_loop(
                0, nfull,
                lambda i, b: _scan_block(i * (SCAN_U * L), SCAN_U, b),
                jnp.zeros((L,), jnp.int32))
            for r in range(nrem):
                base = _scan_block((nfull * SCAN_U + r) * L, 1, base)
        m_total = jnp.max(base)
        ngroups = (m_total + (L - 1)) >> 4

        def _group(g, _):
            off = g * L
            lanepos = off + iota
            lv = lanepos < m_total
            s16 = jnp.where(lv, slist[pl.ds(off, L)], 0)
            t16 = jnp.where(lv, tlist[pl.ds(off, L)], 0)
            idx_v[...] = s16
            cpx = pltpu.async_copy(x_hbm.at[idx_v], xbuf, sem0)
            cpa = pltpu.async_copy(alpha_hbm.at[idx_v], abuf, sem1)
            cpa.wait()

            for h in range(heads):
                a_s = plsc.load_gather(abuf, [iota, jnp.full((L,), h, jnp.int32)])
                a_d = plsc.load_gather(
                    adstt_v, [t16, jnp.full((L,), heads + h, jnp.int32)])
                ev = a_s + a_d
                ev = jnp.where(ev >= 0.0, ev, 0.2 * ev)
                p = jnp.where(lv, jnp.exp(ev), 0.0)
                plsc.addupdate_scatter(denom_v, [t16 * L + h], p, mask=lv)
                pbuf[pl.ds(h * L, L)] = p
            cpx.wait()

            def _edge(j, _):
                tj = plsc.load_gather(tlist, [jnp.broadcast_to(off + j, (L,))])
                tbase = tj * (heads * d) + iota
                phs = [
                    plsc.load_gather(
                        pbuf, [jnp.broadcast_to(h * L + j, (L,))])
                    for h in range(heads)
                ]
                for kc in range(d // L):
                    xv = xbuf[j, pl.ds(kc * L, L)]
                    for h in range(heads):
                        plsc.addupdate_scatter(
                            xacc_v, [tbase + (h * d + kc * L)], phs[h] * xv)
                return 0

            @pl.when(off < m_total)
            def _():
                nedge = jnp.minimum(m_total - off, L)
                lax.fori_loop(0, nedge, _edge, 0)
            return 0

        with jax.named_scope("sc_groups"):
            lax.fori_loop(0, ngroups, _group, 0)

        pltpu.sync_copy(xacc_v, xacc_out.at[wid])
        pltpu.sync_copy(denom_v, denom_out.at[wid])

    return sc_kernel


def _combine_body(heads, hd, xacc_ref, den_ref, xtgt_ref, wt_ref, bt_ref,
                  wg_ref, bg_ref, wfc_ref, bfc_ref, out_ref):
    d = xtgt_ref.shape[1]
    emb = heads * hd
    xaccs = xacc_ref[...].sum(0)
    den = den_ref[...].sum(0)[:, :heads]
    wg_tiled = jnp.concatenate([wg_ref[...]] * heads, axis=0)
    rowh = lax.broadcasted_iota(jnp.int32, (heads * d, emb), 0) // d
    colh = lax.broadcasted_iota(jnp.int32, (heads * d, emb), 1) // hd
    w2 = jnp.where(rowh == colh, wg_tiled, 0.0)
    num = jnp.dot(xaccs, w2, preferred_element_type=jnp.float32)
    inv = 1.0 / (den + 1e-16)
    srow = lax.broadcasted_iota(jnp.int32, (heads, emb), 0)
    scol = lax.broadcasted_iota(jnp.int32, (heads, emb), 1) // hd
    sel = jnp.where(srow == scol, 1.0, 0.0)
    h_g = num * jnp.dot(inv, sel, preferred_element_type=jnp.float32)
    h_g = h_g + bg_ref[...]
    h_t = jnp.dot(xtgt_ref[...], wt_ref[...],
                  preferred_element_type=jnp.float32) + bt_ref[...]
    hsum = h_t + h_g
    out_ref[...] = jnp.dot(hsum, wfc_ref[...],
                           preferred_element_type=jnp.float32) + bfc_ref[...]


def kernel(x, edge_index, ptr, target_node_idx, Wt, bt, Wg, a_src, a_dst,
           bg, Wfc, bfc):
    n, d = x.shape
    e = edge_index.shape[1]
    heads, hd = a_src.shape
    hid = Wfc.shape[1]
    b = ptr.shape[0] - 1

    assert b == L
    adjusted = (target_node_idx + ptr[:-1]).astype(jnp.int32)

    ei = jnp.asarray(edge_index, jnp.int32).reshape(2 * e)

    alpha = pl.pallas_call(
        _alpha_body,
        out_shape=jax.ShapeDtypeStruct((n, 128), jnp.float32),
    )(x, Wg, a_src, a_dst)

    sc = _make_sc_kernel(n, e, d, heads, n // b)
    xacc, denom, xtgt = sc(ei, adjusted, alpha, x)

    out = pl.pallas_call(
        functools.partial(_combine_body, heads, hd),
        out_shape=jax.ShapeDtypeStruct((b, hid), jnp.float32),
    )(xacc.reshape(NW, b, heads * d), denom.reshape(NW, L, L),
      xtgt, Wt, bt, Wg, bg, Wfc, bfc)
    return out

# --- scband reference (transcript-rebuilt; emitter-appended) ---
"""Pipeline reference for scband-sender-dual-38774964748929 (READ-ONLY COPY).

The authoritative reference and input builder live on the scoring server;
editing this copy changes nothing except your own understanding.
"""

import jax, jax.numpy as jnp
import numpy as np

N = 10000
E = 160000
D = 256
EMB = 256
HEADS = 8
HD = EMB // HEADS
B = 16
HID = 256


def setup_inputs(seed: int = 0) -> dict:
    key = jax.random.key(seed)
    ks = jax.random.split(key, 10)
    x = jax.random.normal(ks[0], (N, D), dtype=jnp.float32)
    edge_index = jax.random.randint(ks[1], (2, E), 0, N)
    ptr = jnp.arange(B + 1, dtype=jnp.int32) * (N // B)
    target_node_idx = jax.random.randint(ks[2], (B,), 0, N // B)
    Wt = jax.random.normal(ks[3], (D, EMB), dtype=jnp.float32) * (1.0 / np.sqrt(D))
    bt = jnp.zeros((EMB,), dtype=jnp.float32)
    Wg = jax.random.normal(ks[4], (D, HEADS * HD), dtype=jnp.float32) * (1.0 / np.sqrt(D))
    a_src = jax.random.normal(ks[5], (HEADS, HD), dtype=jnp.float32) * (1.0 / np.sqrt(HD))
    a_dst = jax.random.normal(ks[6], (HEADS, HD), dtype=jnp.float32) * (1.0 / np.sqrt(HD))
    bg = jnp.zeros((EMB,), dtype=jnp.float32)
    Wfc = jax.random.normal(ks[7], (EMB, HID), dtype=jnp.float32) * (1.0 / np.sqrt(EMB))
    bfc = jnp.zeros((HID,), dtype=jnp.float32)
    return {"x": x, "edge_index": edge_index, "ptr": ptr, "target_node_idx": target_node_idx,
            "Wt": Wt, "bt": bt, "Wg": Wg, "a_src": a_src, "a_dst": a_dst, "bg": bg,
            "Wfc": Wfc, "bfc": bfc}


def reference(x, edge_index, ptr, target_node_idx, Wt, bt, Wg, a_src, a_dst, bg, Wfc, bfc):
    # Transform branch: node-wise linear projection
    h_t = x @ Wt + bt
    # GAT branch: multi-head graph attention (concat heads, head_dim = EMB // HEADS)
    h = (x @ Wg).reshape(N, HEADS, HD)
    src = edge_index[0]
    dst = edge_index[1]
    alpha_src = jnp.einsum('nhd,hd->nh', h, a_src)
    alpha_dst = jnp.einsum('nhd,hd->nh', h, a_dst)
    e = alpha_src[src] + alpha_dst[dst]            # [E, HEADS]
    e = jax.nn.leaky_relu(e, negative_slope=0.2)
    emax = jax.ops.segment_max(e, dst, num_segments=N)
    e = jnp.exp(e - emax[dst])
    denom = jax.ops.segment_sum(e, dst, num_segments=N)
    attn = e / (denom[dst] + 1e-16)                # [E, HEADS]
    msg = attn[:, :, None] * h[src]                # [E, HEADS, HD]
    agg = jax.ops.segment_sum(msg, dst, num_segments=N)
    h_g = agg.reshape(N, EMB) + bg
    # Combine and gather the per-graph target nodes
    hsum = h_t + h_g
    adjusted = target_node_idx + ptr[:-1]
    target_embedding = hsum[adjusted]
    output = target_embedding @ Wfc + bfc
    return output.reshape(-1, HID)

if __name__ == "__main__":
    import jax
    _d = setup_inputs()
    print(jax.jit(kernel)(*tuple(_d.values())))

</pallas_src>

<mosaic_0001>
#map = affine_map<(d0, d1) -> (0)>
#map1 = affine_map<(d0, d1) -> (0, 0)>
module attributes {stable_mosaic.version = 14 : i64} {
  func.func @sc_kernel(%arg0: i32, %arg1: i32, %arg2: memref<320000xi32, #tpu.memory_space<hbm>>, %arg3: memref<16xi32, #tpu.memory_space<hbm>>, %arg4: memref<10000x128xf32, #tpu.memory_space<hbm>>, %arg5: memref<10000x256xf32, #tpu.memory_space<hbm>>, %arg6: memref<16x32768xf32, #tpu.memory_space<hbm>>, %arg7: memref<16x256xf32, #tpu.memory_space<hbm>>, %arg8: memref<16x256xf32, #tpu.memory_space<hbm>>, %arg9: memref<10000xi32, #tpu.memory_space<vmem>>, %arg10: memref<10000xi32, #tpu.memory_space<vmem>>, %arg11: memref<10000xi32, #tpu.memory_space<vmem>>, %arg12: memref<10000xi32, #tpu.memory_space<vmem>>, %arg13: memref<16xi32, #tpu.memory_space<vmem>>, %arg14: memref<16x128xf32, #tpu.memory_space<vmem>>, %arg15: memref<16x128xf32, #tpu.memory_space<vmem>>, %arg16: memref<16x256xf32, #tpu.memory_space<vmem>>, %arg17: memref<128xf32, #tpu.memory_space<vmem>>, %arg18: memref<16xi32, #tpu.memory_space<vmem>>, %arg19: memref<32768xf32, #tpu.memory_space<vmem>>, %arg20: memref<256xf32, #tpu.memory_space<vmem>>, %arg21: memref<!tpu.dma_semaphore, #tpu.memory_space<semaphore_mem>>, %arg22: memref<!tpu.dma_semaphore, #tpu.memory_space<semaphore_mem>>) attributes {dimension_semantics = [#tpu.dimension_semantics<core_parallel>, #tpu.dimension_semantics<subcore_parallel>], iteration_bounds = array<i64: 1, 16>, scalar_prefetch = 0 : i64, scratch_operands = 14 : i64, tpu.core_type = #tpu.core_type<sc_vector_subcore>, window_params = [{transform_indices = #map}, {transform_indices = #map}, {transform_indices = #map1}, {transform_indices = #map1}, {transform_indices = #map1}, {transform_indices = #map1}, {transform_indices = #map1}]} {
    %mul3A = arith.constant 1 : i32
    %mul3A_0 = arith.muli %arg1, %mul3A : i32
    %add3A = arith.addi %mul3A_0, %arg0 : i32
    %iota3A = tpu.iota {dimensions = array<i32: 0>} : vector<16xi32>
    %broadcast_in_dim3A = arith.constant 0.000000e+00 : f32
    %broadcast_in_dim3A_1 = vector.broadcast %broadcast_in_dim3A : f32 to vector<16xf32>
    %mul3A_2 = arith.constant 10000 : i32
    %mul3A_3 = arith.muli %add3A, %mul3A_2 : i32
    %dma_start3A = tpu.memref_slice %arg2[%mul3A_3] : memref<320000xi32, #tpu.memory_space<hbm>> -> memref<10000xi32, #tpu.memory_space<hbm>>
    %dma_start3A_4 = tpu.memref_slice %arg2[%mul3A_3] : memref<320000xi32, #tpu.memory_space<hbm>> -> memref<10000xi32, #tpu.memory_space<hbm>>
    tpu.enqueue_dma source(%dma_start3A_4 : memref<10000xi32, #tpu.memory_space<hbm>>) target(%arg9 : memref<10000xi32, #tpu.memory_space<vmem>>) target_semaphore(%arg21 : memref<!tpu.dma_semaphore, #tpu.memory_space<semaphore_mem>>)
    %mul3A_5 = arith.constant 10000 : i32
    %mul3A_6 = arith.muli %add3A, %mul3A_5 : i32
    %add3A_7 = arith.constant 160000 : i32
    %add3A_8 = arith.addi %add3A_7, %mul3A_6 : i32
    %dma_start3A_9 = tpu.memref_slice %arg2[%add3A_8] : memref<320000xi32, #tpu.memory_space<hbm>> -> memref<10000xi32, #tpu.memory_space<hbm>>
    %dma_start3A_10 = tpu.memref_slice %arg2[%add3A_8] : memref<320000xi32, #tpu.memory_space<hbm>> -> memref<10000xi32, #tpu.memory_space<hbm>>
    tpu.enqueue_dma source(%dma_start3A_10 : memref<10000xi32, #tpu.memory_space<hbm>>) target(%arg10 : memref<10000xi32, #tpu.memory_space<vmem>>) target_semaphore(%arg21 : memref<!tpu.dma_semaphore, #tpu.memory_space<semaphore_mem>>)
    "tpu.region"() ({
      %run_scoped3A = tpu.sem_alloc : memref<!tpu.dma_semaphore, #tpu.memory_space<semaphore_mem>>
      tpu.enqueue_dma source(%arg3 : memref<16xi32, #tpu.memory_space<hbm>>) target(%arg13 : memref<16xi32, #tpu.memory_space<vmem>>) target_semaphore(%run_scoped3A : memref<!tpu.dma_semaphore, #tpu.memory_space<semaphore_mem>>)
      tpu.wait_dma2 semaphore(%run_scoped3A : memref<!tpu.dma_semaphore, #tpu.memory_space<semaphore_mem>>) src(%arg3 : memref<16xi32, #tpu.memory_space<hbm>>) dst(%arg13 : memref<16xi32, #tpu.memory_space<vmem>>)
      tpu.yield
    }) : () -> ()
    %dma_start3A_11 = arith.constant 0 : i32
    %dma_start3A_12 = arith.constant 0 : i32
    %dma_start3A_13 = tpu.memref_slice %arg4[%dma_start3A_11, %dma_start3A_12] : memref<10000x128xf32, #tpu.memory_space<hbm>> -> memref<10000x128xf32, #tpu.memory_space<hbm>>
    tpu.enqueue_indirect_dma source(%dma_start3A_13 : memref<10000x128xf32, #tpu.memory_space<hbm>>) target(%arg14 : memref<16x128xf32, #tpu.memory_space<vmem>>) offsets(%arg13 : memref<16xi32, #tpu.memory_space<vmem>>) semaphore(%arg22 : memref<!tpu.dma_semaphore, #tpu.memory_space<semaphore_mem>>)
    "tpu.trace_start"() <{level = 10 : i32, message = "sc_zero"}> : () -> ()
    %scan3A = arith.constant 0 : i32
    %scan3A_14 = arith.constant 0 : i32
    %scan3A_15 = arith.constant 128 : i32
    %scan3A_16 = arith.addi %scan3A_14, %scan3A_15 : i32
    %scan3A_17 = arith.constant 1 : i32
    %scan3A_18 = scf.for %scan3A_110 = %scan3A_14 to %scan3A_16 step %scan3A_17 iter_args(%scan3A_111 = %scan3A) -> (i32)  : i32 {
      %mul3A_112 = arith.constant 256 : i32
      %mul3A_113 = arith.muli %scan3A_110, %mul3A_112 : i32
      %add3A_114 = arith.constant 0 : i32
      %add3A_115 = arith.addi %mul3A_113, %add3A_114 : i32
      %swap3A_116 = arith.index_cast %add3A_115 : i32 to index
      %swap3A_117 = tpu.vector_load %arg19[%swap3A_116] {strides = array<i32>} : memref<32768xf32, #tpu.memory_space<vmem>>, vector<16xf32>,
      tpu.vector_store %arg19[%swap3A_116], %broadcast_in_dim3A_1 {strides = array<i32>} : memref<32768xf32, #tpu.memory_space<vmem>>, vector<16xf32>,
      %mul3A_118 = arith.constant 256 : i32
      %mul3A_119 = arith.muli %scan3A_110, %mul3A_118 : i32
      %add3A_120 = arith.constant 16 : i32
      %add3A_121 = arith.addi %mul3A_119, %add3A_120 : i32
      %swap3A_122 = arith.index_cast %add3A_121 : i32 to index
      %swap3A_123 = tpu.vector_load %arg19[%swap3A_122] {strides = array<i32>} : memref<32768xf32, #tpu.memory_space<vmem>>, vector<16xf32>,
      tpu.vector_store %arg19[%swap3A_122], %broadcast_in_dim3A_1 {strides = array<i32>} : memref<32768xf32, #tpu.memory_space<vmem>>, vector<16xf32>,
      %mul3A_124 = arith.constant 256 : i32
      %mul3A_125 = arith.muli %scan3A_110, %mul3A_124 : i32
      %add3A_126 = arith.constant 32 : i32
      %add3A_127 = arith.addi %mul3A_125, %add3A_126 : i32
      %swap3A_128 = arith.index_cast %add3A_127 : i32 to index
      %swap3A_129 = tpu.vector_load %arg19[%swap3A_128] {strides = array<i32>} : memref<32768xf32, #tpu.memory_space<vmem>>, vector<16xf32>,
      tpu.vector_store %arg19[%swap3A_128], %broadcast_in_dim3A_1 {strides = array<i32>} : memref<32768xf32, #tpu.memory_space<vmem>>, vector<16xf32>,
      %mul3A_130 = arith.constant 256 : i32
      %mul3A_131 = arith.muli %scan3A_110, %mul3A_130 : i32
      %add3A_132 = arith.constant 48 : i32
      %add3A_133 = arith.addi %mul3A_131, %add3A_132 : i32
      %swap3A_134 = arith.index_cast %add3A_133 : i32 to index
      %swap3A_135 = tpu.vector_load %arg19[%swap3A_134] {strides = array<i32>} : memref<32768xf32, #tpu.memory_space<vmem>>, vector<16xf32>,
      tpu.vector_store %arg19[%swap3A_134], %broadcast_in_dim3A_1 {strides = array<i32>} : memref<32768xf32, #tpu.memory_space<vmem>>, vector<16xf32>,
      %mul3A_136 = arith.constant 256 : i32
      %mul3A_137 = arith.muli %scan3A_110, %mul3A_136 : i32
      %add3A_138 = arith.constant 64 : i32
      %add3A_139 = arith.addi %mul3A_137, %add3A_138 : i32
      %swap3A_140 = arith.index_cast %add3A_139 : i32 to index
      %swap3A_141 = tpu.vector_load %arg19[%swap3A_140] {strides = array<i32>} : memref<32768xf32, #tpu.memory_space<vmem>>, vector<16xf32>,
      tpu.vector_store %arg19[%swap3A_140], %broadcast_in_dim3A_1 {strides = array<i32>} : memref<32768xf32, #tpu.memory_space<vmem>>, vector<16xf32>,
      %mul3A_142 = arith.constant 256 : i32
      %mul3A_143 = arith.muli %scan3A_110, %mul3A_142 : i32
      %add3A_144 = arith.constant 80 : i32
      %add3A_145 = arith.addi %mul3A_143, %add3A_144 : i32
      %swap3A_146 = arith.index_cast %add3A_145 : i32 to index
      %swap3A_147 = tpu.vector_load %arg19[%swap3A_146] {strides = array<i32>} : memref<32768xf32, #tpu.memory_space<vmem>>, vector<16xf32>,
      tpu.vector_store %arg19[%swap3A_146], %broadcast_in_dim3A_1 {strides = array<i32>} : memref<32768xf32, #tpu.memory_space<vmem>>, vector<16xf32>,
      %mul3A_148 = arith.constant 256 : i32
      %mul3A_149 = arith.muli %scan3A_110, %mul3A_148 : i32
      %add3A_150 = arith.constant 96 : i32
      %add3A_151 = arith.addi %mul3A_149, %add3A_150 : i32
      %swap3A_152 = arith.index_cast %add3A_151 : i32 to index
      %swap3A_153 = tpu.vector_load %arg19[%swap3A_152] {strides = array<i32>} : memref<32768xf32, #tpu.memory_space<vmem>>, vector<16xf32>,
      tpu.vector_store %arg19[%swap3A_152], %broadcast_in_dim3A_1 {strides = array<i32>} : memref<32768xf32, #tpu.memory_space<vmem>>, vector<16xf32>,
      %mul3A_154 = arith.constant 256 : i32
      %mul3A_155 = arith.muli %scan3A_110, %mul3A_154 : i32
      %add3A_156 = arith.constant 112 : i32
      %add3A_157 = arith.addi %mul3A_155, %add3A_156 : i32
      %swap3A_158 = arith.index_cast %add3A_157 : i32 to index
      %swap3A_159 = tpu.vector_load %arg19[%swap3A_158] {strides = array<i32>} : memref<32768xf32, #tpu.memory_space<vmem>>, vector<16xf32>,
      tpu.vector_store %arg19[%swap3A_158], %broadcast_in_dim3A_1 {strides = array<i32>} : memref<32768xf32, #tpu.memory_space<vmem>>, vector<16xf32>,
      %mul3A_160 = arith.constant 256 : i32
      %mul3A_161 = arith.muli %scan3A_110, %mul3A_160 : i32
      %add3A_162 = arith.constant 128 : i32
      %add3A_163 = arith.addi %mul3A_161, %add3A_162 : i32
      %swap3A_164 = arith.index_cast %add3A_163 : i32 to index
      %swap3A_165 = tpu.vector_load %arg19[%swap3A_164] {strides = array<i32>} : memref<32768xf32, #tpu.memory_space<vmem>>, vector<16xf32>,
      tpu.vector_store %arg19[%swap3A_164], %broadcast_in_dim3A_1 {strides = array<i32>} : memref<32768xf32, #tpu.memory_space<vmem>>, vector<16xf32>,
      %mul3A_166 = arith.constant 256 : i32
      %mul3A_167 = arith.muli %scan3A_110, %mul3A_166 : i32
      %add3A_168 = arith.constant 144 : i32
      %add3A_169 = arith.addi %mul3A_167, %add3A_168 : i32
      %swap3A_170 = arith.index_cast %add3A_169 : i32 to index
      %swap3A_171 = tpu.vector_load %arg19[%swap3A_170] {strides = array<i32>} : memref<32768xf32, #tpu.memory_space<vmem>>, vector<16xf32>,
      tpu.vector_store %arg19[%swap3A_170], %broadcast_in_dim3A_1 {strides = array<i32>} : memref<32768xf32, #tpu.memory_space<vmem>>, vector<16xf32>,
      %mul3A_172 = arith.constant 256 : i32
      %mul3A_173 = arith.muli %scan3A_110, %mul3A_172 : i32
      %add3A_174 = arith.constant 160 : i32
      %add3A_175 = arith.addi %mul3A_173, %add3A_174 : i32
      %swap3A_176 = arith.index_cast %add3A_175 : i32 to index
      %swap3A_177 = tpu.vector_load %arg19[%swap3A_176] {strides = array<i32>} : memref<32768xf32, #tpu.memory_space<vmem>>, vector<16xf32>,
      tpu.vector_store %arg19[%swap3A_176], %broadcast_in_dim3A_1 {strides = array<i32>} : memref<32768xf32, #tpu.memory_space<vmem>>, vector<16xf32>,
      %mul3A_178 = arith.constant 256 : i32
      %mul3A_179 = arith.muli %scan3A_110, %mul3A_178 : i32
      %add3A_180 = arith.constant 176 : i32
      %add3A_181 = arith.addi %mul3A_179, %add3A_180 : i32
      %swap3A_182 = arith.index_cast %add3A_181 : i32 to index
      %swap3A_183 = tpu.vector_load %arg19[%swap3A_182] {strides = array<i32>} : memref<32768xf32, #tpu.memory_space<vmem>>, vector<16xf32>,
      tpu.vector_store %arg19[%swap3A_182], %broadcast_in_dim3A_1 {strides = array<i32>} : memref<32768xf32, #tpu.memory_space<vmem>>, vector<16xf32>,
      %mul3A_184 = arith.constant 256 : i32
      %mul3A_185 = arith.muli %scan3A_110, %mul3A_184 : i32
      %add3A_186 = arith.constant 192 : i32
      %add3A_187 = arith.addi %mul3A_185, %add3A_186 : i32
      %swap3A_188 = arith.index_cast %add3A_187 : i32 to index
      %swap3A_189 = tpu.vector_load %arg19[%swap3A_188] {strides = array<i32>} : memref<32768xf32, #tpu.memory_space<vmem>>, vector<16xf32>,
      tpu.vector_store %arg19[%swap3A_188], %broadcast_in_dim3A_1 {strides = array<i32>} : memref<32768xf32, #tpu.memory_space<vmem>>, vector<16xf32>,
      %mul3A_190 = arith.constant 256 : i32
      %mul3A_191 = arith.muli %scan3A_110, %mul3A_190 : i32
      %add3A_192 = arith.constant 208 : i32
      %add3A_193 = arith.addi %mul3A_191, %add3A_192 : i32
      %swap3A_194 = arith.index_cast %add3A_193 : i32 to index
      %swap3A_195 = tpu.vector_load %arg19[%swap3A_194] {strides = array<i32>} : memref<32768xf32, #tpu.memory_space<vmem>>, vector<16xf32>,
      tpu.vector_store %arg19[%swap3A_194], %broadcast_in_dim3A_1 {strides = array<i32>} : memref<32768xf32, #tpu.memory_space<vmem>>, vector<16xf32>,
      %mul3A_196 = arith.constant 256 : i32
      %mul3A_197 = arith.muli %scan3A_110, %mul3A_196 : i32
      %add3A_198 = arith.constant 224 : i32
      %add3A_199 = arith.addi %mul3A_197, %add3A_198 : i32
      %swap3A_200 = arith.index_cast %add3A_199 : i32 to index
      %swap3A_201 = tpu.vector_load %arg19[%swap3A_200] {strides = array<i32>} : memref<32768xf32, #tpu.memory_space<vmem>>, vector<16xf32>,
      tpu.vector_store %arg19[%swap3A_200], %broadcast_in_dim3A_1 {strides = array<i32>} : memref<32768xf32, #tpu.memory_space<vmem>>, vector<16xf32>,
      %mul3A_202 = arith.constant 256 : i32
      %mul3A_203 = arith.muli %scan3A_110, %mul3A_202 : i32
      %add3A_204 = arith.constant 240 : i32
      %add3A_205 = arith.addi %mul3A_203, %add3A_204 : i32
      %swap3A_206 = arith.index_cast %add3A_205 : i32 to index
      %swap3A_207 = tpu.vector_load %arg19[%swap3A_206] {strides = array<i32>} : memref<32768xf32, #tpu.memory_space<vmem>>, vector<16xf32>,
      tpu.vector_store %arg19[%swap3A_206], %broadcast_in_dim3A_1 {strides = array<i32>} : memref<32768xf32, #tpu.memory_space<vmem>>, vector<16xf32>,
      %scan3A_208 = arith.constant 0 : i32
      scf.yield %scan3A_208 : i32
    }
    %scan3A_19 = arith.constant 128 : i32
    %swap3A = arith.constant 0 : index
    %swap3A_20 = tpu.vector_load %arg20[%swap3A] {strides = array<i32>} : memref<256xf32, #tpu.memory_space<vmem>>, vector<16xf32>,
    tpu.vector_store %arg20[%swap3A], %broadcast_in_dim3A_1 {strides = array<i32>} : memref<256xf32, #tpu.memory_space<vmem>>, vector<16xf32>,
    %swap3A_21 = arith.constant 16 : index
    %swap3A_22 = tpu.vector_load %arg20[%swap3A_21] {strides = array<i32>} : memref<256xf32, #tpu.memory_space<vmem>>, vector<16xf32>,
    tpu.vector_store %arg20[%swap3A_21], %broadcast_in_dim3A_1 {strides = array<i32>} : memref<256xf32, #tpu.memory_space<vmem>>, vector<16xf32>,
    %swap3A_23 = arith.constant 32 : index
    %swap3A_24 = tpu.vector_load %arg20[%swap3A_23] {strides = array<i32>} : memref<256xf32, #tpu.memory_space<vmem>>, vector<16xf32>,
    tpu.vector_store %arg20[%swap3A_23], %broadcast_in_dim3A_1 {strides = array<i32>} : memref<256xf32, #tpu.memory_space<vmem>>, vector<16xf32>,
    %swap3A_25 = arith.constant 48 : index
    %swap3A_26 = tpu.vector_load %arg20[%swap3A_25] {strides = array<i32>} : memref<256xf32, #tpu.memory_space<vmem>>, vector<16xf32>,
    tpu.vector_store %arg20[%swap3A_25], %broadcast_in_dim3A_1 {strides = array<i32>} : memref<256xf32, #tpu.memory_space<vmem>>, vector<16xf32>,
    %swap3A_27 = arith.constant 64 : index
    %swap3A_28 = tpu.vector_load %arg20[%swap3A_27] {strides = array<i32>} : memref<256xf32, #tpu.memory_space<vmem>>, vector<16xf32>,
    tpu.vector_store %arg20[%swap3A_27], %broadcast_in_dim3A_1 {strides = array<i32>} : memref<256xf32, #tpu.memory_space<vmem>>, vector<16xf32>,
    %swap3A_29 = arith.constant 80 : index
    %swap3A_30 = tpu.vector_load %arg20[%swap3A_29] {strides = array<i32>} : memref<256xf32, #tpu.memory_space<vmem>>, vector<16xf32>,
    tpu.vector_store %arg20[%swap3A_29], %broadcast_in_dim3A_1 {strides = array<i32>} : memref<256xf32, #tpu.memory_space<vmem>>, vector<16xf32>,
    %swap3A_31 = arith.constant 96 : index
    %swap3A_32 = tpu.vector_load %arg20[%swap3A_31] {strides = array<i32>} : memref<256xf32, #tpu.memory_space<vmem>>, vector<16xf32>,
    tpu.vector_store %arg20[%swap3A_31], %broadcast_in_dim3A_1 {strides = array<i32>} : memref<256xf32, #tpu.memory_space<vmem>>, vector<16xf32>,
    %swap3A_33 = arith.constant 112 : index
    %swap3A_34 = tpu.vector_load %arg20[%swap3A_33] {strides = array<i32>} : memref<256xf32, #tpu.memory_space<vmem>>, vector<16xf32>,
    tpu.vector_store %arg20[%swap3A_33], %broadcast_in_dim3A_1 {strides = array<i32>} : memref<256xf32, #tpu.memory_space<vmem>>, vector<16xf32>,
    %swap3A_35 = arith.constant 128 : index
    %swap3A_36 = tpu.vector_load %arg20[%swap3A_35] {strides = array<i32>} : memref<256xf32, #tpu.memory_space<vmem>>, vector<16xf32>,
    tpu.vector_store %arg20[%swap3A_35], %broadcast_in_dim3A_1 {strides = array<i32>} : memref<256xf32, #tpu.memory_space<vmem>>, vector<16xf32>,
    %swap3A_37 = arith.constant 144 : index
    %swap3A_38 = tpu.vector_load %arg20[%swap3A_37] {strides = array<i32>} : memref<256xf32, #tpu.memory_space<vmem>>, vector<16xf32>,
    tpu.vector_store %arg20[%swap3A_37], %broadcast_in_dim3A_1 {strides = array<i32>} : memref<256xf32, #tpu.memory_space<vmem>>, vector<16xf32>,
    %swap3A_39 = arith.constant 160 : index
    %swap3A_40 = tpu.vector_load %arg20[%swap3A_39] {strides = array<i32>} : memref<256xf32, #tpu.memory_space<vmem>>, vector<16xf32>,
    tpu.vector_store %arg20[%swap3A_39], %broadcast_in_dim3A_1 {strides = array<i32>} : memref<256xf32, #tpu.memory_space<vmem>>, vector<16xf32>,
    %swap3A_41 = arith.constant 176 : index
    %swap3A_42 = tpu.vector_load %arg20[%swap3A_41] {strides = array<i32>} : memref<256xf32, #tpu.memory_space<vmem>>, vector<16xf32>,
    tpu.vector_store %arg20[%swap3A_41], %broadcast_in_dim3A_1 {strides = array<i32>} : memref<256xf32, #tpu.memory_space<vmem>>, vector<16xf32>,
    %swap3A_43 = arith.constant 192 : index
    %swap3A_44 = tpu.vector_load %arg20[%swap3A_43] {strides = array<i32>} : memref<256xf32, #tpu.memory_space<vmem>>, vector<16xf32>,
    tpu.vector_store %arg20[%swap3A_43], %broadcast_in_dim3A_1 {strides = array<i32>} : memref<256xf32, #tpu.memory_space<vmem>>, vector<16xf32>,
    %swap3A_45 = arith.constant 208 : index
    %swap3A_46 = tpu.vector_load %arg20[%swap3A_45] {strides = array<i32>} : memref<256xf32, #tpu.memory_space<vmem>>, vector<16xf32>,
    tpu.vector_store %arg20[%swap3A_45], %broadcast_in_dim3A_1 {strides = array<i32>} : memref<256xf32, #tpu.memory_space<vmem>>, vector<16xf32>,
    %swap3A_47 = arith.constant 224 : index
    %swap3A_48 = tpu.vector_load %arg20[%swap3A_47] {strides = array<i32>} : memref<256xf32, #tpu.memory_space<vmem>>, vector<16xf32>,
    tpu.vector_store %arg20[%swap3A_47], %broadcast_in_dim3A_1 {strides = array<i32>} : memref<256xf32, #tpu.memory_space<vmem>>, vector<16xf32>,
    %swap3A_49 = arith.constant 240 : index
    %swap3A_50 = tpu.vector_load %arg20[%swap3A_49] {strides = array<i32>} : memref<256xf32, #tpu.memory_space<vmem>>, vector<16xf32>,
    tpu.vector_store %arg20[%swap3A_49], %broadcast_in_dim3A_1 {strides = array<i32>} : memref<256xf32, #tpu.memory_space<vmem>>, vector<16xf32>,
    "tpu.trace_stop"() : () -> ()
    %dma_wait3A = tpu.memref_slice %arg2[%mul3A_3] : memref<320000xi32, #tpu.memory_space<hbm>> -> memref<10000xi32, #tpu.memory_space<hbm>>
    %dma_wait3A_51 = tpu.memref_slice %arg2[%mul3A_3] : memref<320000xi32, #tpu.memory_space<hbm>> -> memref<10000xi32, #tpu.memory_space<hbm>>
    tpu.wait_dma2 semaphore(%arg21 : memref<!tpu.dma_semaphore, #tpu.memory_space<semaphore_mem>>) src(%dma_wait3A_51 : memref<10000xi32, #tpu.memory_space<hbm>>) dst(%arg9 : memref<10000xi32, #tpu.memory_space<vmem>>)
    %dma_wait3A_52 = tpu.memref_slice %arg2[%add3A_8] : memref<320000xi32, #tpu.memory_space<hbm>> -> memref<10000xi32, #tpu.memory_space<hbm>>
    %dma_wait3A_53 = tpu.memref_slice %arg2[%add3A_8] : memref<320000xi32, #tpu.memory_space<hbm>> -> memref<10000xi32, #tpu.memory_space<hbm>>
    tpu.wait_dma2 semaphore(%arg21 : memref<!tpu.dma_semaphore, #tpu.memory_space<semaphore_mem>>) src(%dma_wait3A_53 : memref<10000xi32, #tpu.memory_space<hbm>>) dst(%arg10 : memref<10000xi32, #tpu.memory_space<vmem>>)
    %dma_wait3A_54 = arith.constant 0 : i32
    %dma_wait3A_55 = arith.constant 0 : i32
    %dma_wait3A_56 = tpu.memref_slice %arg4[%dma_wait3A_54, %dma_wait3A_55] : memref<10000x128xf32, #tpu.memory_space<hbm>> -> memref<10000x128xf32, #tpu.memory_space<hbm>>
    tpu.wait_indirect_dma semaphore(%arg22 : memref<!tpu.dma_semaphore, #tpu.memory_space<semaphore_mem>>) src(%dma_wait3A_56 : memref<10000x128xf32, #tpu.memory_space<hbm>>) dst(%arg14 : memref<16x128xf32, #tpu.memory_space<vmem>>)
    %eq3A = arith.constant 0 : i32
    %eq3A_57 = arith.cmpi eq, %add3A, %eq3A : i32
    %convert_element_type3A = arith.extui %eq3A_57 : i1 to i32
    %cond3A = arith.constant 0 : i32
    %cond3A_58 = arith.cmpi ne, %convert_element_type3A, %cond3A : i32
    scf.if %cond3A_58 {
      %dma_start3A_110 = arith.constant 0 : i32
      %dma_start3A_111 = arith.constant 0 : i32
      %dma_start3A_112 = tpu.memref_slice %arg5[%dma_start3A_110, %dma_start3A_111] : memref<10000x256xf32, #tpu.memory_space<hbm>> -> memref<10000x256xf32, #tpu.memory_space<hbm>>
      tpu.enqueue_indirect_dma source(%dma_start3A_112 : memref<10000x256xf32, #tpu.memory_space<hbm>>) target(%arg16 : memref<16x256xf32, #tpu.memory_space<vmem>>) offsets(%arg13 : memref<16xi32, #tpu.memory_space<vmem>>) semaphore(%arg22 : memref<!tpu.dma_semaphore, #tpu.memory_space<semaphore_mem>>)
      %dma_wait3A_113 = arith.constant 0 : i32
      %dma_wait3A_114 = arith.constant 0 : i32
      %dma_wait3A_115 = tpu.memref_slice %arg5[%dma_wait3A_113, %dma_wait3A_114] : memref<10000x256xf32, #tpu.memory_space<hbm>> -> memref<10000x256xf32, #tpu.memory_space<hbm>>
      tpu.wait_indirect_dma semaphore(%arg22 : memref<!tpu.dma_semaphore, #tpu.memory_space<semaphore_mem>>) src(%dma_wait3A_115 : memref<10000x256xf32, #tpu.memory_space<hbm>>) dst(%arg16 : memref<16x256xf32, #tpu.memory_space<vmem>>)
      "tpu.region"() ({
        %run_scoped3A = tpu.sem_alloc : memref<!tpu.dma_semaphore, #tpu.memory_space<semaphore_mem>>
        tpu.enqueue_dma source(%arg16 : memref<16x256xf32, #tpu.memory_space<vmem>>) target(%arg8 : memref<16x256xf32, #tpu.memory_space<hbm>>) target_semaphore(%run_scoped3A : memref<!tpu.dma_semaphore, #tpu.memory_space<semaphore_mem>>)
        tpu.wait_dma2 semaphore(%run_scoped3A : memref<!tpu.dma_semaphore, #tpu.memory_space<semaphore_mem>>) src(%arg16 : memref<16x256xf32, #tpu.memory_space<vmem>>) dst(%arg8 : memref<16x256xf32, #tpu.memory_space<hbm>>)
        tpu.yield
      }) : () -> ()
    } else {
    }
    %broadcast_in_dim3A_59 = arith.constant 0 : i32
    "tpu.trace_start"() <{level = 10 : i32, message = "sc_scan"}> : () -> ()
    %broadcast_in_dim3A_60 = vector.broadcast %broadcast_in_dim3A_59 : i32 to vector<16xi32>
    %scan3A_61 = arith.constant 0 : i32
    %scan3A_62 = arith.constant 78 : i32
    %scan3A_63 = arith.addi %scan3A_61, %scan3A_62 : i32
    %scan3A_64 = arith.constant 1 : i32
    %scan3A_65 = scf.for %scan3A_110 = %scan3A_61 to %scan3A_63 step %scan3A_64 iter_args(%scan3A_111 = %broadcast_in_dim3A_60) -> (vector<16xi32>)  : i32 {
      %mul3A_112 = arith.constant 128 : i32
      %mul3A_113 = arith.muli %scan3A_110, %mul3A_112 : i32
      %add3A_114 = arith.constant 0 : i32
      %add3A_115 = arith.addi %mul3A_113, %add3A_114 : i32
      %get3A_116 = arith.index_cast %add3A_115 : i32 to index
      %get3A_117 = tpu.vector_load %arg10[%get3A_116] {strides = array<i32>} : memref<10000xi32, #tpu.memory_space<vmem>>, vector<16xi32>,
      %mul3A_118 = arith.constant 53688 : i32
      %mul3A_119 = vector.broadcast %mul3A_118 : i32 to vector<16xi32>
      %mul3A_120 = arith.muli %get3A_117, %mul3A_119 : vector<16xi32>
      %shift_right_arithmetic3A_121 = arith.constant 25 : i32
      %shift_right_arithmetic3A_122 = vector.broadcast %shift_right_arithmetic3A_121 : i32 to vector<16xi32>
      %shift_right_arithmetic3A_123 = arith.shrsi %mul3A_120, %shift_right_arithmetic3A_122 : vector<16xi32>
      %gather3A_124 = tpu.vector_load_idx %arg13[%shift_right_arithmetic3A_123] : memref<16xi32, #tpu.memory_space<vmem>>[vector<16xi32>], vector<16xi32>,
      %eq3A_125 = arith.cmpi eq, %get3A_117, %gather3A_124 : vector<16xi32>
      %add3A_126 = arith.constant 16 : i32
      %add3A_127 = arith.addi %mul3A_113, %add3A_126 : i32
      %get3A_128 = arith.index_cast %add3A_127 : i32 to index
      %get3A_129 = tpu.vector_load %arg10[%get3A_128] {strides = array<i32>} : memref<10000xi32, #tpu.memory_space<vmem>>, vector<16xi32>,
      %mul3A_130 = arith.constant 53688 : i32
      %mul3A_131 = vector.broadcast %mul3A_130 : i32 to vector<16xi32>
      %mul3A_132 = arith.muli %get3A_129, %mul3A_131 : vector<16xi32>
      %shift_right_arithmetic3A_133 = arith.constant 25 : i32
      %shift_right_arithmetic3A_134 = vector.broadcast %shift_right_arithmetic3A_133 : i32 to vector<16xi32>
      %shift_right_arithmetic3A_135 = arith.shrsi %mul3A_132, %shift_right_arithmetic3A_134 : vector<16xi32>
      %gather3A_136 = tpu.vector_load_idx %arg13[%shift_right_arithmetic3A_135] : memref<16xi32, #tpu.memory_space<vmem>>[vector<16xi32>], vector<16xi32>,
      %eq3A_137 = arith.cmpi eq, %get3A_129, %gather3A_136 : vector<16xi32>
      %add3A_138 = arith.constant 32 : i32
      %add3A_139 = arith.addi %mul3A_113, %add3A_138 : i32
      %get3A_140 = arith.index_cast %add3A_139 : i32 to index
      %get3A_141 = tpu.vector_load %arg10[%get3A_140] {strides = array<i32>} : memref<10000xi32, #tpu.memory_space<vmem>>, vector<16xi32>,
      %mul3A_142 = arith.constant 53688 : i32
      %mul3A_143 = vector.broadcast %mul3A_142 : i32 to vector<16xi32>
      %mul3A_144 = arith.muli %get3A_141, %mul3A_143 : vector<16xi32>
      %shift_right_arithmetic3A_145 = arith.constant 25 : i32
      %shift_right_arithmetic3A_146 = vector.broadcast %shift_right_arithmetic3A_145 : i32 to vector<16xi32>
      %shift_right_arithmetic3A_147 = arith.shrsi %mul3A_144, %shift_right_arithmetic3A_146 : vector<16xi32>
      %gather3A_148 = tpu.vector_load_idx %arg13[%shift_right_arithmetic3A_147] : memref<16xi32, #tpu.memory_space<vmem>>[vector<16xi32>], vector<16xi32>,
      %eq3A_149 = arith.cmpi eq, %get3A_141, %gather3A_148 : vector<16xi32>
      %add3A_150 = arith.constant 48 : i32
      %add3A_151 = arith.addi %mul3A_113, %add3A_150 : i32
      %get3A_152 = arith.index_cast %add3A_151 : i32 to index
      %get3A_153 = tpu.vector_load %arg10[%get3A_152] {strides = array<i32>} : memref<10000xi32, #tpu.memory_space<vmem>>, vector<16xi32>,
      %mul3A_154 = arith.constant 53688 : i32
      %mul3A_155 = vector.broadcast %mul3A_154 : i32 to vector<16xi32>
      %mul3A_156 = arith.muli %get3A_153, %mul3A_155 : vector<16xi32>
      %shift_right_arithmetic3A_157 = arith.constant 25 : i32
      %shift_right_arithmetic3A_158 = vector.broadcast %shift_right_arithmetic3A_157 : i32 to vector<16xi32>
      %shift_right_arithmetic3A_159 = arith.shrsi %mul3A_156, %shift_right_arithmetic3A_158 : vector<16xi32>
      %gather3A_160 = tpu.vector_load_idx %arg13[%shift_right_arithmetic3A_159] : memref<16xi32, #tpu.memory_space<vmem>>[vector<16xi32>], vector<16xi32>,
      %eq3A_161 = arith.cmpi eq, %get3A_153, %gather3A_160 : vector<16xi32>
      %add3A_162 = arith.constant 64 : i32
      %add3A_163 = arith.addi %mul3A_113, %add3A_162 : i32
      %get3A_164 = arith.index_cast %add3A_163 : i32 to index
      %get3A_165 = tpu.vector_load %arg10[%get3A_164] {strides = array<i32>} : memref<10000xi32, #tpu.memory_space<vmem>>, vector<16xi32>,
      %mul3A_166 = arith.constant 53688 : i32
      %mul3A_167 = vector.broadcast %mul3A_166 : i32 to vector<16xi32>
      %mul3A_168 = arith.muli %get3A_165, %mul3A_167 : vector<16xi32>
      %shift_right_arithmetic3A_169 = arith.constant 25 : i32
      %shift_right_arithmetic3A_170 = vector.broadcast %shift_right_arithmetic3A_169 : i32 to vector<16xi32>
      %shift_right_arithmetic3A_171 = arith.shrsi %mul3A_168, %shift_right_arithmetic3A_170 : vector<16xi32>
      %gather3A_172 = tpu.vector_load_idx %arg13[%shift_right_arithmetic3A_171] : memref<16xi32, #tpu.memory_space<vmem>>[vector<16xi32>], vector<16xi32>,
      %eq3A_173 = arith.cmpi eq, %get3A_165, %gather3A_172 : vector<16xi32>
      %add3A_174 = arith.constant 80 : i32
      %add3A_175 = arith.addi %mul3A_113, %add3A_174 : i32
      %get3A_176 = arith.index_cast %add3A_175 : i32 to index
      %get3A_177 = tpu.vector_load %arg10[%get3A_176] {strides = array<i32>} : memref<10000xi32, #tpu.memory_space<vmem>>, vector<16xi32>,
      %mul3A_178 = arith.constant 53688 : i32
      %mul3A_179 = vector.broadcast %mul3A_178 : i32 to vector<16xi32>
      %mul3A_180 = arith.muli %get3A_177, %mul3A_179 : vector<16xi32>
      %shift_right_arithmetic3A_181 = arith.constant 25 : i32
      %shift_right_arithmetic3A_182 = vector.broadcast %shift_right_arithmetic3A_181 : i32 to vector<16xi32>
      %shift_right_arithmetic3A_183 = arith.shrsi %mul3A_180, %shift_right_arithmetic3A_182 : vector<16xi32>
      %gather3A_184 = tpu.vector_load_idx %arg13[%shift_right_arithmetic3A_183] : memref<16xi32, #tpu.memory_space<vmem>>[vector<16xi32>], vector<16xi32>,
      %eq3A_185 = arith.cmpi eq, %get3A_177, %gather3A_184 : vector<16xi32>
      %add3A_186 = arith.constant 96 : i32
      %add3A_187 = arith.addi %mul3A_113, %add3A_186 : i32
      %get3A_188 = arith.index_cast %add3A_187 : i32 to index
      %get3A_189 = tpu.vector_load %arg10[%get3A_188] {strides = array<i32>} : memref<10000xi32, #tpu.memory_space<vmem>>, vector<16xi32>,
      %mul3A_190 = arith.constant 53688 : i32
      %mul3A_191 = vector.broadcast %mul3A_190 : i32 to vector<16xi32>
      %mul3A_192 = arith.muli %get3A_189, %mul3A_191 : vector<16xi32>
      %shift_right_arithmetic3A_193 = arith.constant 25 : i32
      %shift_right_arithmetic3A_194 = vector.broadcast %shift_right_arithmetic3A_193 : i32 to vector<16xi32>
      %shift_right_arithmetic3A_195 = arith.shrsi %mul3A_192, %shift_right_arithmetic3A_194 : vector<16xi32>
      %gather3A_196 = tpu.vector_load_idx %arg13[%shift_right_arithmetic3A_195] : memref<16xi32, #tpu.memory_space<vmem>>[vector<16xi32>], vector<16xi32>,
      %eq3A_197 = arith.cmpi eq, %get3A_189, %gather3A_196 : vector<16xi32>
      %add3A_198 = arith.constant 112 : i32
      %add3A_199 = arith.addi %mul3A_113, %add3A_198 : i32
      %get3A_200 = arith.index_cast %add3A_199 : i32 to index
      %get3A_201 = tpu.vector_load %arg10[%get3A_200] {strides = array<i32>} : memref<10000xi32, #tpu.memory_space<vmem>>, vector<16xi32>,
      %mul3A_202 = arith.constant 53688 : i32
      %mul3A_203 = vector.broadcast %mul3A_202 : i32 to vector<16xi32>
      %mul3A_204 = arith.muli %get3A_201, %mul3A_203 : vector<16xi32>
      %shift_right_arithmetic3A_205 = arith.constant 25 : i32
      %shift_right_arithmetic3A_206 = vector.broadcast %shift_right_arithmetic3A_205 : i32 to vector<16xi32>
      %shift_right_arithmetic3A_207 = arith.shrsi %mul3A_204, %shift_right_arithmetic3A_206 : vector<16xi32>
      %gather3A_208 = tpu.vector_load_idx %arg13[%shift_right_arithmetic3A_207] : memref<16xi32, #tpu.memory_space<vmem>>[vector<16xi32>], vector<16xi32>,
      %eq3A_209 = arith.cmpi eq, %get3A_201, %gather3A_208 : vector<16xi32>
      %or3A = arith.ori %eq3A_125, %eq3A_137 : vector<16xi1>
      %or3A_210 = arith.ori %or3A, %eq3A_149 : vector<16xi1>
      %or3A_211 = arith.ori %or3A_210, %eq3A_161 : vector<16xi1>
      %or3A_212 = arith.ori %or3A_211, %eq3A_173 : vector<16xi1>
      %or3A_213 = arith.ori %or3A_212, %eq3A_185 : vector<16xi1>
      %or3A_214 = arith.ori %or3A_213, %eq3A_197 : vector<16xi1>
      %or3A_215 = arith.ori %or3A_214, %eq3A_209 : vector<16xi1>
      %reduce_or3A_216 = arith.constant 1.000000e+00 : f32
      %reduce_or3A_217 = arith.constant 0.000000e+00 : f32
      %reduce_or3A_218 = vector.broadcast %reduce_or3A_216 : f32 to vector<16xf32>
      %reduce_or3A_219 = vector.broadcast %reduce_or3A_217 : f32 to vector<16xf32>
      %reduce_or3A_220 = arith.select %or3A_215, %reduce_or3A_218, %reduce_or3A_219 : vector<16xi1>, vector<16xf32>
      %reduce_or3A_221 = arith.constant true
      %reduce_or3A_222 = vector.broadcast %reduce_or3A_221 : i1 to vector<16xi1>
      %reduce_or3A_223 = tpu.scan <max>, %reduce_or3A_220 masked %reduce_or3A_222 : vector<16xf32>, vector<16xi1> -> vector<16xf32>
      %reduce_or3A_224 = vector.extract %reduce_or3A_223[15] : f32 from vector<16xf32>
      %reduce_or3A_225 = arith.constant 0.000000e+00 : f32
      %reduce_or3A_226 = arith.cmpf ogt, %reduce_or3A_224, %reduce_or3A_225 : f32
      %convert_element_type3A_227 = arith.extui %reduce_or3A_226 : i1 to i32
      %cond3A_228 = arith.constant 0 : i32
      %cond3A_229 = arith.cmpi ne, %convert_element_type3A_227, %cond3A_228 : i32
      %cond3A_230 = scf.if %cond3A_229 -> (vector<16xi32>) {
        %add3A_231 = arith.constant 0 : i32
        %add3A_232 = arith.addi %mul3A_113, %add3A_231 : i32
        %get3A_233 = arith.index_cast %add3A_232 : i32 to index
        %get3A_234 = tpu.vector_load %arg9[%get3A_233] {strides = array<i32>} : memref<10000xi32, #tpu.memory_space<vmem>>, vector<16xi32>,
        %convert_element_type3A_235 = arith.extui %eq3A_125 : vector<16xi1> to vector<16xi32>
        %broadcast_in_dim3A_236 = arith.constant true
        %broadcast_in_dim3A_237 = vector.broadcast %broadcast_in_dim3A_236 : i1 to vector<16xi1>
        %masked_cumsum3A = tpu.scan <sum>, %convert_element_type3A_235 masked %broadcast_in_dim3A_237 : vector<16xi32>, vector<16xi1> -> vector<16xi32>
        %sub3A = arith.constant 1 : i32
        %sub3A_238 = vector.broadcast %sub3A : i32 to vector<16xi32>
        %sub3A_239 = arith.subi %masked_cumsum3A, %sub3A_238 : vector<16xi32>
        %add3A_240 = arith.addi %sub3A_239, %scan3A_111 : vector<16xi32>
        %max3A = arith.constant 0 : i32
        %max3A_241 = vector.broadcast %max3A : i32 to vector<16xi32>
        %max3A_242 = arith.maxsi %add3A_240, %max3A_241 : vector<16xi32>
        tpu.vector_store_idx %arg11[%max3A_242], %get3A_234 masked %eq3A_125 : memref<10000xi32, #tpu.memory_space<vmem>>[vector<16xi32>], vector<16xi32>, vector<16xi1>
        tpu.vector_store_idx %arg12[%max3A_242], %shift_right_arithmetic3A_123 masked %eq3A_125 : memref<10000xi32, #tpu.memory_space<vmem>>[vector<16xi32>], vector<16xi32>, vector<16xi1>
        %all_reduce_population_count3A = tpu.all_reduce %eq3A_125 {dim = 0 : i64, kind = #tpu.reduction_kind<sum>} : vector<16xi1> -> vector<16xi32>
        %add3A_243 = arith.addi %scan3A_111, %all_reduce_population_count3A : vector<16xi32>
        %add3A_244 = arith.constant 16 : i32
        %add3A_245 = arith.addi %mul3A_113, %add3A_244 : i32
        %get3A_246 = arith.index_cast %add3A_245 : i32 to index
        %get3A_247 = tpu.vector_load %arg9[%get3A_246] {strides = array<i32>} : memref<10000xi32, #tpu.memory_space<vmem>>, vector<16xi32>,
        %convert_element_type3A_248 = arith.extui %eq3A_137 : vector<16xi1> to vector<16xi32>
        %broadcast_in_dim3A_249 = arith.constant true
        %broadcast_in_dim3A_250 = vector.broadcast %broadcast_in_dim3A_249 : i1 to vector<16xi1>
        %masked_cumsum3A_251 = tpu.scan <sum>, %convert_element_type3A_248 masked %broadcast_in_dim3A_250 : vector<16xi32>, vector<16xi1> -> vector<16xi32>
        %sub3A_252 = arith.constant 1 : i32
        %sub3A_253 = vector.broadcast %sub3A_252 : i32 to vector<16xi32>
        %sub3A_254 = arith.subi %masked_cumsum3A_251, %sub3A_253 : vector<16xi32>
        %add3A_255 = arith.addi %sub3A_254, %add3A_243 : vector<16xi32>
        %max3A_256 = arith.constant 0 : i32
        %max3A_257 = vector.broadcast %max3A_256 : i32 to vector<16xi32>
        %max3A_258 = arith.maxsi %add3A_255, %max3A_257 : vector<16xi32>
        tpu.vector_store_idx %arg11[%max3A_258], %get3A_247 masked %eq3A_137 : memref<10000xi32, #tpu.memory_space<vmem>>[vector<16xi32>], vector<16xi32>, vector<16xi1>
        tpu.vector_store_idx %arg12[%max3A_258], %shift_right_arithmetic3A_135 masked %eq3A_137 : memref<10000xi32, #tpu.memory_space<vmem>>[vector<16xi32>], vector<16xi32>, vector<16xi1>
        %all_reduce_population_count3A_259 = tpu.all_reduce %eq3A_137 {dim = 0 : i64, kind = #tpu.reduction_kind<sum>} : vector<16xi1> -> vector<16xi32>
        %add3A_260 = arith.addi %add3A_243, %all_reduce_population_count3A_259 : vector<16xi32>
        %add3A_261 = arith.constant 32 : i32
        %add3A_262 = arith.addi %mul3A_113, %add3A_261 : i32
        %get3A_263 = arith.index_cast %add3A_262 : i32 to index
        %get3A_264 = tpu.vector_load %arg9[%get3A_263] {strides = array<i32>} : memref<10000xi32, #tpu.memory_space<vmem>>, vector<16xi32>,
        %convert_element_type3A_265 = arith.extui %eq3A_149 : vector<16xi1> to vector<16xi32>
        %broadcast_in_dim3A_266 = arith.constant true
        %broadcast_in_dim3A_267 = vector.broadcast %broadcast_in_dim3A_266 : i1 to vector<16xi1>
        %masked_cumsum3A_268 = tpu.scan <sum>, %convert_element_type3A_265 masked %broadcast_in_dim3A_267 : vector<16xi32>, vector<16xi1> -> vector<16xi32>
        %sub3A_269 = arith.constant 1 : i32
        %sub3A_270 = vector.broadcast %sub3A_269 : i32 to vector<16xi32>
        %sub3A_271 = arith.subi %masked_cumsum3A_268, %sub3A_270 : vector<16xi32>
        %add3A_272 = arith.addi %sub3A_271, %add3A_260 : vector<16xi32>
        %max3A_273 = arith.constant 0 : i32
        %max3A_274 = vector.broadcast %max3A_273 : i32 to vector<16xi32>
        %max3A_275 = arith.maxsi %add3A_272, %max3A_274 : vector<16xi32>
        tpu.vector_store_idx %arg11[%max3A_275], %get3A_264 masked %eq3A_149 : memref<10000xi32, #tpu.memory_space<vmem>>[vector<16xi32>], vector<16xi32>, vector<16xi1>
        tpu.vector_store_idx %arg12[%max3A_275], %shift_right_arithmetic3A_147 masked %eq3A_149 : memref<10000xi32, #tpu.memory_space<vmem>>[vector<16xi32>], vector<16xi32>, vector<16xi1>
        %all_reduce_population_count3A_276 = tpu.all_reduce %eq3A_149 {dim = 0 : i64, kind = #tpu.reduction_kind<sum>} : vector<16xi1> -> vector<16xi32>
        %add3A_277 = arith.addi %add3A_260, %all_reduce_population_count3A_276 : vector<16xi32>
        %add3A_278 = arith.constant 48 : i32
        %add3A_279 = arith.addi %mul3A_113, %add3A_278 : i32
        %get3A_280 = arith.index_cast %add3A_279 : i32 to index
        %get3A_281 = tpu.vector_load %arg9[%get3A_280] {strides = array<i32>} : memref<10000xi32, #tpu.memory_space<vmem>>, vector<16xi32>,
        %convert_element_type3A_282 = arith.extui %eq3A_161 : vector<16xi1> to vector<16xi32>
        %broadcast_in_dim3A_283 = arith.constant true
        %broadcast_in_dim3A_284 = vector.broadcast %broadcast_in_dim3A_283 : i1 to vector<16xi1>
        %masked_cumsum3A_285 = tpu.scan <sum>, %convert_element_type3A_282 masked %broadcast_in_dim3A_284 : vector<16xi32>, vector<16xi1> -> vector<16xi32>
        %sub3A_286 = arith.constant 1 : i32
        %sub3A_287 = vector.broadcast %sub3A_286 : i32 to vector<16xi32>
        %sub3A_288 = arith.subi %masked_cumsum3A_285, %sub3A_287 : vector<16xi32>
        %add3A_289 = arith.addi %sub3A_288, %add3A_277 : vector<16xi32>
        %max3A_290 = arith.constant 0 : i32
        %max3A_291 = vector.broadcast %max3A_290 : i32 to vector<16xi32>
        %max3A_292 = arith.maxsi %add3A_289, %max3A_291 : vector<16xi32>
        tpu.vector_store_idx %arg11[%max3A_292], %get3A_281 masked %eq3A_161 : memref<10000xi32, #tpu.memory_space<vmem>>[vector<16xi32>], vector<16xi32>, vector<16xi1>
        tpu.vector_store_idx %arg12[%max3A_292], %shift_right_arithmetic3A_159 masked %eq3A_161 : memref<10000xi32, #tpu.memory_space<vmem>>[vector<16xi32>], vector<16xi32>, vector<16xi1>
        %all_reduce_population_count3A_293 = tpu.all_reduce %eq3A_161 {dim = 0 : i64, kind = #tpu.reduction_kind<sum>} : vector<16xi1> -> vector<16xi32>
        %add3A_294 = arith.addi %add3A_277, %all_reduce_population_count3A_293 : vector<16xi32>
        %add3A_295 = arith.constant 64 : i32
        %add3A_296 = arith.addi %mul3A_113, %add3A_295 : i32
        %get3A_297 = arith.index_cast %add3A_296 : i32 to index
        %get3A_298 = tpu.vector_load %arg9[%get3A_297] {strides = array<i32>} : memref<10000xi32, #tpu.memory_space<vmem>>, vector<16xi32>,
        %convert_element_type3A_299 = arith.extui %eq3A_173 : vector<16xi1> to vector<16xi32>
        %broadcast_in_dim3A_300 = arith.constant true
        %broadcast_in_dim3A_301 = vector.broadcast %broadcast_in_dim3A_300 : i1 to vector<16xi1>
        %masked_cumsum3A_302 = tpu.scan <sum>, %convert_element_type3A_299 masked %broadcast_in_dim3A_301 : vector<16xi32>, vector<16xi1> -> vector<16xi32>
        %sub3A_303 = arith.constant 1 : i32
        %sub3A_304 = vector.broadcast %sub3A_303 : i32 to vector<16xi32>
        %sub3A_305 = arith.subi %masked_cumsum3A_302, %sub3A_304 : vector<16xi32>
        %add3A_306 = arith.addi %sub3A_305, %add3A_294 : vector<16xi32>
        %max3A_307 = arith.constant 0 : i32
        %max3A_308 = vector.broadcast %max3A_307 : i32 to vector<16xi32>
        %max3A_309 = arith.maxsi %add3A_306, %max3A_308 : vector<16xi32>
        tpu.vector_store_idx %arg11[%max3A_309], %get3A_298 masked %eq3A_173 : memref<10000xi32, #tpu.memory_space<vmem>>[vector<16xi32>], vector<16xi32>, vector<16xi1>
        tpu.vector_store_idx %arg12[%max3A_309], %shift_right_arithmetic3A_171 masked %eq3A_173 : memref<10000xi32, #tpu.memory_space<vmem>>[vector<16xi32>], vector<16xi32>, vector<16xi1>
        %all_reduce_population_count3A_310 = tpu.all_reduce %eq3A_173 {dim = 0 : i64, kind = #tpu.reduction_kind<sum>} : vector<16xi1> -> vector<16xi32>
        %add3A_311 = arith.addi %add3A_294, %all_reduce_population_count3A_310 : vector<16xi32>
        %add3A_312 = arith.constant 80 : i32
        %add3A_313 = arith.addi %mul3A_113, %add3A_312 : i32
        %get3A_314 = arith.index_cast %add3A_313 : i32 to index
        %get3A_315 = tpu.vector_load %arg9[%get3A_314] {strides = array<i32>} : memref<10000xi32, #tpu.memory_space<vmem>>, vector<16xi32>,
        %convert_element_type3A_316 = arith.extui %eq3A_185 : vector<16xi1> to vector<16xi32>
        %broadcast_in_dim3A_317 = arith.constant true
        %broadcast_in_dim3A_318 = vector.broadcast %broadcast_in_dim3A_317 : i1 to vector<16xi1>
        %masked_cumsum3A_319 = tpu.scan <sum>, %convert_element_type3A_316 masked %broadcast_in_dim3A_318 : vector<16xi32>, vector<16xi1> -> vector<16xi32>
        %sub3A_320 = arith.constant 1 : i32
        %sub3A_321 = vector.broadcast %sub3A_320 : i32 to vector<16xi32>
        %sub3A_322 = arith.subi %masked_cumsum3A_319, %sub3A_321 : vector<16xi32>
        %add3A_323 = arith.addi %sub3A_322, %add3A_311 : vector<16xi32>
        %max3A_324 = arith.constant 0 : i32
        %max3A_325 = vector.broadcast %max3A_324 : i32 to vector<16xi32>
        %max3A_326 = arith.maxsi %add3A_323, %max3A_325 : vector<16xi32>
        tpu.vector_store_idx %arg11[%max3A_326], %get3A_315 masked %eq3A_185 : memref<10000xi32, #tpu.memory_space<vmem>>[vector<16xi32>], vector<16xi32>, vector<16xi1>
        tpu.vector_store_idx %arg12[%max3A_326], %shift_right_arithmetic3A_183 masked %eq3A_185 : memref<10000xi32, #tpu.memory_space<vmem>>[vector<16xi32>], vector<16xi32>, vector<16xi1>
        %all_reduce_population_count3A_327 = tpu.all_reduce %eq3A_185 {dim = 0 : i64, kind = #tpu.reduction_kind<sum>} : vector<16xi1> -> vector<16xi32>
        %add3A_328 = arith.addi %add3A_311, %all_reduce_population_count3A_327 : vector<16xi32>
        %add3A_329 = arith.constant 96 : i32
        %add3A_330 = arith.addi %mul3A_113, %add3A_329 : i32
        %get3A_331 = arith.index_cast %add3A_330 : i32 to index
        %get3A_332 = tpu.vector_load %arg9[%get3A_331] {strides = array<i32>} : memref<10000xi32, #tpu.memory_space<vmem>>, vector<16xi32>,
        %convert_element_type3A_333 = arith.extui %eq3A_197 : vector<16xi1> to vector<16xi32>
        %broadcast_in_dim3A_334 = arith.constant true
        %broadcast_in_dim3A_335 = vector.broadcast %broadcast_in_dim3A_334 : i1 to vector<16xi1>
        %masked_cumsum3A_336 = tpu.scan <sum>, %convert_element_type3A_333 masked %broadcast_in_dim3A_335 : vector<16xi32>, vector<16xi1> -> vector<16xi32>
        %sub3A_337 = arith.constant 1 : i32
        %sub3A_338 = vector.broadcast %sub3A_337 : i32 to vector<16xi32>
        %sub3A_339 = arith.subi %masked_cumsum3A_336, %sub3A_338 : vector<16xi32>
        %add3A_340 = arith.addi %sub3A_339, %add3A_328 : vector<16xi32>
        %max3A_341 = arith.constant 0 : i32
        %max3A_342 = vector.broadcast %max3A_341 : i32 to vector<16xi32>
        %max3A_343 = arith.maxsi %add3A_340, %max3A_342 : vector<16xi32>
        tpu.vector_store_idx %arg11[%max3A_343], %get3A_332 masked %eq3A_197 : memref<10000xi32, #tpu.memory_space<vmem>>[vector<16xi32>], vector<16xi32>, vector<16xi1>
        tpu.vector_store_idx %arg12[%max3A_343], %shift_right_arithmetic3A_195 masked %eq3A_197 : memref<10000xi32, #tpu.memory_space<vmem>>[vector<16xi32>], vector<16xi32>, vector<16xi1>
        %all_reduce_population_count3A_344 = tpu.all_reduce %eq3A_197 {dim = 0 : i64, kind = #tpu.reduction_kind<sum>} : vector<16xi1> -> vector<16xi32>
        %add3A_345 = arith.addi %add3A_328, %all_reduce_population_count3A_344 : vector<16xi32>
        %add3A_346 = arith.constant 112 : i32
        %add3A_347 = arith.addi %mul3A_113, %add3A_346 : i32
        %get3A_348 = arith.index_cast %add3A_347 : i32 to index
        %get3A_349 = tpu.vector_load %arg9[%get3A_348] {strides = array<i32>} : memref<10000xi32, #tpu.memory_space<vmem>>, vector<16xi32>,
        %convert_element_type3A_350 = arith.extui %eq3A_209 : vector<16xi1> to vector<16xi32>
        %broadcast_in_dim3A_351 = arith.constant true
        %broadcast_in_dim3A_352 = vector.broadcast %broadcast_in_dim3A_351 : i1 to vector<16xi1>
        %masked_cumsum3A_353 = tpu.scan <sum>, %convert_element_type3A_350 masked %broadcast_in_dim3A_352 : vector<16xi32>, vector<16xi1> -> vector<16xi32>
        %sub3A_354 = arith.constant 1 : i32
        %sub3A_355 = vector.broadcast %sub3A_354 : i32 to vector<16xi32>
        %sub3A_356 = arith.subi %masked_cumsum3A_353, %sub3A_355 : vector<16xi32>
        %add3A_357 = arith.addi %sub3A_356, %add3A_345 : vector<16xi32>
        %max3A_358 = arith.constant 0 : i32
        %max3A_359 = vector.broadcast %max3A_358 : i32 to vector<16xi32>
        %max3A_360 = arith.maxsi %add3A_357, %max3A_359 : vector<16xi32>
        tpu.vector_store_idx %arg11[%max3A_360], %get3A_349 masked %eq3A_209 : memref<10000xi32, #tpu.memory_space<vmem>>[vector<16xi32>], vector<16xi32>, vector<16xi1>
        tpu.vector_store_idx %arg12[%max3A_360], %shift_right_arithmetic3A_207 masked %eq3A_209 : memref<10000xi32, #tpu.memory_space<vmem>>[vector<16xi32>], vector<16xi32>, vector<16xi1>
        %all_reduce_population_count3A_361 = tpu.all_reduce %eq3A_209 {dim = 0 : i64, kind = #tpu.reduction_kind<sum>} : vector<16xi1> -> vector<16xi32>
        %add3A_362 = arith.addi %add3A_345, %all_reduce_population_count3A_361 : vector<16xi32>
        scf.yield %add3A_362 : vector<16xi32>
      } else {
        scf.yield %scan3A_111 : vector<16xi32>
      }
      scf.yield %cond3A_230 : vector<16xi32>
    }
    %scan3A_66 = arith.constant 78 : i32
    %get3A = arith.constant 9984 : index
    %get3A_67 = tpu.vector_load %arg10[%get3A] {strides = array<i32>} : memref<10000xi32, #tpu.memory_space<vmem>>, vector<16xi32>,
    %mul3A_68 = arith.constant 53688 : i32
    %mul3A_69 = vector.broadcast %mul3A_68 : i32 to vector<16xi32>
    %mul3A_70 = arith.muli %get3A_67, %mul3A_69 : vector<16xi32>
    %shift_right_arithmetic3A = arith.constant 25 : i32
    %shift_right_arithmetic3A_71 = vector.broadcast %shift_right_arithmetic3A : i32 to vector<16xi32>
    %shift_right_arithmetic3A_72 = arith.shrsi %mul3A_70, %shift_right_arithmetic3A_71 : vector<16xi32>
    %gather3A = tpu.vector_load_idx %arg13[%shift_right_arithmetic3A_72] : memref<16xi32, #tpu.memory_space<vmem>>[vector<16xi32>], vector<16xi32>,
    %eq3A_73 = arith.cmpi eq, %get3A_67, %gather3A : vector<16xi32>
    %reduce_or3A = arith.constant 1.000000e+00 : f32
    %reduce_or3A_74 = arith.constant 0.000000e+00 : f32
    %reduce_or3A_75 = vector.broadcast %reduce_or3A : f32 to vector<16xf32>
    %reduce_or3A_76 = vector.broadcast %reduce_or3A_74 : f32 to vector<16xf32>
    %reduce_or3A_77 = arith.select %eq3A_73, %reduce_or3A_75, %reduce_or3A_76 : vector<16xi1>, vector<16xf32>
    %reduce_or3A_78 = arith.constant true
    %reduce_or3A_79 = vector.broadcast %reduce_or3A_78 : i1 to vector<16xi1>
    %reduce_or3A_80 = tpu.scan <max>, %reduce_or3A_77 masked %reduce_or3A_79 : vector<16xf32>, vector<16xi1> -> vector<16xf32>
    %reduce_or3A_81 = vector.extract %reduce_or3A_80[15] : f32 from vector<16xf32>
    %reduce_or3A_82 = arith.constant 0.000000e+00 : f32
    %reduce_or3A_83 = arith.cmpf ogt, %reduce_or3A_81, %reduce_or3A_82 : f32
    %convert_element_type3A_84 = arith.extui %reduce_or3A_83 : i1 to i32
    %cond3A_85 = arith.constant 0 : i32
    %cond3A_86 = arith.cmpi ne, %convert_element_type3A_84, %cond3A_85 : i32
    %cond3A_87 = scf.if %cond3A_86 -> (vector<16xi32>) {
      %get3A_110 = arith.constant 9984 : index
      %get3A_111 = tpu.vector_load %arg9[%get3A_110] {strides = array<i32>} : memref<10000xi32, #tpu.memory_space<vmem>>, vector<16xi32>,
      %convert_element_type3A_112 = arith.extui %eq3A_73 : vector<16xi1> to vector<16xi32>
      %broadcast_in_dim3A_113 = arith.constant true
      %broadcast_in_dim3A_114 = vector.broadcast %broadcast_in_dim3A_113 : i1 to vector<16xi1>
      %masked_cumsum3A = tpu.scan <sum>, %convert_element_type3A_112 masked %broadcast_in_dim3A_114 : vector<16xi32>, vector<16xi1> -> vector<16xi32>
      %sub3A = arith.constant 1 : i32
      %sub3A_115 = vector.broadcast %sub3A : i32 to vector<16xi32>
      %sub3A_116 = arith.subi %masked_cumsum3A, %sub3A_115 : vector<16xi32>
      %add3A_117 = arith.addi %sub3A_116, %scan3A_65 : vector<16xi32>
      %max3A = arith.constant 0 : i32
      %max3A_118 = vector.broadcast %max3A : i32 to vector<16xi32>
      %max3A_119 = arith.maxsi %add3A_117, %max3A_118 : vector<16xi32>
      tpu.vector_store_idx %arg11[%max3A_119], %get3A_111 masked %eq3A_73 : memref<10000xi32, #tpu.memory_space<vmem>>[vector<16xi32>], vector<16xi32>, vector<16xi1>
      tpu.vector_store_idx %arg12[%max3A_119], %shift_right_arithmetic3A_72 masked %eq3A_73 : memref<10000xi32, #tpu.memory_space<vmem>>[vector<16xi32>], vector<16xi32>, vector<16xi1>
      %all_reduce_population_count3A = tpu.all_reduce %eq3A_73 {dim = 0 : i64, kind = #tpu.reduction_kind<sum>} : vector<16xi1> -> vector<16xi32>
      %add3A_120 = arith.addi %scan3A_65, %all_reduce_population_count3A : vector<16xi32>
      scf.yield %add3A_120 : vector<16xi32>
    } else {
      scf.yield %scan3A_65 : vector<16xi32>
    }
    "tpu.trace_stop"() : () -> ()
    %reduce_max3A = arith.constant true
    %reduce_max3A_88 = vector.broadcast %reduce_max3A : i1 to vector<16xi1>
    %reduce_max3A_89 = arith.constant -2147483648 : i32
    %reduce_max3A_90 = vector.broadcast %reduce_max3A_89 : i32 to vector<16xi32>
    %reduce_max3A_91 = arith.xori %cond3A_87, %reduce_max3A_90 : vector<16xi32>
    %reduce_max3A_92 = tpu.scan <max>, %reduce_max3A_91 masked %reduce_max3A_88 : vector<16xi32>, vector<16xi1> -> vector<16xi32>
    %reduce_max3A_93 = arith.xori %reduce_max3A_92, %reduce_max3A_90 : vector<16xi32>
    %reduce_max3A_94 = vector.extract %reduce_max3A_93[15] : i32 from vector<16xi32>
    %add3A_95 = arith.constant 15 : i32
    %add3A_96 = arith.addi %reduce_max3A_94, %add3A_95 : i32
    %shift_right_arithmetic3A_97 = arith.constant 4 : i32
    %shift_right_arithmetic3A_98 = arith.shrsi %add3A_96, %shift_right_arithmetic3A_97 : i32
    %while3A = arith.constant 0 : i32
    %while3A_99 = arith.constant 0 : i32
    "tpu.trace_start"() <{level = 10 : i32, message = "sc_groups"}> : () -> ()
    %while3A_100 = arith.subi %shift_right_arithmetic3A_98, %while3A : i32
    %while3A_101 = arith.addi %while3A, %while3A_100 : i32
    %while3A_102 = arith.constant 1 : i32
    %while3A_103 = arith.divsi %while3A_100, %while3A_102 : i32
    %while3A_104 = arith.muli %while3A_103, %while3A_102 : i32
    %while3A_105 = arith.addi %while3A, %while3A_104 : i32
    %while3A_106 = arith.constant 1 : i32
    %while3A_107 = scf.for %while3A_110 = %while3A to %while3A_105 step %while3A_106 iter_args(%while3A_111 = %while3A_99) -> (i32)  : i32 {
      %mul3A_112 = arith.constant 16 : i32
      %mul3A_113 = arith.muli %while3A_110, %mul3A_112 : i32
      %add3A_114 = vector.broadcast %mul3A_113 : i32 to vector<16xi32>
      %add3A_115 = arith.addi %add3A_114, %iota3A : vector<16xi32>
      %lt3A = vector.broadcast %reduce_max3A_94 : i32 to vector<16xi32>
      %lt3A_116 = arith.cmpi slt, %add3A_115, %lt3A : vector<16xi32>
      %get3A_117 = arith.index_cast %mul3A_113 : i32 to index
      %get3A_118 = tpu.vector_load %arg11[%get3A_117] {strides = array<i32>} : memref<10000xi32, #tpu.memory_space<vmem>>, vector<16xi32>,
      %jit3A = arith.constant 0 : i32
      %broadcast_in_dim3A_119 = vector.broadcast %jit3A : i32 to vector<16xi32>
      %select_n3A = arith.select %lt3A_116, %get3A_118, %broadcast_in_dim3A_119 : vector<16xi1>, vector<16xi32>
      %get3A_120 = arith.index_cast %mul3A_113 : i32 to index
      %get3A_121 = tpu.vector_load %arg12[%get3A_120] {strides = array<i32>} : memref<10000xi32, #tpu.memory_space<vmem>>, vector<16xi32>,
      %jit3A_122 = arith.constant 0 : i32
      %broadcast_in_dim3A_123 = vector.broadcast %jit3A_122 : i32 to vector<16xi32>
      %select_n3A_124 = arith.select %lt3A_116, %get3A_121, %broadcast_in_dim3A_123 : vector<16xi1>, vector<16xi32>
      %swap3A_125 = arith.constant 0 : index
      %swap3A_126 = tpu.vector_load %arg18[%swap3A_125] {strides = array<i32>} : memref<16xi32, #tpu.memory_space<vmem>>, vector<16xi32>,
      tpu.vector_store %arg18[%swap3A_125], %select_n3A {strides = array<i32>} : memref<16xi32, #tpu.memory_space<vmem>>, vector<16xi32>,
      %dma_start3A_127 = arith.constant 0 : i32
      %dma_start3A_128 = arith.constant 0 : i32
      %dma_start3A_129 = tpu.memref_slice %arg5[%dma_start3A_127, %dma_start3A_128] : memref<10000x256xf32, #tpu.memory_space<hbm>> -> memref<10000x256xf32, #tpu.memory_space<hbm>>
      tpu.enqueue_indirect_dma source(%dma_start3A_129 : memref<10000x256xf32, #tpu.memory_space<hbm>>) target(%arg16 : memref<16x256xf32, #tpu.memory_space<vmem>>) offsets(%arg18 : memref<16xi32, #tpu.memory_space<vmem>>) semaphore(%arg21 : memref<!tpu.dma_semaphore, #tpu.memory_space<semaphore_mem>>)
      %dma_start3A_130 = arith.constant 0 : i32
      %dma_start3A_131 = arith.constant 0 : i32
      %dma_start3A_132 = tpu.memref_slice %arg4[%dma_start3A_130, %dma_start3A_131] : memref<10000x128xf32, #tpu.memory_space<hbm>> -> memref<10000x128xf32, #tpu.memory_space<hbm>>
      tpu.enqueue_indirect_dma source(%dma_start3A_132 : memref<10000x128xf32, #tpu.memory_space<hbm>>) target(%arg15 : memref<16x128xf32, #tpu.memory_space<vmem>>) offsets(%arg18 : memref<16xi32, #tpu.memory_space<vmem>>) semaphore(%arg22 : memref<!tpu.dma_semaphore, #tpu.memory_space<semaphore_mem>>)
      %dma_wait3A_133 = arith.constant 0 : i32
      %dma_wait3A_134 = arith.constant 0 : i32
      %dma_wait3A_135 = tpu.memref_slice %arg4[%dma_wait3A_133, %dma_wait3A_134] : memref<10000x128xf32, #tpu.memory_space<hbm>> -> memref<10000x128xf32, #tpu.memory_space<hbm>>
      tpu.wait_indirect_dma semaphore(%arg22 : memref<!tpu.dma_semaphore, #tpu.memory_space<semaphore_mem>>) src(%dma_wait3A_135 : memref<10000x128xf32, #tpu.memory_space<hbm>>) dst(%arg15 : memref<16x128xf32, #tpu.memory_space<vmem>>)
      %broadcast_in_dim3A_136 = arith.constant 0 : i32
      %broadcast_in_dim3A_137 = vector.broadcast %broadcast_in_dim3A_136 : i32 to vector<16xi32>
      %gather3A_138 = tpu.vector_load_idx %arg15[%iota3A, %broadcast_in_dim3A_137] : memref<16x128xf32, #tpu.memory_space<vmem>>[vector<16xi32>, vector<16xi32>], vector<16xf32>,
      %broadcast_in_dim3A_139 = arith.constant 8 : i32
      %broadcast_in_dim3A_140 = vector.broadcast %broadcast_in_dim3A_139 : i32 to vector<16xi32>
      %gather3A_141 = tpu.vector_load_idx %arg14[%select_n3A_124, %broadcast_in_dim3A_140] : memref<16x128xf32, #tpu.memory_space<vmem>>[vector<16xi32>, vector<16xi32>], vector<16xf32>,
      %add3A_142 = arith.addf %gather3A_138, %gather3A_141 : vector<16xf32>
      %ge3A = arith.constant 0.000000e+00 : f32
      %ge3A_143 = vector.broadcast %ge3A : f32 to vector<16xf32>
      %ge3A_144 = arith.cmpf oge, %add3A_142, %ge3A_143 : vector<16xf32>
      %mul3A_145 = arith.constant 2.000000e-01 : f32
      %mul3A_146 = vector.broadcast %mul3A_145 : f32 to vector<16xf32>
      %mul3A_147 = arith.mulf %mul3A_146, %add3A_142 : vector<16xf32>
      %select_n3A_148 = arith.select %ge3A_144, %add3A_142, %mul3A_147 : vector<16xi1>, vector<16xf32>
      %exp3A = math.exp %select_n3A_148 : vector<16xf32>
      %jit3A_149 = arith.constant 0.000000e+00 : f32
      %broadcast_in_dim3A_150 = vector.broadcast %jit3A_149 : f32 to vector<16xf32>
      %select_n3A_151 = arith.select %lt3A_116, %exp3A, %broadcast_in_dim3A_150 : vector<16xi1>, vector<16xf32>
      %mul3A_152 = arith.constant 16 : i32
      %mul3A_153 = vector.broadcast %mul3A_152 : i32 to vector<16xi32>
      %mul3A_154 = arith.muli %select_n3A_124, %mul3A_153 : vector<16xi32>
      %add3A_155 = arith.constant 0 : i32
      %add3A_156 = vector.broadcast %add3A_155 : i32 to vector<16xi32>
      %add3A_157 = arith.addi %mul3A_154, %add3A_156 : vector<16xi32>
      tpu.vector_store_idx %arg20[%add3A_157], %select_n3A_151 masked %lt3A_116 {add = true} : memref<256xf32, #tpu.memory_space<vmem>>[vector<16xi32>], vector<16xf32>, vector<16xi1>
      %swap3A_158 = arith.constant 0 : index
      %swap3A_159 = tpu.vector_load %arg17[%swap3A_158] {strides = array<i32>} : memref<128xf32, #tpu.memory_space<vmem>>, vector<16xf32>,
      tpu.vector_store %arg17[%swap3A_158], %select_n3A_151 {strides = array<i32>} : memref<128xf32, #tpu.memory_space<vmem>>, vector<16xf32>,
      %broadcast_in_dim3A_160 = arith.constant 1 : i32
      %broadcast_in_dim3A_161 = vector.broadcast %broadcast_in_dim3A_160 : i32 to vector<16xi32>
      %gather3A_162 = tpu.vector_load_idx %arg15[%iota3A, %broadcast_in_dim3A_161] : memref<16x128xf32, #tpu.memory_space<vmem>>[vector<16xi32>, vector<16xi32>], vector<16xf32>,
      %broadcast_in_dim3A_163 = arith.constant 9 : i32
      %broadcast_in_dim3A_164 = vector.broadcast %broadcast_in_dim3A_163 : i32 to vector<16xi32>
      %gather3A_165 = tpu.vector_load_idx %arg14[%select_n3A_124, %broadcast_in_dim3A_164] : memref<16x128xf32, #tpu.memory_space<vmem>>[vector<16xi32>, vector<16xi32>], vector<16xf32>,
      %add3A_166 = arith.addf %gather3A_162, %gather3A_165 : vector<16xf32>
      %ge3A_167 = arith.constant 0.000000e+00 : f32
      %ge3A_168 = vector.broadcast %ge3A_167 : f32 to vector<16xf32>
      %ge3A_169 = arith.cmpf oge, %add3A_166, %ge3A_168 : vector<16xf32>
      %mul3A_170 = arith.constant 2.000000e-01 : f32
      %mul3A_171 = vector.broadcast %mul3A_170 : f32 to vector<16xf32>
      %mul3A_172 = arith.mulf %mul3A_171, %add3A_166 : vector<16xf32>
      %select_n3A_173 = arith.select %ge3A_169, %add3A_166, %mul3A_172 : vector<16xi1>, vector<16xf32>
      %exp3A_174 = math.exp %select_n3A_173 : vector<16xf32>
      %jit3A_175 = arith.constant 0.000000e+00 : f32
      %broadcast_in_dim3A_176 = vector.broadcast %jit3A_175 : f32 to vector<16xf32>
      %select_n3A_177 = arith.select %lt3A_116, %exp3A_174, %broadcast_in_dim3A_176 : vector<16xi1>, vector<16xf32>
      %mul3A_178 = arith.constant 16 : i32
      %mul3A_179 = vector.broadcast %mul3A_178 : i32 to vector<16xi32>
      %mul3A_180 = arith.muli %select_n3A_124, %mul3A_179 : vector<16xi32>
      %add3A_181 = arith.constant 1 : i32
      %add3A_182 = vector.broadcast %add3A_181 : i32 to vector<16xi32>
      %add3A_183 = arith.addi %mul3A_180, %add3A_182 : vector<16xi32>
      tpu.vector_store_idx %arg20[%add3A_183], %select_n3A_177 masked %lt3A_116 {add = true} : memref<256xf32, #tpu.memory_space<vmem>>[vector<16xi32>], vector<16xf32>, vector<16xi1>
      %swap3A_184 = arith.constant 16 : index
      %swap3A_185 = tpu.vector_load %arg17[%swap3A_184] {strides = array<i32>} : memref<128xf32, #tpu.memory_space<vmem>>, vector<16xf32>,
      tpu.vector_store %arg17[%swap3A_184], %select_n3A_177 {strides = array<i32>} : memref<128xf32, #tpu.memory_space<vmem>>, vector<16xf32>,
      %broadcast_in_dim3A_186 = arith.constant 2 : i32
      %broadcast_in_dim3A_187 = vector.broadcast %broadcast_in_dim3A_186 : i32 to vector<16xi32>
      %gather3A_188 = tpu.vector_load_idx %arg15[%iota3A, %broadcast_in_dim3A_187] : memref<16x128xf32, #tpu.memory_space<vmem>>[vector<16xi32>, vector<16xi32>], vector<16xf32>,
      %broadcast_in_dim3A_189 = arith.constant 10 : i32
      %broadcast_in_dim3A_190 = vector.broadcast %broadcast_in_dim3A_189 : i32 to vector<16xi32>
      %gather3A_191 = tpu.vector_load_idx %arg14[%select_n3A_124, %broadcast_in_dim3A_190] : memref<16x128xf32, #tpu.memory_space<vmem>>[vector<16xi32>, vector<16xi32>], vector<16xf32>,
      %add3A_192 = arith.addf %gather3A_188, %gather3A_191 : vector<16xf32>
      %ge3A_193 = arith.constant 0.000000e+00 : f32
      %ge3A_194 = vector.broadcast %ge3A_193 : f32 to vector<16xf32>
      %ge3A_195 = arith.cmpf oge, %add3A_192, %ge3A_194 : vector<16xf32>
      %mul3A_196 = arith.constant 2.000000e-01 : f32
      %mul3A_197 = vector.broadcast %mul3A_196 : f32 to vector<16xf32>
      %mul3A_198 = arith.mulf %mul3A_197, %add3A_192 : vector<16xf32>
      %select_n3A_199 = arith.select %ge3A_195, %add3A_192, %mul3A_198 : vector<16xi1>, vector<16xf32>
      %exp3A_200 = math.exp %select_n3A_199 : vector<16xf32>
      %jit3A_201 = arith.constant 0.000000e+00 : f32
      %broadcast_in_dim3A_202 = vector.broadcast %jit3A_201 : f32 to vector<16xf32>
      %select_n3A_203 = arith.select %lt3A_116, %exp3A_200, %broadcast_in_dim3A_202 : vector<16xi1>, vector<16xf32>
      %mul3A_204 = arith.constant 16 : i32
      %mul3A_205 = vector.broadcast %mul3A_204 : i32 to vector<16xi32>
      %mul3A_206 = arith.muli %select_n3A_124, %mul3A_205 : vector<16xi32>
      %add3A_207 = arith.constant 2 : i32
      %add3A_208 = vector.broadcast %add3A_207 : i32 to vector<16xi32>
      %add3A_209 = arith.addi %mul3A_206, %add3A_208 : vector<16xi32>
      tpu.vector_store_idx %arg20[%add3A_209], %select_n3A_203 masked %lt3A_116 {add = true} : memref<256xf32, #tpu.memory_space<vmem>>[vector<16xi32>], vector<16xf32>, vector<16xi1>
      %swap3A_210 = arith.constant 32 : index
      %swap3A_211 = tpu.vector_load %arg17[%swap3A_210] {strides = array<i32>} : memref<128xf32, #tpu.memory_space<vmem>>, vector<16xf32>,
      tpu.vector_store %arg17[%swap3A_210], %select_n3A_203 {strides = array<i32>} : memref<128xf32, #tpu.memory_space<vmem>>, vector<16xf32>,
      %broadcast_in_dim3A_212 = arith.constant 3 : i32
      %broadcast_in_dim3A_213 = vector.broadcast %broadcast_in_dim3A_212 : i32 to vector<16xi32>
      %gather3A_214 = tpu.vector_load_idx %arg15[%iota3A, %broadcast_in_dim3A_213] : memref<16x128xf32, #tpu.memory_space<vmem>>[vector<16xi32>, vector<16xi32>], vector<16xf32>,
      %broadcast_in_dim3A_215 = arith.constant 11 : i32
      %broadcast_in_dim3A_216 = vector.broadcast %broadcast_in_dim3A_215 : i32 to vector<16xi32>
      %gather3A_217 = tpu.vector_load_idx %arg14[%select_n3A_124, %broadcast_in_dim3A_216] : memref<16x128xf32, #tpu.memory_space<vmem>>[vector<16xi32>, vector<16xi32>], vector<16xf32>,
      %add3A_218 = arith.addf %gather3A_214, %gather3A_217 : vector<16xf32>
      %ge3A_219 = arith.constant 0.000000e+00 : f32
      %ge3A_220 = vector.broadcast %ge3A_219 : f32 to vector<16xf32>
      %ge3A_221 = arith.cmpf oge, %add3A_218, %ge3A_220 : vector<16xf32>
      %mul3A_222 = arith.constant 2.000000e-01 : f32
      %mul3A_223 = vector.broadcast %mul3A_222 : f32 to vector<16xf32>
      %mul3A_224 = arith.mulf %mul3A_223, %add3A_218 : vector<16xf32>
      %select_n3A_225 = arith.select %ge3A_221, %add3A_218, %mul3A_224 : vector<16xi1>, vector<16xf32>
      %exp3A_226 = math.exp %select_n3A_225 : vector<16xf32>
      %jit3A_227 = arith.constant 0.000000e+00 : f32
      %broadcast_in_dim3A_228 = vector.broadcast %jit3A_227 : f32 to vector<16xf32>
      %select_n3A_229 = arith.select %lt3A_116, %exp3A_226, %broadcast_in_dim3A_228 : vector<16xi1>, vector<16xf32>
      %mul3A_230 = arith.constant 16 : i32
      %mul3A_231 = vector.broadcast %mul3A_230 : i32 to vector<16xi32>
      %mul3A_232 = arith.muli %select_n3A_124, %mul3A_231 : vector<16xi32>
      %add3A_233 = arith.constant 3 : i32
      %add3A_234 = vector.broadcast %add3A_233 : i32 to vector<16xi32>
      %add3A_235 = arith.addi %mul3A_232, %add3A_234 : vector<16xi32>
      tpu.vector_store_idx %arg20[%add3A_235], %select_n3A_229 masked %lt3A_116 {add = true} : memref<256xf32, #tpu.memory_space<vmem>>[vector<16xi32>], vector<16xf32>, vector<16xi1>
      %swap3A_236 = arith.constant 48 : index
      %swap3A_237 = tpu.vector_load %arg17[%swap3A_236] {strides = array<i32>} : memref<128xf32, #tpu.memory_space<vmem>>, vector<16xf32>,
      tpu.vector_store %arg17[%swap3A_236], %select_n3A_229 {strides = array<i32>} : memref<128xf32, #tpu.memory_space<vmem>>, vector<16xf32>,
      %broadcast_in_dim3A_238 = arith.constant 4 : i32
      %broadcast_in_dim3A_239 = vector.broadcast %broadcast_in_dim3A_238 : i32 to vector<16xi32>
      %gather3A_240 = tpu.vector_load_idx %arg15[%iota3A, %broadcast_in_dim3A_239] : memref<16x128xf32, #tpu.memory_space<vmem>>[vector<16xi32>, vector<16xi32>], vector<16xf32>,
      %broadcast_in_dim3A_241 = arith.constant 12 : i32
      %broadcast_in_dim3A_242 = vector.broadcast %broadcast_in_dim3A_241 : i32 to vector<16xi32>
      %gather3A_243 = tpu.vector_load_idx %arg14[%select_n3A_124, %broadcast_in_dim3A_242] : memref<16x128xf32, #tpu.memory_space<vmem>>[vector<16xi32>, vector<16xi32>], vector<16xf32>,
      %add3A_244 = arith.addf %gather3A_240, %gather3A_243 : vector<16xf32>
      %ge3A_245 = arith.constant 0.000000e+00 : f32
      %ge3A_246 = vector.broadcast %ge3A_245 : f32 to vector<16xf32>
      %ge3A_247 = arith.cmpf oge, %add3A_244, %ge3A_246 : vector<16xf32>
      %mul3A_248 = arith.constant 2.000000e-01 : f32
      %mul3A_249 = vector.broadcast %mul3A_248 : f32 to vector<16xf32>
      %mul3A_250 = arith.mulf %mul3A_249, %add3A_244 : vector<16xf32>
      %select_n3A_251 = arith.select %ge3A_247, %add3A_244, %mul3A_250 : vector<16xi1>, vector<16xf32>
      %exp3A_252 = math.exp %select_n3A_251 : vector<16xf32>
      %jit3A_253 = arith.constant 0.000000e+00 : f32
      %broadcast_in_dim3A_254 = vector.broadcast %jit3A_253 : f32 to vector<16xf32>
      %select_n3A_255 = arith.select %lt3A_116, %exp3A_252, %broadcast_in_dim3A_254 : vector<16xi1>, vector<16xf32>
      %mul3A_256 = arith.constant 16 : i32
      %mul3A_257 = vector.broadcast %mul3A_256 : i32 to vector<16xi32>
      %mul3A_258 = arith.muli %select_n3A_124, %mul3A_257 : vector<16xi32>
      %add3A_259 = arith.constant 4 : i32
      %add3A_260 = vector.broadcast %add3A_259 : i32 to vector<16xi32>
      %add3A_261 = arith.addi %mul3A_258, %add3A_260 : vector<16xi32>
      tpu.vector_store_idx %arg20[%add3A_261], %select_n3A_255 masked %lt3A_116 {add = true} : memref<256xf32, #tpu.memory_space<vmem>>[vector<16xi32>], vector<16xf32>, vector<16xi1>
      %swap3A_262 = arith.constant 64 : index
      %swap3A_263 = tpu.vector_load %arg17[%swap3A_262] {strides = array<i32>} : memref<128xf32, #tpu.memory_space<vmem>>, vector<16xf32>,
      tpu.vector_store %arg17[%swap3A_262], %select_n3A_255 {strides = array<i32>} : memref<128xf32, #tpu.memory_space<vmem>>, vector<16xf32>,
      %broadcast_in_dim3A_264 = arith.constant 5 : i32
      %broadcast_in_dim3A_265 = vector.broadcast %broadcast_in_dim3A_264 : i32 to vector<16xi32>
      %gather3A_266 = tpu.vector_load_idx %arg15[%iota3A, %broadcast_in_dim3A_265] : memref<16x128xf32, #tpu.memory_space<vmem>>[vector<16xi32>, vector<16xi32>], vector<16xf32>,
      %broadcast_in_dim3A_267 = arith.constant 13 : i32
      %broadcast_in_dim3A_268 = vector.broadcast %broadcast_in_dim3A_267 : i32 to vector<16xi32>
      %gather3A_269 = tpu.vector_load_idx %arg14[%select_n3A_124, %broadcast_in_dim3A_268] : memref<16x128xf32, #tpu.memory_space<vmem>>[vector<16xi32>, vector<16xi32>], vector<16xf32>,
      %add3A_270 = arith.addf %gather3A_266, %gather3A_269 : vector<16xf32>
      %ge3A_271 = arith.constant 0.000000e+00 : f32
      %ge3A_272 = vector.broadcast %ge3A_271 : f32 to vector<16xf32>
      %ge3A_273 = arith.cmpf oge, %add3A_270, %ge3A_272 : vector<16xf32>
      %mul3A_274 = arith.constant 2.000000e-01 : f32
      %mul3A_275 = vector.broadcast %mul3A_274 : f32 to vector<16xf32>
      %mul3A_276 = arith.mulf %mul3A_275, %add3A_270 : vector<16xf32>
      %select_n3A_277 = arith.select %ge3A_273, %add3A_270, %mul3A_276 : vector<16xi1>, vector<16xf32>
      %exp3A_278 = math.exp %select_n3A_277 : vector<16xf32>
      %jit3A_279 = arith.constant 0.000000e+00 : f32
      %broadcast_in_dim3A_280 = vector.broadcast %jit3A_279 : f32 to vector<16xf32>
      %select_n3A_281 = arith.select %lt3A_116, %exp3A_278, %broadcast_in_dim3A_280 : vector<16xi1>, vector<16xf32>
      %mul3A_282 = arith.constant 16 : i32
      %mul3A_283 = vector.broadcast %mul3A_282 : i32 to vector<16xi32>
      %mul3A_284 = arith.muli %select_n3A_124, %mul3A_283 : vector<16xi32>
      %add3A_285 = arith.constant 5 : i32
      %add3A_286 = vector.broadcast %add3A_285 : i32 to vector<16xi32>
      %add3A_287 = arith.addi %mul3A_284, %add3A_286 : vector<16xi32>
      tpu.vector_store_idx %arg20[%add3A_287], %select_n3A_281 masked %lt3A_116 {add = true} : memref<256xf32, #tpu.memory_space<vmem>>[vector<16xi32>], vector<16xf32>, vector<16xi1>
      %swap3A_288 = arith.constant 80 : index
      %swap3A_289 = tpu.vector_load %arg17[%swap3A_288] {strides = array<i32>} : memref<128xf32, #tpu.memory_space<vmem>>, vector<16xf32>,
      tpu.vector_store %arg17[%swap3A_288], %select_n3A_281 {strides = array<i32>} : memref<128xf32, #tpu.memory_space<vmem>>, vector<16xf32>,
      %broadcast_in_dim3A_290 = arith.constant 6 : i32
      %broadcast_in_dim3A_291 = vector.broadcast %broadcast_in_dim3A_290 : i32 to vector<16xi32>
      %gather3A_292 = tpu.vector_load_idx %arg15[%iota3A, %broadcast_in_dim3A_291] : memref<16x128xf32, #tpu.memory_space<vmem>>[vector<16xi32>, vector<16xi32>], vector<16xf32>,
      %broadcast_in_dim3A_293 = arith.constant 14 : i32
      %broadcast_in_dim3A_294 = vector.broadcast %broadcast_in_dim3A_293 : i32 to vector<16xi32>
      %gather3A_295 = tpu.vector_load_idx %arg14[%select_n3A_124, %broadcast_in_dim3A_294] : memref<16x128xf32, #tpu.memory_space<vmem>>[vector<16xi32>, vector<16xi32>], vector<16xf32>,
      %add3A_296 = arith.addf %gather3A_292, %gather3A_295 : vector<16xf32>
      %ge3A_297 = arith.constant 0.000000e+00 : f32
      %ge3A_298 = vector.broadcast %ge3A_297 : f32 to vector<16xf32>
      %ge3A_299 = arith.cmpf oge, %add3A_296, %ge3A_298 : vector<16xf32>
      %mul3A_300 = arith.constant 2.000000e-01 : f32
      %mul3A_301 = vector.broadcast %mul3A_300 : f32 to vector<16xf32>
      %mul3A_302 = arith.mulf %mul3A_301, %add3A_296 : vector<16xf32>
      %select_n3A_303 = arith.select %ge3A_299, %add3A_296, %mul3A_302 : vector<16xi1>, vector<16xf32>
      %exp3A_304 = math.exp %select_n3A_303 : vector<16xf32>
      %jit3A_305 = arith.constant 0.000000e+00 : f32
      %broadcast_in_dim3A_306 = vector.broadcast %jit3A_305 : f32 to vector<16xf32>
      %select_n3A_307 = arith.select %lt3A_116, %exp3A_304, %broadcast_in_dim3A_306 : vector<16xi1>, vector<16xf32>
      %mul3A_308 = arith.constant 16 : i32
      %mul3A_309 = vector.broadcast %mul3A_308 : i32 to vector<16xi32>
      %mul3A_310 = arith.muli %select_n3A_124, %mul3A_309 : vector<16xi32>
      %add3A_311 = arith.constant 6 : i32
      %add3A_312 = vector.broadcast %add3A_311 : i32 to vector<16xi32>
      %add3A_313 = arith.addi %mul3A_310, %add3A_312 : vector<16xi32>
      tpu.vector_store_idx %arg20[%add3A_313], %select_n3A_307 masked %lt3A_116 {add = true} : memref<256xf32, #tpu.memory_space<vmem>>[vector<16xi32>], vector<16xf32>, vector<16xi1>
      %swap3A_314 = arith.constant 96 : index
      %swap3A_315 = tpu.vector_load %arg17[%swap3A_314] {strides = array<i32>} : memref<128xf32, #tpu.memory_space<vmem>>, vector<16xf32>,
      tpu.vector_store %arg17[%swap3A_314], %select_n3A_307 {strides = array<i32>} : memref<128xf32, #tpu.memory_space<vmem>>, vector<16xf32>,
      %broadcast_in_dim3A_316 = arith.constant 7 : i32
      %broadcast_in_dim3A_317 = vector.broadcast %broadcast_in_dim3A_316 : i32 to vector<16xi32>
      %gather3A_318 = tpu.vector_load_idx %arg15[%iota3A, %broadcast_in_dim3A_317] : memref<16x128xf32, #tpu.memory_space<vmem>>[vector<16xi32>, vector<16xi32>], vector<16xf32>,
      %broadcast_in_dim3A_319 = arith.constant 15 : i32
      %broadcast_in_dim3A_320 = vector.broadcast %broadcast_in_dim3A_319 : i32 to vector<16xi32>
      %gather3A_321 = tpu.vector_load_idx %arg14[%select_n3A_124, %broadcast_in_dim3A_320] : memref<16x128xf32, #tpu.memory_space<vmem>>[vector<16xi32>, vector<16xi32>], vector<16xf32>,
      %add3A_322 = arith.addf %gather3A_318, %gather3A_321 : vector<16xf32>
      %ge3A_323 = arith.constant 0.000000e+00 : f32
      %ge3A_324 = vector.broadcast %ge3A_323 : f32 to vector<16xf32>
      %ge3A_325 = arith.cmpf oge, %add3A_322, %ge3A_324 : vector<16xf32>
      %mul3A_326 = arith.constant 2.000000e-01 : f32
      %mul3A_327 = vector.broadcast %mul3A_326 : f32 to vector<16xf32>
      %mul3A_328 = arith.mulf %mul3A_327, %add3A_322 : vector<16xf32>
      %select_n3A_329 = arith.select %ge3A_325, %add3A_322, %mul3A_328 : vector<16xi1>, vector<16xf32>
      %exp3A_330 = math.exp %select_n3A_329 : vector<16xf32>
      %jit3A_331 = arith.constant 0.000000e+00 : f32
      %broadcast_in_dim3A_332 = vector.broadcast %jit3A_331 : f32 to vector<16xf32>
      %select_n3A_333 = arith.select %lt3A_116, %exp3A_330, %broadcast_in_dim3A_332 : vector<16xi1>, vector<16xf32>
      %mul3A_334 = arith.constant 16 : i32
      %mul3A_335 = vector.broadcast %mul3A_334 : i32 to vector<16xi32>
      %mul3A_336 = arith.muli %select_n3A_124, %mul3A_335 : vector<16xi32>
      %add3A_337 = arith.constant 7 : i32
      %add3A_338 = vector.broadcast %add3A_337 : i32 to vector<16xi32>
      %add3A_339 = arith.addi %mul3A_336, %add3A_338 : vector<16xi32>
      tpu.vector_store_idx %arg20[%add3A_339], %select_n3A_333 masked %lt3A_116 {add = true} : memref<256xf32, #tpu.memory_space<vmem>>[vector<16xi32>], vector<16xf32>, vector<16xi1>
      %swap3A_340 = arith.constant 112 : index
      %swap3A_341 = tpu.vector_load %arg17[%swap3A_340] {strides = array<i32>} : memref<128xf32, #tpu.memory_space<vmem>>, vector<16xf32>,
      tpu.vector_store %arg17[%swap3A_340], %select_n3A_333 {strides = array<i32>} : memref<128xf32, #tpu.memory_space<vmem>>, vector<16xf32>,
      %dma_wait3A_342 = arith.constant 0 : i32
      %dma_wait3A_343 = arith.constant 0 : i32
      %dma_wait3A_344 = tpu.memref_slice %arg5[%dma_wait3A_342, %dma_wait3A_343] : memref<10000x256xf32, #tpu.memory_space<hbm>> -> memref<10000x256xf32, #tpu.memory_space<hbm>>
      tpu.wait_indirect_dma semaphore(%arg21 : memref<!tpu.dma_semaphore, #tpu.memory_space<semaphore_mem>>) src(%dma_wait3A_344 : memref<10000x256xf32, #tpu.memory_space<hbm>>) dst(%arg16 : memref<16x256xf32, #tpu.memory_space<vmem>>)
      %lt3A_345 = arith.cmpi slt, %mul3A_113, %reduce_max3A_94 : i32
      %convert_element_type3A_346 = arith.extui %lt3A_345 : i1 to i32
      %cond3A_347 = arith.constant 0 : i32
      %cond3A_348 = arith.cmpi ne, %convert_element_type3A_346, %cond3A_347 : i32
      scf.if %cond3A_348 {
        %sub3A = arith.subi %reduce_max3A_94, %mul3A_113 : i32
        %min3A = arith.constant 16 : i32
        %min3A_350 = arith.minsi %sub3A, %min3A : i32
        %while3A_351 = arith.constant 0 : i32
        %while3A_352 = arith.constant 0 : i32
        %while3A_353 = arith.subi %min3A_350, %while3A_351 : i32
        %while3A_354 = arith.addi %while3A_351, %while3A_353 : i32
        %while3A_355 = arith.constant 1 : i32
        %while3A_356 = arith.divsi %while3A_353, %while3A_355 : i32
        %while3A_357 = arith.muli %while3A_356, %while3A_355 : i32
        %while3A_358 = arith.addi %while3A_351, %while3A_357 : i32
        %while3A_359 = arith.constant 1 : i32
        %while3A_360 = scf.for %while3A_363 = %while3A_351 to %while3A_358 step %while3A_359 iter_args(%while3A_364 = %while3A_352) -> (i32)  : i32 {
          %add3A_365 = arith.addi %mul3A_113, %while3A_363 : i32
          %broadcast_in_dim3A_366 = vector.broadcast %add3A_365 : i32 to vector<16xi32>
          %gather3A_367 = tpu.vector_load_idx %arg12[%broadcast_in_dim3A_366] : memref<10000xi32, #tpu.memory_space<vmem>>[vector<16xi32>], vector<16xi32>,
          %mul3A_368 = arith.constant 2048 : i32
          %mul3A_369 = vector.broadcast %mul3A_368 : i32 to vector<16xi32>
          %mul3A_370 = arith.muli %gather3A_367, %mul3A_369 : vector<16xi32>
          %add3A_371 = arith.addi %mul3A_370, %iota3A : vector<16xi32>
          %add3A_372 = arith.constant 0 : i32
          %add3A_373 = arith.addi %add3A_372, %while3A_363 : i32
          %broadcast_in_dim3A_374 = vector.broadcast %add3A_373 : i32 to vector<16xi32>
          %gather3A_375 = tpu.vector_load_idx %arg17[%broadcast_in_dim3A_374] : memref<128xf32, #tpu.memory_space<vmem>>[vector<16xi32>], vector<16xf32>,
          %add3A_376 = arith.constant 16 : i32
          %add3A_377 = arith.addi %add3A_376, %while3A_363 : i32
          %broadcast_in_dim3A_378 = vector.broadcast %add3A_377 : i32 to vector<16xi32>
          %gather3A_379 = tpu.vector_load_idx %arg17[%broadcast_in_dim3A_378] : memref<128xf32, #tpu.memory_space<vmem>>[vector<16xi32>], vector<16xf32>,
          %add3A_380 = arith.constant 32 : i32
          %add3A_381 = arith.addi %add3A_380, %while3A_363 : i32
          %broadcast_in_dim3A_382 = vector.broadcast %add3A_381 : i32 to vector<16xi32>
          %gather3A_383 = tpu.vector_load_idx %arg17[%broadcast_in_dim3A_382] : memref<128xf32, #tpu.memory_space<vmem>>[vector<16xi32>], vector<16xf32>,
          %add3A_384 = arith.constant 48 : i32
          %add3A_385 = arith.addi %add3A_384, %while3A_363 : i32
          %broadcast_in_dim3A_386 = vector.broadcast %add3A_385 : i32 to vector<16xi32>
          %gather3A_387 = tpu.vector_load_idx %arg17[%broadcast_in_dim3A_386] : memref<128xf32, #tpu.memory_space<vmem>>[vector<16xi32>], vector<16xf32>,
          %add3A_388 = arith.constant 64 : i32
          %add3A_389 = arith.addi %add3A_388, %while3A_363 : i32
          %broadcast_in_dim3A_390 = vector.broadcast %add3A_389 : i32 to vector<16xi32>
          %gather3A_391 = tpu.vector_load_idx %arg17[%broadcast_in_dim3A_390] : memref<128xf32, #tpu.memory_space<vmem>>[vector<16xi32>], vector<16xf32>,
          %add3A_392 = arith.constant 80 : i32
          %add3A_393 = arith.addi %add3A_392, %while3A_363 : i32
          %broadcast_in_dim3A_394 = vector.broadcast %add3A_393 : i32 to vector<16xi32>
          %gather3A_395 = tpu.vector_load_idx %arg17[%broadcast_in_dim3A_394] : memref<128xf32, #tpu.memory_space<vmem>>[vector<16xi32>], vector<16xf32>,
          %add3A_396 = arith.constant 96 : i32
          %add3A_397 = arith.addi %add3A_396, %while3A_363 : i32
          %broadcast_in_dim3A_398 = vector.broadcast %add3A_397 : i32 to vector<16xi32>
          %gather3A_399 = tpu.vector_load_idx %arg17[%broadcast_in_dim3A_398] : memref<128xf32, #tpu.memory_space<vmem>>[vector<16xi32>], vector<16xf32>,
          %add3A_400 = arith.constant 112 : i32
          %add3A_401 = arith.addi %add3A_400, %while3A_363 : i32
          %broadcast_in_dim3A_402 = vector.broadcast %add3A_401 : i32 to vector<16xi32>
          %gather3A_403 = tpu.vector_load_idx %arg17[%broadcast_in_dim3A_402] : memref<128xf32, #tpu.memory_space<vmem>>[vector<16xi32>], vector<16xf32>,
          %get3A_404 = arith.index_cast %while3A_363 : i32 to index
          %get3A_405 = arith.constant 0 : index
          %get3A_406 = tpu.vector_load %arg16[%get3A_404, %get3A_405] {strides = array<i32>} : memref<16x256xf32, #tpu.memory_space<vmem>>, vector<16xf32>,
          %add3A_407 = arith.constant 0 : i32
          %add3A_408 = vector.broadcast %add3A_407 : i32 to vector<16xi32>
          %add3A_409 = arith.addi %add3A_371, %add3A_408 : vector<16xi32>
          %mul3A_410 = arith.mulf %gather3A_375, %get3A_406 : vector<16xf32>
          tpu.vector_store_idx %arg19[%add3A_409], %mul3A_410 {add = true} : memref<32768xf32, #tpu.memory_space<vmem>>[vector<16xi32>], vector<16xf32>,
          %add3A_411 = arith.constant 256 : i32
          %add3A_412 = vector.broadcast %add3A_411 : i32 to vector<16xi32>
          %add3A_413 = arith.addi %add3A_371, %add3A_412 : vector<16xi32>
          %mul3A_414 = arith.mulf %gather3A_379, %get3A_406 : vector<16xf32>
          tpu.vector_store_idx %arg19[%add3A_413], %mul3A_414 {add = true} : memref<32768xf32, #tpu.memory_space<vmem>>[vector<16xi32>], vector<16xf32>,
          %add3A_415 = arith.constant 512 : i32
          %add3A_416 = vector.broadcast %add3A_415 : i32 to vector<16xi32>
          %add3A_417 = arith.addi %add3A_371, %add3A_416 : vector<16xi32>
          %mul3A_418 = arith.mulf %gather3A_383, %get3A_406 : vector<16xf32>
          tpu.vector_store_idx %arg19[%add3A_417], %mul3A_418 {add = true} : memref<32768xf32, #tpu.memory_space<vmem>>[vector<16xi32>], vector<16xf32>,
          %add3A_419 = arith.constant 768 : i32
          %add3A_420 = vector.broadcast %add3A_419 : i32 to vector<16xi32>
          %add3A_421 = arith.addi %add3A_371, %add3A_420 : vector<16xi32>
          %mul3A_422 = arith.mulf %gather3A_387, %get3A_406 : vector<16xf32>
          tpu.vector_store_idx %arg19[%add3A_421], %mul3A_422 {add = true} : memref<32768xf32, #tpu.memory_space<vmem>>[vector<16xi32>], vector<16xf32>,
          %add3A_423 = arith.constant 1024 : i32
          %add3A_424 = vector.broadcast %add3A_423 : i32 to vector<16xi32>
          %add3A_425 = arith.addi %add3A_371, %add3A_424 : vector<16xi32>
          %mul3A_426 = arith.mulf %gather3A_391, %get3A_406 : vector<16xf32>
          tpu.vector_store_idx %arg19[%add3A_425], %mul3A_426 {add = true} : memref<32768xf32, #tpu.memory_space<vmem>>[vector<16xi32>], vector<16xf32>,
          %add3A_427 = arith.constant 1280 : i32
          %add3A_428 = vector.broadcast %add3A_427 : i32 to vector<16xi32>
          %add3A_429 = arith.addi %add3A_371, %add3A_428 : vector<16xi32>
          %mul3A_430 = arith.mulf %gather3A_395, %get3A_406 : vector<16xf32>
          tpu.vector_store_idx %arg19[%add3A_429], %mul3A_430 {add = true} : memref<32768xf32, #tpu.memory_space<vmem>>[vector<16xi32>], vector<16xf32>,
          %add3A_431 = arith.constant 1536 : i32
          %add3A_432 = vector.broadcast %add3A_431 : i32 to vector<16xi32>
          %add3A_433 = arith.addi %add3A_371, %add3A_432 : vector<16xi32>
          %mul3A_434 = arith.mulf %gather3A_399, %get3A_406 : vector<16xf32>
          tpu.vector_store_idx %arg19[%add3A_433], %mul3A_434 {add = true} : memref<32768xf32, #tpu.memory_space<vmem>>[vector<16xi32>], vector<16xf32>,
          %add3A_435 = arith.constant 1792 : i32
          %add3A_436 = vector.broadcast %add3A_435 : i32 to vector<16xi32>
          %add3A_437 = arith.addi %add3A_371, %add3A_436 : vector<16xi32>
          %mul3A_438 = arith.mulf %gather3A_403, %get3A_406 : vector<16xf32>
          tpu.vector_store_idx %arg19[%add3A_437], %mul3A_438 {add = true} : memref<32768xf32, #tpu.memory_space<vmem>>[vector<16xi32>], vector<16xf32>,
          %get3A_439 = arith.index_cast %while3A_363 : i32 to index
          %get3A_440 = arith.constant 16 : index
          %get3A_441 = tpu.vector_load %arg16[%get3A_439, %get3A_440] {strides = array<i32>} : memref<16x256xf32, #tpu.memory_space<vmem>>, vector<16xf32>,
          %add3A_442 = arith.constant 16 : i32
          %add3A_443 = vector.broadcast %add3A_442 : i32 to vector<16xi32>
          %add3A_444 = arith.addi %add3A_371, %add3A_443 : vector<16xi32>
          %mul3A_445 = arith.mulf %gather3A_375, %get3A_441 : vector<16xf32>
          tpu.vector_store_idx %arg19[%add3A_444], %mul3A_445 {add = true} : memref<32768xf32, #tpu.memory_space<vmem>>[vector<16xi32>], vector<16xf32>,
          %add3A_446 = arith.constant 272 : i32
          %add3A_447 = vector.broadcast %add3A_446 : i32 to vector<16xi32>
          %add3A_448 = arith.addi %add3A_371, %add3A_447 : vector<16xi32>
          %mul3A_449 = arith.mulf %gather3A_379, %get3A_441 : vector<16xf32>
          tpu.vector_store_idx %arg19[%add3A_448], %mul3A_449 {add = true} : memref<32768xf32, #tpu.memory_space<vmem>>[vector<16xi32>], vector<16xf32>,
          %add3A_450 = arith.constant 528 : i32
          %add3A_451 = vector.broadcast %add3A_450 : i32 to vector<16xi32>
          %add3A_452 = arith.addi %add3A_371, %add3A_451 : vector<16xi32>
          %mul3A_453 = arith.mulf %gather3A_383, %get3A_441 : vector<16xf32>
          tpu.vector_store_idx %arg19[%add3A_452], %mul3A_453 {add = true} : memref<32768xf32, #tpu.memory_space<vmem>>[vector<16xi32>], vector<16xf32>,
          %add3A_454 = arith.constant 784 : i32
          %add3A_455 = vector.broadcast %add3A_454 : i32 to vector<16xi32>
          %add3A_456 = arith.addi %add3A_371, %add3A_455 : vector<16xi32>
          %mul3A_457 = arith.mulf %gather3A_387, %get3A_441 : vector<16xf32>
          tpu.vector_store_idx %arg19[%add3A_456], %mul3A_457 {add = true} : memref<32768xf32, #tpu.memory_space<vmem>>[vector<16xi32>], vector<16xf32>,
          %add3A_458 = arith.constant 1040 : i32
          %add3A_459 = vector.broadcast %add3A_458 : i32 to vector<16xi32>
          %add3A_460 = arith.addi %add3A_371, %add3A_459 : vector<16xi32>
          %mul3A_461 = arith.mulf %gather3A_391, %get3A_441 : vector<16xf32>
          tpu.vector_store_idx %arg19[%add3A_460], %mul3A_461 {add = true} : memref<32768xf32, #tpu.memory_space<vmem>>[vector<16xi32>], vector<16xf32>,
          %add3A_462 = arith.constant 1296 : i32
          %add3A_463 = vector.broadcast %add3A_462 : i32 to vector<16xi32>
          %add3A_464 = arith.addi %add3A_371, %add3A_463 : vector<16xi32>
          %mul3A_465 = arith.mulf %gather3A_395, %get3A_441 : vector<16xf32>
          tpu.vector_store_idx %arg19[%add3A_464], %mul3A_465 {add = true} : memref<32768xf32, #tpu.memory_space<vmem>>[vector<16xi32>], vector<16xf32>,
          %add3A_466 = arith.constant 1552 : i32
          %add3A_467 = vector.broadcast %add3A_466 : i32 to vector<16xi32>
          %add3A_468 = arith.addi %add3A_371, %add3A_467 : vector<16xi32>
          %mul3A_469 = arith.mulf %gather3A_399, %get3A_441 : vector<16xf32>
          tpu.vector_store_idx %arg19[%add3A_468], %mul3A_469 {add = true} : memref<32768xf32, #tpu.memory_space<vmem>>[vector<16xi32>], vector<16xf32>,
          %add3A_470 = arith.constant 1808 : i32
          %add3A_471 = vector.broadcast %add3A_470 : i32 to vector<16xi32>
          %add3A_472 = arith.addi %add3A_371, %add3A_471 : vector<16xi32>
          %mul3A_473 = arith.mulf %gather3A_403, %get3A_441 : vector<16xf32>
          tpu.vector_store_idx %arg19[%add3A_472], %mul3A_473 {add = true} : memref<32768xf32, #tpu.memory_space<vmem>>[vector<16xi32>], vector<16xf32>,
          %get3A_474 = arith.index_cast %while3A_363 : i32 to index
          %get3A_475 = arith.constant 32 : index
          %get3A_476 = tpu.vector_load %arg16[%get3A_474, %get3A_475] {strides = array<i32>} : memref<16x256xf32, #tpu.memory_space<vmem>>, vector<16xf32>,
          %add3A_477 = arith.constant 32 : i32
          %add3A_478 = vector.broadcast %add3A_477 : i32 to vector<16xi32>
          %add3A_479 = arith.addi %add3A_371, %add3A_478 : vector<16xi32>
          %mul3A_480 = arith.mulf %gather3A_375, %get3A_476 : vector<16xf32>
          tpu.vector_store_idx %arg19[%add3A_479], %mul3A_480 {add = true} : memref<32768xf32, #tpu.memory_space<vmem>>[vector<16xi32>], vector<16xf32>,
          %add3A_481 = arith.constant 288 : i32
          %add3A_482 = vector.broadcast %add3A_481 : i32 to vector<16xi32>
          %add3A_483 = arith.addi %add3A_371, %add3A_482 : vector<16xi32>
          %mul3A_484 = arith.mulf %gather3A_379, %get3A_476 : vector<16xf32>
          tpu.vector_store_idx %arg19[%add3A_483], %mul3A_484 {add = true} : memref<32768xf32, #tpu.memory_space<vmem>>[vector<16xi32>], vector<16xf32>,
          %add3A_485 = arith.constant 544 : i32
          %add3A_486 = vector.broadcast %add3A_485 : i32 to vector<16xi32>
          %add3A_487 = arith.addi %add3A_371, %add3A_486 : vector<16xi32>
          %mul3A_488 = arith.mulf %gather3A_383, %get3A_476 : vector<16xf32>
          tpu.vector_store_idx %arg19[%add3A_487], %mul3A_488 {add = true} : memref<32768xf32, #tpu.memory_space<vmem>>[vector<16xi32>], vector<16xf32>,
          %add3A_489 = arith.constant 800 : i32
          %add3A_490 = vector.broadcast %add3A_489 : i32 to vector<16xi32>
          %add3A_491 = arith.addi %add3A_371, %add3A_490 : vector<16xi32>
          %mul3A_492 = arith.mulf %gather3A_387, %get3A_476 : vector<16xf32>
          tpu.vector_store_idx %arg19[%add3A_491], %mul3A_492 {add = true} : memref<32768xf32, #tpu.memory_space<vmem>>[vector<16xi32>], vector<16xf32>,
          %add3A_493 = arith.constant 1056 : i32
          %add3A_494 = vector.broadcast %add3A_493 : i32 to vector<16xi32>
          %add3A_495 = arith.addi %add3A_371, %add3A_494 : vector<16xi32>
          %mul3A_496 = arith.mulf %gather3A_391, %get3A_476 : vector<16xf32>
          tpu.vector_store_idx %arg19[%add3A_495], %mul3A_496 {add = true} : memref<32768xf32, #tpu.memory_space<vmem>>[vector<16xi32>], vector<16xf32>,
          %add3A_497 = arith.constant 1312 : i32
          %add3A_498 = vector.broadcast %add3A_497 : i32 to vector<16xi32>
          %add3A_499 = arith.addi %add3A_371, %add3A_498 : vector<16xi32>
          %mul3A_500 = arith.mulf %gather3A_395, %get3A_476 : vector<16xf32>
          tpu.vector_store_idx %arg19[%add3A_499], %mul3A_500 {add = true} : memref<32768xf32, #tpu.memory_space<vmem>>[vector<16xi32>], vector<16xf32>,
          %add3A_501 = arith.constant 1568 : i32
          %add3A_502 = vector.broadcast %add3A_501 : i32 to vector<16xi32>
          %add3A_503 = arith.addi %add3A_371, %add3A_502 : vector<16xi32>
          %mul3A_504 = arith.mulf %gather3A_399, %get3A_476 : vector<16xf32>
          tpu.vector_store_idx %arg19[%add3A_503], %mul3A_504 {add = true} : memref<32768xf32, #tpu.memory_space<vmem>>[vector<16xi32>], vector<16xf32>,
          %add3A_505 = arith.constant 1824 : i32
          %add3A_506 = vector.broadcast %add3A_505 : i32 to vector<16xi32>
          %add3A_507 = arith.addi %add3A_371, %add3A_506 : vector<16xi32>
          %mul3A_508 = arith.mulf %gather3A_403, %get3A_476 : vector<16xf32>
          tpu.vector_store_idx %arg19[%add3A_507], %mul3A_508 {add = true} : memref<32768xf32, #tpu.memory_space<vmem>>[vector<16xi32>], vector<16xf32>,
          %get3A_509 = arith.index_cast %while3A_363 : i32 to index
          %get3A_510 = arith.constant 48 : index
          %get3A_511 = tpu.vector_load %arg16[%get3A_509, %get3A_510] {strides = array<i32>} : memref<16x256xf32, #tpu.memory_space<vmem>>, vector<16xf32>,
          %add3A_512 = arith.constant 48 : i32
          %add3A_513 = vector.broadcast %add3A_512 : i32 to vector<16xi32>
          %add3A_514 = arith.addi %add3A_371, %add3A_513 : vector<16xi32>
          %mul3A_515 = arith.mulf %gather3A_375, %get3A_511 : vector<16xf32>
          tpu.vector_store_idx %arg19[%add3A_514], %mul3A_515 {add = true} : memref<32768xf32, #tpu.memory_space<vmem>>[vector<16xi32>], vector<16xf32>,
          %add3A_516 = arith.constant 304 : i32
          %add3A_517 = vector.broadcast %add3A_516 : i32 to vector<16xi32>
          %add3A_518 = arith.addi %add3A_371, %add3A_517 : vector<16xi32>
          %mul3A_519 = arith.mulf %gather3A_379, %get3A_511 : vector<16xf32>
          tpu.vector_store_idx %arg19[%add3A_518], %mul3A_519 {add = true} : memref<32768xf32, #tpu.memory_space<vmem>>[vector<16xi32>], vector<16xf32>,
          %add3A_520 = arith.constant 560 : i32
          %add3A_521 = vector.broadcast %add3A_520 : i32 to vector<16xi32>
          %add3A_522 = arith.addi %add3A_371, %add3A_521 : vector<16xi32>
          %mul3A_523 = arith.mulf %gather3A_383, %get3A_511 : vector<16xf32>
          tpu.vector_store_idx %arg19[%add3A_522], %mul3A_523 {add = true} : memref<32768xf32, #tpu.memory_space<vmem>>[vector<16xi32>], vector<16xf32>,
          %add3A_524 = arith.constant 816 : i32
          %add3A_525 = vector.broadcast %add3A_524 : i32 to vector<16xi32>
          %add3A_526 = arith.addi %add3A_371, %add3A_525 : vector<16xi32>
          %mul3A_527 = arith.mulf %gather3A_387, %get3A_511 : vector<16xf32>
          tpu.vector_store_idx %arg19[%add3A_526], %mul3A_527 {add = true} : memref<32768xf32, #tpu.memory_space<vmem>>[vector<16xi32>], vector<16xf32>,
          %add3A_528 = arith.constant 1072 : i32
          %add3A_529 = vector.broadcast %add3A_528 : i32 to vector<16xi32>
          %add3A_530 = arith.addi %add3A_371, %add3A_529 : vector<16xi32>
          %mul3A_531 = arith.mulf %gather3A_391, %get3A_511 : vector<16xf32>
          tpu.vector_store_idx %arg19[%add3A_530], %mul3A_531 {add = true} : memref<32768xf32, #tpu.memory_space<vmem>>[vector<16xi32>], vector<16xf32>,
          %add3A_532 = arith.constant 1328 : i32
          %add3A_533 = vector.broadcast %add3A_532 : i32 to vector<16xi32>
          %add3A_534 = arith.addi %add3A_371, %add3A_533 : vector<16xi32>
          %mul3A_535 = arith.mulf %gather3A_395, %get3A_511 : vector<16xf32>
          tpu.vector_store_idx %arg19[%add3A_534], %mul3A_535 {add = true} : memref<32768xf32, #tpu.memory_space<vmem>>[vector<16xi32>], vector<16xf32>,
          %add3A_536 = arith.constant 1584 : i32
          %add3A_537 = vector.broadcast %add3A_536 : i32 to vector<16xi32>
          %add3A_538 = arith.addi %add3A_371, %add3A_537 : vector<16xi32>
          %mul3A_539 = arith.mulf %gather3A_399, %get3A_511 : vector<16xf32>
          tpu.vector_store_idx %arg19[%add3A_538], %mul3A_539 {add = true} : memref<32768xf32, #tpu.memory_space<vmem>>[vector<16xi32>], vector<16xf32>,
          %add3A_540 = arith.constant 1840 : i32
          %add3A_541 = vector.broadcast %add3A_540 : i32 to vector<16xi32>
          %add3A_542 = arith.addi %add3A_371, %add3A_541 : vector<16xi32>
          %mul3A_543 = arith.mulf %gather3A_403, %get3A_511 : vector<16xf32>
          tpu.vector_store_idx %arg19[%add3A_542], %mul3A_543 {add = true} : memref<32768xf32, #tpu.memory_space<vmem>>[vector<16xi32>], vector<16xf32>,
          %get3A_544 = arith.index_cast %while3A_363 : i32 to index
          %get3A_545 = arith.constant 64 : index
          %get3A_546 = tpu.vector_load %arg16[%get3A_544, %get3A_545] {strides = array<i32>} : memref<16x256xf32, #tpu.memory_space<vmem>>, vector<16xf32>,
          %add3A_547 = arith.constant 64 : i32
          %add3A_548 = vector.broadcast %add3A_547 : i32 to vector<16xi32>
          %add3A_549 = arith.addi %add3A_371, %add3A_548 : vector<16xi32>
          %mul3A_550 = arith.mulf %gather3A_375, %get3A_546 : vector<16xf32>
          tpu.vector_store_idx %arg19[%add3A_549], %mul3A_550 {add = true} : memref<32768xf32, #tpu.memory_space<vmem>>[vector<16xi32>], vector<16xf32>,
          %add3A_551 = arith.constant 320 : i32
          %add3A_552 = vector.broadcast %add3A_551 : i32 to vector<16xi32>
          %add3A_553 = arith.addi %add3A_371, %add3A_552 : vector<16xi32>
          %mul3A_554 = arith.mulf %gather3A_379, %get3A_546 : vector<16xf32>
          tpu.vector_store_idx %arg19[%add3A_553], %mul3A_554 {add = true} : memref<32768xf32, #tpu.memory_space<vmem>>[vector<16xi32>], vector<16xf32>,
          %add3A_555 = arith.constant 576 : i32
          %add3A_556 = vector.broadcast %add3A_555 : i32 to vector<16xi32>
          %add3A_557 = arith.addi %add3A_371, %add3A_556 : vector<16xi32>
          %mul3A_558 = arith.mulf %gather3A_383, %get3A_546 : vector<16xf32>
          tpu.vector_store_idx %arg19[%add3A_557], %mul3A_558 {add = true} : memref<32768xf32, #tpu.memory_space<vmem>>[vector<16xi32>], vector<16xf32>,
          %add3A_559 = arith.constant 832 : i32
          %add3A_560 = vector.broadcast %add3A_559 : i32 to vector<16xi32>
          %add3A_561 = arith.addi %add3A_371, %add3A_560 : vector<16xi32>
          %mul3A_562 = arith.mulf %gather3A_387, %get3A_546 : vector<16xf32>
          tpu.vector_store_idx %arg19[%add3A_561], %mul3A_562 {add = true} : memref<32768xf32, #tpu.memory_space<vmem>>[vector<16xi32>], vector<16xf32>,
          %add3A_563 = arith.constant 1088 : i32
          %add3A_564 = vector.broadcast %add3A_563 : i32 to vector<16xi32>
          %add3A_565 = arith.addi %add3A_371, %add3A_564 : vector<16xi32>
          %mul3A_566 = arith.mulf %gather3A_391, %get3A_546 : vector<16xf32>
          tpu.vector_store_idx %arg19[%add3A_565], %mul3A_566 {add = true} : memref<32768xf32, #tpu.memory_space<vmem>>[vector<16xi32>], vector<16xf32>,
          %add3A_567 = arith.constant 1344 : i32
          %add3A_568 = vector.broadcast %add3A_567 : i32 to vector<16xi32>
          %add3A_569 = arith.addi %add3A_371, %add3A_568 : vector<16xi32>
          %mul3A_570 = arith.mulf %gather3A_395, %get3A_546 : vector<16xf32>
          tpu.vector_store_idx %arg19[%add3A_569], %mul3A_570 {add = true} : memref<32768xf32, #tpu.memory_space<vmem>>[vector<16xi32>], vector<16xf32>,
          %add3A_571 = arith.constant 1600 : i32
          %add3A_572 = vector.broadcast %add3A_571 : i32 to vector<16xi32>
          %add3A_573 = arith.addi %add3A_371, %add3A_572 : vector<16xi32>
          %mul3A_574 = arith.mulf %gather3A_399, %get3A_546 : vector<16xf32>
          tpu.vector_store_idx %arg19[%add3A_573], %mul3A_574 {add = true} : memref<32768xf32, #tpu.memory_space<vmem>>[vector<16xi32>], vector<16xf32>,
          %add3A_575 = arith.constant 1856 : i32
          %add3A_576 = vector.broadcast %add3A_575 : i32 to vector<16xi32>
          %add3A_577 = arith.addi %add3A_371, %add3A_576 : vector<16xi32>
          %mul3A_578 = arith.mulf %gather3A_403, %get3A_546 : vector<16xf32>
          tpu.vector_store_idx %arg19[%add3A_577], %mul3A_578 {add = true} : memref<32768xf32, #tpu.memory_space<vmem>>[vector<16xi32>], vector<16xf32>,
          %get3A_579 = arith.index_cast %while3A_363 : i32 to index
          %get3A_580 = arith.constant 80 : index
          %get3A_581 = tpu.vector_load %arg16[%get3A_579, %get3A_580] {strides = array<i32>} : memref<16x256xf32, #tpu.memory_space<vmem>>, vector<16xf32>,
          %add3A_582 = arith.constant 80 : i32
          %add3A_583 = vector.broadcast %add3A_582 : i32 to vector<16xi32>
          %add3A_584 = arith.addi %add3A_371, %add3A_583 : vector<16xi32>
          %mul3A_585 = arith.mulf %gather3A_375, %get3A_581 : vector<16xf32>
          tpu.vector_store_idx %arg19[%add3A_584], %mul3A_585 {add = true} : memref<32768xf32, #tpu.memory_space<vmem>>[vector<16xi32>], vector<16xf32>,
          %add3A_586 = arith.constant 336 : i32
          %add3A_587 = vector.broadcast %add3A_586 : i32 to vector<16xi32>
          %add3A_588 = arith.addi %add3A_371, %add3A_587 : vector<16xi32>
          %mul3A_589 = arith.mulf %gather3A_379, %get3A_581 : vector<16xf32>
          tpu.vector_store_idx %arg19[%add3A_588], %mul3A_589 {add = true} : memref<32768xf32, #tpu.memory_space<vmem>>[vector<16xi32>], vector<16xf32>,
          %add3A_590 = arith.constant 592 : i32
          %add3A_591 = vector.broadcast %add3A_590 : i32 to vector<16xi32>
          %add3A_592 = arith.addi %add3A_371, %add3A_591 : vector<16xi32>
          %mul3A_593 = arith.mulf %gather3A_383, %get3A_581 : vector<16xf32>
          tpu.vector_store_idx %arg19[%add3A_592], %mul3A_593 {add = true} : memref<32768xf32, #tpu.memory_space<vmem>>[vector<16xi32>], vector<16xf32>,
          %add3A_594 = arith.constant 848 : i32
          %add3A_595 = vector.broadcast %add3A_594 : i32 to vector<16xi32>
          %add3A_596 = arith.addi %add3A_371, %add3A_595 : vector<16xi32>
          %mul3A_597 = arith.mulf %gather3A_387, %get3A_581 : vector<16xf32>
          tpu.vector_store_idx %arg19[%add3A_596], %mul3A_597 {add = true} : memref<32768xf32, #tpu.memory_space<vmem>>[vector<16xi32>], vector<16xf32>,
          %add3A_598 = arith.constant 1104 : i32
          %add3A_599 = vector.broadcast %add3A_598 : i32 to vector<16xi32>
          %add3A_600 = arith.addi %add3A_371, %add3A_599 : vector<16xi32>
          %mul3A_601 = arith.mulf %gather3A_391, %get3A_581 : vector<16xf32>
          tpu.vector_store_idx %arg19[%add3A_600], %mul3A_601 {add = true} : memref<32768xf32, #tpu.memory_space<vmem>>[vector<16xi32>], vector<16xf32>,
          %add3A_602 = arith.constant 1360 : i32
          %add3A_603 = vector.broadcast %add3A_602 : i32 to vector<16xi32>
          %add3A_604 = arith.addi %add3A_371, %add3A_603 : vector<16xi32>
          %mul3A_605 = arith.mulf %gather3A_395, %get3A_581 : vector<16xf32>
          tpu.vector_store_idx %arg19[%add3A_604], %mul3A_605 {add = true} : memref<32768xf32, #tpu.memory_space<vmem>>[vector<16xi32>], vector<16xf32>,
          %add3A_606 = arith.constant 1616 : i32
          %add3A_607 = vector.broadcast %add3A_606 : i32 to vector<16xi32>
          %add3A_608 = arith.addi %add3A_371, %add3A_607 : vector<16xi32>
          %mul3A_609 = arith.mulf %gather3A_399, %get3A_581 : vector<16xf32>
          tpu.vector_store_idx %arg19[%add3A_608], %mul3A_609 {add = true} : memref<32768xf32, #tpu.memory_space<vmem>>[vector<16xi32>], vector<16xf32>,
          %add3A_610 = arith.constant 1872 : i32
          %add3A_611 = vector.broadcast %add3A_610 : i32 to vector<16xi32>
          %add3A_612 = arith.addi %add3A_371, %add3A_611 : vector<16xi32>
          %mul3A_613 = arith.mulf %gather3A_403, %get3A_581 : vector<16xf32>
          tpu.vector_store_idx %arg19[%add3A_612], %mul3A_613 {add = true} : memref<32768xf32, #tpu.memory_space<vmem>>[vector<16xi32>], vector<16xf32>,
          %get3A_614 = arith.index_cast %while3A_363 : i32 to index
          %get3A_615 = arith.constant 96 : index
          %get3A_616 = tpu.vector_load %arg16[%get3A_614, %get3A_615] {strides = array<i32>} : memref<16x256xf32, #tpu.memory_space<vmem>>, vector<16xf32>,
          %add3A_617 = arith.constant 96 : i32
          %add3A_618 = vector.broadcast %add3A_617 : i32 to vector<16xi32>
          %add3A_619 = arith.addi %add3A_371, %add3A_618 : vector<16xi32>
          %mul3A_620 = arith.mulf %gather3A_375, %get3A_616 : vector<16xf32>
          tpu.vector_store_idx %arg19[%add3A_619], %mul3A_620 {add = true} : memref<32768xf32, #tpu.memory_space<vmem>>[vector<16xi32>], vector<16xf32>,
          %add3A_621 = arith.constant 352 : i32
          %add3A_622 = vector.broadcast %add3A_621 : i32 to vector<16xi32>
          %add3A_623 = arith.addi %add3A_371, %add3A_622 : vector<16xi32>
          %mul3A_624 = arith.mulf %gather3A_379, %get3A_616 : vector<16xf32>
          tpu.vector_store_idx %arg19[%add3A_623], %mul3A_624 {add = true} : memref<32768xf32, #tpu.memory_space<vmem>>[vector<16xi32>], vector<16xf32>,
          %add3A_625 = arith.constant 608 : i32
          %add3A_626 = vector.broadcast %add3A_625 : i32 to vector<16xi32>
          %add3A_627 = arith.addi %add3A_371, %add3A_626 : vector<16xi32>
          %mul3A_628 = arith.mulf %gather3A_383, %get3A_616 : vector<16xf32>
          tpu.vector_store_idx %arg19[%add3A_627], %mul3A_628 {add = true} : memref<32768xf32, #tpu.memory_space<vmem>>[vector<16xi32>], vector<16xf32>,
          %add3A_629 = arith.constant 864 : i32
          %add3A_630 = vector.broadcast %add3A_629 : i32 to vector<16xi32>
          %add3A_631 = arith.addi %add3A_371, %add3A_630 : vector<16xi32>
          %mul3A_632 = arith.mulf %gather3A_387, %get3A_616 : vector<16xf32>
          tpu.vector_store_idx %arg19[%add3A_631], %mul3A_632 {add = true} : memref<32768xf32, #tpu.memory_space<vmem>>[vector<16xi32>], vector<16xf32>,
          %add3A_633 = arith.constant 1120 : i32
          %add3A_634 = vector.broadcast %add3A_633 : i32 to vector<16xi32>
          %add3A_635 = arith.addi %add3A_371, %add3A_634 : vector<16xi32>
          %mul3A_636 = arith.mulf %gather3A_391, %get3A_616 : vector<16xf32>
          tpu.vector_store_idx %arg19[%add3A_635], %mul3A_636 {add = true} : memref<32768xf32, #tpu.memory_space<vmem>>[vector<16xi32>], vector<16xf32>,
          %add3A_637 = arith.constant 1376 : i32
          %add3A_638 = vector.broadcast %add3A_637 : i32 to vector<16xi32>
          %add3A_639 = arith.addi %add3A_371, %add3A_638 : vector<16xi32>
          %mul3A_640 = arith.mulf %gather3A_395, %get3A_616 : vector<16xf32>
          tpu.vector_store_idx %arg19[%add3A_639], %mul3A_640 {add = true} : memref<32768xf32, #tpu.memory_space<vmem>>[vector<16xi32>], vector<16xf32>,
          %add3A_641 = arith.constant 1632 : i32
          %add3A_642 = vector.broadcast %add3A_641 : i32 to vector<16xi32>
          %add3A_643 = arith.addi %add3A_371, %add3A_642 : vector<16xi32>
          %mul3A_644 = arith.mulf %gather3A_399, %get3A_616 : vector<16xf32>
          tpu.vector_store_idx %arg19[%add3A_643], %mul3A_644 {add = true} : memref<32768xf32, #tpu.memory_space<vmem>>[vector<16xi32>], vector<16xf32>,
          %add3A_645 = arith.constant 1888 : i32
          %add3A_646 = vector.broadcast %add3A_645 : i32 to vector<16xi32>
          %add3A_647 = arith.addi %add3A_371, %add3A_646 : vector<16xi32>
          %mul3A_648 = arith.mulf %gather3A_403, %get3A_616 : vector<16xf32>
          tpu.vector_store_idx %arg19[%add3A_647], %mul3A_648 {add = true} : memref<32768xf32, #tpu.memory_space<vmem>>[vector<16xi32>], vector<16xf32>,
          %get3A_649 = arith.index_cast %while3A_363 : i32 to index
          %get3A_650 = arith.constant 112 : index
          %get3A_651 = tpu.vector_load %arg16[%get3A_649, %get3A_650] {strides = array<i32>} : memref<16x256xf32, #tpu.memory_space<vmem>>, vector<16xf32>,
          %add3A_652 = arith.constant 112 : i32
          %add3A_653 = vector.broadcast %add3A_652 : i32 to vector<16xi32>
          %add3A_654 = arith.addi %add3A_371, %add3A_653 : vector<16xi32>
          %mul3A_655 = arith.mulf %gather3A_375, %get3A_651 : vector<16xf32>
          tpu.vector_store_idx %arg19[%add3A_654], %mul3A_655 {add = true} : memref<32768xf32, #tpu.memory_space<vmem>>[vector<16xi32>], vector<16xf32>,
          %add3A_656 = arith.constant 368 : i32
          %add3A_657 = vector.broadcast %add3A_656 : i32 to vector<16xi32>
          %add3A_658 = arith.addi %add3A_371, %add3A_657 : vector<16xi32>
          %mul3A_659 = arith.mulf %gather3A_379, %get3A_651 : vector<16xf32>
          tpu.vector_store_idx %arg19[%add3A_658], %mul3A_659 {add = true} : memref<32768xf32, #tpu.memory_space<vmem>>[vector<16xi32>], vector<16xf32>,
          %add3A_660 = arith.constant 624 : i32
          %add3A_661 = vector.broadcast %add3A_660 : i32 to vector<16xi32>
          %add3A_662 = arith.addi %add3A_371, %add3A_661 : vector<16xi32>
          %mul3A_663 = arith.mulf %gather3A_383, %get3A_651 : vector<16xf32>
          tpu.vector_store_idx %arg19[%add3A_662], %mul3A_663 {add = true} : memref<32768xf32, #tpu.memory_space<vmem>>[vector<16xi32>], vector<16xf32>,
          %add3A_664 = arith.constant 880 : i32
          %add3A_665 = vector.broadcast %add3A_664 : i32 to vector<16xi32>
          %add3A_666 = arith.addi %add3A_371, %add3A_665 : vector<16xi32>
          %mul3A_667 = arith.mulf %gather3A_387, %get3A_651 : vector<16xf32>
          tpu.vector_store_idx %arg19[%add3A_666], %mul3A_667 {add = true} : memref<32768xf32, #tpu.memory_space<vmem>>[vector<16xi32>], vector<16xf32>,
          %add3A_668 = arith.constant 1136 : i32
          %add3A_669 = vector.broadcast %add3A_668 : i32 to vector<16xi32>
          %add3A_670 = arith.addi %add3A_371, %add3A_669 : vector<16xi32>
          %mul3A_671 = arith.mulf %gather3A_391, %get3A_651 : vector<16xf32>
          tpu.vector_store_idx %arg19[%add3A_670], %mul3A_671 {add = true} : memref<32768xf32, #tpu.memory_space<vmem>>[vector<16xi32>], vector<16xf32>,
          %add3A_672 = arith.constant 1392 : i32
          %add3A_673 = vector.broadcast %add3A_672 : i32 to vector<16xi32>
          %add3A_674 = arith.addi %add3A_371, %add3A_673 : vector<16xi32>
          %mul3A_675 = arith.mulf %gather3A_395, %get3A_651 : vector<16xf32>
          tpu.vector_store_idx %arg19[%add3A_674], %mul3A_675 {add = true} : memref<32768xf32, #tpu.memory_space<vmem>>[vector<16xi32>], vector<16xf32>,
          %add3A_676 = arith.constant 1648 : i32
          %add3A_677 = vector.broadcast %add3A_676 : i32 to vector<16xi32>
          %add3A_678 = arith.addi %add3A_371, %add3A_677 : vector<16xi32>
          %mul3A_679 = arith.mulf %gather3A_399, %get3A_651 : vector<16xf32>
          tpu.vector_store_idx %arg19[%add3A_678], %mul3A_679 {add = true} : memref<32768xf32, #tpu.memory_space<vmem>>[vector<16xi32>], vector<16xf32>,
          %add3A_680 = arith.constant 1904 : i32
          %add3A_681 = vector.broadcast %add3A_680 : i32 to vector<16xi32>
          %add3A_682 = arith.addi %add3A_371, %add3A_681 : vector<16xi32>
          %mul3A_683 = arith.mulf %gather3A_403, %get3A_651 : vector<16xf32>
          tpu.vector_store_idx %arg19[%add3A_682], %mul3A_683 {add = true} : memref<32768xf32, #tpu.memory_space<vmem>>[vector<16xi32>], vector<16xf32>,
          %get3A_684 = arith.index_cast %while3A_363 : i32 to index
          %get3A_685 = arith.constant 128 : index
          %get3A_686 = tpu.vector_load %arg16[%get3A_684, %get3A_685] {strides = array<i32>} : memref<16x256xf32, #tpu.memory_space<vmem>>, vector<16xf32>,
          %add3A_687 = arith.constant 128 : i32
          %add3A_688 = vector.broadcast %add3A_687 : i32 to vector<16xi32>
          %add3A_689 = arith.addi %add3A_371, %add3A_688 : vector<16xi32>
          %mul3A_690 = arith.mulf %gather3A_375, %get3A_686 : vector<16xf32>
          tpu.vector_store_idx %arg19[%add3A_689], %mul3A_690 {add = true} : memref<32768xf32, #tpu.memory_space<vmem>>[vector<16xi32>], vector<16xf32>,
          %add3A_691 = arith.constant 384 : i32
          %add3A_692 = vector.broadcast %add3A_691 : i32 to vector<16xi32>
          %add3A_693 = arith.addi %add3A_371, %add3A_692 : vector<16xi32>
          %mul3A_694 = arith.mulf %gather3A_379, %get3A_686 : vector<16xf32>
          tpu.vector_store_idx %arg19[%add3A_693], %mul3A_694 {add = true} : memref<32768xf32, #tpu.memory_space<vmem>>[vector<16xi32>], vector<16xf32>,
          %add3A_695 = arith.constant 640 : i32
          %add3A_696 = vector.broadcast %add3A_695 : i32 to vector<16xi32>
          %add3A_697 = arith.addi %add3A_371, %add3A_696 : vector<16xi32>
          %mul3A_698 = arith.mulf %gather3A_383, %get3A_686 : vector<16xf32>
          tpu.vector_store_idx %arg19[%add3A_697], %mul3A_698 {add = true} : memref<32768xf32, #tpu.memory_space<vmem>>[vector<16xi32>], vector<16xf32>,
          %add3A_699 = arith.constant 896 : i32
          %add3A_700 = vector.broadcast %add3A_699 : i32 to vector<16xi32>
          %add3A_701 = arith.addi %add3A_371, %add3A_700 : vector<16xi32>
          %mul3A_702 = arith.mulf %gather3A_387, %get3A_686 : vector<16xf32>
          tpu.vector_store_idx %arg19[%add3A_701], %mul3A_702 {add = true} : memref<32768xf32, #tpu.memory_space<vmem>>[vector<16xi32>], vector<16xf32>,
          %add3A_703 = arith.constant 1152 : i32
          %add3A_704 = vector.broadcast %add3A_703 : i32 to vector<16xi32>
          %add3A_705 = arith.addi %add3A_371, %add3A_704 : vector<16xi32>
          %mul3A_706 = arith.mulf %gather3A_391, %get3A_686 : vector<16xf32>
          tpu.vector_store_idx %arg19[%add3A_705], %mul3A_706 {add = true} : memref<32768xf32, #tpu.memory_space<vmem>>[vector<16xi32>], vector<16xf32>,
          %add3A_707 = arith.constant 1408 : i32
          %add3A_708 = vector.broadcast %add3A_707 : i32 to vector<16xi32>
          %add3A_709 = arith.addi %add3A_371, %add3A_708 : vector<16xi32>
          %mul3A_710 = arith.mulf %gather3A_395, %get3A_686 : vector<16xf32>
          tpu.vector_store_idx %arg19[%add3A_709], %mul3A_710 {add = true} : memref<32768xf32, #tpu.memory_space<vmem>>[vector<16xi32>], vector<16xf32>,
          %add3A_711 = arith.constant 1664 : i32
          %add3A_712 = vector.broadcast %add3A_711 : i32 to vector<16xi32>
          %add3A_713 = arith.addi %add3A_371, %add3A_712 : vector<16xi32>
          %mul3A_714 = arith.mulf %gather3A_399, %get3A_686 : vector<16xf32>
          tpu.vector_store_idx %arg19[%add3A_713], %mul3A_714 {add = true} : memref<32768xf32, #tpu.memory_space<vmem>>[vector<16xi32>], vector<16xf32>,
          %add3A_715 = arith.constant 1920 : i32
          %add3A_716 = vector.broadcast %add3A_715 : i32 to vector<16xi32>
          %add3A_717 = arith.addi %add3A_371, %add3A_716 : vector<16xi32>
          %mul3A_718 = arith.mulf %gather3A_403, %get3A_686 : vector<16xf32>
          tpu.vector_store_idx %arg19[%add3A_717], %mul3A_718 {add = true} : memref<32768xf32, #tpu.memory_space<vmem>>[vector<16xi32>], vector<16xf32>,
          %get3A_719 = arith.index_cast %while3A_363 : i32 to index
          %get3A_720 = arith.constant 144 : index
          %get3A_721 = tpu.vector_load %arg16[%get3A_719, %get3A_720] {strides = array<i32>} : memref<16x256xf32, #tpu.memory_space<vmem>>, vector<16xf32>,
          %add3A_722 = arith.constant 144 : i32
          %add3A_723 = vector.broadcast %add3A_722 : i32 to vector<16xi32>
          %add3A_724 = arith.addi %add3A_371, %add3A_723 : vector<16xi32>
          %mul3A_725 = arith.mulf %gather3A_375, %get3A_721 : vector<16xf32>
          tpu.vector_store_idx %arg19[%add3A_724], %mul3A_725 {add = true} : memref<32768xf32, #tpu.memory_space<vmem>>[vector<16xi32>], vector<16xf32>,
          %add3A_726 = arith.constant 400 : i32
          %add3A_727 = vector.broadcast %add3A_726 : i32 to vector<16xi32>
          %add3A_728 = arith.addi %add3A_371, %add3A_727 : vector<16xi32>
          %mul3A_729 = arith.mulf %gather3A_379, %get3A_721 : vector<16xf32>
          tpu.vector_store_idx %arg19[%add3A_728], %mul3A_729 {add = true} : memref<32768xf32, #tpu.memory_space<vmem>>[vector<16xi32>], vector<16xf32>,
          %add3A_730 = arith.constant 656 : i32
          %add3A_731 = vector.broadcast %add3A_730 : i32 to vector<16xi32>
          %add3A_732 = arith.addi %add3A_371, %add3A_731 : vector<16xi32>
          %mul3A_733 = arith.mulf %gather3A_383, %get3A_721 : vector<16xf32>
          tpu.vector_store_idx %arg19[%add3A_732], %mul3A_733 {add = true} : memref<32768xf32, #tpu.memory_space<vmem>>[vector<16xi32>], vector<16xf32>,
          %add3A_734 = arith.constant 912 : i32
          %add3A_735 = vector.broadcast %add3A_734 : i32 to vector<16xi32>
          %add3A_736 = arith.addi %add3A_371, %add3A_735 : vector<16xi32>
          %mul3A_737 = arith.mulf %gather3A_387, %get3A_721 : vector<16xf32>
          tpu.vector_store_idx %arg19[%add3A_736], %mul3A_737 {add = true} : memref<32768xf32, #tpu.memory_space<vmem>>[vector<16xi32>], vector<16xf32>,
          %add3A_738 = arith.constant 1168 : i32
          %add3A_739 = vector.broadcast %add3A_738 : i32 to vector<16xi32>
          %add3A_740 = arith.addi %add3A_371, %add3A_739 : vector<16xi32>
          %mul3A_741 = arith.mulf %gather3A_391, %get3A_721 : vector<16xf32>
          tpu.vector_store_idx %arg19[%add3A_740], %mul3A_741 {add = true} : memref<32768xf32, #tpu.memory_space<vmem>>[vector<16xi32>], vector<16xf32>,
          %add3A_742 = arith.constant 1424 : i32
          %add3A_743 = vector.broadcast %add3A_742 : i32 to vector<16xi32>
          %add3A_744 = arith.addi %add3A_371, %add3A_743 : vector<16xi32>
          %mul3A_745 = arith.mulf %gather3A_395, %get3A_721 : vector<16xf32>
          tpu.vector_store_idx %arg19[%add3A_744], %mul3A_745 {add = true} : memref<32768xf32, #tpu.memory_space<vmem>>[vector<16xi32>], vector<16xf32>,
          %add3A_746 = arith.constant 1680 : i32
          %add3A_747 = vector.broadcast %add3A_746 : i32 to vector<16xi32>
          %add3A_748 = arith.addi %add3A_371, %add3A_747 : vector<16xi32>
          %mul3A_749 = arith.mulf %gather3A_399, %get3A_721 : vector<16xf32>
          tpu.vector_store_idx %arg19[%add3A_748], %mul3A_749 {add = true} : memref<32768xf32, #tpu.memory_space<vmem>>[vector<16xi32>], vector<16xf32>,
          %add3A_750 = arith.constant 1936 : i32
          %add3A_751 = vector.broadcast %add3A_750 : i32 to vector<16xi32>
          %add3A_752 = arith.addi %add3A_371, %add3A_751 : vector<16xi32>
          %mul3A_753 = arith.mulf %gather3A_403, %get3A_721 : vector<16xf32>
          tpu.vector_store_idx %arg19[%add3A_752], %mul3A_753 {add = true} : memref<32768xf32, #tpu.memory_space<vmem>>[vector<16xi32>], vector<16xf32>,
          %get3A_754 = arith.index_cast %while3A_363 : i32 to index
          %get3A_755 = arith.constant 160 : index
          %get3A_756 = tpu.vector_load %arg16[%get3A_754, %get3A_755] {strides = array<i32>} : memref<16x256xf32, #tpu.memory_space<vmem>>, vector<16xf32>,
          %add3A_757 = arith.constant 160 : i32
          %add3A_758 = vector.broadcast %add3A_757 : i32 to vector<16xi32>
          %add3A_759 = arith.addi %add3A_371, %add3A_758 : vector<16xi32>
          %mul3A_760 = arith.mulf %gather3A_375, %get3A_756 : vector<16xf32>
          tpu.vector_store_idx %arg19[%add3A_759], %mul3A_760 {add = true} : memref<32768xf32, #tpu.memory_space<vmem>>[vector<16xi32>], vector<16xf32>,
          %add3A_761 = arith.constant 416 : i32
          %add3A_762 = vector.broadcast %add3A_761 : i32 to vector<16xi32>
          %add3A_763 = arith.addi %add3A_371, %add3A_762 : vector<16xi32>
          %mul3A_764 = arith.mulf %gather3A_379, %get3A_756 : vector<16xf32>
          tpu.vector_store_idx %arg19[%add3A_763], %mul3A_764 {add = true} : memref<32768xf32, #tpu.memory_space<vmem>>[vector<16xi32>], vector<16xf32>,
          %add3A_765 = arith.constant 672 : i32
          %add3A_766 = vector.broadcast %add3A_765 : i32 to vector<16xi32>
          %add3A_767 = arith.addi %add3A_371, %add3A_766 : vector<16xi32>
          %mul3A_768 = arith.mulf %gather3A_383, %get3A_756 : vector<16xf32>
          tpu.vector_store_idx %arg19[%add3A_767], %mul3A_768 {add = true} : memref<32768xf32, #tpu.memory_space<vmem>>[vector<16xi32>], vector<16xf32>,
          %add3A_769 = arith.constant 928 : i32
          %add3A_770 = vector.broadcast %add3A_769 : i32 to vector<16xi32>
          %add3A_771 = arith.addi %add3A_371, %add3A_770 : vector<16xi32>
          %mul3A_772 = arith.mulf %gather3A_387, %get3A_756 : vector<16xf32>
          tpu.vector_store_idx %arg19[%add3A_771], %mul3A_772 {add = true} : memref<32768xf32, #tpu.memory_space<vmem>>[vector<16xi32>], vector<16xf32>,
          %add3A_773 = arith.constant 1184 : i32
          %add3A_774 = vector.broadcast %add3A_773 : i32 to vector<16xi32>
          %add3A_775 = arith.addi %add3A_371, %add3A_774 : vector<16xi32>
          %mul3A_776 = arith.mulf %gather3A_391, %get3A_756 : vector<16xf32>
          tpu.vector_store_idx %arg19[%add3A_775], %mul3A_776 {add = true} : memref<32768xf32, #tpu.memory_space<vmem>>[vector<16xi32>], vector<16xf32>,
          %add3A_777 = arith.constant 1440 : i32
          %add3A_778 = vector.broadcast %add3A_777 : i32 to vector<16xi32>
          %add3A_779 = arith.addi %add3A_371, %add3A_778 : vector<16xi32>
          %mul3A_780 = arith.mulf %gather3A_395, %get3A_756 : vector<16xf32>
          tpu.vector_store_idx %arg19[%add3A_779], %mul3A_780 {add = true} : memref<32768xf32, #tpu.memory_space<vmem>>[vector<16xi32>], vector<16xf32>,
          %add3A_781 = arith.constant 1696 : i32
          %add3A_782 = vector.broadcast %add3A_781 : i32 to vector<16xi32>
          %add3A_783 = arith.addi %add3A_371, %add3A_782 : vector<16xi32>
          %mul3A_784 = arith.mulf %gather3A_399, %get3A_756 : vector<16xf32>
          tpu.vector_store_idx %arg19[%add3A_783], %mul3A_784 {add = true} : memref<32768xf32, #tpu.memory_space<vmem>>[vector<16xi32>], vector<16xf32>,
          %add3A_785 = arith.constant 1952 : i32
          %add3A_786 = vector.broadcast %add3A_785 : i32 to vector<16xi32>
          %add3A_787 = arith.addi %add3A_371, %add3A_786 : vector<16xi32>
          %mul3A_788 = arith.mulf %gather3A_403, %get3A_756 : vector<16xf32>
          tpu.vector_store_idx %arg19[%add3A_787], %mul3A_788 {add = true} : memref<32768xf32, #tpu.memory_space<vmem>>[vector<16xi32>], vector<16xf32>,
          %get3A_789 = arith.index_cast %while3A_363 : i32 to index
          %get3A_790 = arith.constant 176 : index
          %get3A_791 = tpu.vector_load %arg16[%get3A_789, %get3A_790] {strides = array<i32>} : memref<16x256xf32, #tpu.memory_space<vmem>>, vector<16xf32>,
          %add3A_792 = arith.constant 176 : i32
          %add3A_793 = vector.broadcast %add3A_792 : i32 to vector<16xi32>
          %add3A_794 = arith.addi %add3A_371, %add3A_793 : vector<16xi32>
          %mul3A_795 = arith.mulf %gather3A_375, %get3A_791 : vector<16xf32>
          tpu.vector_store_idx %arg19[%add3A_794], %mul3A_795 {add = true} : memref<32768xf32, #tpu.memory_space<vmem>>[vector<16xi32>], vector<16xf32>,
          %add3A_796 = arith.constant 432 : i32
          %add3A_797 = vector.broadcast %add3A_796 : i32 to vector<16xi32>
          %add3A_798 = arith.addi %add3A_371, %add3A_797 : vector<16xi32>
          %mul3A_799 = arith.mulf %gather3A_379, %get3A_791 : vector<16xf32>
          tpu.vector_store_idx %arg19[%add3A_798], %mul3A_799 {add = true} : memref<32768xf32, #tpu.memory_space<vmem>>[vector<16xi32>], vector<16xf32>,
          %add3A_800 = arith.constant 688 : i32
          %add3A_801 = vector.broadcast %add3A_800 : i32 to vector<16xi32>
          %add3A_802 = arith.addi %add3A_371, %add3A_801 : vector<16xi32>
          %mul3A_803 = arith.mulf %gather3A_383, %get3A_791 : vector<16xf32>
          tpu.vector_store_idx %arg19[%add3A_802], %mul3A_803 {add = true} : memref<32768xf32, #tpu.memory_space<vmem>>[vector<16xi32>], vector<16xf32>,
          %add3A_804 = arith.constant 944 : i32
          %add3A_805 = vector.broadcast %add3A_804 : i32 to vector<16xi32>
          %add3A_806 = arith.addi %add3A_371, %add3A_805 : vector<16xi32>
          %mul3A_807 = arith.mulf %gather3A_387, %get3A_791 : vector<16xf32>
          tpu.vector_store_idx %arg19[%add3A_806], %mul3A_807 {add = true} : memref<32768xf32, #tpu.memory_space<vmem>>[vector<16xi32>], vector<16xf32>,
          %add3A_808 = arith.constant 1200 : i32
          %add3A_809 = vector.broadcast %add3A_808 : i32 to vector<16xi32>
          %add3A_810 = arith.addi %add3A_371, %add3A_809 : vector<16xi32>
          %mul3A_811 = arith.mulf %gather3A_391, %get3A_791 : vector<16xf32>
          tpu.vector_store_idx %arg19[%add3A_810], %mul3A_811 {add = true} : memref<32768xf32, #tpu.memory_space<vmem>>[vector<16xi32>], vector<16xf32>,
          %add3A_812 = arith.constant 1456 : i32
          %add3A_813 = vector.broadcast %add3A_812 : i32 to vector<16xi32>
          %add3A_814 = arith.addi %add3A_371, %add3A_813 : vector<16xi32>
          %mul3A_815 = arith.mulf %gather3A_395, %get3A_791 : vector<16xf32>
          tpu.vector_store_idx %arg19[%add3A_814], %mul3A_815 {add = true} : memref<32768xf32, #tpu.memory_space<vmem>>[vector<16xi32>], vector<16xf32>,
          %add3A_816 = arith.constant 1712 : i32
          %add3A_817 = vector.broadcast %add3A_816 : i32 to vector<16xi32>
          %add3A_818 = arith.addi %add3A_371, %add3A_817 : vector<16xi32>
          %mul3A_819 = arith.mulf %gather3A_399, %get3A_791 : vector<16xf32>
          tpu.vector_store_idx %arg19[%add3A_818], %mul3A_819 {add = true} : memref<32768xf32, #tpu.memory_space<vmem>>[vector<16xi32>], vector<16xf32>,
          %add3A_820 = arith.constant 1968 : i32
          %add3A_821 = vector.broadcast %add3A_820 : i32 to vector<16xi32>
          %add3A_822 = arith.addi %add3A_371, %add3A_821 : vector<16xi32>
          %mul3A_823 = arith.mulf %gather3A_403, %get3A_791 : vector<16xf32>
          tpu.vector_store_idx %arg19[%add3A_822], %mul3A_823 {add = true} : memref<32768xf32, #tpu.memory_space<vmem>>[vector<16xi32>], vector<16xf32>,
          %get3A_824 = arith.index_cast %while3A_363 : i32 to index
          %get3A_825 = arith.constant 192 : index
          %get3A_826 = tpu.vector_load %arg16[%get3A_824, %get3A_825] {strides = array<i32>} : memref<16x256xf32, #tpu.memory_space<vmem>>, vector<16xf32>,
          %add3A_827 = arith.constant 192 : i32
          %add3A_828 = vector.broadcast %add3A_827 : i32 to vector<16xi32>
          %add3A_829 = arith.addi %add3A_371, %add3A_828 : vector<16xi32>
          %mul3A_830 = arith.mulf %gather3A_375, %get3A_826 : vector<16xf32>
          tpu.vector_store_idx %arg19[%add3A_829], %mul3A_830 {add = true} : memref<32768xf32, #tpu.memory_space<vmem>>[vector<16xi32>], vector<16xf32>,
          %add3A_831 = arith.constant 448 : i32
          %add3A_832 = vector.broadcast %add3A_831 : i32 to vector<16xi32>
          %add3A_833 = arith.addi %add3A_371, %add3A_832 : vector<16xi32>
          %mul3A_834 = arith.mulf %gather3A_379, %get3A_826 : vector<16xf32>
          tpu.vector_store_idx %arg19[%add3A_833], %mul3A_834 {add = true} : memref<32768xf32, #tpu.memory_space<vmem>>[vector<16xi32>], vector<16xf32>,
          %add3A_835 = arith.constant 704 : i32
          %add3A_836 = vector.broadcast %add3A_835 : i32 to vector<16xi32>
          %add3A_837 = arith.addi %add3A_371, %add3A_836 : vector<16xi32>
          %mul3A_838 = arith.mulf %gather3A_383, %get3A_826 : vector<16xf32>
          tpu.vector_store_idx %arg19[%add3A_837], %mul3A_838 {add = true} : memref<32768xf32, #tpu.memory_space<vmem>>[vector<16xi32>], vector<16xf32>,
          %add3A_839 = arith.constant 960 : i32
          %add3A_840 = vector.broadcast %add3A_839 : i32 to vector<16xi32>
          %add3A_841 = arith.addi %add3A_371, %add3A_840 : vector<16xi32>
          %mul3A_842 = arith.mulf %gather3A_387, %get3A_826 : vector<16xf32>
          tpu.vector_store_idx %arg19[%add3A_841], %mul3A_842 {add = true} : memref<32768xf32, #tpu.memory_space<vmem>>[vector<16xi32>], vector<16xf32>,
          %add3A_843 = arith.constant 1216 : i32
          %add3A_844 = vector.broadcast %add3A_843 : i32 to vector<16xi32>
          %add3A_845 = arith.addi %add3A_371, %add3A_844 : vector<16xi32>
          %mul3A_846 = arith.mulf %gather3A_391, %get3A_826 : vector<16xf32>
          tpu.vector_store_idx %arg19[%add3A_845], %mul3A_846 {add = true} : memref<32768xf32, #tpu.memory_space<vmem>>[vector<16xi32>], vector<16xf32>,
          %add3A_847 = arith.constant 1472 : i32
          %add3A_848 = vector.broadcast %add3A_847 : i32 to vector<16xi32>
          %add3A_849 = arith.addi %add3A_371, %add3A_848 : vector<16xi32>
          %mul3A_850 = arith.mulf %gather3A_395, %get3A_826 : vector<16xf32>
          tpu.vector_store_idx %arg19[%add3A_849], %mul3A_850 {add = true} : memref<32768xf32, #tpu.memory_space<vmem>>[vector<16xi32>], vector<16xf32>,
          %add3A_851 = arith.constant 1728 : i32
          %add3A_852 = vector.broadcast %add3A_851 : i32 to vector<16xi32>
          %add3A_853 = arith.addi %add3A_371, %add3A_852 : vector<16xi32>
          %mul3A_854 = arith.mulf %gather3A_399, %get3A_826 : vector<16xf32>
          tpu.vector_store_idx %arg19[%add3A_853], %mul3A_854 {add = true} : memref<32768xf32, #tpu.memory_space<vmem>>[vector<16xi32>], vector<16xf32>,
          %add3A_855 = arith.constant 1984 : i32
          %add3A_856 = vector.broadcast %add3A_855 : i32 to vector<16xi32>
          %add3A_857 = arith.addi %add3A_371, %add3A_856 : vector<16xi32>
          %mul3A_858 = arith.mulf %gather3A_403, %get3A_826 : vector<16xf32>
          tpu.vector_store_idx %arg19[%add3A_857], %mul3A_858 {add = true} : memref<32768xf32, #tpu.memory_space<vmem>>[vector<16xi32>], vector<16xf32>,
          %get3A_859 = arith.index_cast %while3A_363 : i32 to index
          %get3A_860 = arith.constant 208 : index
          %get3A_861 = tpu.vector_load %arg16[%get3A_859, %get3A_860] {strides = array<i32>} : memref<16x256xf32, #tpu.memory_space<vmem>>, vector<16xf32>,
          %add3A_862 = arith.constant 208 : i32
          %add3A_863 = vector.broadcast %add3A_862 : i32 to vector<16xi32>
          %add3A_864 = arith.addi %add3A_371, %add3A_863 : vector<16xi32>
          %mul3A_865 = arith.mulf %gather3A_375, %get3A_861 : vector<16xf32>
          tpu.vector_store_idx %arg19[%add3A_864], %mul3A_865 {add = true} : memref<32768xf32, #tpu.memory_space<vmem>>[vector<16xi32>], vector<16xf32>,
          %add3A_866 = arith.constant 464 : i32
          %add3A_867 = vector.broadcast %add3A_866 : i32 to vector<16xi32>
          %add3A_868 = arith.addi %add3A_371, %add3A_867 : vector<16xi32>
          %mul3A_869 = arith.mulf %gather3A_379, %get3A_861 : vector<16xf32>
          tpu.vector_store_idx %arg19[%add3A_868], %mul3A_869 {add = true} : memref<32768xf32, #tpu.memory_space<vmem>>[vector<16xi32>], vector<16xf32>,
          %add3A_870 = arith.constant 720 : i32
          %add3A_871 = vector.broadcast %add3A_870 : i32 to vector<16xi32>
          %add3A_872 = arith.addi %add3A_371, %add3A_871 : vector<16xi32>
          %mul3A_873 = arith.mulf %gather3A_383, %get3A_861 : vector<16xf32>
          tpu.vector_store_idx %arg19[%add3A_872], %mul3A_873 {add = true} : memref<32768xf32, #tpu.memory_space<vmem>>[vector<16xi32>], vector<16xf32>,
          %add3A_874 = arith.constant 976 : i32
          %add3A_875 = vector.broadcast %add3A_874 : i32 to vector<16xi32>
          %add3A_876 = arith.addi %add3A_371, %add3A_875 : vector<16xi32>
          %mul3A_877 = arith.mulf %gather3A_387, %get3A_861 : vector<16xf32>
          tpu.vector_store_idx %arg19[%add3A_876], %mul3A_877 {add = true} : memref<32768xf32, #tpu.memory_space<vmem>>[vector<16xi32>], vector<16xf32>,
          %add3A_878 = arith.constant 1232 : i32
          %add3A_879 = vector.broadcast %add3A_878 : i32 to vector<16xi32>
          %add3A_880 = arith.addi %add3A_371, %add3A_879 : vector<16xi32>
          %mul3A_881 = arith.mulf %gather3A_391, %get3A_861 : vector<16xf32>
          tpu.vector_store_idx %arg19[%add3A_880], %mul3A_881 {add = true} : memref<32768xf32, #tpu.memory_space<vmem>>[vector<16xi32>], vector<16xf32>,
          %add3A_882 = arith.constant 1488 : i32
          %add3A_883 = vector.broadcast %add3A_882 : i32 to vector<16xi32>
          %add3A_884 = arith.addi %add3A_371, %add3A_883 : vector<16xi32>
          %mul3A_885 = arith.mulf %gather3A_395, %get3A_861 : vector<16xf32>
          tpu.vector_store_idx %arg19[%add3A_884], %mul3A_885 {add = true} : memref<32768xf32, #tpu.memory_space<vmem>>[vector<16xi32>], vector<16xf32>,
          %add3A_886 = arith.constant 1744 : i32
          %add3A_887 = vector.broadcast %add3A_886 : i32 to vector<16xi32>
          %add3A_888 = arith.addi %add3A_371, %add3A_887 : vector<16xi32>
          %mul3A_889 = arith.mulf %gather3A_399, %get3A_861 : vector<16xf32>
          tpu.vector_store_idx %arg19[%add3A_888], %mul3A_889 {add = true} : memref<32768xf32, #tpu.memory_space<vmem>>[vector<16xi32>], vector<16xf32>,
          %add3A_890 = arith.constant 2000 : i32
          %add3A_891 = vector.broadcast %add3A_890 : i32 to vector<16xi32>
          %add3A_892 = arith.addi %add3A_371, %add3A_891 : vector<16xi32>
          %mul3A_893 = arith.mulf %gather3A_403, %get3A_861 : vector<16xf32>
          tpu.vector_store_idx %arg19[%add3A_892], %mul3A_893 {add = true} : memref<32768xf32, #tpu.memory_space<vmem>>[vector<16xi32>], vector<16xf32>,
          %get3A_894 = arith.index_cast %while3A_363 : i32 to index
          %get3A_895 = arith.constant 224 : index
          %get3A_896 = tpu.vector_load %arg16[%get3A_894, %get3A_895] {strides = array<i32>} : memref<16x256xf32, #tpu.memory_space<vmem>>, vector<16xf32>,
          %add3A_897 = arith.constant 224 : i32
          %add3A_898 = vector.broadcast %add3A_897 : i32 to vector<16xi32>
          %add3A_899 = arith.addi %add3A_371, %add3A_898 : vector<16xi32>
          %mul3A_900 = arith.mulf %gather3A_375, %get3A_896 : vector<16xf32>
          tpu.vector_store_idx %arg19[%add3A_899], %mul3A_900 {add = true} : memref<32768xf32, #tpu.memory_space<vmem>>[vector<16xi32>], vector<16xf32>,
          %add3A_901 = arith.constant 480 : i32
          %add3A_902 = vector.broadcast %add3A_901 : i32 to vector<16xi32>
          %add3A_903 = arith.addi %add3A_371, %add3A_902 : vector<16xi32>
          %mul3A_904 = arith.mulf %gather3A_379, %get3A_896 : vector<16xf32>
          tpu.vector_store_idx %arg19[%add3A_903], %mul3A_904 {add = true} : memref<32768xf32, #tpu.memory_space<vmem>>[vector<16xi32>], vector<16xf32>,
          %add3A_905 = arith.constant 736 : i32
          %add3A_906 = vector.broadcast %add3A_905 : i32 to vector<16xi32>
          %add3A_907 = arith.addi %add3A_371, %add3A_906 : vector<16xi32>
          %mul3A_908 = arith.mulf %gather3A_383, %get3A_896 : vector<16xf32>
          tpu.vector_store_idx %arg19[%add3A_907], %mul3A_908 {add = true} : memref<32768xf32, #tpu.memory_space<vmem>>[vector<16xi32>], vector<16xf32>,
          %add3A_909 = arith.constant 992 : i32
          %add3A_910 = vector.broadcast %add3A_909 : i32 to vector<16xi32>
          %add3A_911 = arith.addi %add3A_371, %add3A_910 : vector<16xi32>
          %mul3A_912 = arith.mulf %gather3A_387, %get3A_896 : vector<16xf32>
          tpu.vector_store_idx %arg19[%add3A_911], %mul3A_912 {add = true} : memref<32768xf32, #tpu.memory_space<vmem>>[vector<16xi32>], vector<16xf32>,
          %add3A_913 = arith.constant 1248 : i32
          %add3A_914 = vector.broadcast %add3A_913 : i32 to vector<16xi32>
          %add3A_915 = arith.addi %add3A_371, %add3A_914 : vector<16xi32>
          %mul3A_916 = arith.mulf %gather3A_391, %get3A_896 : vector<16xf32>
          tpu.vector_store_idx %arg19[%add3A_915], %mul3A_916 {add = true} : memref<32768xf32, #tpu.memory_space<vmem>>[vector<16xi32>], vector<16xf32>,
          %add3A_917 = arith.constant 1504 : i32
          %add3A_918 = vector.broadcast %add3A_917 : i32 to vector<16xi32>
          %add3A_919 = arith.addi %add3A_371, %add3A_918 : vector<16xi32>
          %mul3A_920 = arith.mulf %gather3A_395, %get3A_896 : vector<16xf32>
          tpu.vector_store_idx %arg19[%add3A_919], %mul3A_920 {add = true} : memref<32768xf32, #tpu.memory_space<vmem>>[vector<16xi32>], vector<16xf32>,
          %add3A_921 = arith.constant 1760 : i32
          %add3A_922 = vector.broadcast %add3A_921 : i32 to vector<16xi32>
          %add3A_923 = arith.addi %add3A_371, %add3A_922 : vector<16xi32>
          %mul3A_924 = arith.mulf %gather3A_399, %get3A_896 : vector<16xf32>
          tpu.vector_store_idx %arg19[%add3A_923], %mul3A_924 {add = true} : memref<32768xf32, #tpu.memory_space<vmem>>[vector<16xi32>], vector<16xf32>,
          %add3A_925 = arith.constant 2016 : i32
          %add3A_926 = vector.broadcast %add3A_925 : i32 to vector<16xi32>
          %add3A_927 = arith.addi %add3A_371, %add3A_926 : vector<16xi32>
          %mul3A_928 = arith.mulf %gather3A_403, %get3A_896 : vector<16xf32>
          tpu.vector_store_idx %arg19[%add3A_927], %mul3A_928 {add = true} : memref<32768xf32, #tpu.memory_space<vmem>>[vector<16xi32>], vector<16xf32>,
          %get3A_929 = arith.index_cast %while3A_363 : i32 to index
          %get3A_930 = arith.constant 240 : index
          %get3A_931 = tpu.vector_load %arg16[%get3A_929, %get3A_930] {strides = array<i32>} : memref<16x256xf32, #tpu.memory_space<vmem>>, vector<16xf32>,
          %add3A_932 = arith.constant 240 : i32
          %add3A_933 = vector.broadcast %add3A_932 : i32 to vector<16xi32>
          %add3A_934 = arith.addi %add3A_371, %add3A_933 : vector<16xi32>
          %mul3A_935 = arith.mulf %gather3A_375, %get3A_931 : vector<16xf32>
          tpu.vector_store_idx %arg19[%add3A_934], %mul3A_935 {add = true} : memref<32768xf32, #tpu.memory_space<vmem>>[vector<16xi32>], vector<16xf32>,
          %add3A_936 = arith.constant 496 : i32
          %add3A_937 = vector.broadcast %add3A_936 : i32 to vector<16xi32>
          %add3A_938 = arith.addi %add3A_371, %add3A_937 : vector<16xi32>
          %mul3A_939 = arith.mulf %gather3A_379, %get3A_931 : vector<16xf32>
          tpu.vector_store_idx %arg19[%add3A_938], %mul3A_939 {add = true} : memref<32768xf32, #tpu.memory_space<vmem>>[vector<16xi32>], vector<16xf32>,
          %add3A_940 = arith.constant 752 : i32
          %add3A_941 = vector.broadcast %add3A_940 : i32 to vector<16xi32>
          %add3A_942 = arith.addi %add3A_371, %add3A_941 : vector<16xi32>
          %mul3A_943 = arith.mulf %gather3A_383, %get3A_931 : vector<16xf32>
          tpu.vector_store_idx %arg19[%add3A_942], %mul3A_943 {add = true} : memref<32768xf32, #tpu.memory_space<vmem>>[vector<16xi32>], vector<16xf32>,
          %add3A_944 = arith.constant 1008 : i32
          %add3A_945 = vector.broadcast %add3A_944 : i32 to vector<16xi32>
          %add3A_946 = arith.addi %add3A_371, %add3A_945 : vector<16xi32>
          %mul3A_947 = arith.mulf %gather3A_387, %get3A_931 : vector<16xf32>
          tpu.vector_store_idx %arg19[%add3A_946], %mul3A_947 {add = true} : memref<32768xf32, #tpu.memory_space<vmem>>[vector<16xi32>], vector<16xf32>,
          %add3A_948 = arith.constant 1264 : i32
          %add3A_949 = vector.broadcast %add3A_948 : i32 to vector<16xi32>
          %add3A_950 = arith.addi %add3A_371, %add3A_949 : vector<16xi32>
          %mul3A_951 = arith.mulf %gather3A_391, %get3A_931 : vector<16xf32>
          tpu.vector_store_idx %arg19[%add3A_950], %mul3A_951 {add = true} : memref<32768xf32, #tpu.memory_space<vmem>>[vector<16xi32>], vector<16xf32>,
          %add3A_952 = arith.constant 1520 : i32
          %add3A_953 = vector.broadcast %add3A_952 : i32 to vector<16xi32>
          %add3A_954 = arith.addi %add3A_371, %add3A_953 : vector<16xi32>
          %mul3A_955 = arith.mulf %gather3A_395, %get3A_931 : vector<16xf32>
          tpu.vector_store_idx %arg19[%add3A_954], %mul3A_955 {add = true} : memref<32768xf32, #tpu.memory_space<vmem>>[vector<16xi32>], vector<16xf32>,
          %add3A_956 = arith.constant 1776 : i32
          %add3A_957 = vector.broadcast %add3A_956 : i32 to vector<16xi32>
          %add3A_958 = arith.addi %add3A_371, %add3A_957 : vector<16xi32>
          %mul3A_959 = arith.mulf %gather3A_399, %get3A_931 : vector<16xf32>
          tpu.vector_store_idx %arg19[%add3A_958], %mul3A_959 {add = true} : memref<32768xf32, #tpu.memory_space<vmem>>[vector<16xi32>], vector<16xf32>,
          %add3A_960 = arith.constant 2032 : i32
          %add3A_961 = vector.broadcast %add3A_960 : i32 to vector<16xi32>
          %add3A_962 = arith.addi %add3A_371, %add3A_961 : vector<16xi32>
          %mul3A_963 = arith.mulf %gather3A_403, %get3A_931 : vector<16xf32>
          tpu.vector_store_idx %arg19[%add3A_962], %mul3A_963 {add = true} : memref<32768xf32, #tpu.memory_space<vmem>>[vector<16xi32>], vector<16xf32>,
          %while3A_964 = arith.constant 0 : i32
          scf.yield %while3A_964 : i32
        }
        %while3A_361 = arith.constant 1 : i32
        %while3A_362 = scf.for %while3A_363 = %while3A_358 to %while3A_354 step %while3A_361 iter_args(%while3A_364 = %while3A_360) -> (i32)  : i32 {
          %add3A_365 = arith.addi %mul3A_113, %while3A_363 : i32
          %broadcast_in_dim3A_366 = vector.broadcast %add3A_365 : i32 to vector<16xi32>
          %gather3A_367 = tpu.vector_load_idx %arg12[%broadcast_in_dim3A_366] : memref<10000xi32, #tpu.memory_space<vmem>>[vector<16xi32>], vector<16xi32>,
          %mul3A_368 = arith.constant 2048 : i32
          %mul3A_369 = vector.broadcast %mul3A_368 : i32 to vector<16xi32>
          %mul3A_370 = arith.muli %gather3A_367, %mul3A_369 : vector<16xi32>
          %add3A_371 = arith.addi %mul3A_370, %iota3A : vector<16xi32>
          %add3A_372 = arith.constant 0 : i32
          %add3A_373 = arith.addi %add3A_372, %while3A_363 : i32
          %broadcast_in_dim3A_374 = vector.broadcast %add3A_373 : i32 to vector<16xi32>
          %gather3A_375 = tpu.vector_load_idx %arg17[%broadcast_in_dim3A_374] : memref<128xf32, #tpu.memory_space<vmem>>[vector<16xi32>], vector<16xf32>,
          %add3A_376 = arith.constant 16 : i32
          %add3A_377 = arith.addi %add3A_376, %while3A_363 : i32
          %broadcast_in_dim3A_378 = vector.broadcast %add3A_377 : i32 to vector<16xi32>
          %gather3A_379 = tpu.vector_load_idx %arg17[%broadcast_in_dim3A_378] : memref<128xf32, #tpu.memory_space<vmem>>[vector<16xi32>], vector<16xf32>,
          %add3A_380 = arith.constant 32 : i32
          %add3A_381 = arith.addi %add3A_380, %while3A_363 : i32
          %broadcast_in_dim3A_382 = vector.broadcast %add3A_381 : i32 to vector<16xi32>
          %gather3A_383 = tpu.vector_load_idx %arg17[%broadcast_in_dim3A_382] : memref<128xf32, #tpu.memory_space<vmem>>[vector<16xi32>], vector<16xf32>,
          %add3A_384 = arith.constant 48 : i32
          %add3A_385 = arith.addi %add3A_384, %while3A_363 : i32
          %broadcast_in_dim3A_386 = vector.broadcast %add3A_385 : i32 to vector<16xi32>
          %gather3A_387 = tpu.vector_load_idx %arg17[%broadcast_in_dim3A_386] : memref<128xf32, #tpu.memory_space<vmem>>[vector<16xi32>], vector<16xf32>,
          %add3A_388 = arith.constant 64 : i32
          %add3A_389 = arith.addi %add3A_388, %while3A_363 : i32
          %broadcast_in_dim3A_390 = vector.broadcast %add3A_389 : i32 to vector<16xi32>
          %gather3A_391 = tpu.vector_load_idx %arg17[%broadcast_in_dim3A_390] : memref<128xf32, #tpu.memory_space<vmem>>[vector<16xi32>], vector<16xf32>,
          %add3A_392 = arith.constant 80 : i32
          %add3A_393 = arith.addi %add3A_392, %while3A_363 : i32
          %broadcast_in_dim3A_394 = vector.broadcast %add3A_393 : i32 to vector<16xi32>
          %gather3A_395 = tpu.vector_load_idx %arg17[%broadcast_in_dim3A_394] : memref<128xf32, #tpu.memory_space<vmem>>[vector<16xi32>], vector<16xf32>,
          %add3A_396 = arith.constant 96 : i32
          %add3A_397 = arith.addi %add3A_396, %while3A_363 : i32
          %broadcast_in_dim3A_398 = vector.broadcast %add3A_397 : i32 to vector<16xi32>
          %gather3A_399 = tpu.vector_load_idx %arg17[%broadcast_in_dim3A_398] : memref<128xf32, #tpu.memory_space<vmem>>[vector<16xi32>], vector<16xf32>,
          %add3A_400 = arith.constant 112 : i32
          %add3A_401 = arith.addi %add3A_400, %while3A_363 : i32
          %broadcast_in_dim3A_402 = vector.broadcast %add3A_401 : i32 to vector<16xi32>
          %gather3A_403 = tpu.vector_load_idx %arg17[%broadcast_in_dim3A_402] : memref<128xf32, #tpu.memory_space<vmem>>[vector<16xi32>], vector<16xf32>,
          %get3A_404 = arith.index_cast %while3A_363 : i32 to index
          %get3A_405 = arith.constant 0 : index
          %get3A_406 = tpu.vector_load %arg16[%get3A_404, %get3A_405] {strides = array<i32>} : memref<16x256xf32, #tpu.memory_space<vmem>>, vector<16xf32>,
          %add3A_407 = arith.constant 0 : i32
          %add3A_408 = vector.broadcast %add3A_407 : i32 to vector<16xi32>
          %add3A_409 = arith.addi %add3A_371, %add3A_408 : vector<16xi32>
          %mul3A_410 = arith.mulf %gather3A_375, %get3A_406 : vector<16xf32>
          tpu.vector_store_idx %arg19[%add3A_409], %mul3A_410 {add = true} : memref<32768xf32, #tpu.memory_space<vmem>>[vector<16xi32>], vector<16xf32>,
          %add3A_411 = arith.constant 256 : i32
          %add3A_412 = vector.broadcast %add3A_411 : i32 to vector<16xi32>
          %add3A_413 = arith.addi %add3A_371, %add3A_412 : vector<16xi32>
          %mul3A_414 = arith.mulf %gather3A_379, %get3A_406 : vector<16xf32>
          tpu.vector_store_idx %arg19[%add3A_413], %mul3A_414 {add = true} : memref<32768xf32, #tpu.memory_space<vmem>>[vector<16xi32>], vector<16xf32>,
          %add3A_415 = arith.constant 512 : i32
          %add3A_416 = vector.broadcast %add3A_415 : i32 to vector<16xi32>
          %add3A_417 = arith.addi %add3A_371, %add3A_416 : vector<16xi32>
          %mul3A_418 = arith.mulf %gather3A_383, %get3A_406 : vector<16xf32>
          tpu.vector_store_idx %arg19[%add3A_417], %mul3A_418 {add = true} : memref<32768xf32, #tpu.memory_space<vmem>>[vector<16xi32>], vector<16xf32>,
          %add3A_419 = arith.constant 768 : i32
          %add3A_420 = vector.broadcast %add3A_419 : i32 to vector<16xi32>
          %add3A_421 = arith.addi %add3A_371, %add3A_420 : vector<16xi32>
          %mul3A_422 = arith.mulf %gather3A_387, %get3A_406 : vector<16xf32>
          tpu.vector_store_idx %arg19[%add3A_421], %mul3A_422 {add = true} : memref<32768xf32, #tpu.memory_space<vmem>>[vector<16xi32>], vector<16xf32>,
          %add3A_423 = arith.constant 1024 : i32
          %add3A_424 = vector.broadcast %add3A_423 : i32 to vector<16xi32>
          %add3A_425 = arith.addi %add3A_371, %add3A_424 : vector<16xi32>
          %mul3A_426 = arith.mulf %gather3A_391, %get3A_406 : vector<16xf32>
          tpu.vector_store_idx %arg19[%add3A_425], %mul3A_426 {add = true} : memref<32768xf32, #tpu.memory_space<vmem>>[vector<16xi32>], vector<16xf32>,
          %add3A_427 = arith.constant 1280 : i32
          %add3A_428 = vector.broadcast %add3A_427 : i32 to vector<16xi32>
          %add3A_429 = arith.addi %add3A_371, %add3A_428 : vector<16xi32>
          %mul3A_430 = arith.mulf %gather3A_395, %get3A_406 : vector<16xf32>
          tpu.vector_store_idx %arg19[%add3A_429], %mul3A_430 {add = true} : memref<32768xf32, #tpu.memory_space<vmem>>[vector<16xi32>], vector<16xf32>,
          %add3A_431 = arith.constant 1536 : i32
          %add3A_432 = vector.broadcast %add3A_431 : i32 to vector<16xi32>
          %add3A_433 = arith.addi %add3A_371, %add3A_432 : vector<16xi32>
          %mul3A_434 = arith.mulf %gather3A_399, %get3A_406 : vector<16xf32>
          tpu.vector_store_idx %arg19[%add3A_433], %mul3A_434 {add = true} : memref<32768xf32, #tpu.memory_space<vmem>>[vector<16xi32>], vector<16xf32>,
          %add3A_435 = arith.constant 1792 : i32
          %add3A_436 = vector.broadcast %add3A_435 : i32 to vector<16xi32>
          %add3A_437 = arith.addi %add3A_371, %add3A_436 : vector<16xi32>
          %mul3A_438 = arith.mulf %gather3A_403, %get3A_406 : vector<16xf32>
          tpu.vector_store_idx %arg19[%add3A_437], %mul3A_438 {add = true} : memref<32768xf32, #tpu.memory_space<vmem>>[vector<16xi32>], vector<16xf32>,
          %get3A_439 = arith.index_cast %while3A_363 : i32 to index
          %get3A_440 = arith.constant 16 : index
          %get3A_441 = tpu.vector_load %arg16[%get3A_439, %get3A_440] {strides = array<i32>} : memref<16x256xf32, #tpu.memory_space<vmem>>, vector<16xf32>,
          %add3A_442 = arith.constant 16 : i32
          %add3A_443 = vector.broadcast %add3A_442 : i32 to vector<16xi32>
          %add3A_444 = arith.addi %add3A_371, %add3A_443 : vector<16xi32>
          %mul3A_445 = arith.mulf %gather3A_375, %get3A_441 : vector<16xf32>
          tpu.vector_store_idx %arg19[%add3A_444], %mul3A_445 {add = true} : memref<32768xf32, #tpu.memory_space<vmem>>[vector<16xi32>], vector<16xf32>,
          %add3A_446 = arith.constant 272 : i32
          %add3A_447 = vector.broadcast %add3A_446 : i32 to vector<16xi32>
          %add3A_448 = arith.addi %add3A_371, %add3A_447 : vector<16xi32>
          %mul3A_449 = arith.mulf %gather3A_379, %get3A_441 : vector<16xf32>
          tpu.vector_store_idx %arg19[%add3A_448], %mul3A_449 {add = true} : memref<32768xf32, #tpu.memory_space<vmem>>[vector<16xi32>], vector<16xf32>,
          %add3A_450 = arith.constant 528 : i32
          %add3A_451 = vector.broadcast %add3A_450 : i32 to vector<16xi32>
          %add3A_452 = arith.addi %add3A_371, %add3A_451 : vector<16xi32>
          %mul3A_453 = arith.mulf %gather3A_383, %get3A_441 : vector<16xf32>
          tpu.vector_store_idx %arg19[%add3A_452], %mul3A_453 {add = true} : memref<32768xf32, #tpu.memory_space<vmem>>[vector<16xi32>], vector<16xf32>,
          %add3A_454 = arith.constant 784 : i32
          %add3A_455 = vector.broadcast %add3A_454 : i32 to vector<16xi32>
          %add3A_456 = arith.addi %add3A_371, %add3A_455 : vector<16xi32>
          %mul3A_457 = arith.mulf %gather3A_387, %get3A_441 : vector<16xf32>
          tpu.vector_store_idx %arg19[%add3A_456], %mul3A_457 {add = true} : memref<32768xf32, #tpu.memory_space<vmem>>[vector<16xi32>], vector<16xf32>,
          %add3A_458 = arith.constant 1040 : i32
          %add3A_459 = vector.broadcast %add3A_458 : i32 to vector<16xi32>
          %add3A_460 = arith.addi %add3A_371, %add3A_459 : vector<16xi32>
          %mul3A_461 = arith.mulf %gather3A_391, %get3A_441 : vector<16xf32>
          tpu.vector_store_idx %arg19[%add3A_460], %mul3A_461 {add = true} : memref<32768xf32, #tpu.memory_space<vmem>>[vector<16xi32>], vector<16xf32>,
          %add3A_462 = arith.constant 1296 : i32
          %add3A_463 = vector.broadcast %add3A_462 : i32 to vector<16xi32>
          %add3A_464 = arith.addi %add3A_371, %add3A_463 : vector<16xi32>
          %mul3A_465 = arith.mulf %gather3A_395, %get3A_441 : vector<16xf32>
          tpu.vector_store_idx %arg19[%add3A_464], %mul3A_465 {add = true} : memref<32768xf32, #tpu.memory_space<vmem>>[vector<16xi32>], vector<16xf32>,
          %add3A_466 = arith.constant 1552 : i32
          %add3A_467 = vector.broadcast %add3A_466 : i32 to vector<16xi32>
          %add3A_468 = arith.addi %add3A_371, %add3A_467 : vector<16xi32>
          %mul3A_469 = arith.mulf %gather3A_399, %get3A_441 : vector<16xf32>
          tpu.vector_store_idx %arg19[%add3A_468], %mul3A_469 {add = true} : memref<32768xf32, #tpu.memory_space<vmem>>[vector<16xi32>], vector<16xf32>,
          %add3A_470 = arith.constant 1808 : i32
          %add3A_471 = vector.broadcast %add3A_470 : i32 to vector<16xi32>
          %add3A_472 = arith.addi %add3A_371, %add3A_471 : vector<16xi32>
          %mul3A_473 = arith.mulf %gather3A_403, %get3A_441 : vector<16xf32>
          tpu.vector_store_idx %arg19[%add3A_472], %mul3A_473 {add = true} : memref<32768xf32, #tpu.memory_space<vmem>>[vector<16xi32>], vector<16xf32>,
          %get3A_474 = arith.index_cast %while3A_363 : i32 to index
          %get3A_475 = arith.constant 32 : index
          %get3A_476 = tpu.vector_load %arg16[%get3A_474, %get3A_475] {strides = array<i32>} : memref<16x256xf32, #tpu.memory_space<vmem>>, vector<16xf32>,
          %add3A_477 = arith.constant 32 : i32
          %add3A_478 = vector.broadcast %add3A_477 : i32 to vector<16xi32>
          %add3A_479 = arith.addi %add3A_371, %add3A_478 : vector<16xi32>
          %mul3A_480 = arith.mulf %gather3A_375, %get3A_476 : vector<16xf32>
          tpu.vector_store_idx %arg19[%add3A_479], %mul3A_480 {add = true} : memref<32768xf32, #tpu.memory_space<vmem>>[vector<16xi32>], vector<16xf32>,
          %add3A_481 = arith.constant 288 : i32
          %add3A_482 = vector.broadcast %add3A_481 : i32 to vector<16xi32>
          %add3A_483 = arith.addi %add3A_371, %add3A_482 : vector<16xi32>
          %mul3A_484 = arith.mulf %gather3A_379, %get3A_476 : vector<16xf32>
          tpu.vector_store_idx %arg19[%add3A_483], %mul3A_484 {add = true} : memref<32768xf32, #tpu.memory_space<vmem>>[vector<16xi32>], vector<16xf32>,
          %add3A_485 = arith.constant 544 : i32
          %add3A_486 = vector.broadcast %add3A_485 : i32 to vector<16xi32>
          %add3A_487 = arith.addi %add3A_371, %add3A_486 : vector<16xi32>
          %mul3A_488 = arith.mulf %gather3A_383, %get3A_476 : vector<16xf32>
          tpu.vector_store_idx %arg19[%add3A_487], %mul3A_488 {add = true} : memref<32768xf32, #tpu.memory_space<vmem>>[vector<16xi32>], vector<16xf32>,
          %add3A_489 = arith.constant 800 : i32
          %add3A_490 = vector.broadcast %add3A_489 : i32 to vector<16xi32>
          %add3A_491 = arith.addi %add3A_371, %add3A_490 : vector<16xi32>
          %mul3A_492 = arith.mulf %gather3A_387, %get3A_476 : vector<16xf32>
          tpu.vector_store_idx %arg19[%add3A_491], %mul3A_492 {add = true} : memref<32768xf32, #tpu.memory_space<vmem>>[vector<16xi32>], vector<16xf32>,
          %add3A_493 = arith.constant 1056 : i32
          %add3A_494 = vector.broadcast %add3A_493 : i32 to vector<16xi32>
          %add3A_495 = arith.addi %add3A_371, %add3A_494 : vector<16xi32>
          %mul3A_496 = arith.mulf %gather3A_391, %get3A_476 : vector<16xf32>
          tpu.vector_store_idx %arg19[%add3A_495], %mul3A_496 {add = true} : memref<32768xf32, #tpu.memory_space<vmem>>[vector<16xi32>], vector<16xf32>,
          %add3A_497 = arith.constant 1312 : i32
          %add3A_498 = vector.broadcast %add3A_497 : i32 to vector<16xi32>
          %add3A_499 = arith.addi %add3A_371, %add3A_498 : vector<16xi32>
          %mul3A_500 = arith.mulf %gather3A_395, %get3A_476 : vector<16xf32>
          tpu.vector_store_idx %arg19[%add3A_499], %mul3A_500 {add = true} : memref<32768xf32, #tpu.memory_space<vmem>>[vector<16xi32>], vector<16xf32>,
          %add3A_501 = arith.constant 1568 : i32
          %add3A_502 = vector.broadcast %add3A_501 : i32 to vector<16xi32>
          %add3A_503 = arith.addi %add3A_371, %add3A_502 : vector<16xi32>
          %mul3A_504 = arith.mulf %gather3A_399, %get3A_476 : vector<16xf32>
          tpu.vector_store_idx %arg19[%add3A_503], %mul3A_504 {add = true} : memref<32768xf32, #tpu.memory_space<vmem>>[vector<16xi32>], vector<16xf32>,
          %add3A_505 = arith.constant 1824 : i32
          %add3A_506 = vector.broadcast %add3A_505 : i32 to vector<16xi32>
          %add3A_507 = arith.addi %add3A_371, %add3A_506 : vector<16xi32>
          %mul3A_508 = arith.mulf %gather3A_403, %get3A_476 : vector<16xf32>
          tpu.vector_store_idx %arg19[%add3A_507], %mul3A_508 {add = true} : memref<32768xf32, #tpu.memory_space<vmem>>[vector<16xi32>], vector<16xf32>,
          %get3A_509 = arith.index_cast %while3A_363 : i32 to index
          %get3A_510 = arith.constant 48 : index
          %get3A_511 = tpu.vector_load %arg16[%get3A_509, %get3A_510] {strides = array<i32>} : memref<16x256xf32, #tpu.memory_space<vmem>>, vector<16xf32>,
          %add3A_512 = arith.constant 48 : i32
          %add3A_513 = vector.broadcast %add3A_512 : i32 to vector<16xi32>
          %add3A_514 = arith.addi %add3A_371, %add3A_513 : vector<16xi32>
          %mul3A_515 = arith.mulf %gather3A_375, %get3A_511 : vector<16xf32>
          tpu.vector_store_idx %arg19[%add3A_514], %mul3A_515 {add = true} : memref<32768xf32, #tpu.memory_space<vmem>>[vector<16xi32>], vector<16xf32>,
          %add3A_516 = arith.constant 304 : i32
          %add3A_517 = vector.broadcast %add3A_516 : i32 to vector<16xi32>
          %add3A_518 = arith.addi %add3A_371, %add3A_517 : vector<16xi32>
          %mul3A_519 = arith.mulf %gather3A_379, %get3A_511 : vector<16xf32>
          tpu.vector_store_idx %arg19[%add3A_518], %mul3A_519 {add = true} : memref<32768xf32, #tpu.memory_space<vmem>>[vector<16xi32>], vector<16xf32>,
          %add3A_520 = arith.constant 560 : i32
          %add3A_521 = vector.broadcast %add3A_520 : i32 to vector<16xi32>
          %add3A_522 = arith.addi %add3A_371, %add3A_521 : vector<16xi32>
          %mul3A_523 = arith.mulf %gather3A_383, %get3A_511 : vector<16xf32>
          tpu.vector_store_idx %arg19[%add3A_522], %mul3A_523 {add = true} : memref<32768xf32, #tpu.memory_space<vmem>>[vector<16xi32>], vector<16xf32>,
          %add3A_524 = arith.constant 816 : i32
          %add3A_525 = vector.broadcast %add3A_524 : i32 to vector<16xi32>
          %add3A_526 = arith.addi %add3A_371, %add3A_525 : vector<16xi32>
          %mul3A_527 = arith.mulf %gather3A_387, %get3A_511 : vector<16xf32>
          tpu.vector_store_idx %arg19[%add3A_526], %mul3A_527 {add = true} : memref<32768xf32, #tpu.memory_space<vmem>>[vector<16xi32>], vector<16xf32>,
          %add3A_528 = arith.constant 1072 : i32
          %add3A_529 = vector.broadcast %add3A_528 : i32 to vector<16xi32>
          %add3A_530 = arith.addi %add3A_371, %add3A_529 : vector<16xi32>
          %mul3A_531 = arith.mulf %gather3A_391, %get3A_511 : vector<16xf32>
          tpu.vector_store_idx %arg19[%add3A_530], %mul3A_531 {add = true} : memref<32768xf32, #tpu.memory_space<vmem>>[vector<16xi32>], vector<16xf32>,
          %add3A_532 = arith.constant 1328 : i32
          %add3A_533 = vector.broadcast %add3A_532 : i32 to vector<16xi32>
          %add3A_534 = arith.addi %add3A_371, %add3A_533 : vector<16xi32>
          %mul3A_535 = arith.mulf %gather3A_395, %get3A_511 : vector<16xf32>
          tpu.vector_store_idx %arg19[%add3A_534], %mul3A_535 {add = true} : memref<32768xf32, #tpu.memory_space<vmem>>[vector<16xi32>], vector<16xf32>,
          %add3A_536 = arith.constant 1584 : i32
          %add3A_537 = vector.broadcast %add3A_536 : i32 to vector<16xi32>
          %add3A_538 = arith.addi %add3A_371, %add3A_537 : vector<16xi32>
          %mul3A_539 = arith.mulf %gather3A_399, %get3A_511 : vector<16xf32>
          tpu.vector_store_idx %arg19[%add3A_538], %mul3A_539 {add = true} : memref<32768xf32, #tpu.memory_space<vmem>>[vector<16xi32>], vector<16xf32>,
          %add3A_540 = arith.constant 1840 : i32
          %add3A_541 = vector.broadcast %add3A_540 : i32 to vector<16xi32>
          %add3A_542 = arith.addi %add3A_371, %add3A_541 : vector<16xi32>
          %mul3A_543 = arith.mulf %gather3A_403, %get3A_511 : vector<16xf32>
          tpu.vector_store_idx %arg19[%add3A_542], %mul3A_543 {add = true} : memref<32768xf32, #tpu.memory_space<vmem>>[vector<16xi32>], vector<16xf32>,
          %get3A_544 = arith.index_cast %while3A_363 : i32 to index
          %get3A_545 = arith.constant 64 : index
          %get3A_546 = tpu.vector_load %arg16[%get3A_544, %get3A_545] {strides = array<i32>} : memref<16x256xf32, #tpu.memory_space<vmem>>, vector<16xf32>,
          %add3A_547 = arith.constant 64 : i32
          %add3A_548 = vector.broadcast %add3A_547 : i32 to vector<16xi32>
          %add3A_549 = arith.addi %add3A_371, %add3A_548 : vector<16xi32>
          %mul3A_550 = arith.mulf %gather3A_375, %get3A_546 : vector<16xf32>
          tpu.vector_store_idx %arg19[%add3A_549], %mul3A_550 {add = true} : memref<32768xf32, #tpu.memory_space<vmem>>[vector<16xi32>], vector<16xf32>,
          %add3A_551 = arith.constant 320 : i32
          %add3A_552 = vector.broadcast %add3A_551 : i32 to vector<16xi32>
          %add3A_553 = arith.addi %add3A_371, %add3A_552 : vector<16xi32>
          %mul3A_554 = arith.mulf %gather3A_379, %get3A_546 : vector<16xf32>
          tpu.vector_store_idx %arg19[%add3A_553], %mul3A_554 {add = true} : memref<32768xf32, #tpu.memory_space<vmem>>[vector<16xi32>], vector<16xf32>,
          %add3A_555 = arith.constant 576 : i32
          %add3A_556 = vector.broadcast %add3A_555 : i32 to vector<16xi32>
          %add3A_557 = arith.addi %add3A_371, %add3A_556 : vector<16xi32>
          %mul3A_558 = arith.mulf %gather3A_383, %get3A_546 : vector<16xf32>
          tpu.vector_store_idx %arg19[%add3A_557], %mul3A_558 {add = true} : memref<32768xf32, #tpu.memory_space<vmem>>[vector<16xi32>], vector<16xf32>,
          %add3A_559 = arith.constant 832 : i32
          %add3A_560 = vector.broadcast %add3A_559 : i32 to vector<16xi32>
          %add3A_561 = arith.addi %add3A_371, %add3A_560 : vector<16xi32>
          %mul3A_562 = arith.mulf %gather3A_387, %get3A_546 : vector<16xf32>
          tpu.vector_store_idx %arg19[%add3A_561], %mul3A_562 {add = true} : memref<32768xf32, #tpu.memory_space<vmem>>[vector<16xi32>], vector<16xf32>,
          %add3A_563 = arith.constant 1088 : i32
          %add3A_564 = vector.broadcast %add3A_563 : i32 to vector<16xi32>
          %add3A_565 = arith.addi %add3A_371, %add3A_564 : vector<16xi32>
          %mul3A_566 = arith.mulf %gather3A_391, %get3A_546 : vector<16xf32>
          tpu.vector_store_idx %arg19[%add3A_565], %mul3A_566 {add = true} : memref<32768xf32, #tpu.memory_space<vmem>>[vector<16xi32>], vector<16xf32>,
          %add3A_567 = arith.constant 1344 : i32
          %add3A_568 = vector.broadcast %add3A_567 : i32 to vector<16xi32>
          %add3A_569 = arith.addi %add3A_371, %add3A_568 : vector<16xi32>
          %mul3A_570 = arith.mulf %gather3A_395, %get3A_546 : vector<16xf32>
          tpu.vector_store_idx %arg19[%add3A_569], %mul3A_570 {add = true} : memref<32768xf32, #tpu.memory_space<vmem>>[vector<16xi32>], vector<16xf32>,
          %add3A_571 = arith.constant 1600 : i32
          %add3A_572 = vector.broadcast %add3A_571 : i32 to vector<16xi32>
          %add3A_573 = arith.addi %add3A_371, %add3A_572 : vector<16xi32>
          %mul3A_574 = arith.mulf %gather3A_399, %get3A_546 : vector<16xf32>
          tpu.vector_store_idx %arg19[%add3A_573], %mul3A_574 {add = true} : memref<32768xf32, #tpu.memory_space<vmem>>[vector<16xi32>], vector<16xf32>,
          %add3A_575 = arith.constant 1856 : i32
          %add3A_576 = vector.broadcast %add3A_575 : i32 to vector<16xi32>
          %add3A_577 = arith.addi %add3A_371, %add3A_576 : vector<16xi32>
          %mul3A_578 = arith.mulf %gather3A_403, %get3A_546 : vector<16xf32>
          tpu.vector_store_idx %arg19[%add3A_577], %mul3A_578 {add = true} : memref<32768xf32, #tpu.memory_space<vmem>>[vector<16xi32>], vector<16xf32>,
          %get3A_579 = arith.index_cast %while3A_363 : i32 to index
          %get3A_580 = arith.constant 80 : index
          %get3A_581 = tpu.vector_load %arg16[%get3A_579, %get3A_580] {strides = array<i32>} : memref<16x256xf32, #tpu.memory_space<vmem>>, vector<16xf32>,
          %add3A_582 = arith.constant 80 : i32
          %add3A_583 = vector.broadcast %add3A_582 : i32 to vector<16xi32>
          %add3A_584 = arith.addi %add3A_371, %add3A_583 : vector<16xi32>
          %mul3A_585 = arith.mulf %gather3A_375, %get3A_581 : vector<16xf32>
          tpu.vector_store_idx %arg19[%add3A_584], %mul3A_585 {add = true} : memref<32768xf32, #tpu.memory_space<vmem>>[vector<16xi32>], vector<16xf32>,
          %add3A_586 = arith.constant 336 : i32
          %add3A_587 = vector.broadcast %add3A_586 : i32 to vector<16xi32>
          %add3A_588 = arith.addi %add3A_371, %add3A_587 : vector<16xi32>
          %mul3A_589 = arith.mulf %gather3A_379, %get3A_581 : vector<16xf32>
          tpu.vector_store_idx %arg19[%add3A_588], %mul3A_589 {add = true} : memref<32768xf32, #tpu.memory_space<vmem>>[vector<16xi32>], vector<16xf32>,
          %add3A_590 = arith.constant 592 : i32
          %add3A_591 = vector.broadcast %add3A_590 : i32 to vector<16xi32>
          %add3A_592 = arith.addi %add3A_371, %add3A_591 : vector<16xi32>
          %mul3A_593 = arith.mulf %gather3A_383, %get3A_581 : vector<16xf32>
          tpu.vector_store_idx %arg19[%add3A_592], %mul3A_593 {add = true} : memref<32768xf32, #tpu.memory_space<vmem>>[vector<16xi32>], vector<16xf32>,
          %add3A_594 = arith.constant 848 : i32
          %add3A_595 = vector.broadcast %add3A_594 : i32 to vector<16xi32>
          %add3A_596 = arith.addi %add3A_371, %add3A_595 : vector<16xi32>
          %mul3A_597 = arith.mulf %gather3A_387, %get3A_581 : vector<16xf32>
          tpu.vector_store_idx %arg19[%add3A_596], %mul3A_597 {add = true} : memref<32768xf32, #tpu.memory_space<vmem>>[vector<16xi32>], vector<16xf32>,
          %add3A_598 = arith.constant 1104 : i32
          %add3A_599 = vector.broadcast %add3A_598 : i32 to vector<16xi32>
          %add3A_600 = arith.addi %add3A_371, %add3A_599 : vector<16xi32>
          %mul3A_601 = arith.mulf %gather3A_391, %get3A_581 : vector<16xf32>
          tpu.vector_store_idx %arg19[%add3A_600], %mul3A_601 {add = true} : memref<32768xf32, #tpu.memory_space<vmem>>[vector<16xi32>], vector<16xf32>,
          %add3A_602 = arith.constant 1360 : i32
          %add3A_603 = vector.broadcast %add3A_602 : i32 to vector<16xi32>
          %add3A_604 = arith.addi %add3A_371, %add3A_603 : vector<16xi32>
          %mul3A_605 = arith.mulf %gather3A_395, %get3A_581 : vector<16xf32>
          tpu.vector_store_idx %arg19[%add3A_604], %mul3A_605 {add = true} : memref<32768xf32, #tpu.memory_space<vmem>>[vector<16xi32>], vector<16xf32>,
          %add3A_606 = arith.constant 1616 : i32
          %add3A_607 = vector.broadcast %add3A_606 : i32 to vector<16xi32>
          %add3A_608 = arith.addi %add3A_371, %add3A_607 : vector<16xi32>
          %mul3A_609 = arith.mulf %gather3A_399, %get3A_581 : vector<16xf32>
          tpu.vector_store_idx %arg19[%add3A_608], %mul3A_609 {add = true} : memref<32768xf32, #tpu.memory_space<vmem>>[vector<16xi32>], vector<16xf32>,
          %add3A_610 = arith.constant 1872 : i32
          %add3A_611 = vector.broadcast %add3A_610 : i32 to vector<16xi32>
          %add3A_612 = arith.addi %add3A_371, %add3A_611 : vector<16xi32>
          %mul3A_613 = arith.mulf %gather3A_403, %get3A_581 : vector<16xf32>
          tpu.vector_store_idx %arg19[%add3A_612], %mul3A_613 {add = true} : memref<32768xf32, #tpu.memory_space<vmem>>[vector<16xi32>], vector<16xf32>,
          %get3A_614 = arith.index_cast %while3A_363 : i32 to index
          %get3A_615 = arith.constant 96 : index
          %get3A_616 = tpu.vector_load %arg16[%get3A_614, %get3A_615] {strides = array<i32>} : memref<16x256xf32, #tpu.memory_space<vmem>>, vector<16xf32>,
          %add3A_617 = arith.constant 96 : i32
          %add3A_618 = vector.broadcast %add3A_617 : i32 to vector<16xi32>
          %add3A_619 = arith.addi %add3A_371, %add3A_618 : vector<16xi32>
          %mul3A_620 = arith.mulf %gather3A_375, %get3A_616 : vector<16xf32>
          tpu.vector_store_idx %arg19[%add3A_619], %mul3A_620 {add = true} : memref<32768xf32, #tpu.memory_space<vmem>>[vector<16xi32>], vector<16xf32>,
          %add3A_621 = arith.constant 352 : i32
          %add3A_622 = vector.broadcast %add3A_621 : i32 to vector<16xi32>
          %add3A_623 = arith.addi %add3A_371, %add3A_622 : vector<16xi32>
          %mul3A_624 = arith.mulf %gather3A_379, %get3A_616 : vector<16xf32>
          tpu.vector_store_idx %arg19[%add3A_623], %mul3A_624 {add = true} : memref<32768xf32, #tpu.memory_space<vmem>>[vector<16xi32>], vector<16xf32>,
          %add3A_625 = arith.constant 608 : i32
          %add3A_626 = vector.broadcast %add3A_625 : i32 to vector<16xi32>
          %add3A_627 = arith.addi %add3A_371, %add3A_626 : vector<16xi32>
          %mul3A_628 = arith.mulf %gather3A_383, %get3A_616 : vector<16xf32>
          tpu.vector_store_idx %arg19[%add3A_627], %mul3A_628 {add = true} : memref<32768xf32, #tpu.memory_space<vmem>>[vector<16xi32>], vector<16xf32>,
          %add3A_629 = arith.constant 864 : i32
          %add3A_630 = vector.broadcast %add3A_629 : i32 to vector<16xi32>
          %add3A_631 = arith.addi %add3A_371, %add3A_630 : vector<16xi32>
          %mul3A_632 = arith.mulf %gather3A_387, %get3A_616 : vector<16xf32>
          tpu.vector_store_idx %arg19[%add3A_631], %mul3A_632 {add = true} : memref<32768xf32, #tpu.memory_space<vmem>>[vector<16xi32>], vector<16xf32>,
          %add3A_633 = arith.constant 1120 : i32
          %add3A_634 = vector.broadcast %add3A_633 : i32 to vector<16xi32>
          %add3A_635 = arith.addi %add3A_371, %add3A_634 : vector<16xi32>
          %mul3A_636 = arith.mulf %gather3A_391, %get3A_616 : vector<16xf32>
          tpu.vector_store_idx %arg19[%add3A_635], %mul3A_636 {add = true} : memref<32768xf32, #tpu.memory_space<vmem>>[vector<16xi32>], vector<16xf32>,
          %add3A_637 = arith.constant 1376 : i32
          %add3A_638 = vector.broadcast %add3A_637 : i32 to vector<16xi32>
          %add3A_639 = arith.addi %add3A_371, %add3A_638 : vector<16xi32>
          %mul3A_640 = arith.mulf %gather3A_395, %get3A_616 : vector<16xf32>
          tpu.vector_store_idx %arg19[%add3A_639], %mul3A_640 {add = true} : memref<32768xf32, #tpu.memory_space<vmem>>[vector<16xi32>], vector<16xf32>,
          %add3A_641 = arith.constant 1632 : i32
          %add3A_642 = vector.broadcast %add3A_641 : i32 to vector<16xi32>
          %add3A_643 = arith.addi %add3A_371, %add3A_642 : vector<16xi32>
          %mul3A_644 = arith.mulf %gather3A_399, %get3A_616 : vector<16xf32>
          tpu.vector_store_idx %arg19[%add3A_643], %mul3A_644 {add = true} : memref<32768xf32, #tpu.memory_space<vmem>>[vector<16xi32>], vector<16xf32>,
          %add3A_645 = arith.constant 1888 : i32
          %add3A_646 = vector.broadcast %add3A_645 : i32 to vector<16xi32>
          %add3A_647 = arith.addi %add3A_371, %add3A_646 : vector<16xi32>
          %mul3A_648 = arith.mulf %gather3A_403, %get3A_616 : vector<16xf32>
          tpu.vector_store_idx %arg19[%add3A_647], %mul3A_648 {add = true} : memref<32768xf32, #tpu.memory_space<vmem>>[vector<16xi32>], vector<16xf32>,
          %get3A_649 = arith.index_cast %while3A_363 : i32 to index
          %get3A_650 = arith.constant 112 : index
          %get3A_651 = tpu.vector_load %arg16[%get3A_649, %get3A_650] {strides = array<i32>} : memref<16x256xf32, #tpu.memory_space<vmem>>, vector<16xf32>,
          %add3A_652 = arith.constant 112 : i32
          %add3A_653 = vector.broadcast %add3A_652 : i32 to vector<16xi32>
          %add3A_654 = arith.addi %add3A_371, %add3A_653 : vector<16xi32>
          %mul3A_655 = arith.mulf %gather3A_375, %get3A_651 : vector<16xf32>
          tpu.vector_store_idx %arg19[%add3A_654], %mul3A_655 {add = true} : memref<32768xf32, #tpu.memory_space<vmem>>[vector<16xi32>], vector<16xf32>,
          %add3A_656 = arith.constant 368 : i32
          %add3A_657 = vector.broadcast %add3A_656 : i32 to vector<16xi32>
          %add3A_658 = arith.addi %add3A_371, %add3A_657 : vector<16xi32>
          %mul3A_659 = arith.mulf %gather3A_379, %get3A_651 : vector<16xf32>
          tpu.vector_store_idx %arg19[%add3A_658], %mul3A_659 {add = true} : memref<32768xf32, #tpu.memory_space<vmem>>[vector<16xi32>], vector<16xf32>,
          %add3A_660 = arith.constant 624 : i32
          %add3A_661 = vector.broadcast %add3A_660 : i32 to vector<16xi32>
          %add3A_662 = arith.addi %add3A_371, %add3A_661 : vector<16xi32>
          %mul3A_663 = arith.mulf %gather3A_383, %get3A_651 : vector<16xf32>
          tpu.vector_store_idx %arg19[%add3A_662], %mul3A_663 {add = true} : memref<32768xf32, #tpu.memory_space<vmem>>[vector<16xi32>], vector<16xf32>,
          %add3A_664 = arith.constant 880 : i32
          %add3A_665 = vector.broadcast %add3A_664 : i32 to vector<16xi32>
          %add3A_666 = arith.addi %add3A_371, %add3A_665 : vector<16xi32>
          %mul3A_667 = arith.mulf %gather3A_387, %get3A_651 : vector<16xf32>
          tpu.vector_store_idx %arg19[%add3A_666], %mul3A_667 {add = true} : memref<32768xf32, #tpu.memory_space<vmem>>[vector<16xi32>], vector<16xf32>,
          %add3A_668 = arith.constant 1136 : i32
          %add3A_669 = vector.broadcast %add3A_668 : i32 to vector<16xi32>
          %add3A_670 = arith.addi %add3A_371, %add3A_669 : vector<16xi32>
          %mul3A_671 = arith.mulf %gather3A_391, %get3A_651 : vector<16xf32>
          tpu.vector_store_idx %arg19[%add3A_670], %mul3A_671 {add = true} : memref<32768xf32, #tpu.memory_space<vmem>>[vector<16xi32>], vector<16xf32>,
          %add3A_672 = arith.constant 1392 : i32
          %add3A_673 = vector.broadcast %add3A_672 : i32 to vector<16xi32>
          %add3A_674 = arith.addi %add3A_371, %add3A_673 : vector<16xi32>
          %mul3A_675 = arith.mulf %gather3A_395, %get3A_651 : vector<16xf32>
          tpu.vector_store_idx %arg19[%add3A_674], %mul3A_675 {add = true} : memref<32768xf32, #tpu.memory_space<vmem>>[vector<16xi32>], vector<16xf32>,
          %add3A_676 = arith.constant 1648 : i32
          %add3A_677 = vector.broadcast %add3A_676 : i32 to vector<16xi32>
          %add3A_678 = arith.addi %add3A_371, %add3A_677 : vector<16xi32>
          %mul3A_679 = arith.mulf %gather3A_399, %get3A_651 : vector<16xf32>
          tpu.vector_store_idx %arg19[%add3A_678], %mul3A_679 {add = true} : memref<32768xf32, #tpu.memory_space<vmem>>[vector<16xi32>], vector<16xf32>,
          %add3A_680 = arith.constant 1904 : i32
          %add3A_681 = vector.broadcast %add3A_680 : i32 to vector<16xi32>
          %add3A_682 = arith.addi %add3A_371, %add3A_681 : vector<16xi32>
          %mul3A_683 = arith.mulf %gather3A_403, %get3A_651 : vector<16xf32>
          tpu.vector_store_idx %arg19[%add3A_682], %mul3A_683 {add = true} : memref<32768xf32, #tpu.memory_space<vmem>>[vector<16xi32>], vector<16xf32>,
          %get3A_684 = arith.index_cast %while3A_363 : i32 to index
          %get3A_685 = arith.constant 128 : index
          %get3A_686 = tpu.vector_load %arg16[%get3A_684, %get3A_685] {strides = array<i32>} : memref<16x256xf32, #tpu.memory_space<vmem>>, vector<16xf32>,
          %add3A_687 = arith.constant 128 : i32
          %add3A_688 = vector.broadcast %add3A_687 : i32 to vector<16xi32>
          %add3A_689 = arith.addi %add3A_371, %add3A_688 : vector<16xi32>
          %mul3A_690 = arith.mulf %gather3A_375, %get3A_686 : vector<16xf32>
          tpu.vector_store_idx %arg19[%add3A_689], %mul3A_690 {add = true} : memref<32768xf32, #tpu.memory_space<vmem>>[vector<16xi32>], vector<16xf32>,
          %add3A_691 = arith.constant 384 : i32
          %add3A_692 = vector.broadcast %add3A_691 : i32 to vector<16xi32>
          %add3A_693 = arith.addi %add3A_371, %add3A_692 : vector<16xi32>
          %mul3A_694 = arith.mulf %gather3A_379, %get3A_686 : vector<16xf32>
          tpu.vector_store_idx %arg19[%add3A_693], %mul3A_694 {add = true} : memref<32768xf32, #tpu.memory_space<vmem>>[vector<16xi32>], vector<16xf32>,
          %add3A_695 = arith.constant 640 : i32
          %add3A_696 = vector.broadcast %add3A_695 : i32 to vector<16xi32>
          %add3A_697 = arith.addi %add3A_371, %add3A_696 : vector<16xi32>
          %mul3A_698 = arith.mulf %gather3A_383, %get3A_686 : vector<16xf32>
          tpu.vector_store_idx %arg19[%add3A_697], %mul3A_698 {add = true} : memref<32768xf32, #tpu.memory_space<vmem>>[vector<16xi32>], vector<16xf32>,
          %add3A_699 = arith.constant 896 : i32
          %add3A_700 = vector.broadcast %add3A_699 : i32 to vector<16xi32>
          %add3A_701 = arith.addi %add3A_371, %add3A_700 : vector<16xi32>
          %mul3A_702 = arith.mulf %gather3A_387, %get3A_686 : vector<16xf32>
          tpu.vector_store_idx %arg19[%add3A_701], %mul3A_702 {add = true} : memref<32768xf32, #tpu.memory_space<vmem>>[vector<16xi32>], vector<16xf32>,
          %add3A_703 = arith.constant 1152 : i32
          %add3A_704 = vector.broadcast %add3A_703 : i32 to vector<16xi32>
          %add3A_705 = arith.addi %add3A_371, %add3A_704 : vector<16xi32>
          %mul3A_706 = arith.mulf %gather3A_391, %get3A_686 : vector<16xf32>
          tpu.vector_store_idx %arg19[%add3A_705], %mul3A_706 {add = true} : memref<32768xf32, #tpu.memory_space<vmem>>[vector<16xi32>], vector<16xf32>,
          %add3A_707 = arith.constant 1408 : i32
          %add3A_708 = vector.broadcast %add3A_707 : i32 to vector<16xi32>
          %add3A_709 = arith.addi %add3A_371, %add3A_708 : vector<16xi32>
          %mul3A_710 = arith.mulf %gather3A_395, %get3A_686 : vector<16xf32>
          tpu.vector_store_idx %arg19[%add3A_709], %mul3A_710 {add = true} : memref<32768xf32, #tpu.memory_space<vmem>>[vector<16xi32>], vector<16xf32>,
          %add3A_711 = arith.constant 1664 : i32
          %add3A_712 = vector.broadcast %add3A_711 : i32 to vector<16xi32>
          %add3A_713 = arith.addi %add3A_371, %add3A_712 : vector<16xi32>
          %mul3A_714 = arith.mulf %gather3A_399, %get3A_686 : vector<16xf32>
          tpu.vector_store_idx %arg19[%add3A_713], %mul3A_714 {add = true} : memref<32768xf32, #tpu.memory_space<vmem>>[vector<16xi32>], vector<16xf32>,
          %add3A_715 = arith.constant 1920 : i32
          %add3A_716 = vector.broadcast %add3A_715 : i32 to vector<16xi32>
          %add3A_717 = arith.addi %add3A_371, %add3A_716 : vector<16xi32>
          %mul3A_718 = arith.mulf %gather3A_403, %get3A_686 : vector<16xf32>
          tpu.vector_store_idx %arg19[%add3A_717], %mul3A_718 {add = true} : memref<32768xf32, #tpu.memory_space<vmem>>[vector<16xi32>], vector<16xf32>,
          %get3A_719 = arith.index_cast %while3A_363 : i32 to index
          %get3A_720 = arith.constant 144 : index
          %get3A_721 = tpu.vector_load %arg16[%get3A_719, %get3A_720] {strides = array<i32>} : memref<16x256xf32, #tpu.memory_space<vmem>>, vector<16xf32>,
          %add3A_722 = arith.constant 144 : i32
          %add3A_723 = vector.broadcast %add3A_722 : i32 to vector<16xi32>
          %add3A_724 = arith.addi %add3A_371, %add3A_723 : vector<16xi32>
          %mul3A_725 = arith.mulf %gather3A_375, %get3A_721 : vector<16xf32>
          tpu.vector_store_idx %arg19[%add3A_724], %mul3A_725 {add = true} : memref<32768xf32, #tpu.memory_space<vmem>>[vector<16xi32>], vector<16xf32>,
          %add3A_726 = arith.constant 400 : i32
          %add3A_727 = vector.broadcast %add3A_726 : i32 to vector<16xi32>
          %add3A_728 = arith.addi %add3A_371, %add3A_727 : vector<16xi32>
          %mul3A_729 = arith.mulf %gather3A_379, %get3A_721 : vector<16xf32>
          tpu.vector_store_idx %arg19[%add3A_728], %mul3A_729 {add = true} : memref<32768xf32, #tpu.memory_space<vmem>>[vector<16xi32>], vector<16xf32>,
          %add3A_730 = arith.constant 656 : i32
          %add3A_731 = vector.broadcast %add3A_730 : i32 to vector<16xi32>
          %add3A_732 = arith.addi %add3A_371, %add3A_731 : vector<16xi32>
          %mul3A_733 = arith.mulf %gather3A_383, %get3A_721 : vector<16xf32>
          tpu.vector_store_idx %arg19[%add3A_732], %mul3A_733 {add = true} : memref<32768xf32, #tpu.memory_space<vmem>>[vector<16xi32>], vector<16xf32>,
          %add3A_734 = arith.constant 912 : i32
          %add3A_735 = vector.broadcast %add3A_734 : i32 to vector<16xi32>
          %add3A_736 = arith.addi %add3A_371, %add3A_735 : vector<16xi32>
          %mul3A_737 = arith.mulf %gather3A_387, %get3A_721 : vector<16xf32>
          tpu.vector_store_idx %arg19[%add3A_736], %mul3A_737 {add = true} : memref<32768xf32, #tpu.memory_space<vmem>>[vector<16xi32>], vector<16xf32>,
          %add3A_738 = arith.constant 1168 : i32
          %add3A_739 = vector.broadcast %add3A_738 : i32 to vector<16xi32>
          %add3A_740 = arith.addi %add3A_371, %add3A_739 : vector<16xi32>
          %mul3A_741 = arith.mulf %gather3A_391, %get3A_721 : vector<16xf32>
          tpu.vector_store_idx %arg19[%add3A_740], %mul3A_741 {add = true} : memref<32768xf32, #tpu.memory_space<vmem>>[vector<16xi32>], vector<16xf32>,
          %add3A_742 = arith.constant 1424 : i32
          %add3A_743 = vector.broadcast %add3A_742 : i32 to vector<16xi32>
          %add3A_744 = arith.addi %add3A_371, %add3A_743 : vector<16xi32>
          %mul3A_745 = arith.mulf %gather3A_395, %get3A_721 : vector<16xf32>
          tpu.vector_store_idx %arg19[%add3A_744], %mul3A_745 {add = true} : memref<32768xf32, #tpu.memory_space<vmem>>[vector<16xi32>], vector<16xf32>,
          %add3A_746 = arith.constant 1680 : i32
          %add3A_747 = vector.broadcast %add3A_746 : i32 to vector<16xi32>
          %add3A_748 = arith.addi %add3A_371, %add3A_747 : vector<16xi32>
          %mul3A_749 = arith.mulf %gather3A_399, %get3A_721 : vector<16xf32>
          tpu.vector_store_idx %arg19[%add3A_748], %mul3A_749 {add = true} : memref<32768xf32, #tpu.memory_space<vmem>>[vector<16xi32>], vector<16xf32>,
          %add3A_750 = arith.constant 1936 : i32
          %add3A_751 = vector.broadcast %add3A_750 : i32 to vector<16xi32>
          %add3A_752 = arith.addi %add3A_371, %add3A_751 : vector<16xi32>
          %mul3A_753 = arith.mulf %gather3A_403, %get3A_721 : vector<16xf32>
          tpu.vector_store_idx %arg19[%add3A_752], %mul3A_753 {add = true} : memref<32768xf32, #tpu.memory_space<vmem>>[vector<16xi32>], vector<16xf32>,
          %get3A_754 = arith.index_cast %while3A_363 : i32 to index
          %get3A_755 = arith.constant 160 : index
          %get3A_756 = tpu.vector_load %arg16[%get3A_754, %get3A_755] {strides = array<i32>} : memref<16x256xf32, #tpu.memory_space<vmem>>, vector<16xf32>,
          %add3A_757 = arith.constant 160 : i32
          %add3A_758 = vector.broadcast %add3A_757 : i32 to vector<16xi32>
          %add3A_759 = arith.addi %add3A_371, %add3A_758 : vector<16xi32>
          %mul3A_760 = arith.mulf %gather3A_375, %get3A_756 : vector<16xf32>
          tpu.vector_store_idx %arg19[%add3A_759], %mul3A_760 {add = true} : memref<32768xf32, #tpu.memory_space<vmem>>[vector<16xi32>], vector<16xf32>,
          %add3A_761 = arith.constant 416 : i32
          %add3A_762 = vector.broadcast %add3A_761 : i32 to vector<16xi32>
          %add3A_763 = arith.addi %add3A_371, %add3A_762 : vector<16xi32>
          %mul3A_764 = arith.mulf %gather3A_379, %get3A_756 : vector<16xf32>
          tpu.vector_store_idx %arg19[%add3A_763], %mul3A_764 {add = true} : memref<32768xf32, #tpu.memory_space<vmem>>[vector<16xi32>], vector<16xf32>,
          %add3A_765 = arith.constant 672 : i32
          %add3A_766 = vector.broadcast %add3A_765 : i32 to vector<16xi32>
          %add3A_767 = arith.addi %add3A_371, %add3A_766 : vector<16xi32>
          %mul3A_768 = arith.mulf %gather3A_383, %get3A_756 : vector<16xf32>
          tpu.vector_store_idx %arg19[%add3A_767], %mul3A_768 {add = true} : memref<32768xf32, #tpu.memory_space<vmem>>[vector<16xi32>], vector<16xf32>,
          %add3A_769 = arith.constant 928 : i32
          %add3A_770 = vector.broadcast %add3A_769 : i32 to vector<16xi32>
          %add3A_771 = arith.addi %add3A_371, %add3A_770 : vector<16xi32>
          %mul3A_772 = arith.mulf %gather3A_387, %get3A_756 : vector<16xf32>
          tpu.vector_store_idx %arg19[%add3A_771], %mul3A_772 {add = true} : memref<32768xf32, #tpu.memory_space<vmem>>[vector<16xi32>], vector<16xf32>,
          %add3A_773 = arith.constant 1184 : i32
          %add3A_774 = vector.broadcast %add3A_773 : i32 to vector<16xi32>
          %add3A_775 = arith.addi %add3A_371, %add3A_774 : vector<16xi32>
          %mul3A_776 = arith.mulf %gather3A_391, %get3A_756 : vector<16xf32>
          tpu.vector_store_idx %arg19[%add3A_775], %mul3A_776 {add = true} : memref<32768xf32, #tpu.memory_space<vmem>>[vector<16xi32>], vector<16xf32>,
          %add3A_777 = arith.constant 1440 : i32
          %add3A_778 = vector.broadcast %add3A_777 : i32 to vector<16xi32>
          %add3A_779 = arith.addi %add3A_371, %add3A_778 : vector<16xi32>
          %mul3A_780 = arith.mulf %gather3A_395, %get3A_756 : vector<16xf32>
          tpu.vector_store_idx %arg19[%add3A_779], %mul3A_780 {add = true} : memref<32768xf32, #tpu.memory_space<vmem>>[vector<16xi32>], vector<16xf32>,
          %add3A_781 = arith.constant 1696 : i32
          %add3A_782 = vector.broadcast %add3A_781 : i32 to vector<16xi32>
          %add3A_783 = arith.addi %add3A_371, %add3A_782 : vector<16xi32>
          %mul3A_784 = arith.mulf %gather3A_399, %get3A_756 : vector<16xf32>
          tpu.vector_store_idx %arg19[%add3A_783], %mul3A_784 {add = true} : memref<32768xf32, #tpu.memory_space<vmem>>[vector<16xi32>], vector<16xf32>,
          %add3A_785 = arith.constant 1952 : i32
          %add3A_786 = vector.broadcast %add3A_785 : i32 to vector<16xi32>
          %add3A_787 = arith.addi %add3A_371, %add3A_786 : vector<16xi32>
          %mul3A_788 = arith.mulf %gather3A_403, %get3A_756 : vector<16xf32>
          tpu.vector_store_idx %arg19[%add3A_787], %mul3A_788 {add = true} : memref<32768xf32, #tpu.memory_space<vmem>>[vector<16xi32>], vector<16xf32>,
          %get3A_789 = arith.index_cast %while3A_363 : i32 to index
          %get3A_790 = arith.constant 176 : index
          %get3A_791 = tpu.vector_load %arg16[%get3A_789, %get3A_790] {strides = array<i32>} : memref<16x256xf32, #tpu.memory_space<vmem>>, vector<16xf32>,
          %add3A_792 = arith.constant 176 : i32
          %add3A_793 = vector.broadcast %add3A_792 : i32 to vector<16xi32>
          %add3A_794 = arith.addi %add3A_371, %add3A_793 : vector<16xi32>
          %mul3A_795 = arith.mulf %gather3A_375, %get3A_791 : vector<16xf32>
          tpu.vector_store_idx %arg19[%add3A_794], %mul3A_795 {add = true} : memref<32768xf32, #tpu.memory_space<vmem>>[vector<16xi32>], vector<16xf32>,
          %add3A_796 = arith.constant 432 : i32
          %add3A_797 = vector.broadcast %add3A_796 : i32 to vector<16xi32>
          %add3A_798 = arith.addi %add3A_371, %add3A_797 : vector<16xi32>
          %mul3A_799 = arith.mulf %gather3A_379, %get3A_791 : vector<16xf32>
          tpu.vector_store_idx %arg19[%add3A_798], %mul3A_799 {add = true} : memref<32768xf32, #tpu.memory_space<vmem>>[vector<16xi32>], vector<16xf32>,
          %add3A_800 = arith.constant 688 : i32
          %add3A_801 = vector.broadcast %add3A_800 : i32 to vector<16xi32>
          %add3A_802 = arith.addi %add3A_371, %add3A_801 : vector<16xi32>
          %mul3A_803 = arith.mulf %gather3A_383, %get3A_791 : vector<16xf32>
          tpu.vector_store_idx %arg19[%add3A_802], %mul3A_803 {add = true} : memref<32768xf32, #tpu.memory_space<vmem>>[vector<16xi32>], vector<16xf32>,
          %add3A_804 = arith.constant 944 : i32
          %add3A_805 = vector.broadcast %add3A_804 : i32 to vector<16xi32>
          %add3A_806 = arith.addi %add3A_371, %add3A_805 : vector<16xi32>
          %mul3A_807 = arith.mulf %gather3A_387, %get3A_791 : vector<16xf32>
          tpu.vector_store_idx %arg19[%add3A_806], %mul3A_807 {add = true} : memref<32768xf32, #tpu.memory_space<vmem>>[vector<16xi32>], vector<16xf32>,
          %add3A_808 = arith.constant 1200 : i32
          %add3A_809 = vector.broadcast %add3A_808 : i32 to vector<16xi32>
          %add3A_810 = arith.addi %add3A_371, %add3A_809 : vector<16xi32>
          %mul3A_811 = arith.mulf %gather3A_391, %get3A_791 : vector<16xf32>
          tpu.vector_store_idx %arg19[%add3A_810], %mul3A_811 {add = true} : memref<32768xf32, #tpu.memory_space<vmem>>[vector<16xi32>], vector<16xf32>,
          %add3A_812 = arith.constant 1456 : i32
          %add3A_813 = vector.broadcast %add3A_812 : i32 to vector<16xi32>
          %add3A_814 = arith.addi %add3A_371, %add3A_813 : vector<16xi32>
          %mul3A_815 = arith.mulf %gather3A_395, %get3A_791 : vector<16xf32>
          tpu.vector_store_idx %arg19[%add3A_814], %mul3A_815 {add = true} : memref<32768xf32, #tpu.memory_space<vmem>>[vector<16xi32>], vector<16xf32>,
          %add3A_816 = arith.constant 1712 : i32
          %add3A_817 = vector.broadcast %add3A_816 : i32 to vector<16xi32>
          %add3A_818 = arith.addi %add3A_371, %add3A_817 : vector<16xi32>
          %mul3A_819 = arith.mulf %gather3A_399, %get3A_791 : vector<16xf32>
          tpu.vector_store_idx %arg19[%add3A_818], %mul3A_819 {add = true} : memref<32768xf32, #tpu.memory_space<vmem>>[vector<16xi32>], vector<16xf32>,
          %add3A_820 = arith.constant 1968 : i32
          %add3A_821 = vector.broadcast %add3A_820 : i32 to vector<16xi32>
          %add3A_822 = arith.addi %add3A_371, %add3A_821 : vector<16xi32>
          %mul3A_823 = arith.mulf %gather3A_403, %get3A_791 : vector<16xf32>
          tpu.vector_store_idx %arg19[%add3A_822], %mul3A_823 {add = true} : memref<32768xf32, #tpu.memory_space<vmem>>[vector<16xi32>], vector<16xf32>,
          %get3A_824 = arith.index_cast %while3A_363 : i32 to index
          %get3A_825 = arith.constant 192 : index
          %get3A_826 = tpu.vector_load %arg16[%get3A_824, %get3A_825] {strides = array<i32>} : memref<16x256xf32, #tpu.memory_space<vmem>>, vector<16xf32>,
          %add3A_827 = arith.constant 192 : i32
          %add3A_828 = vector.broadcast %add3A_827 : i32 to vector<16xi32>
          %add3A_829 = arith.addi %add3A_371, %add3A_828 : vector<16xi32>
          %mul3A_830 = arith.mulf %gather3A_375, %get3A_826 : vector<16xf32>
          tpu.vector_store_idx %arg19[%add3A_829], %mul3A_830 {add = true} : memref<32768xf32, #tpu.memory_space<vmem>>[vector<16xi32>], vector<16xf32>,
          %add3A_831 = arith.constant 448 : i32
          %add3A_832 = vector.broadcast %add3A_831 : i32 to vector<16xi32>
          %add3A_833 = arith.addi %add3A_371, %add3A_832 : vector<16xi32>
          %mul3A_834 = arith.mulf %gather3A_379, %get3A_826 : vector<16xf32>
          tpu.vector_store_idx %arg19[%add3A_833], %mul3A_834 {add = true} : memref<32768xf32, #tpu.memory_space<vmem>>[vector<16xi32>], vector<16xf32>,
          %add3A_835 = arith.constant 704 : i32
          %add3A_836 = vector.broadcast %add3A_835 : i32 to vector<16xi32>
          %add3A_837 = arith.addi %add3A_371, %add3A_836 : vector<16xi32>
          %mul3A_838 = arith.mulf %gather3A_383, %get3A_826 : vector<16xf32>
          tpu.vector_store_idx %arg19[%add3A_837], %mul3A_838 {add = true} : memref<32768xf32, #tpu.memory_space<vmem>>[vector<16xi32>], vector<16xf32>,
          %add3A_839 = arith.constant 960 : i32
          %add3A_840 = vector.broadcast %add3A_839 : i32 to vector<16xi32>
          %add3A_841 = arith.addi %add3A_371, %add3A_840 : vector<16xi32>
          %mul3A_842 = arith.mulf %gather3A_387, %get3A_826 : vector<16xf32>
          tpu.vector_store_idx %arg19[%add3A_841], %mul3A_842 {add = true} : memref<32768xf32, #tpu.memory_space<vmem>>[vector<16xi32>], vector<16xf32>,
          %add3A_843 = arith.constant 1216 : i32
          %add3A_844 = vector.broadcast %add3A_843 : i32 to vector<16xi32>
          %add3A_845 = arith.addi %add3A_371, %add3A_844 : vector<16xi32>
          %mul3A_846 = arith.mulf %gather3A_391, %get3A_826 : vector<16xf32>
          tpu.vector_store_idx %arg19[%add3A_845], %mul3A_846 {add = true} : memref<32768xf32, #tpu.memory_space<vmem>>[vector<16xi32>], vector<16xf32>,
          %add3A_847 = arith.constant 1472 : i32
          %add3A_848 = vector.broadcast %add3A_847 : i32 to vector<16xi32>
          %add3A_849 = arith.addi %add3A_371, %add3A_848 : vector<16xi32>
          %mul3A_850 = arith.mulf %gather3A_395, %get3A_826 : vector<16xf32>
          tpu.vector_store_idx %arg19[%add3A_849], %mul3A_850 {add = true} : memref<32768xf32, #tpu.memory_space<vmem>>[vector<16xi32>], vector<16xf32>,
          %add3A_851 = arith.constant 1728 : i32
          %add3A_852 = vector.broadcast %add3A_851 : i32 to vector<16xi32>
          %add3A_853 = arith.addi %add3A_371, %add3A_852 : vector<16xi32>
          %mul3A_854 = arith.mulf %gather3A_399, %get3A_826 : vector<16xf32>
          tpu.vector_store_idx %arg19[%add3A_853], %mul3A_854 {add = true} : memref<32768xf32, #tpu.memory_space<vmem>>[vector<16xi32>], vector<16xf32>,
          %add3A_855 = arith.constant 1984 : i32
          %add3A_856 = vector.broadcast %add3A_855 : i32 to vector<16xi32>
          %add3A_857 = arith.addi %add3A_371, %add3A_856 : vector<16xi32>
          %mul3A_858 = arith.mulf %gather3A_403, %get3A_826 : vector<16xf32>
          tpu.vector_store_idx %arg19[%add3A_857], %mul3A_858 {add = true} : memref<32768xf32, #tpu.memory_space<vmem>>[vector<16xi32>], vector<16xf32>,
          %get3A_859 = arith.index_cast %while3A_363 : i32 to index
          %get3A_860 = arith.constant 208 : index
          %get3A_861 = tpu.vector_load %arg16[%get3A_859, %get3A_860] {strides = array<i32>} : memref<16x256xf32, #tpu.memory_space<vmem>>, vector<16xf32>,
          %add3A_862 = arith.constant 208 : i32
          %add3A_863 = vector.broadcast %add3A_862 : i32 to vector<16xi32>
          %add3A_864 = arith.addi %add3A_371, %add3A_863 : vector<16xi32>
          %mul3A_865 = arith.mulf %gather3A_375, %get3A_861 : vector<16xf32>
          tpu.vector_store_idx %arg19[%add3A_864], %mul3A_865 {add = true} : memref<32768xf32, #tpu.memory_space<vmem>>[vector<16xi32>], vector<16xf32>,
          %add3A_866 = arith.constant 464 : i32
          %add3A_867 = vector.broadcast %add3A_866 : i32 to vector<16xi32>
          %add3A_868 = arith.addi %add3A_371, %add3A_867 : vector<16xi32>
          %mul3A_869 = arith.mulf %gather3A_379, %get3A_861 : vector<16xf32>
          tpu.vector_store_idx %arg19[%add3A_868], %mul3A_869 {add = true} : memref<32768xf32, #tpu.memory_space<vmem>>[vector<16xi32>], vector<16xf32>,
          %add3A_870 = arith.constant 720 : i32
          %add3A_871 = vector.broadcast %add3A_870 : i32 to vector<16xi32>
          %add3A_872 = arith.addi %add3A_371, %add3A_871 : vector<16xi32>
          %mul3A_873 = arith.mulf %gather3A_383, %get3A_861 : vector<16xf32>
          tpu.vector_store_idx %arg19[%add3A_872], %mul3A_873 {add = true} : memref<32768xf32, #tpu.memory_space<vmem>>[vector<16xi32>], vector<16xf32>,
          %add3A_874 = arith.constant 976 : i32
          %add3A_875 = vector.broadcast %add3A_874 : i32 to vector<16xi32>
          %add3A_876 = arith.addi %add3A_371, %add3A_875 : vector<16xi32>
          %mul3A_877 = arith.mulf %gather3A_387, %get3A_861 : vector<16xf32>
          tpu.vector_store_idx %arg19[%add3A_876], %mul3A_877 {add = true} : memref<32768xf32, #tpu.memory_space<vmem>>[vector<16xi32>], vector<16xf32>,
          %add3A_878 = arith.constant 1232 : i32
          %add3A_879 = vector.broadcast %add3A_878 : i32 to vector<16xi32>
          %add3A_880 = arith.addi %add3A_371, %add3A_879 : vector<16xi32>
          %mul3A_881 = arith.mulf %gather3A_391, %get3A_861 : vector<16xf32>
          tpu.vector_store_idx %arg19[%add3A_880], %mul3A_881 {add = true} : memref<32768xf32, #tpu.memory_space<vmem>>[vector<16xi32>], vector<16xf32>,
          %add3A_882 = arith.constant 1488 : i32
          %add3A_883 = vector.broadcast %add3A_882 : i32 to vector<16xi32>
          %add3A_884 = arith.addi %add3A_371, %add3A_883 : vector<16xi32>
          %mul3A_885 = arith.mulf %gather3A_395, %get3A_861 : vector<16xf32>
          tpu.vector_store_idx %arg19[%add3A_884], %mul3A_885 {add = true} : memref<32768xf32, #tpu.memory_space<vmem>>[vector<16xi32>], vector<16xf32>,
          %add3A_886 = arith.constant 1744 : i32
          %add3A_887 = vector.broadcast %add3A_886 : i32 to vector<16xi32>
          %add3A_888 = arith.addi %add3A_371, %add3A_887 : vector<16xi32>
          %mul3A_889 = arith.mulf %gather3A_399, %get3A_861 : vector<16xf32>
          tpu.vector_store_idx %arg19[%add3A_888], %mul3A_889 {add = true} : memref<32768xf32, #tpu.memory_space<vmem>>[vector<16xi32>], vector<16xf32>,
          %add3A_890 = arith.constant 2000 : i32
          %add3A_891 = vector.broadcast %add3A_890 : i32 to vector<16xi32>
          %add3A_892 = arith.addi %add3A_371, %add3A_891 : vector<16xi32>
          %mul3A_893 = arith.mulf %gather3A_403, %get3A_861 : vector<16xf32>
          tpu.vector_store_idx %arg19[%add3A_892], %mul3A_893 {add = true} : memref<32768xf32, #tpu.memory_space<vmem>>[vector<16xi32>], vector<16xf32>,
          %get3A_894 = arith.index_cast %while3A_363 : i32 to index
          %get3A_895 = arith.constant 224 : index
          %get3A_896 = tpu.vector_load %arg16[%get3A_894, %get3A_895] {strides = array<i32>} : memref<16x256xf32, #tpu.memory_space<vmem>>, vector<16xf32>,
          %add3A_897 = arith.constant 224 : i32
          %add3A_898 = vector.broadcast %add3A_897 : i32 to vector<16xi32>
          %add3A_899 = arith.addi %add3A_371, %add3A_898 : vector<16xi32>
          %mul3A_900 = arith.mulf %gather3A_375, %get3A_896 : vector<16xf32>
          tpu.vector_store_idx %arg19[%add3A_899], %mul3A_900 {add = true} : memref<32768xf32, #tpu.memory_space<vmem>>[vector<16xi32>], vector<16xf32>,
          %add3A_901 = arith.constant 480 : i32
          %add3A_902 = vector.broadcast %add3A_901 : i32 to vector<16xi32>
          %add3A_903 = arith.addi %add3A_371, %add3A_902 : vector<16xi32>
          %mul3A_904 = arith.mulf %gather3A_379, %get3A_896 : vector<16xf32>
          tpu.vector_store_idx %arg19[%add3A_903], %mul3A_904 {add = true} : memref<32768xf32, #tpu.memory_space<vmem>>[vector<16xi32>], vector<16xf32>,
          %add3A_905 = arith.constant 736 : i32
          %add3A_906 = vector.broadcast %add3A_905 : i32 to vector<16xi32>
          %add3A_907 = arith.addi %add3A_371, %add3A_906 : vector<16xi32>
          %mul3A_908 = arith.mulf %gather3A_383, %get3A_896 : vector<16xf32>
          tpu.vector_store_idx %arg19[%add3A_907], %mul3A_908 {add = true} : memref<32768xf32, #tpu.memory_space<vmem>>[vector<16xi32>], vector<16xf32>,
          %add3A_909 = arith.constant 992 : i32
          %add3A_910 = vector.broadcast %add3A_909 : i32 to vector<16xi32>
          %add3A_911 = arith.addi %add3A_371, %add3A_910 : vector<16xi32>
          %mul3A_912 = arith.mulf %gather3A_387, %get3A_896 : vector<16xf32>
          tpu.vector_store_idx %arg19[%add3A_911], %mul3A_912 {add = true} : memref<32768xf32, #tpu.memory_space<vmem>>[vector<16xi32>], vector<16xf32>,
          %add3A_913 = arith.constant 1248 : i32
          %add3A_914 = vector.broadcast %add3A_913 : i32 to vector<16xi32>
          %add3A_915 = arith.addi %add3A_371, %add3A_914 : vector<16xi32>
          %mul3A_916 = arith.mulf %gather3A_391, %get3A_896 : vector<16xf32>
          tpu.vector_store_idx %arg19[%add3A_915], %mul3A_916 {add = true} : memref<32768xf32, #tpu.memory_space<vmem>>[vector<16xi32>], vector<16xf32>,
          %add3A_917 = arith.constant 1504 : i32
          %add3A_918 = vector.broadcast %add3A_917 : i32 to vector<16xi32>
          %add3A_919 = arith.addi %add3A_371, %add3A_918 : vector<16xi32>
          %mul3A_920 = arith.mulf %gather3A_395, %get3A_896 : vector<16xf32>
          tpu.vector_store_idx %arg19[%add3A_919], %mul3A_920 {add = true} : memref<32768xf32, #tpu.memory_space<vmem>>[vector<16xi32>], vector<16xf32>,
          %add3A_921 = arith.constant 1760 : i32
          %add3A_922 = vector.broadcast %add3A_921 : i32 to vector<16xi32>
          %add3A_923 = arith.addi %add3A_371, %add3A_922 : vector<16xi32>
          %mul3A_924 = arith.mulf %gather3A_399, %get3A_896 : vector<16xf32>
          tpu.vector_store_idx %arg19[%add3A_923], %mul3A_924 {add = true} : memref<32768xf32, #tpu.memory_space<vmem>>[vector<16xi32>], vector<16xf32>,
          %add3A_925 = arith.constant 2016 : i32
          %add3A_926 = vector.broadcast %add3A_925 : i32 to vector<16xi32>
          %add3A_927 = arith.addi %add3A_371, %add3A_926 : vector<16xi32>
          %mul3A_928 = arith.mulf %gather3A_403, %get3A_896 : vector<16xf32>
          tpu.vector_store_idx %arg19[%add3A_927], %mul3A_928 {add = true} : memref<32768xf32, #tpu.memory_space<vmem>>[vector<16xi32>], vector<16xf32>,
          %get3A_929 = arith.index_cast %while3A_363 : i32 to index
          %get3A_930 = arith.constant 240 : index
          %get3A_931 = tpu.vector_load %arg16[%get3A_929, %get3A_930] {strides = array<i32>} : memref<16x256xf32, #tpu.memory_space<vmem>>, vector<16xf32>,
          %add3A_932 = arith.constant 240 : i32
          %add3A_933 = vector.broadcast %add3A_932 : i32 to vector<16xi32>
          %add3A_934 = arith.addi %add3A_371, %add3A_933 : vector<16xi32>
          %mul3A_935 = arith.mulf %gather3A_375, %get3A_931 : vector<16xf32>
          tpu.vector_store_idx %arg19[%add3A_934], %mul3A_935 {add = true} : memref<32768xf32, #tpu.memory_space<vmem>>[vector<16xi32>], vector<16xf32>,
          %add3A_936 = arith.constant 496 : i32
          %add3A_937 = vector.broadcast %add3A_936 : i32 to vector<16xi32>
          %add3A_938 = arith.addi %add3A_371, %add3A_937 : vector<16xi32>
          %mul3A_939 = arith.mulf %gather3A_379, %get3A_931 : vector<16xf32>
          tpu.vector_store_idx %arg19[%add3A_938], %mul3A_939 {add = true} : memref<32768xf32, #tpu.memory_space<vmem>>[vector<16xi32>], vector<16xf32>,
          %add3A_940 = arith.constant 752 : i32
          %add3A_941 = vector.broadcast %add3A_940 : i32 to vector<16xi32>
          %add3A_942 = arith.addi %add3A_371, %add3A_941 : vector<16xi32>
          %mul3A_943 = arith.mulf %gather3A_383, %get3A_931 : vector<16xf32>
          tpu.vector_store_idx %arg19[%add3A_942], %mul3A_943 {add = true} : memref<32768xf32, #tpu.memory_space<vmem>>[vector<16xi32>], vector<16xf32>,
          %add3A_944 = arith.constant 1008 : i32
          %add3A_945 = vector.broadcast %add3A_944 : i32 to vector<16xi32>
          %add3A_946 = arith.addi %add3A_371, %add3A_945 : vector<16xi32>
          %mul3A_947 = arith.mulf %gather3A_387, %get3A_931 : vector<16xf32>
          tpu.vector_store_idx %arg19[%add3A_946], %mul3A_947 {add = true} : memref<32768xf32, #tpu.memory_space<vmem>>[vector<16xi32>], vector<16xf32>,
          %add3A_948 = arith.constant 1264 : i32
          %add3A_949 = vector.broadcast %add3A_948 : i32 to vector<16xi32>
          %add3A_950 = arith.addi %add3A_371, %add3A_949 : vector<16xi32>
          %mul3A_951 = arith.mulf %gather3A_391, %get3A_931 : vector<16xf32>
          tpu.vector_store_idx %arg19[%add3A_950], %mul3A_951 {add = true} : memref<32768xf32, #tpu.memory_space<vmem>>[vector<16xi32>], vector<16xf32>,
          %add3A_952 = arith.constant 1520 : i32
          %add3A_953 = vector.broadcast %add3A_952 : i32 to vector<16xi32>
          %add3A_954 = arith.addi %add3A_371, %add3A_953 : vector<16xi32>
          %mul3A_955 = arith.mulf %gather3A_395, %get3A_931 : vector<16xf32>
          tpu.vector_store_idx %arg19[%add3A_954], %mul3A_955 {add = true} : memref<32768xf32, #tpu.memory_space<vmem>>[vector<16xi32>], vector<16xf32>,
          %add3A_956 = arith.constant 1776 : i32
          %add3A_957 = vector.broadcast %add3A_956 : i32 to vector<16xi32>
          %add3A_958 = arith.addi %add3A_371, %add3A_957 : vector<16xi32>
          %mul3A_959 = arith.mulf %gather3A_399, %get3A_931 : vector<16xf32>
          tpu.vector_store_idx %arg19[%add3A_958], %mul3A_959 {add = true} : memref<32768xf32, #tpu.memory_space<vmem>>[vector<16xi32>], vector<16xf32>,
          %add3A_960 = arith.constant 2032 : i32
          %add3A_961 = vector.broadcast %add3A_960 : i32 to vector<16xi32>
          %add3A_962 = arith.addi %add3A_371, %add3A_961 : vector<16xi32>
          %mul3A_963 = arith.mulf %gather3A_403, %get3A_931 : vector<16xf32>
          tpu.vector_store_idx %arg19[%add3A_962], %mul3A_963 {add = true} : memref<32768xf32, #tpu.memory_space<vmem>>[vector<16xi32>], vector<16xf32>,
          %while3A_964 = arith.constant 0 : i32
          scf.yield %while3A_964 : i32
        }
      } else {
      }
      %while3A_349 = arith.constant 0 : i32
      scf.yield %while3A_349 : i32
    }
    %while3A_108 = arith.constant 1 : i32
    %while3A_109 = scf.for %while3A_110 = %while3A_105 to %while3A_101 step %while3A_108 iter_args(%while3A_111 = %while3A_107) -> (i32)  : i32 {
      %mul3A_112 = arith.constant 16 : i32
      %mul3A_113 = arith.muli %while3A_110, %mul3A_112 : i32
      %add3A_114 = vector.broadcast %mul3A_113 : i32 to vector<16xi32>
      %add3A_115 = arith.addi %add3A_114, %iota3A : vector<16xi32>
      %lt3A = vector.broadcast %reduce_max3A_94 : i32 to vector<16xi32>
      %lt3A_116 = arith.cmpi slt, %add3A_115, %lt3A : vector<16xi32>
      %get3A_117 = arith.index_cast %mul3A_113 : i32 to index
      %get3A_118 = tpu.vector_load %arg11[%get3A_117] {strides = array<i32>} : memref<10000xi32, #tpu.memory_space<vmem>>, vector<16xi32>,
      %jit3A = arith.constant 0 : i32
      %broadcast_in_dim3A_119 = vector.broadcast %jit3A : i32 to vector<16xi32>
      %select_n3A = arith.select %lt3A_116, %get3A_118, %broadcast_in_dim3A_119 : vector<16xi1>, vector<16xi32>
      %get3A_120 = arith.index_cast %mul3A_113 : i32 to index
      %get3A_121 = tpu.vector_load %arg12[%get3A_120] {strides = array<i32>} : memref<10000xi32, #tpu.memory_space<vmem>>, vector<16xi32>,
      %jit3A_122 = arith.constant 0 : i32
      %broadcast_in_dim3A_123 = vector.broadcast %jit3A_122 : i32 to vector<16xi32>
      %select_n3A_124 = arith.select %lt3A_116, %get3A_121, %broadcast_in_dim3A_123 : vector<16xi1>, vector<16xi32>
      %swap3A_125 = arith.constant 0 : index
      %swap3A_126 = tpu.vector_load %arg18[%swap3A_125] {strides = array<i32>} : memref<16xi32, #tpu.memory_space<vmem>>, vector<16xi32>,
      tpu.vector_store %arg18[%swap3A_125], %select_n3A {strides = array<i32>} : memref<16xi32, #tpu.memory_space<vmem>>, vector<16xi32>,
      %dma_start3A_127 = arith.constant 0 : i32
      %dma_start3A_128 = arith.constant 0 : i32
      %dma_start3A_129 = tpu.memref_slice %arg5[%dma_start3A_127, %dma_start3A_128] : memref<10000x256xf32, #tpu.memory_space<hbm>> -> memref<10000x256xf32, #tpu.memory_space<hbm>>
      tpu.enqueue_indirect_dma source(%dma_start3A_129 : memref<10000x256xf32, #tpu.memory_space<hbm>>) target(%arg16 : memref<16x256xf32, #tpu.memory_space<vmem>>) offsets(%arg18 : memref<16xi32, #tpu.memory_space<vmem>>) semaphore(%arg21 : memref<!tpu.dma_semaphore, #tpu.memory_space<semaphore_mem>>)
      %dma_start3A_130 = arith.constant 0 : i32
      %dma_start3A_131 = arith.constant 0 : i32
      %dma_start3A_132 = tpu.memref_slice %arg4[%dma_start3A_130, %dma_start3A_131] : memref<10000x128xf32, #tpu.memory_space<hbm>> -> memref<10000x128xf32, #tpu.memory_space<hbm>>
      tpu.enqueue_indirect_dma source(%dma_start3A_132 : memref<10000x128xf32, #tpu.memory_space<hbm>>) target(%arg15 : memref<16x128xf32, #tpu.memory_space<vmem>>) offsets(%arg18 : memref<16xi32, #tpu.memory_space<vmem>>) semaphore(%arg22 : memref<!tpu.dma_semaphore, #tpu.memory_space<semaphore_mem>>)
      %dma_wait3A_133 = arith.constant 0 : i32
      %dma_wait3A_134 = arith.constant 0 : i32
      %dma_wait3A_135 = tpu.memref_slice %arg4[%dma_wait3A_133, %dma_wait3A_134] : memref<10000x128xf32, #tpu.memory_space<hbm>> -> memref<10000x128xf32, #tpu.memory_space<hbm>>
      tpu.wait_indirect_dma semaphore(%arg22 : memref<!tpu.dma_semaphore, #tpu.memory_space<semaphore_mem>>) src(%dma_wait3A_135 : memref<10000x128xf32, #tpu.memory_space<hbm>>) dst(%arg15 : memref<16x128xf32, #tpu.memory_space<vmem>>)
      %broadcast_in_dim3A_136 = arith.constant 0 : i32
      %broadcast_in_dim3A_137 = vector.broadcast %broadcast_in_dim3A_136 : i32 to vector<16xi32>
      %gather3A_138 = tpu.vector_load_idx %arg15[%iota3A, %broadcast_in_dim3A_137] : memref<16x128xf32, #tpu.memory_space<vmem>>[vector<16xi32>, vector<16xi32>], vector<16xf32>,
      %broadcast_in_dim3A_139 = arith.constant 8 : i32
      %broadcast_in_dim3A_140 = vector.broadcast %broadcast_in_dim3A_139 : i32 to vector<16xi32>
      %gather3A_141 = tpu.vector_load_idx %arg14[%select_n3A_124, %broadcast_in_dim3A_140] : memref<16x128xf32, #tpu.memory_space<vmem>>[vector<16xi32>, vector<16xi32>], vector<16xf32>,
      %add3A_142 = arith.addf %gather3A_138, %gather3A_141 : vector<16xf32>
      %ge3A = arith.constant 0.000000e+00 : f32
      %ge3A_143 = vector.broadcast %ge3A : f32 to vector<16xf32>
      %ge3A_144 = arith.cmpf oge, %add3A_142, %ge3A_143 : vector<16xf32>
      %mul3A_145 = arith.constant 2.000000e-01 : f32
      %mul3A_146 = vector.broadcast %mul3A_145 : f32 to vector<16xf32>
      %mul3A_147 = arith.mulf %mul3A_146, %add3A_142 : vector<16xf32>
      %select_n3A_148 = arith.select %ge3A_144, %add3A_142, %mul3A_147 : vector<16xi1>, vector<16xf32>
      %exp3A = math.exp %select_n3A_148 : vector<16xf32>
      %jit3A_149 = arith.constant 0.000000e+00 : f32
      %broadcast_in_dim3A_150 = vector.broadcast %jit3A_149 : f32 to vector<16xf32>
      %select_n3A_151 = arith.select %lt3A_116, %exp3A, %broadcast_in_dim3A_150 : vector<16xi1>, vector<16xf32>
      %mul3A_152 = arith.constant 16 : i32
      %mul3A_153 = vector.broadcast %mul3A_152 : i32 to vector<16xi32>
      %mul3A_154 = arith.muli %select_n3A_124, %mul3A_153 : vector<16xi32>
      %add3A_155 = arith.constant 0 : i32
      %add3A_156 = vector.broadcast %add3A_155 : i32 to vector<16xi32>
      %add3A_157 = arith.addi %mul3A_154, %add3A_156 : vector<16xi32>
      tpu.vector_store_idx %arg20[%add3A_157], %select_n3A_151 masked %lt3A_116 {add = true} : memref<256xf32, #tpu.memory_space<vmem>>[vector<16xi32>], vector<16xf32>, vector<16xi1>
      %swap3A_158 = arith.constant 0 : index
      %swap3A_159 = tpu.vector_load %arg17[%swap3A_158] {strides = array<i32>} : memref<128xf32, #tpu.memory_space<vmem>>, vector<16xf32>,
      tpu.vector_store %arg17[%swap3A_158], %select_n3A_151 {strides = array<i32>} : memref<128xf32, #tpu.memory_space<vmem>>, vector<16xf32>,
      %broadcast_in_dim3A_160 = arith.constant 1 : i32
      %broadcast_in_dim3A_161 = vector.broadcast %broadcast_in_dim3A_160 : i32 to vector<16xi32>
      %gather3A_162 = tpu.vector_load_idx %arg15[%iota3A, %broadcast_in_dim3A_161] : memref<16x128xf32, #tpu.memory_space<vmem>>[vector<16xi32>, vector<16xi32>], vector<16xf32>,
      %broadcast_in_dim3A_163 = arith.constant 9 : i32
      %broadcast_in_dim3A_164 = vector.broadcast %broadcast_in_dim3A_163 : i32 to vector<16xi32>
      %gather3A_165 = tpu.vector_load_idx %arg14[%select_n3A_124, %broadcast_in_dim3A_164] : memref<16x128xf32, #tpu.memory_space<vmem>>[vector<16xi32>, vector<16xi32>], vector<16xf32>,
      %add3A_166 = arith.addf %gather3A_162, %gather3A_165 : vector<16xf32>
      %ge3A_167 = arith.constant 0.000000e+00 : f32
      %ge3A_168 = vector.broadcast %ge3A_167 : f32 to vector<16xf32>
      %ge3A_169 = arith.cmpf oge, %add3A_166, %ge3A_168 : vector<16xf32>
      %mul3A_170 = arith.constant 2.000000e-01 : f32
      %mul3A_171 = vector.broadcast %mul3A_170 : f32 to vector<16xf32>
      %mul3A_172 = arith.mulf %mul3A_171, %add3A_166 : vector<16xf32>
      %select_n3A_173 = arith.select %ge3A_169, %add3A_166, %mul3A_172 : vector<16xi1>, vector<16xf32>
      %exp3A_174 = math.exp %select_n3A_173 : vector<16xf32>
      %jit3A_175 = arith.constant 0.000000e+00 : f32
      %broadcast_in_dim3A_176 = vector.broadcast %jit3A_175 : f32 to vector<16xf32>
      %select_n3A_177 = arith.select %lt3A_116, %exp3A_174, %broadcast_in_dim3A_176 : vector<16xi1>, vector<16xf32>
      %mul3A_178 = arith.constant 16 : i32
      %mul3A_179 = vector.broadcast %mul3A_178 : i32 to vector<16xi32>
      %mul3A_180 = arith.muli %select_n3A_124, %mul3A_179 : vector<16xi32>
      %add3A_181 = arith.constant 1 : i32
      %add3A_182 = vector.broadcast %add3A_181 : i32 to vector<16xi32>
      %add3A_183 = arith.addi %mul3A_180, %add3A_182 : vector<16xi32>
      tpu.vector_store_idx %arg20[%add3A_183], %select_n3A_177 masked %lt3A_116 {add = true} : memref<256xf32, #tpu.memory_space<vmem>>[vector<16xi32>], vector<16xf32>, vector<16xi1>
      %swap3A_184 = arith.constant 16 : index
      %swap3A_185 = tpu.vector_load %arg17[%swap3A_184] {strides = array<i32>} : memref<128xf32, #tpu.memory_space<vmem>>, vector<16xf32>,
      tpu.vector_store %arg17[%swap3A_184], %select_n3A_177 {strides = array<i32>} : memref<128xf32, #tpu.memory_space<vmem>>, vector<16xf32>,
      %broadcast_in_dim3A_186 = arith.constant 2 : i32
      %broadcast_in_dim3A_187 = vector.broadcast %broadcast_in_dim3A_186 : i32 to vector<16xi32>
      %gather3A_188 = tpu.vector_load_idx %arg15[%iota3A, %broadcast_in_dim3A_187] : memref<16x128xf32, #tpu.memory_space<vmem>>[vector<16xi32>, vector<16xi32>], vector<16xf32>,
      %broadcast_in_dim3A_189 = arith.constant 10 : i32
      %broadcast_in_dim3A_190 = vector.broadcast %broadcast_in_dim3A_189 : i32 to vector<16xi32>
      %gather3A_191 = tpu.vector_load_idx %arg14[%select_n3A_124, %broadcast_in_dim3A_190] : memref<16x128xf32, #tpu.memory_space<vmem>>[vector<16xi32>, vector<16xi32>], vector<16xf32>,
      %add3A_192 = arith.addf %gather3A_188, %gather3A_191 : vector<16xf32>
      %ge3A_193 = arith.constant 0.000000e+00 : f32
      %ge3A_194 = vector.broadcast %ge3A_193 : f32 to vector<16xf32>
      %ge3A_195 = arith.cmpf oge, %add3A_192, %ge3A_194 : vector<16xf32>
      %mul3A_196 = arith.constant 2.000000e-01 : f32
      %mul3A_197 = vector.broadcast %mul3A_196 : f32 to vector<16xf32>
      %mul3A_198 = arith.mulf %mul3A_197, %add3A_192 : vector<16xf32>
      %select_n3A_199 = arith.select %ge3A_195, %add3A_192, %mul3A_198 : vector<16xi1>, vector<16xf32>
      %exp3A_200 = math.exp %select_n3A_199 : vector<16xf32>
      %jit3A_201 = arith.constant 0.000000e+00 : f32
      %broadcast_in_dim3A_202 = vector.broadcast %jit3A_201 : f32 to vector<16xf32>
      %select_n3A_203 = arith.select %lt3A_116, %exp3A_200, %broadcast_in_dim3A_202 : vector<16xi1>, vector<16xf32>
      %mul3A_204 = arith.constant 16 : i32
      %mul3A_205 = vector.broadcast %mul3A_204 : i32 to vector<16xi32>
      %mul3A_206 = arith.muli %select_n3A_124, %mul3A_205 : vector<16xi32>
      %add3A_207 = arith.constant 2 : i32
      %add3A_208 = vector.broadcast %add3A_207 : i32 to vector<16xi32>
      %add3A_209 = arith.addi %mul3A_206, %add3A_208 : vector<16xi32>
      tpu.vector_store_idx %arg20[%add3A_209], %select_n3A_203 masked %lt3A_116 {add = true} : memref<256xf32, #tpu.memory_space<vmem>>[vector<16xi32>], vector<16xf32>, vector<16xi1>
      %swap3A_210 = arith.constant 32 : index
      %swap3A_211 = tpu.vector_load %arg17[%swap3A_210] {strides = array<i32>} : memref<128xf32, #tpu.memory_space<vmem>>, vector<16xf32>,
      tpu.vector_store %arg17[%swap3A_210], %select_n3A_203 {strides = array<i32>} : memref<128xf32, #tpu.memory_space<vmem>>, vector<16xf32>,
      %broadcast_in_dim3A_212 = arith.constant 3 : i32
      %broadcast_in_dim3A_213 = vector.broadcast %broadcast_in_dim3A_212 : i32 to vector<16xi32>
      %gather3A_214 = tpu.vector_load_idx %arg15[%iota3A, %broadcast_in_dim3A_213] : memref<16x128xf32, #tpu.memory_space<vmem>>[vector<16xi32>, vector<16xi32>], vector<16xf32>,
      %broadcast_in_dim3A_215 = arith.constant 11 : i32
      %broadcast_in_dim3A_216 = vector.broadcast %broadcast_in_dim3A_215 : i32 to vector<16xi32>
      %gather3A_217 = tpu.vector_load_idx %arg14[%select_n3A_124, %broadcast_in_dim3A_216] : memref<16x128xf32, #tpu.memory_space<vmem>>[vector<16xi32>, vector<16xi32>], vector<16xf32>,
      %add3A_218 = arith.addf %gather3A_214, %gather3A_217 : vector<16xf32>
      %ge3A_219 = arith.constant 0.000000e+00 : f32
      %ge3A_220 = vector.broadcast %ge3A_219 : f32 to vector<16xf32>
      %ge3A_221 = arith.cmpf oge, %add3A_218, %ge3A_220 : vector<16xf32>
      %mul3A_222 = arith.constant 2.000000e-01 : f32
      %mul3A_223 = vector.broadcast %mul3A_222 : f32 to vector<16xf32>
      %mul3A_224 = arith.mulf %mul3A_223, %add3A_218 : vector<16xf32>
      %select_n3A_225 = arith.select %ge3A_221, %add3A_218, %mul3A_224 : vector<16xi1>, vector<16xf32>
      %exp3A_226 = math.exp %select_n3A_225 : vector<16xf32>
      %jit3A_227 = arith.constant 0.000000e+00 : f32
      %broadcast_in_dim3A_228 = vector.broadcast %jit3A_227 : f32 to vector<16xf32>
      %select_n3A_229 = arith.select %lt3A_116, %exp3A_226, %broadcast_in_dim3A_228 : vector<16xi1>, vector<16xf32>
      %mul3A_230 = arith.constant 16 : i32
      %mul3A_231 = vector.broadcast %mul3A_230 : i32 to vector<16xi32>
      %mul3A_232 = arith.muli %select_n3A_124, %mul3A_231 : vector<16xi32>
      %add3A_233 = arith.constant 3 : i32
      %add3A_234 = vector.broadcast %add3A_233 : i32 to vector<16xi32>
      %add3A_235 = arith.addi %mul3A_232, %add3A_234 : vector<16xi32>
      tpu.vector_store_idx %arg20[%add3A_235], %select_n3A_229 masked %lt3A_116 {add = true} : memref<256xf32, #tpu.memory_space<vmem>>[vector<16xi32>], vector<16xf32>, vector<16xi1>
      %swap3A_236 = arith.constant 48 : index
      %swap3A_237 = tpu.vector_load %arg17[%swap3A_236] {strides = array<i32>} : memref<128xf32, #tpu.memory_space<vmem>>, vector<16xf32>,
      tpu.vector_store %arg17[%swap3A_236], %select_n3A_229 {strides = array<i32>} : memref<128xf32, #tpu.memory_space<vmem>>, vector<16xf32>,
      %broadcast_in_dim3A_238 = arith.constant 4 : i32
      %broadcast_in_dim3A_239 = vector.broadcast %broadcast_in_dim3A_238 : i32 to vector<16xi32>
      %gather3A_240 = tpu.vector_load_idx %arg15[%iota3A, %broadcast_in_dim3A_239] : memref<16x128xf32, #tpu.memory_space<vmem>>[vector<16xi32>, vector<16xi32>], vector<16xf32>,
      %broadcast_in_dim3A_241 = arith.constant 12 : i32
      %broadcast_in_dim3A_242 = vector.broadcast %broadcast_in_dim3A_241 : i32 to vector<16xi32>
      %gather3A_243 = tpu.vector_load_idx %arg14[%select_n3A_124, %broadcast_in_dim3A_242] : memref<16x128xf32, #tpu.memory_space<vmem>>[vector<16xi32>, vector<16xi32>], vector<16xf32>,
      %add3A_244 = arith.addf %gather3A_240, %gather3A_243 : vector<16xf32>
      %ge3A_245 = arith.constant 0.000000e+00 : f32
      %ge3A_246 = vector.broadcast %ge3A_245 : f32 to vector<16xf32>
      %ge3A_247 = arith.cmpf oge, %add3A_244, %ge3A_246 : vector<16xf32>
      %mul3A_248 = arith.constant 2.000000e-01 : f32
      %mul3A_249 = vector.broadcast %mul3A_248 : f32 to vector<16xf32>
      %mul3A_250 = arith.mulf %mul3A_249, %add3A_244 : vector<16xf32>
      %select_n3A_251 = arith.select %ge3A_247, %add3A_244, %mul3A_250 : vector<16xi1>, vector<16xf32>
      %exp3A_252 = math.exp %select_n3A_251 : vector<16xf32>
      %jit3A_253 = arith.constant 0.000000e+00 : f32
      %broadcast_in_dim3A_254 = vector.broadcast %jit3A_253 : f32 to vector<16xf32>
      %select_n3A_255 = arith.select %lt3A_116, %exp3A_252, %broadcast_in_dim3A_254 : vector<16xi1>, vector<16xf32>
      %mul3A_256 = arith.constant 16 : i32
      %mul3A_257 = vector.broadcast %mul3A_256 : i32 to vector<16xi32>
      %mul3A_258 = arith.muli %select_n3A_124, %mul3A_257 : vector<16xi32>
      %add3A_259 = arith.constant 4 : i32
      %add3A_260 = vector.broadcast %add3A_259 : i32 to vector<16xi32>
      %add3A_261 = arith.addi %mul3A_258, %add3A_260 : vector<16xi32>
      tpu.vector_store_idx %arg20[%add3A_261], %select_n3A_255 masked %lt3A_116 {add = true} : memref<256xf32, #tpu.memory_space<vmem>>[vector<16xi32>], vector<16xf32>, vector<16xi1>
      %swap3A_262 = arith.constant 64 : index
      %swap3A_263 = tpu.vector_load %arg17[%swap3A_262] {strides = array<i32>} : memref<128xf32, #tpu.memory_space<vmem>>, vector<16xf32>,
      tpu.vector_store %arg17[%swap3A_262], %select_n3A_255 {strides = array<i32>} : memref<128xf32, #tpu.memory_space<vmem>>, vector<16xf32>,
      %broadcast_in_dim3A_264 = arith.constant 5 : i32
      %broadcast_in_dim3A_265 = vector.broadcast %broadcast_in_dim3A_264 : i32 to vector<16xi32>
      %gather3A_266 = tpu.vector_load_idx %arg15[%iota3A, %broadcast_in_dim3A_265] : memref<16x128xf32, #tpu.memory_space<vmem>>[vector<16xi32>, vector<16xi32>], vector<16xf32>,
      %broadcast_in_dim3A_267 = arith.constant 13 : i32
      %broadcast_in_dim3A_268 = vector.broadcast %broadcast_in_dim3A_267 : i32 to vector<16xi32>
      %gather3A_269 = tpu.vector_load_idx %arg14[%select_n3A_124, %broadcast_in_dim3A_268] : memref<16x128xf32, #tpu.memory_space<vmem>>[vector<16xi32>, vector<16xi32>], vector<16xf32>,
      %add3A_270 = arith.addf %gather3A_266, %gather3A_269 : vector<16xf32>
      %ge3A_271 = arith.constant 0.000000e+00 : f32
      %ge3A_272 = vector.broadcast %ge3A_271 : f32 to vector<16xf32>
      %ge3A_273 = arith.cmpf oge, %add3A_270, %ge3A_272 : vector<16xf32>
      %mul3A_274 = arith.constant 2.000000e-01 : f32
      %mul3A_275 = vector.broadcast %mul3A_274 : f32 to vector<16xf32>
      %mul3A_276 = arith.mulf %mul3A_275, %add3A_270 : vector<16xf32>
      %select_n3A_277 = arith.select %ge3A_273, %add3A_270, %mul3A_276 : vector<16xi1>, vector<16xf32>
      %exp3A_278 = math.exp %select_n3A_277 : vector<16xf32>
      %jit3A_279 = arith.constant 0.000000e+00 : f32
      %broadcast_in_dim3A_280 = vector.broadcast %jit3A_279 : f32 to vector<16xf32>
      %select_n3A_281 = arith.select %lt3A_116, %exp3A_278, %broadcast_in_dim3A_280 : vector<16xi1>, vector<16xf32>
      %mul3A_282 = arith.constant 16 : i32
      %mul3A_283 = vector.broadcast %mul3A_282 : i32 to vector<16xi32>
      %mul3A_284 = arith.muli %select_n3A_124, %mul3A_283 : vector<16xi32>
      %add3A_285 = arith.constant 5 : i32
      %add3A_286 = vector.broadcast %add3A_285 : i32 to vector<16xi32>
      %add3A_287 = arith.addi %mul3A_284, %add3A_286 : vector<16xi32>
      tpu.vector_store_idx %arg20[%add3A_287], %select_n3A_281 masked %lt3A_116 {add = true} : memref<256xf32, #tpu.memory_space<vmem>>[vector<16xi32>], vector<16xf32>, vector<16xi1>
      %swap3A_288 = arith.constant 80 : index
      %swap3A_289 = tpu.vector_load %arg17[%swap3A_288] {strides = array<i32>} : memref<128xf32, #tpu.memory_space<vmem>>, vector<16xf32>,
      tpu.vector_store %arg17[%swap3A_288], %select_n3A_281 {strides = array<i32>} : memref<128xf32, #tpu.memory_space<vmem>>, vector<16xf32>,
      %broadcast_in_dim3A_290 = arith.constant 6 : i32
      %broadcast_in_dim3A_291 = vector.broadcast %broadcast_in_dim3A_290 : i32 to vector<16xi32>
      %gather3A_292 = tpu.vector_load_idx %arg15[%iota3A, %broadcast_in_dim3A_291] : memref<16x128xf32, #tpu.memory_space<vmem>>[vector<16xi32>, vector<16xi32>], vector<16xf32>,
      %broadcast_in_dim3A_293 = arith.constant 14 : i32
      %broadcast_in_dim3A_294 = vector.broadcast %broadcast_in_dim3A_293 : i32 to vector<16xi32>
      %gather3A_295 = tpu.vector_load_idx %arg14[%select_n3A_124, %broadcast_in_dim3A_294] : memref<16x128xf32, #tpu.memory_space<vmem>>[vector<16xi32>, vector<16xi32>], vector<16xf32>,
      %add3A_296 = arith.addf %gather3A_292, %gather3A_295 : vector<16xf32>
      %ge3A_297 = arith.constant 0.000000e+00 : f32
      %ge3A_298 = vector.broadcast %ge3A_297 : f32 to vector<16xf32>
      %ge3A_299 = arith.cmpf oge, %add3A_296, %ge3A_298 : vector<16xf32>
      %mul3A_300 = arith.constant 2.000000e-01 : f32
      %mul3A_301 = vector.broadcast %mul3A_300 : f32 to vector<16xf32>
      %mul3A_302 = arith.mulf %mul3A_301, %add3A_296 : vector<16xf32>
      %select_n3A_303 = arith.select %ge3A_299, %add3A_296, %mul3A_302 : vector<16xi1>, vector<16xf32>
      %exp3A_304 = math.exp %select_n3A_303 : vector<16xf32>
      %jit3A_305 = arith.constant 0.000000e+00 : f32
      %broadcast_in_dim3A_306 = vector.broadcast %jit3A_305 : f32 to vector<16xf32>
      %select_n3A_307 = arith.select %lt3A_116, %exp3A_304, %broadcast_in_dim3A_306 : vector<16xi1>, vector<16xf32>
      %mul3A_308 = arith.constant 16 : i32
      %mul3A_309 = vector.broadcast %mul3A_308 : i32 to vector<16xi32>
      %mul3A_310 = arith.muli %select_n3A_124, %mul3A_309 : vector<16xi32>
      %add3A_311 = arith.constant 6 : i32
      %add3A_312 = vector.broadcast %add3A_311 : i32 to vector<16xi32>
      %add3A_313 = arith.addi %mul3A_310, %add3A_312 : vector<16xi32>
      tpu.vector_store_idx %arg20[%add3A_313], %select_n3A_307 masked %lt3A_116 {add = true} : memref<256xf32, #tpu.memory_space<vmem>>[vector<16xi32>], vector<16xf32>, vector<16xi1>
      %swap3A_314 = arith.constant 96 : index
      %swap3A_315 = tpu.vector_load %arg17[%swap3A_314] {strides = array<i32>} : memref<128xf32, #tpu.memory_space<vmem>>, vector<16xf32>,
      tpu.vector_store %arg17[%swap3A_314], %select_n3A_307 {strides = array<i32>} : memref<128xf32, #tpu.memory_space<vmem>>, vector<16xf32>,
      %broadcast_in_dim3A_316 = arith.constant 7 : i32
      %broadcast_in_dim3A_317 = vector.broadcast %broadcast_in_dim3A_316 : i32 to vector<16xi32>
      %gather3A_318 = tpu.vector_load_idx %arg15[%iota3A, %broadcast_in_dim3A_317] : memref<16x128xf32, #tpu.memory_space<vmem>>[vector<16xi32>, vector<16xi32>], vector<16xf32>,
      %broadcast_in_dim3A_319 = arith.constant 15 : i32
      %broadcast_in_dim3A_320 = vector.broadcast %broadcast_in_dim3A_319 : i32 to vector<16xi32>
      %gather3A_321 = tpu.vector_load_idx %arg14[%select_n3A_124, %broadcast_in_dim3A_320] : memref<16x128xf32, #tpu.memory_space<vmem>>[vector<16xi32>, vector<16xi32>], vector<16xf32>,
      %add3A_322 = arith.addf %gather3A_318, %gather3A_321 : vector<16xf32>
      %ge3A_323 = arith.constant 0.000000e+00 : f32
      %ge3A_324 = vector.broadcast %ge3A_323 : f32 to vector<16xf32>
      %ge3A_325 = arith.cmpf oge, %add3A_322, %ge3A_324 : vector<16xf32>
      %mul3A_326 = arith.constant 2.000000e-01 : f32
      %mul3A_327 = vector.broadcast %mul3A_326 : f32 to vector<16xf32>
      %mul3A_328 = arith.mulf %mul3A_327, %add3A_322 : vector<16xf32>
      %select_n3A_329 = arith.select %ge3A_325, %add3A_322, %mul3A_328 : vector<16xi1>, vector<16xf32>
      %exp3A_330 = math.exp %select_n3A_329 : vector<16xf32>
      %jit3A_331 = arith.constant 0.000000e+00 : f32
      %broadcast_in_dim3A_332 = vector.broadcast %jit3A_331 : f32 to vector<16xf32>
      %select_n3A_333 = arith.select %lt3A_116, %exp3A_330, %broadcast_in_dim3A_332 : vector<16xi1>, vector<16xf32>
      %mul3A_334 = arith.constant 16 : i32
      %mul3A_335 = vector.broadcast %mul3A_334 : i32 to vector<16xi32>
      %mul3A_336 = arith.muli %select_n3A_124, %mul3A_335 : vector<16xi32>
      %add3A_337 = arith.constant 7 : i32
      %add3A_338 = vector.broadcast %add3A_337 : i32 to vector<16xi32>
      %add3A_339 = arith.addi %mul3A_336, %add3A_338 : vector<16xi32>
      tpu.vector_store_idx %arg20[%add3A_339], %select_n3A_333 masked %lt3A_116 {add = true} : memref<256xf32, #tpu.memory_space<vmem>>[vector<16xi32>], vector<16xf32>, vector<16xi1>
      %swap3A_340 = arith.constant 112 : index
      %swap3A_341 = tpu.vector_load %arg17[%swap3A_340] {strides = array<i32>} : memref<128xf32, #tpu.memory_space<vmem>>, vector<16xf32>,
      tpu.vector_store %arg17[%swap3A_340], %select_n3A_333 {strides = array<i32>} : memref<128xf32, #tpu.memory_space<vmem>>, vector<16xf32>,
      %dma_wait3A_342 = arith.constant 0 : i32
      %dma_wait3A_343 = arith.constant 0 : i32
      %dma_wait3A_344 = tpu.memref_slice %arg5[%dma_wait3A_342, %dma_wait3A_343] : memref<10000x256xf32, #tpu.memory_space<hbm>> -> memref<10000x256xf32, #tpu.memory_space<hbm>>
      tpu.wait_indirect_dma semaphore(%arg21 : memref<!tpu.dma_semaphore, #tpu.memory_space<semaphore_mem>>) src(%dma_wait3A_344 : memref<10000x256xf32, #tpu.memory_space<hbm>>) dst(%arg16 : memref<16x256xf32, #tpu.memory_space<vmem>>)
      %lt3A_345 = arith.cmpi slt, %mul3A_113, %reduce_max3A_94 : i32
      %convert_element_type3A_346 = arith.extui %lt3A_345 : i1 to i32
      %cond3A_347 = arith.constant 0 : i32
      %cond3A_348 = arith.cmpi ne, %convert_element_type3A_346, %cond3A_347 : i32
      scf.if %cond3A_348 {
        %sub3A = arith.subi %reduce_max3A_94, %mul3A_113 : i32
        %min3A = arith.constant 16 : i32
        %min3A_350 = arith.minsi %sub3A, %min3A : i32
        %while3A_351 = arith.constant 0 : i32
        %while3A_352 = arith.constant 0 : i32
        %while3A_353 = arith.subi %min3A_350, %while3A_351 : i32
        %while3A_354 = arith.addi %while3A_351, %while3A_353 : i32
        %while3A_355 = arith.constant 1 : i32
        %while3A_356 = arith.divsi %while3A_353, %while3A_355 : i32
        %while3A_357 = arith.muli %while3A_356, %while3A_355 : i32
        %while3A_358 = arith.addi %while3A_351, %while3A_357 : i32
        %while3A_359 = arith.constant 1 : i32
        %while3A_360 = scf.for %while3A_363 = %while3A_351 to %while3A_358 step %while3A_359 iter_args(%while3A_364 = %while3A_352) -> (i32)  : i32 {
          %add3A_365 = arith.addi %mul3A_113, %while3A_363 : i32
          %broadcast_in_dim3A_366 = vector.broadcast %add3A_365 : i32 to vector<16xi32>
          %gather3A_367 = tpu.vector_load_idx %arg12[%broadcast_in_dim3A_366] : memref<10000xi32, #tpu.memory_space<vmem>>[vector<16xi32>], vector<16xi32>,
          %mul3A_368 = arith.constant 2048 : i32
          %mul3A_369 = vector.broadcast %mul3A_368 : i32 to vector<16xi32>
          %mul3A_370 = arith.muli %gather3A_367, %mul3A_369 : vector<16xi32>
          %add3A_371 = arith.addi %mul3A_370, %iota3A : vector<16xi32>
          %add3A_372 = arith.constant 0 : i32
          %add3A_373 = arith.addi %add3A_372, %while3A_363 : i32
          %broadcast_in_dim3A_374 = vector.broadcast %add3A_373 : i32 to vector<16xi32>
          %gather3A_375 = tpu.vector_load_idx %arg17[%broadcast_in_dim3A_374] : memref<128xf32, #tpu.memory_space<vmem>>[vector<16xi32>], vector<16xf32>,
          %add3A_376 = arith.constant 16 : i32
          %add3A_377 = arith.addi %add3A_376, %while3A_363 : i32
          %broadcast_in_dim3A_378 = vector.broadcast %add3A_377 : i32 to vector<16xi32>
          %gather3A_379 = tpu.vector_load_idx %arg17[%broadcast_in_dim3A_378] : memref<128xf32, #tpu.memory_space<vmem>>[vector<16xi32>], vector<16xf32>,
          %add3A_380 = arith.constant 32 : i32
          %add3A_381 = arith.addi %add3A_380, %while3A_363 : i32
          %broadcast_in_dim3A_382 = vector.broadcast %add3A_381 : i32 to vector<16xi32>
          %gather3A_383 = tpu.vector_load_idx %arg17[%broadcast_in_dim3A_382] : memref<128xf32, #tpu.memory_space<vmem>>[vector<16xi32>], vector<16xf32>,
          %add3A_384 = arith.constant 48 : i32
          %add3A_385 = arith.addi %add3A_384, %while3A_363 : i32
          %broadcast_in_dim3A_386 = vector.broadcast %add3A_385 : i32 to vector<16xi32>
          %gather3A_387 = tpu.vector_load_idx %arg17[%broadcast_in_dim3A_386] : memref<128xf32, #tpu.memory_space<vmem>>[vector<16xi32>], vector<16xf32>,
          %add3A_388 = arith.constant 64 : i32
          %add3A_389 = arith.addi %add3A_388, %while3A_363 : i32
          %broadcast_in_dim3A_390 = vector.broadcast %add3A_389 : i32 to vector<16xi32>
          %gather3A_391 = tpu.vector_load_idx %arg17[%broadcast_in_dim3A_390] : memref<128xf32, #tpu.memory_space<vmem>>[vector<16xi32>], vector<16xf32>,
          %add3A_392 = arith.constant 80 : i32
          %add3A_393 = arith.addi %add3A_392, %while3A_363 : i32
          %broadcast_in_dim3A_394 = vector.broadcast %add3A_393 : i32 to vector<16xi32>
          %gather3A_395 = tpu.vector_load_idx %arg17[%broadcast_in_dim3A_394] : memref<128xf32, #tpu.memory_space<vmem>>[vector<16xi32>], vector<16xf32>,
          %add3A_396 = arith.constant 96 : i32
          %add3A_397 = arith.addi %add3A_396, %while3A_363 : i32
          %broadcast_in_dim3A_398 = vector.broadcast %add3A_397 : i32 to vector<16xi32>
          %gather3A_399 = tpu.vector_load_idx %arg17[%broadcast_in_dim3A_398] : memref<128xf32, #tpu.memory_space<vmem>>[vector<16xi32>], vector<16xf32>,
          %add3A_400 = arith.constant 112 : i32
          %add3A_401 = arith.addi %add3A_400, %while3A_363 : i32
          %broadcast_in_dim3A_402 = vector.broadcast %add3A_401 : i32 to vector<16xi32>
          %gather3A_403 = tpu.vector_load_idx %arg17[%broadcast_in_dim3A_402] : memref<128xf32, #tpu.memory_space<vmem>>[vector<16xi32>], vector<16xf32>,
          %get3A_404 = arith.index_cast %while3A_363 : i32 to index
          %get3A_405 = arith.constant 0 : index
          %get3A_406 = tpu.vector_load %arg16[%get3A_404, %get3A_405] {strides = array<i32>} : memref<16x256xf32, #tpu.memory_space<vmem>>, vector<16xf32>,
          %add3A_407 = arith.constant 0 : i32
          %add3A_408 = vector.broadcast %add3A_407 : i32 to vector<16xi32>
          %add3A_409 = arith.addi %add3A_371, %add3A_408 : vector<16xi32>
          %mul3A_410 = arith.mulf %gather3A_375, %get3A_406 : vector<16xf32>
          tpu.vector_store_idx %arg19[%add3A_409], %mul3A_410 {add = true} : memref<32768xf32, #tpu.memory_space<vmem>>[vector<16xi32>], vector<16xf32>,
          %add3A_411 = arith.constant 256 : i32
          %add3A_412 = vector.broadcast %add3A_411 : i32 to vector<16xi32>
          %add3A_413 = arith.addi %add3A_371, %add3A_412 : vector<16xi32>
          %mul3A_414 = arith.mulf %gather3A_379, %get3A_406 : vector<16xf32>
          tpu.vector_store_idx %arg19[%add3A_413], %mul3A_414 {add = true} : memref<32768xf32, #tpu.memory_space<vmem>>[vector<16xi32>], vector<16xf32>,
          %add3A_415 = arith.constant 512 : i32
          %add3A_416 = vector.broadcast %add3A_415 : i32 to vector<16xi32>
          %add3A_417 = arith.addi %add3A_371, %add3A_416 : vector<16xi32>
          %mul3A_418 = arith.mulf %gather3A_383, %get3A_406 : vector<16xf32>
          tpu.vector_store_idx %arg19[%add3A_417], %mul3A_418 {add = true} : memref<32768xf32, #tpu.memory_space<vmem>>[vector<16xi32>], vector<16xf32>,
          %add3A_419 = arith.constant 768 : i32
          %add3A_420 = vector.broadcast %add3A_419 : i32 to vector<16xi32>
          %add3A_421 = arith.addi %add3A_371, %add3A_420 : vector<16xi32>
          %mul3A_422 = arith.mulf %gather3A_387, %get3A_406 : vector<16xf32>
          tpu.vector_store_idx %arg19[%add3A_421], %mul3A_422 {add = true} : memref<32768xf32, #tpu.memory_space<vmem>>[vector<16xi32>], vector<16xf32>,
          %add3A_423 = arith.constant 1024 : i32
          %add3A_424 = vector.broadcast %add3A_423 : i32 to vector<16xi32>
          %add3A_425 = arith.addi %add3A_371, %add3A_424 : vector<16xi32>
          %mul3A_426 = arith.mulf %gather3A_391, %get3A_406 : vector<16xf32>
          tpu.vector_store_idx %arg19[%add3A_425], %mul3A_426 {add = true} : memref<32768xf32, #tpu.memory_space<vmem>>[vector<16xi32>], vector<16xf32>,
          %add3A_427 = arith.constant 1280 : i32
          %add3A_428 = vector.broadcast %add3A_427 : i32 to vector<16xi32>
          %add3A_429 = arith.addi %add3A_371, %add3A_428 : vector<16xi32>
          %mul3A_430 = arith.mulf %gather3A_395, %get3A_406 : vector<16xf32>
          tpu.vector_store_idx %arg19[%add3A_429], %mul3A_430 {add = true} : memref<32768xf32, #tpu.memory_space<vmem>>[vector<16xi32>], vector<16xf32>,
          %add3A_431 = arith.constant 1536 : i32
          %add3A_432 = vector.broadcast %add3A_431 : i32 to vector<16xi32>
          %add3A_433 = arith.addi %add3A_371, %add3A_432 : vector<16xi32>
          %mul3A_434 = arith.mulf %gather3A_399, %get3A_406 : vector<16xf32>
          tpu.vector_store_idx %arg19[%add3A_433], %mul3A_434 {add = true} : memref<32768xf32, #tpu.memory_space<vmem>>[vector<16xi32>], vector<16xf32>,
          %add3A_435 = arith.constant 1792 : i32
          %add3A_436 = vector.broadcast %add3A_435 : i32 to vector<16xi32>
          %add3A_437 = arith.addi %add3A_371, %add3A_436 : vector<16xi32>
          %mul3A_438 = arith.mulf %gather3A_403, %get3A_406 : vector<16xf32>
          tpu.vector_store_idx %arg19[%add3A_437], %mul3A_438 {add = true} : memref<32768xf32, #tpu.memory_space<vmem>>[vector<16xi32>], vector<16xf32>,
          %get3A_439 = arith.index_cast %while3A_363 : i32 to index
          %get3A_440 = arith.constant 16 : index
          %get3A_441 = tpu.vector_load %arg16[%get3A_439, %get3A_440] {strides = array<i32>} : memref<16x256xf32, #tpu.memory_space<vmem>>, vector<16xf32>,
          %add3A_442 = arith.constant 16 : i32
          %add3A_443 = vector.broadcast %add3A_442 : i32 to vector<16xi32>
          %add3A_444 = arith.addi %add3A_371, %add3A_443 : vector<16xi32>
          %mul3A_445 = arith.mulf %gather3A_375, %get3A_441 : vector<16xf32>
          tpu.vector_store_idx %arg19[%add3A_444], %mul3A_445 {add = true} : memref<32768xf32, #tpu.memory_space<vmem>>[vector<16xi32>], vector<16xf32>,
          %add3A_446 = arith.constant 272 : i32
          %add3A_447 = vector.broadcast %add3A_446 : i32 to vector<16xi32>
          %add3A_448 = arith.addi %add3A_371, %add3A_447 : vector<16xi32>
          %mul3A_449 = arith.mulf %gather3A_379, %get3A_441 : vector<16xf32>
          tpu.vector_store_idx %arg19[%add3A_448], %mul3A_449 {add = true} : memref<32768xf32, #tpu.memory_space<vmem>>[vector<16xi32>], vector<16xf32>,
          %add3A_450 = arith.constant 528 : i32
          %add3A_451 = vector.broadcast %add3A_450 : i32 to vector<16xi32>
          %add3A_452 = arith.addi %add3A_371, %add3A_451 : vector<16xi32>
          %mul3A_453 = arith.mulf %gather3A_383, %get3A_441 : vector<16xf32>
          tpu.vector_store_idx %arg19[%add3A_452], %mul3A_453 {add = true} : memref<32768xf32, #tpu.memory_space<vmem>>[vector<16xi32>], vector<16xf32>,
          %add3A_454 = arith.constant 784 : i32
          %add3A_455 = vector.broadcast %add3A_454 : i32 to vector<16xi32>
          %add3A_456 = arith.addi %add3A_371, %add3A_455 : vector<16xi32>
          %mul3A_457 = arith.mulf %gather3A_387, %get3A_441 : vector<16xf32>
          tpu.vector_store_idx %arg19[%add3A_456], %mul3A_457 {add = true} : memref<32768xf32, #tpu.memory_space<vmem>>[vector<16xi32>], vector<16xf32>,
          %add3A_458 = arith.constant 1040 : i32
          %add3A_459 = vector.broadcast %add3A_458 : i32 to vector<16xi32>
          %add3A_460 = arith.addi %add3A_371, %add3A_459 : vector<16xi32>
          %mul3A_461 = arith.mulf %gather3A_391, %get3A_441 : vector<16xf32>
          tpu.vector_store_idx %arg19[%add3A_460], %mul3A_461 {add = true} : memref<32768xf32, #tpu.memory_space<vmem>>[vector<16xi32>], vector<16xf32>,
          %add3A_462 = arith.constant 1296 : i32
          %add3A_463 = vector.broadcast %add3A_462 : i32 to vector<16xi32>
          %add3A_464 = arith.addi %add3A_371, %add3A_463 : vector<16xi32>
          %mul3A_465 = arith.mulf %gather3A_395, %get3A_441 : vector<16xf32>
          tpu.vector_store_idx %arg19[%add3A_464], %mul3A_465 {add = true} : memref<32768xf32, #tpu.memory_space<vmem>>[vector<16xi32>], vector<16xf32>,
          %add3A_466 = arith.constant 1552 : i32
          %add3A_467 = vector.broadcast %add3A_466 : i32 to vector<16xi32>
          %add3A_468 = arith.addi %add3A_371, %add3A_467 : vector<16xi32>
          %mul3A_469 = arith.mulf %gather3A_399, %get3A_441 : vector<16xf32>
          tpu.vector_store_idx %arg19[%add3A_468], %mul3A_469 {add = true} : memref<32768xf32, #tpu.memory_space<vmem>>[vector<16xi32>], vector<16xf32>,
          %add3A_470 = arith.constant 1808 : i32
          %add3A_471 = vector.broadcast %add3A_470 : i32 to vector<16xi32>
          %add3A_472 = arith.addi %add3A_371, %add3A_471 : vector<16xi32>
          %mul3A_473 = arith.mulf %gather3A_403, %get3A_441 : vector<16xf32>
          tpu.vector_store_idx %arg19[%add3A_472], %mul3A_473 {add = true} : memref<32768xf32, #tpu.memory_space<vmem>>[vector<16xi32>], vector<16xf32>,
          %get3A_474 = arith.index_cast %while3A_363 : i32 to index
          %get3A_475 = arith.constant 32 : index
          %get3A_476 = tpu.vector_load %arg16[%get3A_474, %get3A_475] {strides = array<i32>} : memref<16x256xf32, #tpu.memory_space<vmem>>, vector<16xf32>,
          %add3A_477 = arith.constant 32 : i32
          %add3A_478 = vector.broadcast %add3A_477 : i32 to vector<16xi32>
          %add3A_479 = arith.addi %add3A_371, %add3A_478 : vector<16xi32>
          %mul3A_480 = arith.mulf %gather3A_375, %get3A_476 : vector<16xf32>
          tpu.vector_store_idx %arg19[%add3A_479], %mul3A_480 {add = true} : memref<32768xf32, #tpu.memory_space<vmem>>[vector<16xi32>], vector<16xf32>,
          %add3A_481 = arith.constant 288 : i32
          %add3A_482 = vector.broadcast %add3A_481 : i32 to vector<16xi32>
          %add3A_483 = arith.addi %add3A_371, %add3A_482 : vector<16xi32>
          %mul3A_484 = arith.mulf %gather3A_379, %get3A_476 : vector<16xf32>
          tpu.vector_store_idx %arg19[%add3A_483], %mul3A_484 {add = true} : memref<32768xf32, #tpu.memory_space<vmem>>[vector<16xi32>], vector<16xf32>,
          %add3A_485 = arith.constant 544 : i32
          %add3A_486 = vector.broadcast %add3A_485 : i32 to vector<16xi32>
          %add3A_487 = arith.addi %add3A_371, %add3A_486 : vector<16xi32>
          %mul3A_488 = arith.mulf %gather3A_383, %get3A_476 : vector<16xf32>
          tpu.vector_store_idx %arg19[%add3A_487], %mul3A_488 {add = true} : memref<32768xf32, #tpu.memory_space<vmem>>[vector<16xi32>], vector<16xf32>,
          %add3A_489 = arith.constant 800 : i32
          %add3A_490 = vector.broadcast %add3A_489 : i32 to vector<16xi32>
          %add3A_491 = arith.addi %add3A_371, %add3A_490 : vector<16xi32>
          %mul3A_492 = arith.mulf %gather3A_387, %get3A_476 : vector<16xf32>
          tpu.vector_store_idx %arg19[%add3A_491], %mul3A_492 {add = true} : memref<32768xf32, #tpu.memory_space<vmem>>[vector<16xi32>], vector<16xf32>,
          %add3A_493 = arith.constant 1056 : i32
          %add3A_494 = vector.broadcast %add3A_493 : i32 to vector<16xi32>
          %add3A_495 = arith.addi %add3A_371, %add3A_494 : vector<16xi32>
          %mul3A_496 = arith.mulf %gather3A_391, %get3A_476 : vector<16xf32>
          tpu.vector_store_idx %arg19[%add3A_495], %mul3A_496 {add = true} : memref<32768xf32, #tpu.memory_space<vmem>>[vector<16xi32>], vector<16xf32>,
          %add3A_497 = arith.constant 1312 : i32
          %add3A_498 = vector.broadcast %add3A_497 : i32 to vector<16xi32>
          %add3A_499 = arith.addi %add3A_371, %add3A_498 : vector<16xi32>
          %mul3A_500 = arith.mulf %gather3A_395, %get3A_476 : vector<16xf32>
          tpu.vector_store_idx %arg19[%add3A_499], %mul3A_500 {add = true} : memref<32768xf32, #tpu.memory_space<vmem>>[vector<16xi32>], vector<16xf32>,
          %add3A_501 = arith.constant 1568 : i32
          %add3A_502 = vector.broadcast %add3A_501 : i32 to vector<16xi32>
          %add3A_503 = arith.addi %add3A_371, %add3A_502 : vector<16xi32>
          %mul3A_504 = arith.mulf %gather3A_399, %get3A_476 : vector<16xf32>
          tpu.vector_store_idx %arg19[%add3A_503], %mul3A_504 {add = true} : memref<32768xf32, #tpu.memory_space<vmem>>[vector<16xi32>], vector<16xf32>,
          %add3A_505 = arith.constant 1824 : i32
          %add3A_506 = vector.broadcast %add3A_505 : i32 to vector<16xi32>
          %add3A_507 = arith.addi %add3A_371, %add3A_506 : vector<16xi32>
          %mul3A_508 = arith.mulf %gather3A_403, %get3A_476 : vector<16xf32>
          tpu.vector_store_idx %arg19[%add3A_507], %mul3A_508 {add = true} : memref<32768xf32, #tpu.memory_space<vmem>>[vector<16xi32>], vector<16xf32>,
          %get3A_509 = arith.index_cast %while3A_363 : i32 to index
          %get3A_510 = arith.constant 48 : index
          %get3A_511 = tpu.vector_load %arg16[%get3A_509, %get3A_510] {strides = array<i32>} : memref<16x256xf32, #tpu.memory_space<vmem>>, vector<16xf32>,
          %add3A_512 = arith.constant 48 : i32
          %add3A_513 = vector.broadcast %add3A_512 : i32 to vector<16xi32>
          %add3A_514 = arith.addi %add3A_371, %add3A_513 : vector<16xi32>
          %mul3A_515 = arith.mulf %gather3A_375, %get3A_511 : vector<16xf32>
          tpu.vector_store_idx %arg19[%add3A_514], %mul3A_515 {add = true} : memref<32768xf32, #tpu.memory_space<vmem>>[vector<16xi32>], vector<16xf32>,
          %add3A_516 = arith.constant 304 : i32
          %add3A_517 = vector.broadcast %add3A_516 : i32 to vector<16xi32>
          %add3A_518 = arith.addi %add3A_371, %add3A_517 : vector<16xi32>
          %mul3A_519 = arith.mulf %gather3A_379, %get3A_511 : vector<16xf32>
          tpu.vector_store_idx %arg19[%add3A_518], %mul3A_519 {add = true} : memref<32768xf32, #tpu.memory_space<vmem>>[vector<16xi32>], vector<16xf32>,
          %add3A_520 = arith.constant 560 : i32
          %add3A_521 = vector.broadcast %add3A_520 : i32 to vector<16xi32>
          %add3A_522 = arith.addi %add3A_371, %add3A_521 : vector<16xi32>
          %mul3A_523 = arith.mulf %gather3A_383, %get3A_511 : vector<16xf32>
          tpu.vector_store_idx %arg19[%add3A_522], %mul3A_523 {add = true} : memref<32768xf32, #tpu.memory_space<vmem>>[vector<16xi32>], vector<16xf32>,
          %add3A_524 = arith.constant 816 : i32
          %add3A_525 = vector.broadcast %add3A_524 : i32 to vector<16xi32>
          %add3A_526 = arith.addi %add3A_371, %add3A_525 : vector<16xi32>
          %mul3A_527 = arith.mulf %gather3A_387, %get3A_511 : vector<16xf32>
          tpu.vector_store_idx %arg19[%add3A_526], %mul3A_527 {add = true} : memref<32768xf32, #tpu.memory_space<vmem>>[vector<16xi32>], vector<16xf32>,
          %add3A_528 = arith.constant 1072 : i32
          %add3A_529 = vector.broadcast %add3A_528 : i32 to vector<16xi32>
          %add3A_530 = arith.addi %add3A_371, %add3A_529 : vector<16xi32>
          %mul3A_531 = arith.mulf %gather3A_391, %get3A_511 : vector<16xf32>
          tpu.vector_store_idx %arg19[%add3A_530], %mul3A_531 {add = true} : memref<32768xf32, #tpu.memory_space<vmem>>[vector<16xi32>], vector<16xf32>,
          %add3A_532 = arith.constant 1328 : i32
          %add3A_533 = vector.broadcast %add3A_532 : i32 to vector<16xi32>
          %add3A_534 = arith.addi %add3A_371, %add3A_533 : vector<16xi32>
          %mul3A_535 = arith.mulf %gather3A_395, %get3A_511 : vector<16xf32>
          tpu.vector_store_idx %arg19[%add3A_534], %mul3A_535 {add = true} : memref<32768xf32, #tpu.memory_space<vmem>>[vector<16xi32>], vector<16xf32>,
          %add3A_536 = arith.constant 1584 : i32
          %add3A_537 = vector.broadcast %add3A_536 : i32 to vector<16xi32>
          %add3A_538 = arith.addi %add3A_371, %add3A_537 : vector<16xi32>
          %mul3A_539 = arith.mulf %gather3A_399, %get3A_511 : vector<16xf32>
          tpu.vector_store_idx %arg19[%add3A_538], %mul3A_539 {add = true} : memref<32768xf32, #tpu.memory_space<vmem>>[vector<16xi32>], vector<16xf32>,
          %add3A_540 = arith.constant 1840 : i32
          %add3A_541 = vector.broadcast %add3A_540 : i32 to vector<16xi32>
          %add3A_542 = arith.addi %add3A_371, %add3A_541 : vector<16xi32>
          %mul3A_543 = arith.mulf %gather3A_403, %get3A_511 : vector<16xf32>
          tpu.vector_store_idx %arg19[%add3A_542], %mul3A_543 {add = true} : memref<32768xf32, #tpu.memory_space<vmem>>[vector<16xi32>], vector<16xf32>,
          %get3A_544 = arith.index_cast %while3A_363 : i32 to index
          %get3A_545 = arith.constant 64 : index
          %get3A_546 = tpu.vector_load %arg16[%get3A_544, %get3A_545] {strides = array<i32>} : memref<16x256xf32, #tpu.memory_space<vmem>>, vector<16xf32>,
          %add3A_547 = arith.constant 64 : i32
          %add3A_548 = vector.broadcast %add3A_547 : i32 to vector<16xi32>
          %add3A_549 = arith.addi %add3A_371, %add3A_548 : vector<16xi32>
          %mul3A_550 = arith.mulf %gather3A_375, %get3A_546 : vector<16xf32>
          tpu.vector_store_idx %arg19[%add3A_549], %mul3A_550 {add = true} : memref<32768xf32, #tpu.memory_space<vmem>>[vector<16xi32>], vector<16xf32>,
          %add3A_551 = arith.constant 320 : i32
          %add3A_552 = vector.broadcast %add3A_551 : i32 to vector<16xi32>
          %add3A_553 = arith.addi %add3A_371, %add3A_552 : vector<16xi32>
          %mul3A_554 = arith.mulf %gather3A_379, %get3A_546 : vector<16xf32>
          tpu.vector_store_idx %arg19[%add3A_553], %mul3A_554 {add = true} : memref<32768xf32, #tpu.memory_space<vmem>>[vector<16xi32>], vector<16xf32>,
          %add3A_555 = arith.constant 576 : i32
          %add3A_556 = vector.broadcast %add3A_555 : i32 to vector<16xi32>
          %add3A_557 = arith.addi %add3A_371, %add3A_556 : vector<16xi32>
          %mul3A_558 = arith.mulf %gather3A_383, %get3A_546 : vector<16xf32>
          tpu.vector_store_idx %arg19[%add3A_557], %mul3A_558 {add = true} : memref<32768xf32, #tpu.memory_space<vmem>>[vector<16xi32>], vector<16xf32>,
          %add3A_559 = arith.constant 832 : i32
          %add3A_560 = vector.broadcast %add3A_559 : i32 to vector<16xi32>
          %add3A_561 = arith.addi %add3A_371, %add3A_560 : vector<16xi32>
          %mul3A_562 = arith.mulf %gather3A_387, %get3A_546 : vector<16xf32>
          tpu.vector_store_idx %arg19[%add3A_561], %mul3A_562 {add = true} : memref<32768xf32, #tpu.memory_space<vmem>>[vector<16xi32>], vector<16xf32>,
          %add3A_563 = arith.constant 1088 : i32
          %add3A_564 = vector.broadcast %add3A_563 : i32 to vector<16xi32>
          %add3A_565 = arith.addi %add3A_371, %add3A_564 : vector<16xi32>
          %mul3A_566 = arith.mulf %gather3A_391, %get3A_546 : vector<16xf32>
          tpu.vector_store_idx %arg19[%add3A_565], %mul3A_566 {add = true} : memref<32768xf32, #tpu.memory_space<vmem>>[vector<16xi32>], vector<16xf32>,
          %add3A_567 = arith.constant 1344 : i32
          %add3A_568 = vector.broadcast %add3A_567 : i32 to vector<16xi32>
          %add3A_569 = arith.addi %add3A_371, %add3A_568 : vector<16xi32>
          %mul3A_570 = arith.mulf %gather3A_395, %get3A_546 : vector<16xf32>
          tpu.vector_store_idx %arg19[%add3A_569], %mul3A_570 {add = true} : memref<32768xf32, #tpu.memory_space<vmem>>[vector<16xi32>], vector<16xf32>,
          %add3A_571 = arith.constant 1600 : i32
          %add3A_572 = vector.broadcast %add3A_571 : i32 to vector<16xi32>
          %add3A_573 = arith.addi %add3A_371, %add3A_572 : vector<16xi32>
          %mul3A_574 = arith.mulf %gather3A_399, %get3A_546 : vector<16xf32>
          tpu.vector_store_idx %arg19[%add3A_573], %mul3A_574 {add = true} : memref<32768xf32, #tpu.memory_space<vmem>>[vector<16xi32>], vector<16xf32>,
          %add3A_575 = arith.constant 1856 : i32
          %add3A_576 = vector.broadcast %add3A_575 : i32 to vector<16xi32>
          %add3A_577 = arith.addi %add3A_371, %add3A_576 : vector<16xi32>
          %mul3A_578 = arith.mulf %gather3A_403, %get3A_546 : vector<16xf32>
          tpu.vector_store_idx %arg19[%add3A_577], %mul3A_578 {add = true} : memref<32768xf32, #tpu.memory_space<vmem>>[vector<16xi32>], vector<16xf32>,
          %get3A_579 = arith.index_cast %while3A_363 : i32 to index
          %get3A_580 = arith.constant 80 : index
          %get3A_581 = tpu.vector_load %arg16[%get3A_579, %get3A_580] {strides = array<i32>} : memref<16x256xf32, #tpu.memory_space<vmem>>, vector<16xf32>,
          %add3A_582 = arith.constant 80 : i32
          %add3A_583 = vector.broadcast %add3A_582 : i32 to vector<16xi32>
          %add3A_584 = arith.addi %add3A_371, %add3A_583 : vector<16xi32>
          %mul3A_585 = arith.mulf %gather3A_375, %get3A_581 : vector<16xf32>
          tpu.vector_store_idx %arg19[%add3A_584], %mul3A_585 {add = true} : memref<32768xf32, #tpu.memory_space<vmem>>[vector<16xi32>], vector<16xf32>,
          %add3A_586 = arith.constant 336 : i32
          %add3A_587 = vector.broadcast %add3A_586 : i32 to vector<16xi32>
          %add3A_588 = arith.addi %add3A_371, %add3A_587 : vector<16xi32>
          %mul3A_589 = arith.mulf %gather3A_379, %get3A_581 : vector<16xf32>
          tpu.vector_store_idx %arg19[%add3A_588], %mul3A_589 {add = true} : memref<32768xf32, #tpu.memory_space<vmem>>[vector<16xi32>], vector<16xf32>,
          %add3A_590 = arith.constant 592 : i32
          %add3A_591 = vector.broadcast %add3A_590 : i32 to vector<16xi32>
          %add3A_592 = arith.addi %add3A_371, %add3A_591 : vector<16xi32>
          %mul3A_593 = arith.mulf %gather3A_383, %get3A_581 : vector<16xf32>
          tpu.vector_store_idx %arg19[%add3A_592], %mul3A_593 {add = true} : memref<32768xf32, #tpu.memory_space<vmem>>[vector<16xi32>], vector<16xf32>,
          %add3A_594 = arith.constant 848 : i32
          %add3A_595 = vector.broadcast %add3A_594 : i32 to vector<16xi32>
          %add3A_596 = arith.addi %add3A_371, %add3A_595 : vector<16xi32>
          %mul3A_597 = arith.mulf %gather3A_387, %get3A_581 : vector<16xf32>
          tpu.vector_store_idx %arg19[%add3A_596], %mul3A_597 {add = true} : memref<32768xf32, #tpu.memory_space<vmem>>[vector<16xi32>], vector<16xf32>,
          %add3A_598 = arith.constant 1104 : i32
          %add3A_599 = vector.broadcast %add3A_598 : i32 to vector<16xi32>
          %add3A_600 = arith.addi %add3A_371, %add3A_599 : vector<16xi32>
          %mul3A_601 = arith.mulf %gather3A_391, %get3A_581 : vector<16xf32>
          tpu.vector_store_idx %arg19[%add3A_600], %mul3A_601 {add = true} : memref<32768xf32, #tpu.memory_space<vmem>>[vector<16xi32>], vector<16xf32>,
          %add3A_602 = arith.constant 1360 : i32
          %add3A_603 = vector.broadcast %add3A_602 : i32 to vector<16xi32>
          %add3A_604 = arith.addi %add3A_371, %add3A_603 : vector<16xi32>
          %mul3A_605 = arith.mulf %gather3A_395, %get3A_581 : vector<16xf32>
          tpu.vector_store_idx %arg19[%add3A_604], %mul3A_605 {add = true} : memref<32768xf32, #tpu.memory_space<vmem>>[vector<16xi32>], vector<16xf32>,
          %add3A_606 = arith.constant 1616 : i32
          %add3A_607 = vector.broadcast %add3A_606 : i32 to vector<16xi32>
          %add3A_608 = arith.addi %add3A_371, %add3A_607 : vector<16xi32>
          %mul3A_609 = arith.mulf %gather3A_399, %get3A_581 : vector<16xf32>
          tpu.vector_store_idx %arg19[%add3A_608], %mul3A_609 {add = true} : memref<32768xf32, #tpu.memory_space<vmem>>[vector<16xi32>], vector<16xf32>,
          %add3A_610 = arith.constant 1872 : i32
          %add3A_611 = vector.broadcast %add3A_610 : i32 to vector<16xi32>
          %add3A_612 = arith.addi %add3A_371, %add3A_611 : vector<16xi32>
          %mul3A_613 = arith.mulf %gather3A_403, %get3A_581 : vector<16xf32>
          tpu.vector_store_idx %arg19[%add3A_612], %mul3A_613 {add = true} : memref<32768xf32, #tpu.memory_space<vmem>>[vector<16xi32>], vector<16xf32>,
          %get3A_614 = arith.index_cast %while3A_363 : i32 to index
          %get3A_615 = arith.constant 96 : index
          %get3A_616 = tpu.vector_load %arg16[%get3A_614, %get3A_615] {strides = array<i32>} : memref<16x256xf32, #tpu.memory_space<vmem>>, vector<16xf32>,
          %add3A_617 = arith.constant 96 : i32
          %add3A_618 = vector.broadcast %add3A_617 : i32 to vector<16xi32>
          %add3A_619 = arith.addi %add3A_371, %add3A_618 : vector<16xi32>
          %mul3A_620 = arith.mulf %gather3A_375, %get3A_616 : vector<16xf32>
          tpu.vector_store_idx %arg19[%add3A_619], %mul3A_620 {add = true} : memref<32768xf32, #tpu.memory_space<vmem>>[vector<16xi32>], vector<16xf32>,
          %add3A_621 = arith.constant 352 : i32
          %add3A_622 = vector.broadcast %add3A_621 : i32 to vector<16xi32>
          %add3A_623 = arith.addi %add3A_371, %add3A_622 : vector<16xi32>
          %mul3A_624 = arith.mulf %gather3A_379, %get3A_616 : vector<16xf32>
          tpu.vector_store_idx %arg19[%add3A_623], %mul3A_624 {add = true} : memref<32768xf32, #tpu.memory_space<vmem>>[vector<16xi32>], vector<16xf32>,
          %add3A_625 = arith.constant 608 : i32
          %add3A_626 = vector.broadcast %add3A_625 : i32 to vector<16xi32>
          %add3A_627 = arith.addi %add3A_371, %add3A_626 : vector<16xi32>
          %mul3A_628 = arith.mulf %gather3A_383, %get3A_616 : vector<16xf32>
          tpu.vector_store_idx %arg19[%add3A_627], %mul3A_628 {add = true} : memref<32768xf32, #tpu.memory_space<vmem>>[vector<16xi32>], vector<16xf32>,
          %add3A_629 = arith.constant 864 : i32
          %add3A_630 = vector.broadcast %add3A_629 : i32 to vector<16xi32>
          %add3A_631 = arith.addi %add3A_371, %add3A_630 : vector<16xi32>
          %mul3A_632 = arith.mulf %gather3A_387, %get3A_616 : vector<16xf32>
          tpu.vector_store_idx %arg19[%add3A_631], %mul3A_632 {add = true} : memref<32768xf32, #tpu.memory_space<vmem>>[vector<16xi32>], vector<16xf32>,
          %add3A_633 = arith.constant 1120 : i32
          %add3A_634 = vector.broadcast %add3A_633 : i32 to vector<16xi32>
          %add3A_635 = arith.addi %add3A_371, %add3A_634 : vector<16xi32>
          %mul3A_636 = arith.mulf %gather3A_391, %get3A_616 : vector<16xf32>
          tpu.vector_store_idx %arg19[%add3A_635], %mul3A_636 {add = true} : memref<32768xf32, #tpu.memory_space<vmem>>[vector<16xi32>], vector<16xf32>,
          %add3A_637 = arith.constant 1376 : i32
          %add3A_638 = vector.broadcast %add3A_637 : i32 to vector<16xi32>
          %add3A_639 = arith.addi %add3A_371, %add3A_638 : vector<16xi32>
          %mul3A_640 = arith.mulf %gather3A_395, %get3A_616 : vector<16xf32>
          tpu.vector_store_idx %arg19[%add3A_639], %mul3A_640 {add = true} : memref<32768xf32, #tpu.memory_space<vmem>>[vector<16xi32>], vector<16xf32>,
          %add3A_641 = arith.constant 1632 : i32
          %add3A_642 = vector.broadcast %add3A_641 : i32 to vector<16xi32>
          %add3A_643 = arith.addi %add3A_371, %add3A_642 : vector<16xi32>
          %mul3A_644 = arith.mulf %gather3A_399, %get3A_616 : vector<16xf32>
          tpu.vector_store_idx %arg19[%add3A_643], %mul3A_644 {add = true} : memref<32768xf32, #tpu.memory_space<vmem>>[vector<16xi32>], vector<16xf32>,
          %add3A_645 = arith.constant 1888 : i32
          %add3A_646 = vector.broadcast %add3A_645 : i32 to vector<16xi32>
          %add3A_647 = arith.addi %add3A_371, %add3A_646 : vector<16xi32>
          %mul3A_648 = arith.mulf %gather3A_403, %get3A_616 : vector<16xf32>
          tpu.vector_store_idx %arg19[%add3A_647], %mul3A_648 {add = true} : memref<32768xf32, #tpu.memory_space<vmem>>[vector<16xi32>], vector<16xf32>,
          %get3A_649 = arith.index_cast %while3A_363 : i32 to index
          %get3A_650 = arith.constant 112 : index
          %get3A_651 = tpu.vector_load %arg16[%get3A_649, %get3A_650] {strides = array<i32>} : memref<16x256xf32, #tpu.memory_space<vmem>>, vector<16xf32>,
          %add3A_652 = arith.constant 112 : i32
          %add3A_653 = vector.broadcast %add3A_652 : i32 to vector<16xi32>
          %add3A_654 = arith.addi %add3A_371, %add3A_653 : vector<16xi32>
          %mul3A_655 = arith.mulf %gather3A_375, %get3A_651 : vector<16xf32>
          tpu.vector_store_idx %arg19[%add3A_654], %mul3A_655 {add = true} : memref<32768xf32, #tpu.memory_space<vmem>>[vector<16xi32>], vector<16xf32>,
          %add3A_656 = arith.constant 368 : i32
          %add3A_657 = vector.broadcast %add3A_656 : i32 to vector<16xi32>
          %add3A_658 = arith.addi %add3A_371, %add3A_657 : vector<16xi32>
          %mul3A_659 = arith.mulf %gather3A_379, %get3A_651 : vector<16xf32>
          tpu.vector_store_idx %arg19[%add3A_658], %mul3A_659 {add = true} : memref<32768xf32, #tpu.memory_space<vmem>>[vector<16xi32>], vector<16xf32>,
          %add3A_660 = arith.constant 624 : i32
          %add3A_661 = vector.broadcast %add3A_660 : i32 to vector<16xi32>
          %add3A_662 = arith.addi %add3A_371, %add3A_661 : vector<16xi32>
          %mul3A_663 = arith.mulf %gather3A_383, %get3A_651 : vector<16xf32>
          tpu.vector_store_idx %arg19[%add3A_662], %mul3A_663 {add = true} : memref<32768xf32, #tpu.memory_space<vmem>>[vector<16xi32>], vector<16xf32>,
          %add3A_664 = arith.constant 880 : i32
          %add3A_665 = vector.broadcast %add3A_664 : i32 to vector<16xi32>
          %add3A_666 = arith.addi %add3A_371, %add3A_665 : vector<16xi32>
          %mul3A_667 = arith.mulf %gather3A_387, %get3A_651 : vector<16xf32>
          tpu.vector_store_idx %arg19[%add3A_666], %mul3A_667 {add = true} : memref<32768xf32, #tpu.memory_space<vmem>>[vector<16xi32>], vector<16xf32>,
          %add3A_668 = arith.constant 1136 : i32
          %add3A_669 = vector.broadcast %add3A_668 : i32 to vector<16xi32>
          %add3A_670 = arith.addi %add3A_371, %add3A_669 : vector<16xi32>
          %mul3A_671 = arith.mulf %gather3A_391, %get3A_651 : vector<16xf32>
          tpu.vector_store_idx %arg19[%add3A_670], %mul3A_671 {add = true} : memref<32768xf32, #tpu.memory_space<vmem>>[vector<16xi32>], vector<16xf32>,
          %add3A_672 = arith.constant 1392 : i32
          %add3A_673 = vector.broadcast %add3A_672 : i32 to vector<16xi32>
          %add3A_674 = arith.addi %add3A_371, %add3A_673 : vector<16xi32>
          %mul3A_675 = arith.mulf %gather3A_395, %get3A_651 : vector<16xf32>
          tpu.vector_store_idx %arg19[%add3A_674], %mul3A_675 {add = true} : memref<32768xf32, #tpu.memory_space<vmem>>[vector<16xi32>], vector<16xf32>,
          %add3A_676 = arith.constant 1648 : i32
          %add3A_677 = vector.broadcast %add3A_676 : i32 to vector<16xi32>
          %add3A_678 = arith.addi %add3A_371, %add3A_677 : vector<16xi32>
          %mul3A_679 = arith.mulf %gather3A_399, %get3A_651 : vector<16xf32>
          tpu.vector_store_idx %arg19[%add3A_678], %mul3A_679 {add = true} : memref<32768xf32, #tpu.memory_space<vmem>>[vector<16xi32>], vector<16xf32>,
          %add3A_680 = arith.constant 1904 : i32
          %add3A_681 = vector.broadcast %add3A_680 : i32 to vector<16xi32>
          %add3A_682 = arith.addi %add3A_371, %add3A_681 : vector<16xi32>
          %mul3A_683 = arith.mulf %gather3A_403, %get3A_651 : vector<16xf32>
          tpu.vector_store_idx %arg19[%add3A_682], %mul3A_683 {add = true} : memref<32768xf32, #tpu.memory_space<vmem>>[vector<16xi32>], vector<16xf32>,
          %get3A_684 = arith.index_cast %while3A_363 : i32 to index
          %get3A_685 = arith.constant 128 : index
          %get3A_686 = tpu.vector_load %arg16[%get3A_684, %get3A_685] {strides = array<i32>} : memref<16x256xf32, #tpu.memory_space<vmem>>, vector<16xf32>,
          %add3A_687 = arith.constant 128 : i32
          %add3A_688 = vector.broadcast %add3A_687 : i32 to vector<16xi32>
          %add3A_689 = arith.addi %add3A_371, %add3A_688 : vector<16xi32>
          %mul3A_690 = arith.mulf %gather3A_375, %get3A_686 : vector<16xf32>
          tpu.vector_store_idx %arg19[%add3A_689], %mul3A_690 {add = true} : memref<32768xf32, #tpu.memory_space<vmem>>[vector<16xi32>], vector<16xf32>,
          %add3A_691 = arith.constant 384 : i32
          %add3A_692 = vector.broadcast %add3A_691 : i32 to vector<16xi32>
          %add3A_693 = arith.addi %add3A_371, %add3A_692 : vector<16xi32>
          %mul3A_694 = arith.mulf %gather3A_379, %get3A_686 : vector<16xf32>
          tpu.vector_store_idx %arg19[%add3A_693], %mul3A_694 {add = true} : memref<32768xf32, #tpu.memory_space<vmem>>[vector<16xi32>], vector<16xf32>,
          %add3A_695 = arith.constant 640 : i32
          %add3A_696 = vector.broadcast %add3A_695 : i32 to vector<16xi32>
          %add3A_697 = arith.addi %add3A_371, %add3A_696 : vector<16xi32>
          %mul3A_698 = arith.mulf %gather3A_383, %get3A_686 : vector<16xf32>
          tpu.vector_store_idx %arg19[%add3A_697], %mul3A_698 {add = true} : memref<32768xf32, #tpu.memory_space<vmem>>[vector<16xi32>], vector<16xf32>,
          %add3A_699 = arith.constant 896 : i32
          %add3A_700 = vector.broadcast %add3A_699 : i32 to vector<16xi32>
          %add3A_701 = arith.addi %add3A_371, %add3A_700 : vector<16xi32>
          %mul3A_702 = arith.mulf %gather3A_387, %get3A_686 : vector<16xf32>
          tpu.vector_store_idx %arg19[%add3A_701], %mul3A_702 {add = true} : memref<32768xf32, #tpu.memory_space<vmem>>[vector<16xi32>], vector<16xf32>,
          %add3A_703 = arith.constant 1152 : i32
          %add3A_704 = vector.broadcast %add3A_703 : i32 to vector<16xi32>
          %add3A_705 = arith.addi %add3A_371, %add3A_704 : vector<16xi32>
          %mul3A_706 = arith.mulf %gather3A_391, %get3A_686 : vector<16xf32>
          tpu.vector_store_idx %arg19[%add3A_705], %mul3A_706 {add = true} : memref<32768xf32, #tpu.memory_space<vmem>>[vector<16xi32>], vector<16xf32>,
          %add3A_707 = arith.constant 1408 : i32
          %add3A_708 = vector.broadcast %add3A_707 : i32 to vector<16xi32>
          %add3A_709 = arith.addi %add3A_371, %add3A_708 : vector<16xi32>
          %mul3A_710 = arith.mulf %gather3A_395, %get3A_686 : vector<16xf32>
          tpu.vector_store_idx %arg19[%add3A_709], %mul3A_710 {add = true} : memref<32768xf32, #tpu.memory_space<vmem>>[vector<16xi32>], vector<16xf32>,
          %add3A_711 = arith.constant 1664 : i32
          %add3A_712 = vector.broadcast %add3A_711 : i32 to vector<16xi32>
          %add3A_713 = arith.addi %add3A_371, %add3A_712 : vector<16xi32>
          %mul3A_714 = arith.mulf %gather3A_399, %get3A_686 : vector<16xf32>
          tpu.vector_store_idx %arg19[%add3A_713], %mul3A_714 {add = true} : memref<32768xf32, #tpu.memory_space<vmem>>[vector<16xi32>], vector<16xf32>,
          %add3A_715 = arith.constant 1920 : i32
          %add3A_716 = vector.broadcast %add3A_715 : i32 to vector<16xi32>
          %add3A_717 = arith.addi %add3A_371, %add3A_716 : vector<16xi32>
          %mul3A_718 = arith.mulf %gather3A_403, %get3A_686 : vector<16xf32>
          tpu.vector_store_idx %arg19[%add3A_717], %mul3A_718 {add = true} : memref<32768xf32, #tpu.memory_space<vmem>>[vector<16xi32>], vector<16xf32>,
          %get3A_719 = arith.index_cast %while3A_363 : i32 to index
          %get3A_720 = arith.constant 144 : index
          %get3A_721 = tpu.vector_load %arg16[%get3A_719, %get3A_720] {strides = array<i32>} : memref<16x256xf32, #tpu.memory_space<vmem>>, vector<16xf32>,
          %add3A_722 = arith.constant 144 : i32
          %add3A_723 = vector.broadcast %add3A_722 : i32 to vector<16xi32>
          %add3A_724 = arith.addi %add3A_371, %add3A_723 : vector<16xi32>
          %mul3A_725 = arith.mulf %gather3A_375, %get3A_721 : vector<16xf32>
          tpu.vector_store_idx %arg19[%add3A_724], %mul3A_725 {add = true} : memref<32768xf32, #tpu.memory_space<vmem>>[vector<16xi32>], vector<16xf32>,
          %add3A_726 = arith.constant 400 : i32
          %add3A_727 = vector.broadcast %add3A_726 : i32 to vector<16xi32>
          %add3A_728 = arith.addi %add3A_371, %add3A_727 : vector<16xi32>
          %mul3A_729 = arith.mulf %gather3A_379, %get3A_721 : vector<16xf32>
          tpu.vector_store_idx %arg19[%add3A_728], %mul3A_729 {add = true} : memref<32768xf32, #tpu.memory_space<vmem>>[vector<16xi32>], vector<16xf32>,
          %add3A_730 = arith.constant 656 : i32
          %add3A_731 = vector.broadcast %add3A_730 : i32 to vector<16xi32>
          %add3A_732 = arith.addi %add3A_371, %add3A_731 : vector<16xi32>
          %mul3A_733 = arith.mulf %gather3A_383, %get3A_721 : vector<16xf32>
          tpu.vector_store_idx %arg19[%add3A_732], %mul3A_733 {add = true} : memref<32768xf32, #tpu.memory_space<vmem>>[vector<16xi32>], vector<16xf32>,
          %add3A_734 = arith.constant 912 : i32
          %add3A_735 = vector.broadcast %add3A_734 : i32 to vector<16xi32>
          %add3A_736 = arith.addi %add3A_371, %add3A_735 : vector<16xi32>
          %mul3A_737 = arith.mulf %gather3A_387, %get3A_721 : vector<16xf32>
          tpu.vector_store_idx %arg19[%add3A_736], %mul3A_737 {add = true} : memref<32768xf32, #tpu.memory_space<vmem>>[vector<16xi32>], vector<16xf32>,
          %add3A_738 = arith.constant 1168 : i32
          %add3A_739 = vector.broadcast %add3A_738 : i32 to vector<16xi32>
          %add3A_740 = arith.addi %add3A_371, %add3A_739 : vector<16xi32>
          %mul3A_741 = arith.mulf %gather3A_391, %get3A_721 : vector<16xf32>
          tpu.vector_store_idx %arg19[%add3A_740], %mul3A_741 {add = true} : memref<32768xf32, #tpu.memory_space<vmem>>[vector<16xi32>], vector<16xf32>,
          %add3A_742 = arith.constant 1424 : i32
          %add3A_743 = vector.broadcast %add3A_742 : i32 to vector<16xi32>
          %add3A_744 = arith.addi %add3A_371, %add3A_743 : vector<16xi32>
          %mul3A_745 = arith.mulf %gather3A_395, %get3A_721 : vector<16xf32>
          tpu.vector_store_idx %arg19[%add3A_744], %mul3A_745 {add = true} : memref<32768xf32, #tpu.memory_space<vmem>>[vector<16xi32>], vector<16xf32>,
          %add3A_746 = arith.constant 1680 : i32
          %add3A_747 = vector.broadcast %add3A_746 : i32 to vector<16xi32>
          %add3A_748 = arith.addi %add3A_371, %add3A_747 : vector<16xi32>
          %mul3A_749 = arith.mulf %gather3A_399, %get3A_721 : vector<16xf32>
          tpu.vector_store_idx %arg19[%add3A_748], %mul3A_749 {add = true} : memref<32768xf32, #tpu.memory_space<vmem>>[vector<16xi32>], vector<16xf32>,
          %add3A_750 = arith.constant 1936 : i32
          %add3A_751 = vector.broadcast %add3A_750 : i32 to vector<16xi32>
          %add3A_752 = arith.addi %add3A_371, %add3A_751 : vector<16xi32>
          %mul3A_753 = arith.mulf %gather3A_403, %get3A_721 : vector<16xf32>
          tpu.vector_store_idx %arg19[%add3A_752], %mul3A_753 {add = true} : memref<32768xf32, #tpu.memory_space<vmem>>[vector<16xi32>], vector<16xf32>,
          %get3A_754 = arith.index_cast %while3A_363 : i32 to index
          %get3A_755 = arith.constant 160 : index
          %get3A_756 = tpu.vector_load %arg16[%get3A_754, %get3A_755] {strides = array<i32>} : memref<16x256xf32, #tpu.memory_space<vmem>>, vector<16xf32>,
          %add3A_757 = arith.constant 160 : i32
          %add3A_758 = vector.broadcast %add3A_757 : i32 to vector<16xi32>
          %add3A_759 = arith.addi %add3A_371, %add3A_758 : vector<16xi32>
          %mul3A_760 = arith.mulf %gather3A_375, %get3A_756 : vector<16xf32>
          tpu.vector_store_idx %arg19[%add3A_759], %mul3A_760 {add = true} : memref<32768xf32, #tpu.memory_space<vmem>>[vector<16xi32>], vector<16xf32>,
          %add3A_761 = arith.constant 416 : i32
          %add3A_762 = vector.broadcast %add3A_761 : i32 to vector<16xi32>
          %add3A_763 = arith.addi %add3A_371, %add3A_762 : vector<16xi32>
          %mul3A_764 = arith.mulf %gather3A_379, %get3A_756 : vector<16xf32>
          tpu.vector_store_idx %arg19[%add3A_763], %mul3A_764 {add = true} : memref<32768xf32, #tpu.memory_space<vmem>>[vector<16xi32>], vector<16xf32>,
          %add3A_765 = arith.constant 672 : i32
          %add3A_766 = vector.broadcast %add3A_765 : i32 to vector<16xi32>
          %add3A_767 = arith.addi %add3A_371, %add3A_766 : vector<16xi32>
          %mul3A_768 = arith.mulf %gather3A_383, %get3A_756 : vector<16xf32>
          tpu.vector_store_idx %arg19[%add3A_767], %mul3A_768 {add = true} : memref<32768xf32, #tpu.memory_space<vmem>>[vector<16xi32>], vector<16xf32>,
          %add3A_769 = arith.constant 928 : i32
          %add3A_770 = vector.broadcast %add3A_769 : i32 to vector<16xi32>
          %add3A_771 = arith.addi %add3A_371, %add3A_770 : vector<16xi32>
          %mul3A_772 = arith.mulf %gather3A_387, %get3A_756 : vector<16xf32>
          tpu.vector_store_idx %arg19[%add3A_771], %mul3A_772 {add = true} : memref<32768xf32, #tpu.memory_space<vmem>>[vector<16xi32>], vector<16xf32>,
          %add3A_773 = arith.constant 1184 : i32
          %add3A_774 = vector.broadcast %add3A_773 : i32 to vector<16xi32>
          %add3A_775 = arith.addi %add3A_371, %add3A_774 : vector<16xi32>
          %mul3A_776 = arith.mulf %gather3A_391, %get3A_756 : vector<16xf32>
          tpu.vector_store_idx %arg19[%add3A_775], %mul3A_776 {add = true} : memref<32768xf32, #tpu.memory_space<vmem>>[vector<16xi32>], vector<16xf32>,
          %add3A_777 = arith.constant 1440 : i32
          %add3A_778 = vector.broadcast %add3A_777 : i32 to vector<16xi32>
          %add3A_779 = arith.addi %add3A_371, %add3A_778 : vector<16xi32>
          %mul3A_780 = arith.mulf %gather3A_395, %get3A_756 : vector<16xf32>
          tpu.vector_store_idx %arg19[%add3A_779], %mul3A_780 {add = true} : memref<32768xf32, #tpu.memory_space<vmem>>[vector<16xi32>], vector<16xf32>,
          %add3A_781 = arith.constant 1696 : i32
          %add3A_782 = vector.broadcast %add3A_781 : i32 to vector<16xi32>
          %add3A_783 = arith.addi %add3A_371, %add3A_782 : vector<16xi32>
          %mul3A_784 = arith.mulf %gather3A_399, %get3A_756 : vector<16xf32>
          tpu.vector_store_idx %arg19[%add3A_783], %mul3A_784 {add = true} : memref<32768xf32, #tpu.memory_space<vmem>>[vector<16xi32>], vector<16xf32>,
          %add3A_785 = arith.constant 1952 : i32
          %add3A_786 = vector.broadcast %add3A_785 : i32 to vector<16xi32>
          %add3A_787 = arith.addi %add3A_371, %add3A_786 : vector<16xi32>
          %mul3A_788 = arith.mulf %gather3A_403, %get3A_756 : vector<16xf32>
          tpu.vector_store_idx %arg19[%add3A_787], %mul3A_788 {add = true} : memref<32768xf32, #tpu.memory_space<vmem>>[vector<16xi32>], vector<16xf32>,
          %get3A_789 = arith.index_cast %while3A_363 : i32 to index
          %get3A_790 = arith.constant 176 : index
          %get3A_791 = tpu.vector_load %arg16[%get3A_789, %get3A_790] {strides = array<i32>} : memref<16x256xf32, #tpu.memory_space<vmem>>, vector<16xf32>,
          %add3A_792 = arith.constant 176 : i32
          %add3A_793 = vector.broadcast %add3A_792 : i32 to vector<16xi32>
          %add3A_794 = arith.addi %add3A_371, %add3A_793 : vector<16xi32>
          %mul3A_795 = arith.mulf %gather3A_375, %get3A_791 : vector<16xf32>
          tpu.vector_store_idx %arg19[%add3A_794], %mul3A_795 {add = true} : memref<32768xf32, #tpu.memory_space<vmem>>[vector<16xi32>], vector<16xf32>,
          %add3A_796 = arith.constant 432 : i32
          %add3A_797 = vector.broadcast %add3A_796 : i32 to vector<16xi32>
          %add3A_798 = arith.addi %add3A_371, %add3A_797 : vector<16xi32>
          %mul3A_799 = arith.mulf %gather3A_379, %get3A_791 : vector<16xf32>
          tpu.vector_store_idx %arg19[%add3A_798], %mul3A_799 {add = true} : memref<32768xf32, #tpu.memory_space<vmem>>[vector<16xi32>], vector<16xf32>,
          %add3A_800 = arith.constant 688 : i32
          %add3A_801 = vector.broadcast %add3A_800 : i32 to vector<16xi32>
          %add3A_802 = arith.addi %add3A_371, %add3A_801 : vector<16xi32>
          %mul3A_803 = arith.mulf %gather3A_383, %get3A_791 : vector<16xf32>
          tpu.vector_store_idx %arg19[%add3A_802], %mul3A_803 {add = true} : memref<32768xf32, #tpu.memory_space<vmem>>[vector<16xi32>], vector<16xf32>,
          %add3A_804 = arith.constant 944 : i32
          %add3A_805 = vector.broadcast %add3A_804 : i32 to vector<16xi32>
          %add3A_806 = arith.addi %add3A_371, %add3A_805 : vector<16xi32>
          %mul3A_807 = arith.mulf %gather3A_387, %get3A_791 : vector<16xf32>
          tpu.vector_store_idx %arg19[%add3A_806], %mul3A_807 {add = true} : memref<32768xf32, #tpu.memory_space<vmem>>[vector<16xi32>], vector<16xf32>,
          %add3A_808 = arith.constant 1200 : i32
          %add3A_809 = vector.broadcast %add3A_808 : i32 to vector<16xi32>
          %add3A_810 = arith.addi %add3A_371, %add3A_809 : vector<16xi32>
          %mul3A_811 = arith.mulf %gather3A_391, %get3A_791 : vector<16xf32>
          tpu.vector_store_idx %arg19[%add3A_810], %mul3A_811 {add = true} : memref<32768xf32, #tpu.memory_space<vmem>>[vector<16xi32>], vector<16xf32>,
          %add3A_812 = arith.constant 1456 : i32
          %add3A_813 = vector.broadcast %add3A_812 : i32 to vector<16xi32>
          %add3A_814 = arith.addi %add3A_371, %add3A_813 : vector<16xi32>
          %mul3A_815 = arith.mulf %gather3A_395, %get3A_791 : vector<16xf32>
          tpu.vector_store_idx %arg19[%add3A_814], %mul3A_815 {add = true} : memref<32768xf32, #tpu.memory_space<vmem>>[vector<16xi32>], vector<16xf32>,
          %add3A_816 = arith.constant 1712 : i32
          %add3A_817 = vector.broadcast %add3A_816 : i32 to vector<16xi32>
          %add3A_818 = arith.addi %add3A_371, %add3A_817 : vector<16xi32>
          %mul3A_819 = arith.mulf %gather3A_399, %get3A_791 : vector<16xf32>
          tpu.vector_store_idx %arg19[%add3A_818], %mul3A_819 {add = true} : memref<32768xf32, #tpu.memory_space<vmem>>[vector<16xi32>], vector<16xf32>,
          %add3A_820 = arith.constant 1968 : i32
          %add3A_821 = vector.broadcast %add3A_820 : i32 to vector<16xi32>
          %add3A_822 = arith.addi %add3A_371, %add3A_821 : vector<16xi32>
          %mul3A_823 = arith.mulf %gather3A_403, %get3A_791 : vector<16xf32>
          tpu.vector_store_idx %arg19[%add3A_822], %mul3A_823 {add = true} : memref<32768xf32, #tpu.memory_space<vmem>>[vector<16xi32>], vector<16xf32>,
          %get3A_824 = arith.index_cast %while3A_363 : i32 to index
          %get3A_825 = arith.constant 192 : index
          %get3A_826 = tpu.vector_load %arg16[%get3A_824, %get3A_825] {strides = array<i32>} : memref<16x256xf32, #tpu.memory_space<vmem>>, vector<16xf32>,
          %add3A_827 = arith.constant 192 : i32
          %add3A_828 = vector.broadcast %add3A_827 : i32 to vector<16xi32>
          %add3A_829 = arith.addi %add3A_371, %add3A_828 : vector<16xi32>
          %mul3A_830 = arith.mulf %gather3A_375, %get3A_826 : vector<16xf32>
          tpu.vector_store_idx %arg19[%add3A_829], %mul3A_830 {add = true} : memref<32768xf32, #tpu.memory_space<vmem>>[vector<16xi32>], vector<16xf32>,
          %add3A_831 = arith.constant 448 : i32
          %add3A_832 = vector.broadcast %add3A_831 : i32 to vector<16xi32>
          %add3A_833 = arith.addi %add3A_371, %add3A_832 : vector<16xi32>
          %mul3A_834 = arith.mulf %gather3A_379, %get3A_826 : vector<16xf32>
          tpu.vector_store_idx %arg19[%add3A_833], %mul3A_834 {add = true} : memref<32768xf32, #tpu.memory_space<vmem>>[vector<16xi32>], vector<16xf32>,
          %add3A_835 = arith.constant 704 : i32
          %add3A_836 = vector.broadcast %add3A_835 : i32 to vector<16xi32>
          %add3A_837 = arith.addi %add3A_371, %add3A_836 : vector<16xi32>
          %mul3A_838 = arith.mulf %gather3A_383, %get3A_826 : vector<16xf32>
          tpu.vector_store_idx %arg19[%add3A_837], %mul3A_838 {add = true} : memref<32768xf32, #tpu.memory_space<vmem>>[vector<16xi32>], vector<16xf32>,
          %add3A_839 = arith.constant 960 : i32
          %add3A_840 = vector.broadcast %add3A_839 : i32 to vector<16xi32>
          %add3A_841 = arith.addi %add3A_371, %add3A_840 : vector<16xi32>
          %mul3A_842 = arith.mulf %gather3A_387, %get3A_826 : vector<16xf32>
          tpu.vector_store_idx %arg19[%add3A_841], %mul3A_842 {add = true} : memref<32768xf32, #tpu.memory_space<vmem>>[vector<16xi32>], vector<16xf32>,
          %add3A_843 = arith.constant 1216 : i32
          %add3A_844 = vector.broadcast %add3A_843 : i32 to vector<16xi32>
          %add3A_845 = arith.addi %add3A_371, %add3A_844 : vector<16xi32>
          %mul3A_846 = arith.mulf %gather3A_391, %get3A_826 : vector<16xf32>
          tpu.vector_store_idx %arg19[%add3A_845], %mul3A_846 {add = true} : memref<32768xf32, #tpu.memory_space<vmem>>[vector<16xi32>], vector<16xf32>,
          %add3A_847 = arith.constant 1472 : i32
          %add3A_848 = vector.broadcast %add3A_847 : i32 to vector<16xi32>
          %add3A_849 = arith.addi %add3A_371, %add3A_848 : vector<16xi32>
          %mul3A_850 = arith.mulf %gather3A_395, %get3A_826 : vector<16xf32>
          tpu.vector_store_idx %arg19[%add3A_849], %mul3A_850 {add = true} : memref<32768xf32, #tpu.memory_space<vmem>>[vector<16xi32>], vector<16xf32>,
          %add3A_851 = arith.constant 1728 : i32
          %add3A_852 = vector.broadcast %add3A_851 : i32 to vector<16xi32>
          %add3A_853 = arith.addi %add3A_371, %add3A_852 : vector<16xi32>
          %mul3A_854 = arith.mulf %gather3A_399, %get3A_826 : vector<16xf32>
          tpu.vector_store_idx %arg19[%add3A_853], %mul3A_854 {add = true} : memref<32768xf32, #tpu.memory_space<vmem>>[vector<16xi32>], vector<16xf32>,
          %add3A_855 = arith.constant 1984 : i32
          %add3A_856 = vector.broadcast %add3A_855 : i32 to vector<16xi32>
          %add3A_857 = arith.addi %add3A_371, %add3A_856 : vector<16xi32>
          %mul3A_858 = arith.mulf %gather3A_403, %get3A_826 : vector<16xf32>
          tpu.vector_store_idx %arg19[%add3A_857], %mul3A_858 {add = true} : memref<32768xf32, #tpu.memory_space<vmem>>[vector<16xi32>], vector<16xf32>,
          %get3A_859 = arith.index_cast %while3A_363 : i32 to index
          %get3A_860 = arith.constant 208 : index
          %get3A_861 = tpu.vector_load %arg16[%get3A_859, %get3A_860] {strides = array<i32>} : memref<16x256xf32, #tpu.memory_space<vmem>>, vector<16xf32>,
          %add3A_862 = arith.constant 208 : i32
          %add3A_863 = vector.broadcast %add3A_862 : i32 to vector<16xi32>
          %add3A_864 = arith.addi %add3A_371, %add3A_863 : vector<16xi32>
          %mul3A_865 = arith.mulf %gather3A_375, %get3A_861 : vector<16xf32>
          tpu.vector_store_idx %arg19[%add3A_864], %mul3A_865 {add = true} : memref<32768xf32, #tpu.memory_space<vmem>>[vector<16xi32>], vector<16xf32>,
          %add3A_866 = arith.constant 464 : i32
          %add3A_867 = vector.broadcast %add3A_866 : i32 to vector<16xi32>
          %add3A_868 = arith.addi %add3A_371, %add3A_867 : vector<16xi32>
          %mul3A_869 = arith.mulf %gather3A_379, %get3A_861 : vector<16xf32>
          tpu.vector_store_idx %arg19[%add3A_868], %mul3A_869 {add = true} : memref<32768xf32, #tpu.memory_space<vmem>>[vector<16xi32>], vector<16xf32>,
          %add3A_870 = arith.constant 720 : i32
          %add3A_871 = vector.broadcast %add3A_870 : i32 to vector<16xi32>
          %add3A_872 = arith.addi %add3A_371, %add3A_871 : vector<16xi32>
          %mul3A_873 = arith.mulf %gather3A_383, %get3A_861 : vector<16xf32>
          tpu.vector_store_idx %arg19[%add3A_872], %mul3A_873 {add = true} : memref<32768xf32, #tpu.memory_space<vmem>>[vector<16xi32>], vector<16xf32>,
          %add3A_874 = arith.constant 976 : i32
          %add3A_875 = vector.broadcast %add3A_874 : i32 to vector<16xi32>
          %add3A_876 = arith.addi %add3A_371, %add3A_875 : vector<16xi32>
          %mul3A_877 = arith.mulf %gather3A_387, %get3A_861 : vector<16xf32>
          tpu.vector_store_idx %arg19[%add3A_876], %mul3A_877 {add = true} : memref<32768xf32, #tpu.memory_space<vmem>>[vector<16xi32>], vector<16xf32>,
          %add3A_878 = arith.constant 1232 : i32
          %add3A_879 = vector.broadcast %add3A_878 : i32 to vector<16xi32>
          %add3A_880 = arith.addi %add3A_371, %add3A_879 : vector<16xi32>
          %mul3A_881 = arith.mulf %gather3A_391, %get3A_861 : vector<16xf32>
          tpu.vector_store_idx %arg19[%add3A_880], %mul3A_881 {add = true} : memref<32768xf32, #tpu.memory_space<vmem>>[vector<16xi32>], vector<16xf32>,
          %add3A_882 = arith.constant 1488 : i32
          %add3A_883 = vector.broadcast %add3A_882 : i32 to vector<16xi32>
          %add3A_884 = arith.addi %add3A_371, %add3A_883 : vector<16xi32>
          %mul3A_885 = arith.mulf %gather3A_395, %get3A_861 : vector<16xf32>
          tpu.vector_store_idx %arg19[%add3A_884], %mul3A_885 {add = true} : memref<32768xf32, #tpu.memory_space<vmem>>[vector<16xi32>], vector<16xf32>,
          %add3A_886 = arith.constant 1744 : i32
          %add3A_887 = vector.broadcast %add3A_886 : i32 to vector<16xi32>
          %add3A_888 = arith.addi %add3A_371, %add3A_887 : vector<16xi32>
          %mul3A_889 = arith.mulf %gather3A_399, %get3A_861 : vector<16xf32>
          tpu.vector_store_idx %arg19[%add3A_888], %mul3A_889 {add = true} : memref<32768xf32, #tpu.memory_space<vmem>>[vector<16xi32>], vector<16xf32>,
          %add3A_890 = arith.constant 2000 : i32
          %add3A_891 = vector.broadcast %add3A_890 : i32 to vector<16xi32>
          %add3A_892 = arith.addi %add3A_371, %add3A_891 : vector<16xi32>
          %mul3A_893 = arith.mulf %gather3A_403, %get3A_861 : vector<16xf32>
          tpu.vector_store_idx %arg19[%add3A_892], %mul3A_893 {add = true} : memref<32768xf32, #tpu.memory_space<vmem>>[vector<16xi32>], vector<16xf32>,
          %get3A_894 = arith.index_cast %while3A_363 : i32 to index
          %get3A_895 = arith.constant 224 : index
          %get3A_896 = tpu.vector_load %arg16[%get3A_894, %get3A_895] {strides = array<i32>} : memref<16x256xf32, #tpu.memory_space<vmem>>, vector<16xf32>,
          %add3A_897 = arith.constant 224 : i32
          %add3A_898 = vector.broadcast %add3A_897 : i32 to vector<16xi32>
          %add3A_899 = arith.addi %add3A_371, %add3A_898 : vector<16xi32>
          %mul3A_900 = arith.mulf %gather3A_375, %get3A_896 : vector<16xf32>
          tpu.vector_store_idx %arg19[%add3A_899], %mul3A_900 {add = true} : memref<32768xf32, #tpu.memory_space<vmem>>[vector<16xi32>], vector<16xf32>,
          %add3A_901 = arith.constant 480 : i32
          %add3A_902 = vector.broadcast %add3A_901 : i32 to vector<16xi32>
          %add3A_903 = arith.addi %add3A_371, %add3A_902 : vector<16xi32>
          %mul3A_904 = arith.mulf %gather3A_379, %get3A_896 : vector<16xf32>
          tpu.vector_store_idx %arg19[%add3A_903], %mul3A_904 {add = true} : memref<32768xf32, #tpu.memory_space<vmem>>[vector<16xi32>], vector<16xf32>,
          %add3A_905 = arith.constant 736 : i32
          %add3A_906 = vector.broadcast %add3A_905 : i32 to vector<16xi32>
          %add3A_907 = arith.addi %add3A_371, %add3A_906 : vector<16xi32>
          %mul3A_908 = arith.mulf %gather3A_383, %get3A_896 : vector<16xf32>
          tpu.vector_store_idx %arg19[%add3A_907], %mul3A_908 {add = true} : memref<32768xf32, #tpu.memory_space<vmem>>[vector<16xi32>], vector<16xf32>,
          %add3A_909 = arith.constant 992 : i32
          %add3A_910 = vector.broadcast %add3A_909 : i32 to vector<16xi32>
          %add3A_911 = arith.addi %add3A_371, %add3A_910 : vector<16xi32>
          %mul3A_912 = arith.mulf %gather3A_387, %get3A_896 : vector<16xf32>
          tpu.vector_store_idx %arg19[%add3A_911], %mul3A_912 {add = true} : memref<32768xf32, #tpu.memory_space<vmem>>[vector<16xi32>], vector<16xf32>,
          %add3A_913 = arith.constant 1248 : i32
          %add3A_914 = vector.broadcast %add3A_913 : i32 to vector<16xi32>
          %add3A_915 = arith.addi %add3A_371, %add3A_914 : vector<16xi32>
          %mul3A_916 = arith.mulf %gather3A_391, %get3A_896 : vector<16xf32>
          tpu.vector_store_idx %arg19[%add3A_915], %mul3A_916 {add = true} : memref<32768xf32, #tpu.memory_space<vmem>>[vector<16xi32>], vector<16xf32>,
          %add3A_917 = arith.constant 1504 : i32
          %add3A_918 = vector.broadcast %add3A_917 : i32 to vector<16xi32>
          %add3A_919 = arith.addi %add3A_371, %add3A_918 : vector<16xi32>
          %mul3A_920 = arith.mulf %gather3A_395, %get3A_896 : vector<16xf32>
          tpu.vector_store_idx %arg19[%add3A_919], %mul3A_920 {add = true} : memref<32768xf32, #tpu.memory_space<vmem>>[vector<16xi32>], vector<16xf32>,
          %add3A_921 = arith.constant 1760 : i32
          %add3A_922 = vector.broadcast %add3A_921 : i32 to vector<16xi32>
          %add3A_923 = arith.addi %add3A_371, %add3A_922 : vector<16xi32>
          %mul3A_924 = arith.mulf %gather3A_399, %get3A_896 : vector<16xf32>
          tpu.vector_store_idx %arg19[%add3A_923], %mul3A_924 {add = true} : memref<32768xf32, #tpu.memory_space<vmem>>[vector<16xi32>], vector<16xf32>,
          %add3A_925 = arith.constant 2016 : i32
          %add3A_926 = vector.broadcast %add3A_925 : i32 to vector<16xi32>
          %add3A_927 = arith.addi %add3A_371, %add3A_926 : vector<16xi32>
          %mul3A_928 = arith.mulf %gather3A_403, %get3A_896 : vector<16xf32>
          tpu.vector_store_idx %arg19[%add3A_927], %mul3A_928 {add = true} : memref<32768xf32, #tpu.memory_space<vmem>>[vector<16xi32>], vector<16xf32>,
          %get3A_929 = arith.index_cast %while3A_363 : i32 to index
          %get3A_930 = arith.constant 240 : index
          %get3A_931 = tpu.vector_load %arg16[%get3A_929, %get3A_930] {strides = array<i32>} : memref<16x256xf32, #tpu.memory_space<vmem>>, vector<16xf32>,
          %add3A_932 = arith.constant 240 : i32
          %add3A_933 = vector.broadcast %add3A_932 : i32 to vector<16xi32>
          %add3A_934 = arith.addi %add3A_371, %add3A_933 : vector<16xi32>
          %mul3A_935 = arith.mulf %gather3A_375, %get3A_931 : vector<16xf32>
          tpu.vector_store_idx %arg19[%add3A_934], %mul3A_935 {add = true} : memref<32768xf32, #tpu.memory_space<vmem>>[vector<16xi32>], vector<16xf32>,
          %add3A_936 = arith.constant 496 : i32
          %add3A_937 = vector.broadcast %add3A_936 : i32 to vector<16xi32>
          %add3A_938 = arith.addi %add3A_371, %add3A_937 : vector<16xi32>
          %mul3A_939 = arith.mulf %gather3A_379, %get3A_931 : vector<16xf32>
          tpu.vector_store_idx %arg19[%add3A_938], %mul3A_939 {add = true} : memref<32768xf32, #tpu.memory_space<vmem>>[vector<16xi32>], vector<16xf32>,
          %add3A_940 = arith.constant 752 : i32
          %add3A_941 = vector.broadcast %add3A_940 : i32 to vector<16xi32>
          %add3A_942 = arith.addi %add3A_371, %add3A_941 : vector<16xi32>
          %mul3A_943 = arith.mulf %gather3A_383, %get3A_931 : vector<16xf32>
          tpu.vector_store_idx %arg19[%add3A_942], %mul3A_943 {add = true} : memref<32768xf32, #tpu.memory_space<vmem>>[vector<16xi32>], vector<16xf32>,
          %add3A_944 = arith.constant 1008 : i32
          %add3A_945 = vector.broadcast %add3A_944 : i32 to vector<16xi32>
          %add3A_946 = arith.addi %add3A_371, %add3A_945 : vector<16xi32>
          %mul3A_947 = arith.mulf %gather3A_387, %get3A_931 : vector<16xf32>
          tpu.vector_store_idx %arg19[%add3A_946], %mul3A_947 {add = true} : memref<32768xf32, #tpu.memory_space<vmem>>[vector<16xi32>], vector<16xf32>,
          %add3A_948 = arith.constant 1264 : i32
          %add3A_949 = vector.broadcast %add3A_948 : i32 to vector<16xi32>
          %add3A_950 = arith.addi %add3A_371, %add3A_949 : vector<16xi32>
          %mul3A_951 = arith.mulf %gather3A_391, %get3A_931 : vector<16xf32>
          tpu.vector_store_idx %arg19[%add3A_950], %mul3A_951 {add = true} : memref<32768xf32, #tpu.memory_space<vmem>>[vector<16xi32>], vector<16xf32>,
          %add3A_952 = arith.constant 1520 : i32
          %add3A_953 = vector.broadcast %add3A_952 : i32 to vector<16xi32>
          %add3A_954 = arith.addi %add3A_371, %add3A_953 : vector<16xi32>
          %mul3A_955 = arith.mulf %gather3A_395, %get3A_931 : vector<16xf32>
          tpu.vector_store_idx %arg19[%add3A_954], %mul3A_955 {add = true} : memref<32768xf32, #tpu.memory_space<vmem>>[vector<16xi32>], vector<16xf32>,
          %add3A_956 = arith.constant 1776 : i32
          %add3A_957 = vector.broadcast %add3A_956 : i32 to vector<16xi32>
          %add3A_958 = arith.addi %add3A_371, %add3A_957 : vector<16xi32>
          %mul3A_959 = arith.mulf %gather3A_399, %get3A_931 : vector<16xf32>
          tpu.vector_store_idx %arg19[%add3A_958], %mul3A_959 {add = true} : memref<32768xf32, #tpu.memory_space<vmem>>[vector<16xi32>], vector<16xf32>,
          %add3A_960 = arith.constant 2032 : i32
          %add3A_961 = vector.broadcast %add3A_960 : i32 to vector<16xi32>
          %add3A_962 = arith.addi %add3A_371, %add3A_961 : vector<16xi32>
          %mul3A_963 = arith.mulf %gather3A_403, %get3A_931 : vector<16xf32>
          tpu.vector_store_idx %arg19[%add3A_962], %mul3A_963 {add = true} : memref<32768xf32, #tpu.memory_space<vmem>>[vector<16xi32>], vector<16xf32>,
          %while3A_964 = arith.constant 0 : i32
          scf.yield %while3A_964 : i32
        }
        %while3A_361 = arith.constant 1 : i32
        %while3A_362 = scf.for %while3A_363 = %while3A_358 to %while3A_354 step %while3A_361 iter_args(%while3A_364 = %while3A_360) -> (i32)  : i32 {
          %add3A_365 = arith.addi %mul3A_113, %while3A_363 : i32
          %broadcast_in_dim3A_366 = vector.broadcast %add3A_365 : i32 to vector<16xi32>
          %gather3A_367 = tpu.vector_load_idx %arg12[%broadcast_in_dim3A_366] : memref<10000xi32, #tpu.memory_space<vmem>>[vector<16xi32>], vector<16xi32>,
          %mul3A_368 = arith.constant 2048 : i32
          %mul3A_369 = vector.broadcast %mul3A_368 : i32 to vector<16xi32>
          %mul3A_370 = arith.muli %gather3A_367, %mul3A_369 : vector<16xi32>
          %add3A_371 = arith.addi %mul3A_370, %iota3A : vector<16xi32>
          %add3A_372 = arith.constant 0 : i32
          %add3A_373 = arith.addi %add3A_372, %while3A_363 : i32
          %broadcast_in_dim3A_374 = vector.broadcast %add3A_373 : i32 to vector<16xi32>
          %gather3A_375 = tpu.vector_load_idx %arg17[%broadcast_in_dim3A_374] : memref<128xf32, #tpu.memory_space<vmem>>[vector<16xi32>], vector<16xf32>,
          %add3A_376 = arith.constant 16 : i32
          %add3A_377 = arith.addi %add3A_376, %while3A_363 : i32
          %broadcast_in_dim3A_378 = vector.broadcast %add3A_377 : i32 to vector<16xi32>
          %gather3A_379 = tpu.vector_load_idx %arg17[%broadcast_in_dim3A_378] : memref<128xf32, #tpu.memory_space<vmem>>[vector<16xi32>], vector<16xf32>,
          %add3A_380 = arith.constant 32 : i32
          %add3A_381 = arith.addi %add3A_380, %while3A_363 : i32
          %broadcast_in_dim3A_382 = vector.broadcast %add3A_381 : i32 to vector<16xi32>
          %gather3A_383 = tpu.vector_load_idx %arg17[%broadcast_in_dim3A_382] : memref<128xf32, #tpu.memory_space<vmem>>[vector<16xi32>], vector<16xf32>,
          %add3A_384 = arith.constant 48 : i32
          %add3A_385 = arith.addi %add3A_384, %while3A_363 : i32
          %broadcast_in_dim3A_386 = vector.broadcast %add3A_385 : i32 to vector<16xi32>
          %gather3A_387 = tpu.vector_load_idx %arg17[%broadcast_in_dim3A_386] : memref<128xf32, #tpu.memory_space<vmem>>[vector<16xi32>], vector<16xf32>,
          %add3A_388 = arith.constant 64 : i32
          %add3A_389 = arith.addi %add3A_388, %while3A_363 : i32
          %broadcast_in_dim3A_390 = vector.broadcast %add3A_389 : i32 to vector<16xi32>
          %gather3A_391 = tpu.vector_load_idx %arg17[%broadcast_in_dim3A_390] : memref<128xf32, #tpu.memory_space<vmem>>[vector<16xi32>], vector<16xf32>,
          %add3A_392 = arith.constant 80 : i32
          %add3A_393 = arith.addi %add3A_392, %while3A_363 : i32
          %broadcast_in_dim3A_394 = vector.broadcast %add3A_393 : i32 to vector<16xi32>
          %gather3A_395 = tpu.vector_load_idx %arg17[%broadcast_in_dim3A_394] : memref<128xf32, #tpu.memory_space<vmem>>[vector<16xi32>], vector<16xf32>,
          %add3A_396 = arith.constant 96 : i32
          %add3A_397 = arith.addi %add3A_396, %while3A_363 : i32
          %broadcast_in_dim3A_398 = vector.broadcast %add3A_397 : i32 to vector<16xi32>
          %gather3A_399 = tpu.vector_load_idx %arg17[%broadcast_in_dim3A_398] : memref<128xf32, #tpu.memory_space<vmem>>[vector<16xi32>], vector<16xf32>,
          %add3A_400 = arith.constant 112 : i32
          %add3A_401 = arith.addi %add3A_400, %while3A_363 : i32
          %broadcast_in_dim3A_402 = vector.broadcast %add3A_401 : i32 to vector<16xi32>
          %gather3A_403 = tpu.vector_load_idx %arg17[%broadcast_in_dim3A_402] : memref<128xf32, #tpu.memory_space<vmem>>[vector<16xi32>], vector<16xf32>,
          %get3A_404 = arith.index_cast %while3A_363 : i32 to index
          %get3A_405 = arith.constant 0 : index
          %get3A_406 = tpu.vector_load %arg16[%get3A_404, %get3A_405] {strides = array<i32>} : memref<16x256xf32, #tpu.memory_space<vmem>>, vector<16xf32>,
          %add3A_407 = arith.constant 0 : i32
          %add3A_408 = vector.broadcast %add3A_407 : i32 to vector<16xi32>
          %add3A_409 = arith.addi %add3A_371, %add3A_408 : vector<16xi32>
          %mul3A_410 = arith.mulf %gather3A_375, %get3A_406 : vector<16xf32>
          tpu.vector_store_idx %arg19[%add3A_409], %mul3A_410 {add = true} : memref<32768xf32, #tpu.memory_space<vmem>>[vector<16xi32>], vector<16xf32>,
          %add3A_411 = arith.constant 256 : i32
          %add3A_412 = vector.broadcast %add3A_411 : i32 to vector<16xi32>
          %add3A_413 = arith.addi %add3A_371, %add3A_412 : vector<16xi32>
          %mul3A_414 = arith.mulf %gather3A_379, %get3A_406 : vector<16xf32>
          tpu.vector_store_idx %arg19[%add3A_413], %mul3A_414 {add = true} : memref<32768xf32, #tpu.memory_space<vmem>>[vector<16xi32>], vector<16xf32>,
          %add3A_415 = arith.constant 512 : i32
          %add3A_416 = vector.broadcast %add3A_415 : i32 to vector<16xi32>
          %add3A_417 = arith.addi %add3A_371, %add3A_416 : vector<16xi32>
          %mul3A_418 = arith.mulf %gather3A_383, %get3A_406 : vector<16xf32>
          tpu.vector_store_idx %arg19[%add3A_417], %mul3A_418 {add = true} : memref<32768xf32, #tpu.memory_space<vmem>>[vector<16xi32>], vector<16xf32>,
          %add3A_419 = arith.constant 768 : i32
          %add3A_420 = vector.broadcast %add3A_419 : i32 to vector<16xi32>
          %add3A_421 = arith.addi %add3A_371, %add3A_420 : vector<16xi32>
          %mul3A_422 = arith.mulf %gather3A_387, %get3A_406 : vector<16xf32>
          tpu.vector_store_idx %arg19[%add3A_421], %mul3A_422 {add = true} : memref<32768xf32, #tpu.memory_space<vmem>>[vector<16xi32>], vector<16xf32>,
          %add3A_423 = arith.constant 1024 : i32
          %add3A_424 = vector.broadcast %add3A_423 : i32 to vector<16xi32>
          %add3A_425 = arith.addi %add3A_371, %add3A_424 : vector<16xi32>
          %mul3A_426 = arith.mulf %gather3A_391, %get3A_406 : vector<16xf32>
          tpu.vector_store_idx %arg19[%add3A_425], %mul3A_426 {add = true} : memref<32768xf32, #tpu.memory_space<vmem>>[vector<16xi32>], vector<16xf32>,
          %add3A_427 = arith.constant 1280 : i32
          %add3A_428 = vector.broadcast %add3A_427 : i32 to vector<16xi32>
          %add3A_429 = arith.addi %add3A_371, %add3A_428 : vector<16xi32>
          %mul3A_430 = arith.mulf %gather3A_395, %get3A_406 : vector<16xf32>
          tpu.vector_store_idx %arg19[%add3A_429], %mul3A_430 {add = true} : memref<32768xf32, #tpu.memory_space<vmem>>[vector<16xi32>], vector<16xf32>,
          %add3A_431 = arith.constant 1536 : i32
          %add3A_432 = vector.broadcast %add3A_431 : i32 to vector<16xi32>
          %add3A_433 = arith.addi %add3A_371, %add3A_432 : vector<16xi32>
          %mul3A_434 = arith.mulf %gather3A_399, %get3A_406 : vector<16xf32>
          tpu.vector_store_idx %arg19[%add3A_433], %mul3A_434 {add = true} : memref<32768xf32, #tpu.memory_space<vmem>>[vector<16xi32>], vector<16xf32>,
          %add3A_435 = arith.constant 1792 : i32
          %add3A_436 = vector.broadcast %add3A_435 : i32 to vector<16xi32>
          %add3A_437 = arith.addi %add3A_371, %add3A_436 : vector<16xi32>
          %mul3A_438 = arith.mulf %gather3A_403, %get3A_406 : vector<16xf32>
          tpu.vector_store_idx %arg19[%add3A_437], %mul3A_438 {add = true} : memref<32768xf32, #tpu.memory_space<vmem>>[vector<16xi32>], vector<16xf32>,
          %get3A_439 = arith.index_cast %while3A_363 : i32 to index
          %get3A_440 = arith.constant 16 : index
          %get3A_441 = tpu.vector_load %arg16[%get3A_439, %get3A_440] {strides = array<i32>} : memref<16x256xf32, #tpu.memory_space<vmem>>, vector<16xf32>,
          %add3A_442 = arith.constant 16 : i32
          %add3A_443 = vector.broadcast %add3A_442 : i32 to vector<16xi32>
          %add3A_444 = arith.addi %add3A_371, %add3A_443 : vector<16xi32>
          %mul3A_445 = arith.mulf %gather3A_375, %get3A_441 : vector<16xf32>
          tpu.vector_store_idx %arg19[%add3A_444], %mul3A_445 {add = true} : memref<32768xf32, #tpu.memory_space<vmem>>[vector<16xi32>], vector<16xf32>,
          %add3A_446 = arith.constant 272 : i32
          %add3A_447 = vector.broadcast %add3A_446 : i32 to vector<16xi32>
          %add3A_448 = arith.addi %add3A_371, %add3A_447 : vector<16xi32>
          %mul3A_449 = arith.mulf %gather3A_379, %get3A_441 : vector<16xf32>
          tpu.vector_store_idx %arg19[%add3A_448], %mul3A_449 {add = true} : memref<32768xf32, #tpu.memory_space<vmem>>[vector<16xi32>], vector<16xf32>,
          %add3A_450 = arith.constant 528 : i32
          %add3A_451 = vector.broadcast %add3A_450 : i32 to vector<16xi32>
          %add3A_452 = arith.addi %add3A_371, %add3A_451 : vector<16xi32>
          %mul3A_453 = arith.mulf %gather3A_383, %get3A_441 : vector<16xf32>
          tpu.vector_store_idx %arg19[%add3A_452], %mul3A_453 {add = true} : memref<32768xf32, #tpu.memory_space<vmem>>[vector<16xi32>], vector<16xf32>,
          %add3A_454 = arith.constant 784 : i32
          %add3A_455 = vector.broadcast %add3A_454 : i32 to vector<16xi32>
          %add3A_456 = arith.addi %add3A_371, %add3A_455 : vector<16xi32>
          %mul3A_457 = arith.mulf %gather3A_387, %get3A_441 : vector<16xf32>
          tpu.vector_store_idx %arg19[%add3A_456], %mul3A_457 {add = true} : memref<32768xf32, #tpu.memory_space<vmem>>[vector<16xi32>], vector<16xf32>,
          %add3A_458 = arith.constant 1040 : i32
          %add3A_459 = vector.broadcast %add3A_458 : i32 to vector<16xi32>
          %add3A_460 = arith.addi %add3A_371, %add3A_459 : vector<16xi32>
          %mul3A_461 = arith.mulf %gather3A_391, %get3A_441 : vector<16xf32>
          tpu.vector_store_idx %arg19[%add3A_460], %mul3A_461 {add = true} : memref<32768xf32, #tpu.memory_space<vmem>>[vector<16xi32>], vector<16xf32>,
          %add3A_462 = arith.constant 1296 : i32
          %add3A_463 = vector.broadcast %add3A_462 : i32 to vector<16xi32>
          %add3A_464 = arith.addi %add3A_371, %add3A_463 : vector<16xi32>
          %mul3A_465 = arith.mulf %gather3A_395, %get3A_441 : vector<16xf32>
          tpu.vector_store_idx %arg19[%add3A_464], %mul3A_465 {add = true} : memref<32768xf32, #tpu.memory_space<vmem>>[vector<16xi32>], vector<16xf32>,
          %add3A_466 = arith.constant 1552 : i32
          %add3A_467 = vector.broadcast %add3A_466 : i32 to vector<16xi32>
          %add3A_468 = arith.addi %add3A_371, %add3A_467 : vector<16xi32>
          %mul3A_469 = arith.mulf %gather3A_399, %get3A_441 : vector<16xf32>
          tpu.vector_store_idx %arg19[%add3A_468], %mul3A_469 {add = true} : memref<32768xf32, #tpu.memory_space<vmem>>[vector<16xi32>], vector<16xf32>,
          %add3A_470 = arith.constant 1808 : i32
          %add3A_471 = vector.broadcast %add3A_470 : i32 to vector<16xi32>
          %add3A_472 = arith.addi %add3A_371, %add3A_471 : vector<16xi32>
          %mul3A_473 = arith.mulf %gather3A_403, %get3A_441 : vector<16xf32>
          tpu.vector_store_idx %arg19[%add3A_472], %mul3A_473 {add = true} : memref<32768xf32, #tpu.memory_space<vmem>>[vector<16xi32>], vector<16xf32>,
          %get3A_474 = arith.index_cast %while3A_363 : i32 to index
          %get3A_475 = arith.constant 32 : index
          %get3A_476 = tpu.vector_load %arg16[%get3A_474, %get3A_475] {strides = array<i32>} : memref<16x256xf32, #tpu.memory_space<vmem>>, vector<16xf32>,
          %add3A_477 = arith.constant 32 : i32
          %add3A_478 = vector.broadcast %add3A_477 : i32 to vector<16xi32>
          %add3A_479 = arith.addi %add3A_371, %add3A_478 : vector<16xi32>
          %mul3A_480 = arith.mulf %gather3A_375, %get3A_476 : vector<16xf32>
          tpu.vector_store_idx %arg19[%add3A_479], %mul3A_480 {add = true} : memref<32768xf32, #tpu.memory_space<vmem>>[vector<16xi32>], vector<16xf32>,
          %add3A_481 = arith.constant 288 : i32
          %add3A_482 = vector.broadcast %add3A_481 : i32 to vector<16xi32>
          %add3A_483 = arith.addi %add3A_371, %add3A_482 : vector<16xi32>
          %mul3A_484 = arith.mulf %gather3A_379, %get3A_476 : vector<16xf32>
          tpu.vector_store_idx %arg19[%add3A_483], %mul3A_484 {add = true} : memref<32768xf32, #tpu.memory_space<vmem>>[vector<16xi32>], vector<16xf32>,
          %add3A_485 = arith.constant 544 : i32
          %add3A_486 = vector.broadcast %add3A_485 : i32 to vector<16xi32>
          %add3A_487 = arith.addi %add3A_371, %add3A_486 : vector<16xi32>
          %mul3A_488 = arith.mulf %gather3A_383, %get3A_476 : vector<16xf32>
          tpu.vector_store_idx %arg19[%add3A_487], %mul3A_488 {add = true} : memref<32768xf32, #tpu.memory_space<vmem>>[vector<16xi32>], vector<16xf32>,
          %add3A_489 = arith.constant 800 : i32
          %add3A_490 = vector.broadcast %add3A_489 : i32 to vector<16xi32>
          %add3A_491 = arith.addi %add3A_371, %add3A_490 : vector<16xi32>
          %mul3A_492 = arith.mulf %gather3A_387, %get3A_476 : vector<16xf32>
          tpu.vector_store_idx %arg19[%add3A_491], %mul3A_492 {add = true} : memref<32768xf32, #tpu.memory_space<vmem>>[vector<16xi32>], vector<16xf32>,
          %add3A_493 = arith.constant 1056 : i32
          %add3A_494 = vector.broadcast %add3A_493 : i32 to vector<16xi32>
          %add3A_495 = arith.addi %add3A_371, %add3A_494 : vector<16xi32>
          %mul3A_496 = arith.mulf %gather3A_391, %get3A_476 : vector<16xf32>
          tpu.vector_store_idx %arg19[%add3A_495], %mul3A_496 {add = true} : memref<32768xf32, #tpu.memory_space<vmem>>[vector<16xi32>], vector<16xf32>,
          %add3A_497 = arith.constant 1312 : i32
          %add3A_498 = vector.broadcast %add3A_497 : i32 to vector<16xi32>
          %add3A_499 = arith.addi %add3A_371, %add3A_498 : vector<16xi32>
          %mul3A_500 = arith.mulf %gather3A_395, %get3A_476 : vector<16xf32>
          tpu.vector_store_idx %arg19[%add3A_499], %mul3A_500 {add = true} : memref<32768xf32, #tpu.memory_space<vmem>>[vector<16xi32>], vector<16xf32>,
          %add3A_501 = arith.constant 1568 : i32
          %add3A_502 = vector.broadcast %add3A_501 : i32 to vector<16xi32>
          %add3A_503 = arith.addi %add3A_371, %add3A_502 : vector<16xi32>
          %mul3A_504 = arith.mulf %gather3A_399, %get3A_476 : vector<16xf32>
          tpu.vector_store_idx %arg19[%add3A_503], %mul3A_504 {add = true} : memref<32768xf32, #tpu.memory_space<vmem>>[vector<16xi32>], vector<16xf32>,
          %add3A_505 = arith.constant 1824 : i32
          %add3A_506 = vector.broadcast %add3A_505 : i32 to vector<16xi32>
          %add3A_507 = arith.addi %add3A_371, %add3A_506 : vector<16xi32>
          %mul3A_508 = arith.mulf %gather3A_403, %get3A_476 : vector<16xf32>
          tpu.vector_store_idx %arg19[%add3A_507], %mul3A_508 {add = true} : memref<32768xf32, #tpu.memory_space<vmem>>[vector<16xi32>], vector<16xf32>,
          %get3A_509 = arith.index_cast %while3A_363 : i32 to index
          %get3A_510 = arith.constant 48 : index
          %get3A_511 = tpu.vector_load %arg16[%get3A_509, %get3A_510] {strides = array<i32>} : memref<16x256xf32, #tpu.memory_space<vmem>>, vector<16xf32>,
          %add3A_512 = arith.constant 48 : i32
          %add3A_513 = vector.broadcast %add3A_512 : i32 to vector<16xi32>
          %add3A_514 = arith.addi %add3A_371, %add3A_513 : vector<16xi32>
          %mul3A_515 = arith.mulf %gather3A_375, %get3A_511 : vector<16xf32>
          tpu.vector_store_idx %arg19[%add3A_514], %mul3A_515 {add = true} : memref<32768xf32, #tpu.memory_space<vmem>>[vector<16xi32>], vector<16xf32>,
          %add3A_516 = arith.constant 304 : i32
          %add3A_517 = vector.broadcast %add3A_516 : i32 to vector<16xi32>
          %add3A_518 = arith.addi %add3A_371, %add3A_517 : vector<16xi32>
          %mul3A_519 = arith.mulf %gather3A_379, %get3A_511 : vector<16xf32>
          tpu.vector_store_idx %arg19[%add3A_518], %mul3A_519 {add = true} : memref<32768xf32, #tpu.memory_space<vmem>>[vector<16xi32>], vector<16xf32>,
          %add3A_520 = arith.constant 560 : i32
          %add3A_521 = vector.broadcast %add3A_520 : i32 to vector<16xi32>
          %add3A_522 = arith.addi %add3A_371, %add3A_521 : vector<16xi32>
          %mul3A_523 = arith.mulf %gather3A_383, %get3A_511 : vector<16xf32>
          tpu.vector_store_idx %arg19[%add3A_522], %mul3A_523 {add = true} : memref<32768xf32, #tpu.memory_space<vmem>>[vector<16xi32>], vector<16xf32>,
          %add3A_524 = arith.constant 816 : i32
          %add3A_525 = vector.broadcast %add3A_524 : i32 to vector<16xi32>
          %add3A_526 = arith.addi %add3A_371, %add3A_525 : vector<16xi32>
          %mul3A_527 = arith.mulf %gather3A_387, %get3A_511 : vector<16xf32>
          tpu.vector_store_idx %arg19[%add3A_526], %mul3A_527 {add = true} : memref<32768xf32, #tpu.memory_space<vmem>>[vector<16xi32>], vector<16xf32>,
          %add3A_528 = arith.constant 1072 : i32
          %add3A_529 = vector.broadcast %add3A_528 : i32 to vector<16xi32>
          %add3A_530 = arith.addi %add3A_371, %add3A_529 : vector<16xi32>
          %mul3A_531 = arith.mulf %gather3A_391, %get3A_511 : vector<16xf32>
          tpu.vector_store_idx %arg19[%add3A_530], %mul3A_531 {add = true} : memref<32768xf32, #tpu.memory_space<vmem>>[vector<16xi32>], vector<16xf32>,
          %add3A_532 = arith.constant 1328 : i32
          %add3A_533 = vector.broadcast %add3A_532 : i32 to vector<16xi32>
          %add3A_534 = arith.addi %add3A_371, %add3A_533 : vector<16xi32>
          %mul3A_535 = arith.mulf %gather3A_395, %get3A_511 : vector<16xf32>
          tpu.vector_store_idx %arg19[%add3A_534], %mul3A_535 {add = true} : memref<32768xf32, #tpu.memory_space<vmem>>[vector<16xi32>], vector<16xf32>,
          %add3A_536 = arith.constant 1584 : i32
          %add3A_537 = vector.broadcast %add3A_536 : i32 to vector<16xi32>
          %add3A_538 = arith.addi %add3A_371, %add3A_537 : vector<16xi32>
          %mul3A_539 = arith.mulf %gather3A_399, %get3A_511 : vector<16xf32>
          tpu.vector_store_idx %arg19[%add3A_538], %mul3A_539 {add = true} : memref<32768xf32, #tpu.memory_space<vmem>>[vector<16xi32>], vector<16xf32>,
          %add3A_540 = arith.constant 1840 : i32
          %add3A_541 = vector.broadcast %add3A_540 : i32 to vector<16xi32>
          %add3A_542 = arith.addi %add3A_371, %add3A_541 : vector<16xi32>
          %mul3A_543 = arith.mulf %gather3A_403, %get3A_511 : vector<16xf32>
          tpu.vector_store_idx %arg19[%add3A_542], %mul3A_543 {add = true} : memref<32768xf32, #tpu.memory_space<vmem>>[vector<16xi32>], vector<16xf32>,
          %get3A_544 = arith.index_cast %while3A_363 : i32 to index
          %get3A_545 = arith.constant 64 : index
          %get3A_546 = tpu.vector_load %arg16[%get3A_544, %get3A_545] {strides = array<i32>} : memref<16x256xf32, #tpu.memory_space<vmem>>, vector<16xf32>,
          %add3A_547 = arith.constant 64 : i32
          %add3A_548 = vector.broadcast %add3A_547 : i32 to vector<16xi32>
          %add3A_549 = arith.addi %add3A_371, %add3A_548 : vector<16xi32>
          %mul3A_550 = arith.mulf %gather3A_375, %get3A_546 : vector<16xf32>
          tpu.vector_store_idx %arg19[%add3A_549], %mul3A_550 {add = true} : memref<32768xf32, #tpu.memory_space<vmem>>[vector<16xi32>], vector<16xf32>,
          %add3A_551 = arith.constant 320 : i32
          %add3A_552 = vector.broadcast %add3A_551 : i32 to vector<16xi32>
          %add3A_553 = arith.addi %add3A_371, %add3A_552 : vector<16xi32>
          %mul3A_554 = arith.mulf %gather3A_379, %get3A_546 : vector<16xf32>
          tpu.vector_store_idx %arg19[%add3A_553], %mul3A_554 {add = true} : memref<32768xf32, #tpu.memory_space<vmem>>[vector<16xi32>], vector<16xf32>,
          %add3A_555 = arith.constant 576 : i32
          %add3A_556 = vector.broadcast %add3A_555 : i32 to vector<16xi32>
          %add3A_557 = arith.addi %add3A_371, %add3A_556 : vector<16xi32>
          %mul3A_558 = arith.mulf %gather3A_383, %get3A_546 : vector<16xf32>
          tpu.vector_store_idx %arg19[%add3A_557], %mul3A_558 {add = true} : memref<32768xf32, #tpu.memory_space<vmem>>[vector<16xi32>], vector<16xf32>,
          %add3A_559 = arith.constant 832 : i32
          %add3A_560 = vector.broadcast %add3A_559 : i32 to vector<16xi32>
          %add3A_561 = arith.addi %add3A_371, %add3A_560 : vector<16xi32>
          %mul3A_562 = arith.mulf %gather3A_387, %get3A_546 : vector<16xf32>
          tpu.vector_store_idx %arg19[%add3A_561], %mul3A_562 {add = true} : memref<32768xf32, #tpu.memory_space<vmem>>[vector<16xi32>], vector<16xf32>,
          %add3A_563 = arith.constant 1088 : i32
          %add3A_564 = vector.broadcast %add3A_563 : i32 to vector<16xi32>
          %add3A_565 = arith.addi %add3A_371, %add3A_564 : vector<16xi32>
          %mul3A_566 = arith.mulf %gather3A_391, %get3A_546 : vector<16xf32>
          tpu.vector_store_idx %arg19[%add3A_565], %mul3A_566 {add = true} : memref<32768xf32, #tpu.memory_space<vmem>>[vector<16xi32>], vector<16xf32>,
          %add3A_567 = arith.constant 1344 : i32
          %add3A_568 = vector.broadcast %add3A_567 : i32 to vector<16xi32>
          %add3A_569 = arith.addi %add3A_371, %add3A_568 : vector<16xi32>
          %mul3A_570 = arith.mulf %gather3A_395, %get3A_546 : vector<16xf32>
          tpu.vector_store_idx %arg19[%add3A_569], %mul3A_570 {add = true} : memref<32768xf32, #tpu.memory_space<vmem>>[vector<16xi32>], vector<16xf32>,
          %add3A_571 = arith.constant 1600 : i32
          %add3A_572 = vector.broadcast %add3A_571 : i32 to vector<16xi32>
          %add3A_573 = arith.addi %add3A_371, %add3A_572 : vector<16xi32>
          %mul3A_574 = arith.mulf %gather3A_399, %get3A_546 : vector<16xf32>
          tpu.vector_store_idx %arg19[%add3A_573], %mul3A_574 {add = true} : memref<32768xf32, #tpu.memory_space<vmem>>[vector<16xi32>], vector<16xf32>,
          %add3A_575 = arith.constant 1856 : i32
          %add3A_576 = vector.broadcast %add3A_575 : i32 to vector<16xi32>
          %add3A_577 = arith.addi %add3A_371, %add3A_576 : vector<16xi32>
          %mul3A_578 = arith.mulf %gather3A_403, %get3A_546 : vector<16xf32>
          tpu.vector_store_idx %arg19[%add3A_577], %mul3A_578 {add = true} : memref<32768xf32, #tpu.memory_space<vmem>>[vector<16xi32>], vector<16xf32>,
          %get3A_579 = arith.index_cast %while3A_363 : i32 to index
          %get3A_580 = arith.constant 80 : index
          %get3A_581 = tpu.vector_load %arg16[%get3A_579, %get3A_580] {strides = array<i32>} : memref<16x256xf32, #tpu.memory_space<vmem>>, vector<16xf32>,
          %add3A_582 = arith.constant 80 : i32
          %add3A_583 = vector.broadcast %add3A_582 : i32 to vector<16xi32>
          %add3A_584 = arith.addi %add3A_371, %add3A_583 : vector<16xi32>
          %mul3A_585 = arith.mulf %gather3A_375, %get3A_581 : vector<16xf32>
          tpu.vector_store_idx %arg19[%add3A_584], %mul3A_585 {add = true} : memref<32768xf32, #tpu.memory_space<vmem>>[vector<16xi32>], vector<16xf32>,
          %add3A_586 = arith.constant 336 : i32
          %add3A_587 = vector.broadcast %add3A_586 : i32 to vector<16xi32>
          %add3A_588 = arith.addi %add3A_371, %add3A_587 : vector<16xi32>
          %mul3A_589 = arith.mulf %gather3A_379, %get3A_581 : vector<16xf32>
          tpu.vector_store_idx %arg19[%add3A_588], %mul3A_589 {add = true} : memref<32768xf32, #tpu.memory_space<vmem>>[vector<16xi32>], vector<16xf32>,
          %add3A_590 = arith.constant 592 : i32
          %add3A_591 = vector.broadcast %add3A_590 : i32 to vector<16xi32>
          %add3A_592 = arith.addi %add3A_371, %add3A_591 : vector<16xi32>
          %mul3A_593 = arith.mulf %gather3A_383, %get3A_581 : vector<16xf32>
          tpu.vector_store_idx %arg19[%add3A_592], %mul3A_593 {add = true} : memref<32768xf32, #tpu.memory_space<vmem>>[vector<16xi32>], vector<16xf32>,
          %add3A_594 = arith.constant 848 : i32
          %add3A_595 = vector.broadcast %add3A_594 : i32 to vector<16xi32>
          %add3A_596 = arith.addi %add3A_371, %add3A_595 : vector<16xi32>
          %mul3A_597 = arith.mulf %gather3A_387, %get3A_581 : vector<16xf32>
          tpu.vector_store_idx %arg19[%add3A_596], %mul3A_597 {add = true} : memref<32768xf32, #tpu.memory_space<vmem>>[vector<16xi32>], vector<16xf32>,
          %add3A_598 = arith.constant 1104 : i32
          %add3A_599 = vector.broadcast %add3A_598 : i32 to vector<16xi32>
          %add3A_600 = arith.addi %add3A_371, %add3A_599 : vector<16xi32>
          %mul3A_601 = arith.mulf %gather3A_391, %get3A_581 : vector<16xf32>
          tpu.vector_store_idx %arg19[%add3A_600], %mul3A_601 {add = true} : memref<32768xf32, #tpu.memory_space<vmem>>[vector<16xi32>], vector<16xf32>,
          %add3A_602 = arith.constant 1360 : i32
          %add3A_603 = vector.broadcast %add3A_602 : i32 to vector<16xi32>
          %add3A_604 = arith.addi %add3A_371, %add3A_603 : vector<16xi32>
          %mul3A_605 = arith.mulf %gather3A_395, %get3A_581 : vector<16xf32>
          tpu.vector_store_idx %arg19[%add3A_604], %mul3A_605 {add = true} : memref<32768xf32, #tpu.memory_space<vmem>>[vector<16xi32>], vector<16xf32>,
          %add3A_606 = arith.constant 1616 : i32
          %add3A_607 = vector.broadcast %add3A_606 : i32 to vector<16xi32>
          %add3A_608 = arith.addi %add3A_371, %add3A_607 : vector<16xi32>
          %mul3A_609 = arith.mulf %gather3A_399, %get3A_581 : vector<16xf32>
          tpu.vector_store_idx %arg19[%add3A_608], %mul3A_609 {add = true} : memref<32768xf32, #tpu.memory_space<vmem>>[vector<16xi32>], vector<16xf32>,
          %add3A_610 = arith.constant 1872 : i32
          %add3A_611 = vector.broadcast %add3A_610 : i32 to vector<16xi32>
          %add3A_612 = arith.addi %add3A_371, %add3A_611 : vector<16xi32>
          %mul3A_613 = arith.mulf %gather3A_403, %get3A_581 : vector<16xf32>
          tpu.vector_store_idx %arg19[%add3A_612], %mul3A_613 {add = true} : memref<32768xf32, #tpu.memory_space<vmem>>[vector<16xi32>], vector<16xf32>,
          %get3A_614 = arith.index_cast %while3A_363 : i32 to index
          %get3A_615 = arith.constant 96 : index
          %get3A_616 = tpu.vector_load %arg16[%get3A_614, %get3A_615] {strides = array<i32>} : memref<16x256xf32, #tpu.memory_space<vmem>>, vector<16xf32>,
          %add3A_617 = arith.constant 96 : i32
          %add3A_618 = vector.broadcast %add3A_617 : i32 to vector<16xi32>
          %add3A_619 = arith.addi %add3A_371, %add3A_618 : vector<16xi32>
          %mul3A_620 = arith.mulf %gather3A_375, %get3A_616 : vector<16xf32>
          tpu.vector_store_idx %arg19[%add3A_619], %mul3A_620 {add = true} : memref<32768xf32, #tpu.memory_space<vmem>>[vector<16xi32>], vector<16xf32>,
          %add3A_621 = arith.constant 352 : i32
          %add3A_622 = vector.broadcast %add3A_621 : i32 to vector<16xi32>
          %add3A_623 = arith.addi %add3A_371, %add3A_622 : vector<16xi32>
          %mul3A_624 = arith.mulf %gather3A_379, %get3A_616 : vector<16xf32>
          tpu.vector_store_idx %arg19[%add3A_623], %mul3A_624 {add = true} : memref<32768xf32, #tpu.memory_space<vmem>>[vector<16xi32>], vector<16xf32>,
          %add3A_625 = arith.constant 608 : i32
          %add3A_626 = vector.broadcast %add3A_625 : i32 to vector<16xi32>
          %add3A_627 = arith.addi %add3A_371, %add3A_626 : vector<16xi32>
          %mul3A_628 = arith.mulf %gather3A_383, %get3A_616 : vector<16xf32>
          tpu.vector_store_idx %arg19[%add3A_627], %mul3A_628 {add = true} : memref<32768xf32, #tpu.memory_space<vmem>>[vector<16xi32>], vector<16xf32>,
          %add3A_629 = arith.constant 864 : i32
          %add3A_630 = vector.broadcast %add3A_629 : i32 to vector<16xi32>
          %add3A_631 = arith.addi %add3A_371, %add3A_630 : vector<16xi32>
          %mul3A_632 = arith.mulf %gather3A_387, %get3A_616 : vector<16xf32>
          tpu.vector_store_idx %arg19[%add3A_631], %mul3A_632 {add = true} : memref<32768xf32, #tpu.memory_space<vmem>>[vector<16xi32>], vector<16xf32>,
          %add3A_633 = arith.constant 1120 : i32
          %add3A_634 = vector.broadcast %add3A_633 : i32 to vector<16xi32>
          %add3A_635 = arith.addi %add3A_371, %add3A_634 : vector<16xi32>
          %mul3A_636 = arith.mulf %gather3A_391, %get3A_616 : vector<16xf32>
          tpu.vector_store_idx %arg19[%add3A_635], %mul3A_636 {add = true} : memref<32768xf32, #tpu.memory_space<vmem>>[vector<16xi32>], vector<16xf32>,
          %add3A_637 = arith.constant 1376 : i32
          %add3A_638 = vector.broadcast %add3A_637 : i32 to vector<16xi32>
          %add3A_639 = arith.addi %add3A_371, %add3A_638 : vector<16xi32>
          %mul3A_640 = arith.mulf %gather3A_395, %get3A_616 : vector<16xf32>
          tpu.vector_store_idx %arg19[%add3A_639], %mul3A_640 {add = true} : memref<32768xf32, #tpu.memory_space<vmem>>[vector<16xi32>], vector<16xf32>,
          %add3A_641 = arith.constant 1632 : i32
          %add3A_642 = vector.broadcast %add3A_641 : i32 to vector<16xi32>
          %add3A_643 = arith.addi %add3A_371, %add3A_642 : vector<16xi32>
          %mul3A_644 = arith.mulf %gather3A_399, %get3A_616 : vector<16xf32>
          tpu.vector_store_idx %arg19[%add3A_643], %mul3A_644 {add = true} : memref<32768xf32, #tpu.memory_space<vmem>>[vector<16xi32>], vector<16xf32>,
          %add3A_645 = arith.constant 1888 : i32
          %add3A_646 = vector.broadcast %add3A_645 : i32 to vector<16xi32>
          %add3A_647 = arith.addi %add3A_371, %add3A_646 : vector<16xi32>
          %mul3A_648 = arith.mulf %gather3A_403, %get3A_616 : vector<16xf32>
          tpu.vector_store_idx %arg19[%add3A_647], %mul3A_648 {add = true} : memref<32768xf32, #tpu.memory_space<vmem>>[vector<16xi32>], vector<16xf32>,
          %get3A_649 = arith.index_cast %while3A_363 : i32 to index
          %get3A_650 = arith.constant 112 : index
          %get3A_651 = tpu.vector_load %arg16[%get3A_649, %get3A_650] {strides = array<i32>} : memref<16x256xf32, #tpu.memory_space<vmem>>, vector<16xf32>,
          %add3A_652 = arith.constant 112 : i32
          %add3A_653 = vector.broadcast %add3A_652 : i32 to vector<16xi32>
          %add3A_654 = arith.addi %add3A_371, %add3A_653 : vector<16xi32>
          %mul3A_655 = arith.mulf %gather3A_375, %get3A_651 : vector<16xf32>
          tpu.vector_store_idx %arg19[%add3A_654], %mul3A_655 {add = true} : memref<32768xf32, #tpu.memory_space<vmem>>[vector<16xi32>], vector<16xf32>,
          %add3A_656 = arith.constant 368 : i32
          %add3A_657 = vector.broadcast %add3A_656 : i32 to vector<16xi32>
          %add3A_658 = arith.addi %add3A_371, %add3A_657 : vector<16xi32>
          %mul3A_659 = arith.mulf %gather3A_379, %get3A_651 : vector<16xf32>
          tpu.vector_store_idx %arg19[%add3A_658], %mul3A_659 {add = true} : memref<32768xf32, #tpu.memory_space<vmem>>[vector<16xi32>], vector<16xf32>,
          %add3A_660 = arith.constant 624 : i32
          %add3A_661 = vector.broadcast %add3A_660 : i32 to vector<16xi32>
          %add3A_662 = arith.addi %add3A_371, %add3A_661 : vector<16xi32>
          %mul3A_663 = arith.mulf %gather3A_383, %get3A_651 : vector<16xf32>
          tpu.vector_store_idx %arg19[%add3A_662], %mul3A_663 {add = true} : memref<32768xf32, #tpu.memory_space<vmem>>[vector<16xi32>], vector<16xf32>,
          %add3A_664 = arith.constant 880 : i32
          %add3A_665 = vector.broadcast %add3A_664 : i32 to vector<16xi32>
          %add3A_666 = arith.addi %add3A_371, %add3A_665 : vector<16xi32>
          %mul3A_667 = arith.mulf %gather3A_387, %get3A_651 : vector<16xf32>
          tpu.vector_store_idx %arg19[%add3A_666], %mul3A_667 {add = true} : memref<32768xf32, #tpu.memory_space<vmem>>[vector<16xi32>], vector<16xf32>,
          %add3A_668 = arith.constant 1136 : i32
          %add3A_669 = vector.broadcast %add3A_668 : i32 to vector<16xi32>
          %add3A_670 = arith.addi %add3A_371, %add3A_669 : vector<16xi32>
          %mul3A_671 = arith.mulf %gather3A_391, %get3A_651 : vector<16xf32>
          tpu.vector_store_idx %arg19[%add3A_670], %mul3A_671 {add = true} : memref<32768xf32, #tpu.memory_space<vmem>>[vector<16xi32>], vector<16xf32>,
          %add3A_672 = arith.constant 1392 : i32
          %add3A_673 = vector.broadcast %add3A_672 : i32 to vector<16xi32>
          %add3A_674 = arith.addi %add3A_371, %add3A_673 : vector<16xi32>
          %mul3A_675 = arith.mulf %gather3A_395, %get3A_651 : vector<16xf32>
          tpu.vector_store_idx %arg19[%add3A_674], %mul3A_675 {add = true} : memref<32768xf32, #tpu.memory_space<vmem>>[vector<16xi32>], vector<16xf32>,
          %add3A_676 = arith.constant 1648 : i32
          %add3A_677 = vector.broadcast %add3A_676 : i32 to vector<16xi32>
          %add3A_678 = arith.addi %add3A_371, %add3A_677 : vector<16xi32>
          %mul3A_679 = arith.mulf %gather3A_399, %get3A_651 : vector<16xf32>
          tpu.vector_store_idx %arg19[%add3A_678], %mul3A_679 {add = true} : memref<32768xf32, #tpu.memory_space<vmem>>[vector<16xi32>], vector<16xf32>,
          %add3A_680 = arith.constant 1904 : i32
          %add3A_681 = vector.broadcast %add3A_680 : i32 to vector<16xi32>
          %add3A_682 = arith.addi %add3A_371, %add3A_681 : vector<16xi32>
          %mul3A_683 = arith.mulf %gather3A_403, %get3A_651 : vector<16xf32>
          tpu.vector_store_idx %arg19[%add3A_682], %mul3A_683 {add = true} : memref<32768xf32, #tpu.memory_space<vmem>>[vector<16xi32>], vector<16xf32>,
          %get3A_684 = arith.index_cast %while3A_363 : i32 to index
          %get3A_685 = arith.constant 128 : index
          %get3A_686 = tpu.vector_load %arg16[%get3A_684, %get3A_685] {strides = array<i32>} : memref<16x256xf32, #tpu.memory_space<vmem>>, vector<16xf32>,
          %add3A_687 = arith.constant 128 : i32
          %add3A_688 = vector.broadcast %add3A_687 : i32 to vector<16xi32>
          %add3A_689 = arith.addi %add3A_371, %add3A_688 : vector<16xi32>
          %mul3A_690 = arith.mulf %gather3A_375, %get3A_686 : vector<16xf32>
          tpu.vector_store_idx %arg19[%add3A_689], %mul3A_690 {add = true} : memref<32768xf32, #tpu.memory_space<vmem>>[vector<16xi32>], vector<16xf32>,
          %add3A_691 = arith.constant 384 : i32
          %add3A_692 = vector.broadcast %add3A_691 : i32 to vector<16xi32>
          %add3A_693 = arith.addi %add3A_371, %add3A_692 : vector<16xi32>
          %mul3A_694 = arith.mulf %gather3A_379, %get3A_686 : vector<16xf32>
          tpu.vector_store_idx %arg19[%add3A_693], %mul3A_694 {add = true} : memref<32768xf32, #tpu.memory_space<vmem>>[vector<16xi32>], vector<16xf32>,
          %add3A_695 = arith.constant 640 : i32
          %add3A_696 = vector.broadcast %add3A_695 : i32 to vector<16xi32>
          %add3A_697 = arith.addi %add3A_371, %add3A_696 : vector<16xi32>
          %mul3A_698 = arith.mulf %gather3A_383, %get3A_686 : vector<16xf32>
          tpu.vector_store_idx %arg19[%add3A_697], %mul3A_698 {add = true} : memref<32768xf32, #tpu.memory_space<vmem>>[vector<16xi32>], vector<16xf32>,
          %add3A_699 = arith.constant 896 : i32
          %add3A_700 = vector.broadcast %add3A_699 : i32 to vector<16xi32>
          %add3A_701 = arith.addi %add3A_371, %add3A_700 : vector<16xi32>
          %mul3A_702 = arith.mulf %gather3A_387, %get3A_686 : vector<16xf32>
          tpu.vector_store_idx %arg19[%add3A_701], %mul3A_702 {add = true} : memref<32768xf32, #tpu.memory_space<vmem>>[vector<16xi32>], vector<16xf32>,
          %add3A_703 = arith.constant 1152 : i32
          %add3A_704 = vector.broadcast %add3A_703 : i32 to vector<16xi32>
          %add3A_705 = arith.addi %add3A_371, %add3A_704 : vector<16xi32>
          %mul3A_706 = arith.mulf %gather3A_391, %get3A_686 : vector<16xf32>
          tpu.vector_store_idx %arg19[%add3A_705], %mul3A_706 {add = true} : memref<32768xf32, #tpu.memory_space<vmem>>[vector<16xi32>], vector<16xf32>,
          %add3A_707 = arith.constant 1408 : i32
          %add3A_708 = vector.broadcast %add3A_707 : i32 to vector<16xi32>
          %add3A_709 = arith.addi %add3A_371, %add3A_708 : vector<16xi32>
          %mul3A_710 = arith.mulf %gather3A_395, %get3A_686 : vector<16xf32>
          tpu.vector_store_idx %arg19[%add3A_709], %mul3A_710 {add = true} : memref<32768xf32, #tpu.memory_space<vmem>>[vector<16xi32>], vector<16xf32>,
          %add3A_711 = arith.constant 1664 : i32
          %add3A_712 = vector.broadcast %add3A_711 : i32 to vector<16xi32>
          %add3A_713 = arith.addi %add3A_371, %add3A_712 : vector<16xi32>
          %mul3A_714 = arith.mulf %gather3A_399, %get3A_686 : vector<16xf32>
          tpu.vector_store_idx %arg19[%add3A_713], %mul3A_714 {add = true} : memref<32768xf32, #tpu.memory_space<vmem>>[vector<16xi32>], vector<16xf32>,
          %add3A_715 = arith.constant 1920 : i32
          %add3A_716 = vector.broadcast %add3A_715 : i32 to vector<16xi32>
          %add3A_717 = arith.addi %add3A_371, %add3A_716 : vector<16xi32>
          %mul3A_718 = arith.mulf %gather3A_403, %get3A_686 : vector<16xf32>
          tpu.vector_store_idx %arg19[%add3A_717], %mul3A_718 {add = true} : memref<32768xf32, #tpu.memory_space<vmem>>[vector<16xi32>], vector<16xf32>,
          %get3A_719 = arith.index_cast %while3A_363 : i32 to index
          %get3A_720 = arith.constant 144 : index
          %get3A_721 = tpu.vector_load %arg16[%get3A_719, %get3A_720] {strides = array<i32>} : memref<16x256xf32, #tpu.memory_space<vmem>>, vector<16xf32>,
          %add3A_722 = arith.constant 144 : i32
          %add3A_723 = vector.broadcast %add3A_722 : i32 to vector<16xi32>
          %add3A_724 = arith.addi %add3A_371, %add3A_723 : vector<16xi32>
          %mul3A_725 = arith.mulf %gather3A_375, %get3A_721 : vector<16xf32>
          tpu.vector_store_idx %arg19[%add3A_724], %mul3A_725 {add = true} : memref<32768xf32, #tpu.memory_space<vmem>>[vector<16xi32>], vector<16xf32>,
          %add3A_726 = arith.constant 400 : i32
          %add3A_727 = vector.broadcast %add3A_726 : i32 to vector<16xi32>
          %add3A_728 = arith.addi %add3A_371, %add3A_727 : vector<16xi32>
          %mul3A_729 = arith.mulf %gather3A_379, %get3A_721 : vector<16xf32>
          tpu.vector_store_idx %arg19[%add3A_728], %mul3A_729 {add = true} : memref<32768xf32, #tpu.memory_space<vmem>>[vector<16xi32>], vector<16xf32>,
          %add3A_730 = arith.constant 656 : i32
          %add3A_731 = vector.broadcast %add3A_730 : i32 to vector<16xi32>
          %add3A_732 = arith.addi %add3A_371, %add3A_731 : vector<16xi32>
          %mul3A_733 = arith.mulf %gather3A_383, %get3A_721 : vector<16xf32>
          tpu.vector_store_idx %arg19[%add3A_732], %mul3A_733 {add = true} : memref<32768xf32, #tpu.memory_space<vmem>>[vector<16xi32>], vector<16xf32>,
          %add3A_734 = arith.constant 912 : i32
          %add3A_735 = vector.broadcast %add3A_734 : i32 to vector<16xi32>
          %add3A_736 = arith.addi %add3A_371, %add3A_735 : vector<16xi32>
          %mul3A_737 = arith.mulf %gather3A_387, %get3A_721 : vector<16xf32>
          tpu.vector_store_idx %arg19[%add3A_736], %mul3A_737 {add = true} : memref<32768xf32, #tpu.memory_space<vmem>>[vector<16xi32>], vector<16xf32>,
          %add3A_738 = arith.constant 1168 : i32
          %add3A_739 = vector.broadcast %add3A_738 : i32 to vector<16xi32>
          %add3A_740 = arith.addi %add3A_371, %add3A_739 : vector<16xi32>
          %mul3A_741 = arith.mulf %gather3A_391, %get3A_721 : vector<16xf32>
          tpu.vector_store_idx %arg19[%add3A_740], %mul3A_741 {add = true} : memref<32768xf32, #tpu.memory_space<vmem>>[vector<16xi32>], vector<16xf32>,
          %add3A_742 = arith.constant 1424 : i32
          %add3A_743 = vector.broadcast %add3A_742 : i32 to vector<16xi32>
          %add3A_744 = arith.addi %add3A_371, %add3A_743 : vector<16xi32>
          %mul3A_745 = arith.mulf %gather3A_395, %get3A_721 : vector<16xf32>
          tpu.vector_store_idx %arg19[%add3A_744], %mul3A_745 {add = true} : memref<32768xf32, #tpu.memory_space<vmem>>[vector<16xi32>], vector<16xf32>,
          %add3A_746 = arith.constant 1680 : i32
          %add3A_747 = vector.broadcast %add3A_746 : i32 to vector<16xi32>
          %add3A_748 = arith.addi %add3A_371, %add3A_747 : vector<16xi32>
          %mul3A_749 = arith.mulf %gather3A_399, %get3A_721 : vector<16xf32>
          tpu.vector_store_idx %arg19[%add3A_748], %mul3A_749 {add = true} : memref<32768xf32, #tpu.memory_space<vmem>>[vector<16xi32>], vector<16xf32>,
          %add3A_750 = arith.constant 1936 : i32
          %add3A_751 = vector.broadcast %add3A_750 : i32 to vector<16xi32>
          %add3A_752 = arith.addi %add3A_371, %add3A_751 : vector<16xi32>
          %mul3A_753 = arith.mulf %gather3A_403, %get3A_721 : vector<16xf32>
          tpu.vector_store_idx %arg19[%add3A_752], %mul3A_753 {add = true} : memref<32768xf32, #tpu.memory_space<vmem>>[vector<16xi32>], vector<16xf32>,
          %get3A_754 = arith.index_cast %while3A_363 : i32 to index
          %get3A_755 = arith.constant 160 : index
          %get3A_756 = tpu.vector_load %arg16[%get3A_754, %get3A_755] {strides = array<i32>} : memref<16x256xf32, #tpu.memory_space<vmem>>, vector<16xf32>,
          %add3A_757 = arith.constant 160 : i32
          %add3A_758 = vector.broadcast %add3A_757 : i32 to vector<16xi32>
          %add3A_759 = arith.addi %add3A_371, %add3A_758 : vector<16xi32>
          %mul3A_760 = arith.mulf %gather3A_375, %get3A_756 : vector<16xf32>
          tpu.vector_store_idx %arg19[%add3A_759], %mul3A_760 {add = true} : memref<32768xf32, #tpu.memory_space<vmem>>[vector<16xi32>], vector<16xf32>,
          %add3A_761 = arith.constant 416 : i32
          %add3A_762 = vector.broadcast %add3A_761 : i32 to vector<16xi32>
          %add3A_763 = arith.addi %add3A_371, %add3A_762 : vector<16xi32>
          %mul3A_764 = arith.mulf %gather3A_379, %get3A_756 : vector<16xf32>
          tpu.vector_store_idx %arg19[%add3A_763], %mul3A_764 {add = true} : memref<32768xf32, #tpu.memory_space<vmem>>[vector<16xi32>], vector<16xf32>,
          %add3A_765 = arith.constant 672 : i32
          %add3A_766 = vector.broadcast %add3A_765 : i32 to vector<16xi32>
          %add3A_767 = arith.addi %add3A_371, %add3A_766 : vector<16xi32>
          %mul3A_768 = arith.mulf %gather3A_383, %get3A_756 : vector<16xf32>
          tpu.vector_store_idx %arg19[%add3A_767], %mul3A_768 {add = true} : memref<32768xf32, #tpu.memory_space<vmem>>[vector<16xi32>], vector<16xf32>,
          %add3A_769 = arith.constant 928 : i32
          %add3A_770 = vector.broadcast %add3A_769 : i32 to vector<16xi32>
          %add3A_771 = arith.addi %add3A_371, %add3A_770 : vector<16xi32>
          %mul3A_772 = arith.mulf %gather3A_387, %get3A_756 : vector<16xf32>
          tpu.vector_store_idx %arg19[%add3A_771], %mul3A_772 {add = true} : memref<32768xf32, #tpu.memory_space<vmem>>[vector<16xi32>], vector<16xf32>,
          %add3A_773 = arith.constant 1184 : i32
          %add3A_774 = vector.broadcast %add3A_773 : i32 to vector<16xi32>
          %add3A_775 = arith.addi %add3A_371, %add3A_774 : vector<16xi32>
          %mul3A_776 = arith.mulf %gather3A_391, %get3A_756 : vector<16xf32>
          tpu.vector_store_idx %arg19[%add3A_775], %mul3A_776 {add = true} : memref<32768xf32, #tpu.memory_space<vmem>>[vector<16xi32>], vector<16xf32>,
          %add3A_777 = arith.constant 1440 : i32
          %add3A_778 = vector.broadcast %add3A_777 : i32 to vector<16xi32>
          %add3A_779 = arith.addi %add3A_371, %add3A_778 : vector<16xi32>
          %mul3A_780 = arith.mulf %gather3A_395, %get3A_756 : vector<16xf32>
          tpu.vector_store_idx %arg19[%add3A_779], %mul3A_780 {add = true} : memref<32768xf32, #tpu.memory_space<vmem>>[vector<16xi32>], vector<16xf32>,
          %add3A_781 = arith.constant 1696 : i32
          %add3A_782 = vector.broadcast %add3A_781 : i32 to vector<16xi32>
          %add3A_783 = arith.addi %add3A_371, %add3A_782 : vector<16xi32>
          %mul3A_784 = arith.mulf %gather3A_399, %get3A_756 : vector<16xf32>
          tpu.vector_store_idx %arg19[%add3A_783], %mul3A_784 {add = true} : memref<32768xf32, #tpu.memory_space<vmem>>[vector<16xi32>], vector<16xf32>,
          %add3A_785 = arith.constant 1952 : i32
          %add3A_786 = vector.broadcast %add3A_785 : i32 to vector<16xi32>
          %add3A_787 = arith.addi %add3A_371, %add3A_786 : vector<16xi32>
          %mul3A_788 = arith.mulf %gather3A_403, %get3A_756 : vector<16xf32>
          tpu.vector_store_idx %arg19[%add3A_787], %mul3A_788 {add = true} : memref<32768xf32, #tpu.memory_space<vmem>>[vector<16xi32>], vector<16xf32>,
          %get3A_789 = arith.index_cast %while3A_363 : i32 to index
          %get3A_790 = arith.constant 176 : index
          %get3A_791 = tpu.vector_load %arg16[%get3A_789, %get3A_790] {strides = array<i32>} : memref<16x256xf32, #tpu.memory_space<vmem>>, vector<16xf32>,
          %add3A_792 = arith.constant 176 : i32
          %add3A_793 = vector.broadcast %add3A_792 : i32 to vector<16xi32>
          %add3A_794 = arith.addi %add3A_371, %add3A_793 : vector<16xi32>
          %mul3A_795 = arith.mulf %gather3A_375, %get3A_791 : vector<16xf32>
          tpu.vector_store_idx %arg19[%add3A_794], %mul3A_795 {add = true} : memref<32768xf32, #tpu.memory_space<vmem>>[vector<16xi32>], vector<16xf32>,
          %add3A_796 = arith.constant 432 : i32
          %add3A_797 = vector.broadcast %add3A_796 : i32 to vector<16xi32>
          %add3A_798 = arith.addi %add3A_371, %add3A_797 : vector<16xi32>
          %mul3A_799 = arith.mulf %gather3A_379, %get3A_791 : vector<16xf32>
          tpu.vector_store_idx %arg19[%add3A_798], %mul3A_799 {add = true} : memref<32768xf32, #tpu.memory_space<vmem>>[vector<16xi32>], vector<16xf32>,
          %add3A_800 = arith.constant 688 : i32
          %add3A_801 = vector.broadcast %add3A_800 : i32 to vector<16xi32>
          %add3A_802 = arith.addi %add3A_371, %add3A_801 : vector<16xi32>
          %mul3A_803 = arith.mulf %gather3A_383, %get3A_791 : vector<16xf32>
          tpu.vector_store_idx %arg19[%add3A_802], %mul3A_803 {add = true} : memref<32768xf32, #tpu.memory_space<vmem>>[vector<16xi32>], vector<16xf32>,
          %add3A_804 = arith.constant 944 : i32
          %add3A_805 = vector.broadcast %add3A_804 : i32 to vector<16xi32>
          %add3A_806 = arith.addi %add3A_371, %add3A_805 : vector<16xi32>
          %mul3A_807 = arith.mulf %gather3A_387, %get3A_791 : vector<16xf32>
          tpu.vector_store_idx %arg19[%add3A_806], %mul3A_807 {add = true} : memref<32768xf32, #tpu.memory_space<vmem>>[vector<16xi32>], vector<16xf32>,
          %add3A_808 = arith.constant 1200 : i32
          %add3A_809 = vector.broadcast %add3A_808 : i32 to vector<16xi32>
          %add3A_810 = arith.addi %add3A_371, %add3A_809 : vector<16xi32>
          %mul3A_811 = arith.mulf %gather3A_391, %get3A_791 : vector<16xf32>
          tpu.vector_store_idx %arg19[%add3A_810], %mul3A_811 {add = true} : memref<32768xf32, #tpu.memory_space<vmem>>[vector<16xi32>], vector<16xf32>,
          %add3A_812 = arith.constant 1456 : i32
          %add3A_813 = vector.broadcast %add3A_812 : i32 to vector<16xi32>
          %add3A_814 = arith.addi %add3A_371, %add3A_813 : vector<16xi32>
          %mul3A_815 = arith.mulf %gather3A_395, %get3A_791 : vector<16xf32>
          tpu.vector_store_idx %arg19[%add3A_814], %mul3A_815 {add = true} : memref<32768xf32, #tpu.memory_space<vmem>>[vector<16xi32>], vector<16xf32>,
          %add3A_816 = arith.constant 1712 : i32
          %add3A_817 = vector.broadcast %add3A_816 : i32 to vector<16xi32>
          %add3A_818 = arith.addi %add3A_371, %add3A_817 : vector<16xi32>
          %mul3A_819 = arith.mulf %gather3A_399, %get3A_791 : vector<16xf32>
          tpu.vector_store_idx %arg19[%add3A_818], %mul3A_819 {add = true} : memref<32768xf32, #tpu.memory_space<vmem>>[vector<16xi32>], vector<16xf32>,
          %add3A_820 = arith.constant 1968 : i32
          %add3A_821 = vector.broadcast %add3A_820 : i32 to vector<16xi32>
          %add3A_822 = arith.addi %add3A_371, %add3A_821 : vector<16xi32>
          %mul3A_823 = arith.mulf %gather3A_403, %get3A_791 : vector<16xf32>
          tpu.vector_store_idx %arg19[%add3A_822], %mul3A_823 {add = true} : memref<32768xf32, #tpu.memory_space<vmem>>[vector<16xi32>], vector<16xf32>,
          %get3A_824 = arith.index_cast %while3A_363 : i32 to index
          %get3A_825 = arith.constant 192 : index
          %get3A_826 = tpu.vector_load %arg16[%get3A_824, %get3A_825] {strides = array<i32>} : memref<16x256xf32, #tpu.memory_space<vmem>>, vector<16xf32>,
          %add3A_827 = arith.constant 192 : i32
          %add3A_828 = vector.broadcast %add3A_827 : i32 to vector<16xi32>
          %add3A_829 = arith.addi %add3A_371, %add3A_828 : vector<16xi32>
          %mul3A_830 = arith.mulf %gather3A_375, %get3A_826 : vector<16xf32>
          tpu.vector_store_idx %arg19[%add3A_829], %mul3A_830 {add = true} : memref<32768xf32, #tpu.memory_space<vmem>>[vector<16xi32>], vector<16xf32>,
          %add3A_831 = arith.constant 448 : i32
          %add3A_832 = vector.broadcast %add3A_831 : i32 to vector<16xi32>
          %add3A_833 = arith.addi %add3A_371, %add3A_832 : vector<16xi32>
          %mul3A_834 = arith.mulf %gather3A_379, %get3A_826 : vector<16xf32>
          tpu.vector_store_idx %arg19[%add3A_833], %mul3A_834 {add = true} : memref<32768xf32, #tpu.memory_space<vmem>>[vector<16xi32>], vector<16xf32>,
          %add3A_835 = arith.constant 704 : i32
          %add3A_836 = vector.broadcast %add3A_835 : i32 to vector<16xi32>
          %add3A_837 = arith.addi %add3A_371, %add3A_836 : vector<16xi32>
          %mul3A_838 = arith.mulf %gather3A_383, %get3A_826 : vector<16xf32>
          tpu.vector_store_idx %arg19[%add3A_837], %mul3A_838 {add = true} : memref<32768xf32, #tpu.memory_space<vmem>>[vector<16xi32>], vector<16xf32>,
          %add3A_839 = arith.constant 960 : i32
          %add3A_840 = vector.broadcast %add3A_839 : i32 to vector<16xi32>
          %add3A_841 = arith.addi %add3A_371, %add3A_840 : vector<16xi32>
          %mul3A_842 = arith.mulf %gather3A_387, %get3A_826 : vector<16xf32>
          tpu.vector_store_idx %arg19[%add3A_841], %mul3A_842 {add = true} : memref<32768xf32, #tpu.memory_space<vmem>>[vector<16xi32>], vector<16xf32>,
          %add3A_843 = arith.constant 1216 : i32
          %add3A_844 = vector.broadcast %add3A_843 : i32 to vector<16xi32>
          %add3A_845 = arith.addi %add3A_371, %add3A_844 : vector<16xi32>
          %mul3A_846 = arith.mulf %gather3A_391, %get3A_826 : vector<16xf32>
          tpu.vector_store_idx %arg19[%add3A_845], %mul3A_846 {add = true} : memref<32768xf32, #tpu.memory_space<vmem>>[vector<16xi32>], vector<16xf32>,
          %add3A_847 = arith.constant 1472 : i32
          %add3A_848 = vector.broadcast %add3A_847 : i32 to vector<16xi32>
          %add3A_849 = arith.addi %add3A_371, %add3A_848 : vector<16xi32>
          %mul3A_850 = arith.mulf %gather3A_395, %get3A_826 : vector<16xf32>
          tpu.vector_store_idx %arg19[%add3A_849], %mul3A_850 {add = true} : memref<32768xf32, #tpu.memory_space<vmem>>[vector<16xi32>], vector<16xf32>,
          %add3A_851 = arith.constant 1728 : i32
          %add3A_852 = vector.broadcast %add3A_851 : i32 to vector<16xi32>
          %add3A_853 = arith.addi %add3A_371, %add3A_852 : vector<16xi32>
          %mul3A_854 = arith.mulf %gather3A_399, %get3A_826 : vector<16xf32>
          tpu.vector_store_idx %arg19[%add3A_853], %mul3A_854 {add = true} : memref<32768xf32, #tpu.memory_space<vmem>>[vector<16xi32>], vector<16xf32>,
          %add3A_855 = arith.constant 1984 : i32
          %add3A_856 = vector.broadcast %add3A_855 : i32 to vector<16xi32>
          %add3A_857 = arith.addi %add3A_371, %add3A_856 : vector<16xi32>
          %mul3A_858 = arith.mulf %gather3A_403, %get3A_826 : vector<16xf32>
          tpu.vector_store_idx %arg19[%add3A_857], %mul3A_858 {add = true} : memref<32768xf32, #tpu.memory_space<vmem>>[vector<16xi32>], vector<16xf32>,
          %get3A_859 = arith.index_cast %while3A_363 : i32 to index
          %get3A_860 = arith.constant 208 : index
          %get3A_861 = tpu.vector_load %arg16[%get3A_859, %get3A_860] {strides = array<i32>} : memref<16x256xf32, #tpu.memory_space<vmem>>, vector<16xf32>,
          %add3A_862 = arith.constant 208 : i32
          %add3A_863 = vector.broadcast %add3A_862 : i32 to vector<16xi32>
          %add3A_864 = arith.addi %add3A_371, %add3A_863 : vector<16xi32>
          %mul3A_865 = arith.mulf %gather3A_375, %get3A_861 : vector<16xf32>
          tpu.vector_store_idx %arg19[%add3A_864], %mul3A_865 {add = true} : memref<32768xf32, #tpu.memory_space<vmem>>[vector<16xi32>], vector<16xf32>,
          %add3A_866 = arith.constant 464 : i32
          %add3A_867 = vector.broadcast %add3A_866 : i32 to vector<16xi32>
          %add3A_868 = arith.addi %add3A_371, %add3A_867 : vector<16xi32>
          %mul3A_869 = arith.mulf %gather3A_379, %get3A_861 : vector<16xf32>
          tpu.vector_store_idx %arg19[%add3A_868], %mul3A_869 {add = true} : memref<32768xf32, #tpu.memory_space<vmem>>[vector<16xi32>], vector<16xf32>,
          %add3A_870 = arith.constant 720 : i32
          %add3A_871 = vector.broadcast %add3A_870 : i32 to vector<16xi32>
          %add3A_872 = arith.addi %add3A_371, %add3A_871 : vector<16xi32>
          %mul3A_873 = arith.mulf %gather3A_383, %get3A_861 : vector<16xf32>
          tpu.vector_store_idx %arg19[%add3A_872], %mul3A_873 {add = true} : memref<32768xf32, #tpu.memory_space<vmem>>[vector<16xi32>], vector<16xf32>,
          %add3A_874 = arith.constant 976 : i32
          %add3A_875 = vector.broadcast %add3A_874 : i32 to vector<16xi32>
          %add3A_876 = arith.addi %add3A_371, %add3A_875 : vector<16xi32>
          %mul3A_877 = arith.mulf %gather3A_387, %get3A_861 : vector<16xf32>
          tpu.vector_store_idx %arg19[%add3A_876], %mul3A_877 {add = true} : memref<32768xf32, #tpu.memory_space<vmem>>[vector<16xi32>], vector<16xf32>,
          %add3A_878 = arith.constant 1232 : i32
          %add3A_879 = vector.broadcast %add3A_878 : i32 to vector<16xi32>
          %add3A_880 = arith.addi %add3A_371, %add3A_879 : vector<16xi32>
          %mul3A_881 = arith.mulf %gather3A_391, %get3A_861 : vector<16xf32>
          tpu.vector_store_idx %arg19[%add3A_880], %mul3A_881 {add = true} : memref<32768xf32, #tpu.memory_space<vmem>>[vector<16xi32>], vector<16xf32>,
          %add3A_882 = arith.constant 1488 : i32
          %add3A_883 = vector.broadcast %add3A_882 : i32 to vector<16xi32>
          %add3A_884 = arith.addi %add3A_371, %add3A_883 : vector<16xi32>
          %mul3A_885 = arith.mulf %gather3A_395, %get3A_861 : vector<16xf32>
          tpu.vector_store_idx %arg19[%add3A_884], %mul3A_885 {add = true} : memref<32768xf32, #tpu.memory_space<vmem>>[vector<16xi32>], vector<16xf32>,
          %add3A_886 = arith.constant 1744 : i32
          %add3A_887 = vector.broadcast %add3A_886 : i32 to vector<16xi32>
          %add3A_888 = arith.addi %add3A_371, %add3A_887 : vector<16xi32>
          %mul3A_889 = arith.mulf %gather3A_399, %get3A_861 : vector<16xf32>
          tpu.vector_store_idx %arg19[%add3A_888], %mul3A_889 {add = true} : memref<32768xf32, #tpu.memory_space<vmem>>[vector<16xi32>], vector<16xf32>,
          %add3A_890 = arith.constant 2000 : i32
          %add3A_891 = vector.broadcast %add3A_890 : i32 to vector<16xi32>
          %add3A_892 = arith.addi %add3A_371, %add3A_891 : vector<16xi32>
          %mul3A_893 = arith.mulf %gather3A_403, %get3A_861 : vector<16xf32>
          tpu.vector_store_idx %arg19[%add3A_892], %mul3A_893 {add = true} : memref<32768xf32, #tpu.memory_space<vmem>>[vector<16xi32>], vector<16xf32>,
          %get3A_894 = arith.index_cast %while3A_363 : i32 to index
          %get3A_895 = arith.constant 224 : index
          %get3A_896 = tpu.vector_load %arg16[%get3A_894, %get3A_895] {strides = array<i32>} : memref<16x256xf32, #tpu.memory_space<vmem>>, vector<16xf32>,
          %add3A_897 = arith.constant 224 : i32
          %add3A_898 = vector.broadcast %add3A_897 : i32 to vector<16xi32>
          %add3A_899 = arith.addi %add3A_371, %add3A_898 : vector<16xi32>
          %mul3A_900 = arith.mulf %gather3A_375, %get3A_896 : vector<16xf32>
          tpu.vector_store_idx %arg19[%add3A_899], %mul3A_900 {add = true} : memref<32768xf32, #tpu.memory_space<vmem>>[vector<16xi32>], vector<16xf32>,
          %add3A_901 = arith.constant 480 : i32
          %add3A_902 = vector.broadcast %add3A_901 : i32 to vector<16xi32>
          %add3A_903 = arith.addi %add3A_371, %add3A_902 : vector<16xi32>
          %mul3A_904 = arith.mulf %gather3A_379, %get3A_896 : vector<16xf32>
          tpu.vector_store_idx %arg19[%add3A_903], %mul3A_904 {add = true} : memref<32768xf32, #tpu.memory_space<vmem>>[vector<16xi32>], vector<16xf32>,
          %add3A_905 = arith.constant 736 : i32
          %add3A_906 = vector.broadcast %add3A_905 : i32 to vector<16xi32>
          %add3A_907 = arith.addi %add3A_371, %add3A_906 : vector<16xi32>
          %mul3A_908 = arith.mulf %gather3A_383, %get3A_896 : vector<16xf32>
          tpu.vector_store_idx %arg19[%add3A_907], %mul3A_908 {add = true} : memref<32768xf32, #tpu.memory_space<vmem>>[vector<16xi32>], vector<16xf32>,
          %add3A_909 = arith.constant 992 : i32
          %add3A_910 = vector.broadcast %add3A_909 : i32 to vector<16xi32>
          %add3A_911 = arith.addi %add3A_371, %add3A_910 : vector<16xi32>
          %mul3A_912 = arith.mulf %gather3A_387, %get3A_896 : vector<16xf32>
          tpu.vector_store_idx %arg19[%add3A_911], %mul3A_912 {add = true} : memref<32768xf32, #tpu.memory_space<vmem>>[vector<16xi32>], vector<16xf32>,
          %add3A_913 = arith.constant 1248 : i32
          %add3A_914 = vector.broadcast %add3A_913 : i32 to vector<16xi32>
          %add3A_915 = arith.addi %add3A_371, %add3A_914 : vector<16xi32>
          %mul3A_916 = arith.mulf %gather3A_391, %get3A_896 : vector<16xf32>
          tpu.vector_store_idx %arg19[%add3A_915], %mul3A_916 {add = true} : memref<32768xf32, #tpu.memory_space<vmem>>[vector<16xi32>], vector<16xf32>,
          %add3A_917 = arith.constant 1504 : i32
          %add3A_918 = vector.broadcast %add3A_917 : i32 to vector<16xi32>
          %add3A_919 = arith.addi %add3A_371, %add3A_918 : vector<16xi32>
          %mul3A_920 = arith.mulf %gather3A_395, %get3A_896 : vector<16xf32>
          tpu.vector_store_idx %arg19[%add3A_919], %mul3A_920 {add = true} : memref<32768xf32, #tpu.memory_space<vmem>>[vector<16xi32>], vector<16xf32>,
          %add3A_921 = arith.constant 1760 : i32
          %add3A_922 = vector.broadcast %add3A_921 : i32 to vector<16xi32>
          %add3A_923 = arith.addi %add3A_371, %add3A_922 : vector<16xi32>
          %mul3A_924 = arith.mulf %gather3A_399, %get3A_896 : vector<16xf32>
          tpu.vector_store_idx %arg19[%add3A_923], %mul3A_924 {add = true} : memref<32768xf32, #tpu.memory_space<vmem>>[vector<16xi32>], vector<16xf32>,
          %add3A_925 = arith.constant 2016 : i32
          %add3A_926 = vector.broadcast %add3A_925 : i32 to vector<16xi32>
          %add3A_927 = arith.addi %add3A_371, %add3A_926 : vector<16xi32>
          %mul3A_928 = arith.mulf %gather3A_403, %get3A_896 : vector<16xf32>
          tpu.vector_store_idx %arg19[%add3A_927], %mul3A_928 {add = true} : memref<32768xf32, #tpu.memory_space<vmem>>[vector<16xi32>], vector<16xf32>,
          %get3A_929 = arith.index_cast %while3A_363 : i32 to index
          %get3A_930 = arith.constant 240 : index
          %get3A_931 = tpu.vector_load %arg16[%get3A_929, %get3A_930] {strides = array<i32>} : memref<16x256xf32, #tpu.memory_space<vmem>>, vector<16xf32>,
          %add3A_932 = arith.constant 240 : i32
          %add3A_933 = vector.broadcast %add3A_932 : i32 to vector<16xi32>
          %add3A_934 = arith.addi %add3A_371, %add3A_933 : vector<16xi32>
          %mul3A_935 = arith.mulf %gather3A_375, %get3A_931 : vector<16xf32>
          tpu.vector_store_idx %arg19[%add3A_934], %mul3A_935 {add = true} : memref<32768xf32, #tpu.memory_space<vmem>>[vector<16xi32>], vector<16xf32>,
          %add3A_936 = arith.constant 496 : i32
          %add3A_937 = vector.broadcast %add3A_936 : i32 to vector<16xi32>
          %add3A_938 = arith.addi %add3A_371, %add3A_937 : vector<16xi32>
          %mul3A_939 = arith.mulf %gather3A_379, %get3A_931 : vector<16xf32>
          tpu.vector_store_idx %arg19[%add3A_938], %mul3A_939 {add = true} : memref<32768xf32, #tpu.memory_space<vmem>>[vector<16xi32>], vector<16xf32>,
          %add3A_940 = arith.constant 752 : i32
          %add3A_941 = vector.broadcast %add3A_940 : i32 to vector<16xi32>
          %add3A_942 = arith.addi %add3A_371, %add3A_941 : vector<16xi32>
          %mul3A_943 = arith.mulf %gather3A_383, %get3A_931 : vector<16xf32>
          tpu.vector_store_idx %arg19[%add3A_942], %mul3A_943 {add = true} : memref<32768xf32, #tpu.memory_space<vmem>>[vector<16xi32>], vector<16xf32>,
          %add3A_944 = arith.constant 1008 : i32
          %add3A_945 = vector.broadcast %add3A_944 : i32 to vector<16xi32>
          %add3A_946 = arith.addi %add3A_371, %add3A_945 : vector<16xi32>
          %mul3A_947 = arith.mulf %gather3A_387, %get3A_931 : vector<16xf32>
          tpu.vector_store_idx %arg19[%add3A_946], %mul3A_947 {add = true} : memref<32768xf32, #tpu.memory_space<vmem>>[vector<16xi32>], vector<16xf32>,
          %add3A_948 = arith.constant 1264 : i32
          %add3A_949 = vector.broadcast %add3A_948 : i32 to vector<16xi32>
          %add3A_950 = arith.addi %add3A_371, %add3A_949 : vector<16xi32>
          %mul3A_951 = arith.mulf %gather3A_391, %get3A_931 : vector<16xf32>
          tpu.vector_store_idx %arg19[%add3A_950], %mul3A_951 {add = true} : memref<32768xf32, #tpu.memory_space<vmem>>[vector<16xi32>], vector<16xf32>,
          %add3A_952 = arith.constant 1520 : i32
          %add3A_953 = vector.broadcast %add3A_952 : i32 to vector<16xi32>
          %add3A_954 = arith.addi %add3A_371, %add3A_953 : vector<16xi32>
          %mul3A_955 = arith.mulf %gather3A_395, %get3A_931 : vector<16xf32>
          tpu.vector_store_idx %arg19[%add3A_954], %mul3A_955 {add = true} : memref<32768xf32, #tpu.memory_space<vmem>>[vector<16xi32>], vector<16xf32>,
          %add3A_956 = arith.constant 1776 : i32
          %add3A_957 = vector.broadcast %add3A_956 : i32 to vector<16xi32>
          %add3A_958 = arith.addi %add3A_371, %add3A_957 : vector<16xi32>
          %mul3A_959 = arith.mulf %gather3A_399, %get3A_931 : vector<16xf32>
          tpu.vector_store_idx %arg19[%add3A_958], %mul3A_959 {add = true} : memref<32768xf32, #tpu.memory_space<vmem>>[vector<16xi32>], vector<16xf32>,
          %add3A_960 = arith.constant 2032 : i32
          %add3A_961 = vector.broadcast %add3A_960 : i32 to vector<16xi32>
          %add3A_962 = arith.addi %add3A_371, %add3A_961 : vector<16xi32>
          %mul3A_963 = arith.mulf %gather3A_403, %get3A_931 : vector<16xf32>
          tpu.vector_store_idx %arg19[%add3A_962], %mul3A_963 {add = true} : memref<32768xf32, #tpu.memory_space<vmem>>[vector<16xi32>], vector<16xf32>,
          %while3A_964 = arith.constant 0 : i32
          scf.yield %while3A_964 : i32
        }
      } else {
      }
      %while3A_349 = arith.constant 0 : i32
      scf.yield %while3A_349 : i32
    }
    "tpu.trace_stop"() : () -> ()
    "tpu.region"() ({
      %run_scoped3A = tpu.sem_alloc : memref<!tpu.dma_semaphore, #tpu.memory_space<semaphore_mem>>
      %dma_start3A_110 = arith.constant 0 : i32
      %dma_start3A_111 = tpu.memref_slice %arg6[%add3A, %dma_start3A_110] : memref<16x32768xf32, #tpu.memory_space<hbm>> -> memref<1x32768xf32, #tpu.memory_space<hbm>>
      %dma_start3A_112 = tpu.memref_squeeze %dma_start3A_111 : memref<1x32768xf32, #tpu.memory_space<hbm>> -> memref<32768xf32, #tpu.memory_space<hbm>>
      %dma_start3A_113 = arith.constant 0 : i32
      %dma_start3A_114 = tpu.memref_slice %arg6[%add3A, %dma_start3A_113] : memref<16x32768xf32, #tpu.memory_space<hbm>> -> memref<1x32768xf32, #tpu.memory_space<hbm>>
      %dma_start3A_115 = tpu.memref_squeeze %dma_start3A_114 : memref<1x32768xf32, #tpu.memory_space<hbm>> -> memref<32768xf32, #tpu.memory_space<hbm>>
      tpu.enqueue_dma source(%arg19 : memref<32768xf32, #tpu.memory_space<vmem>>) target(%dma_start3A_115 : memref<32768xf32, #tpu.memory_space<hbm>>) target_semaphore(%run_scoped3A : memref<!tpu.dma_semaphore, #tpu.memory_space<semaphore_mem>>)
      %dma_wait3A_116 = arith.constant 0 : i32
      %dma_wait3A_117 = tpu.memref_slice %arg6[%add3A, %dma_wait3A_116] : memref<16x32768xf32, #tpu.memory_space<hbm>> -> memref<1x32768xf32, #tpu.memory_space<hbm>>
      %dma_wait3A_118 = tpu.memref_squeeze %dma_wait3A_117 : memref<1x32768xf32, #tpu.memory_space<hbm>> -> memref<32768xf32, #tpu.memory_space<hbm>>
      %dma_wait3A_119 = arith.constant 0 : i32
      %dma_wait3A_120 = tpu.memref_slice %arg6[%add3A, %dma_wait3A_119] : memref<16x32768xf32, #tpu.memory_space<hbm>> -> memref<1x32768xf32, #tpu.memory_space<hbm>>
      %dma_wait3A_121 = tpu.memref_squeeze %dma_wait3A_120 : memref<1x32768xf32, #tpu.memory_space<hbm>> -> memref<32768xf32, #tpu.memory_space<hbm>>
      tpu.wait_dma2 semaphore(%run_scoped3A : memref<!tpu.dma_semaphore, #tpu.memory_space<semaphore_mem>>) src(%arg19 : memref<32768xf32, #tpu.memory_space<vmem>>) dst(%dma_wait3A_121 : memref<32768xf32, #tpu.memory_space<hbm>>)
      tpu.yield
    }) : () -> ()
    "tpu.region"() ({
      %run_scoped3A = tpu.sem_alloc : memref<!tpu.dma_semaphore, #tpu.memory_space<semaphore_mem>>
      %dma_start3A_110 = arith.constant 0 : i32
      %dma_start3A_111 = tpu.memref_slice %arg7[%add3A, %dma_start3A_110] : memref<16x256xf32, #tpu.memory_space<hbm>> -> memref<1x256xf32, #tpu.memory_space<hbm>>
      %dma_start3A_112 = tpu.memref_squeeze %dma_start3A_111 : memref<1x256xf32, #tpu.memory_space<hbm>> -> memref<256xf32, #tpu.memory_space<hbm>>
      %dma_start3A_113 = arith.constant 0 : i32
      %dma_start3A_114 = tpu.memref_slice %arg7[%add3A, %dma_start3A_113] : memref<16x256xf32, #tpu.memory_space<hbm>> -> memref<1x256xf32, #tpu.memory_space<hbm>>
      %dma_start3A_115 = tpu.memref_squeeze %dma_start3A_114 : memref<1x256xf32, #tpu.memory_space<hbm>> -> memref<256xf32, #tpu.memory_space<hbm>>
      tpu.enqueue_dma source(%arg20 : memref<256xf32, #tpu.memory_space<vmem>>) target(%dma_start3A_115 : memref<256xf32, #tpu.memory_space<hbm>>) target_semaphore(%run_scoped3A : memref<!tpu.dma_semaphore, #tpu.memory_space<semaphore_mem>>)
      %dma_wait3A_116 = arith.constant 0 : i32
      %dma_wait3A_117 = tpu.memref_slice %arg7[%add3A, %dma_wait3A_116] : memref<16x256xf32, #tpu.memory_space<hbm>> -> memref<1x256xf32, #tpu.memory_space<hbm>>
      %dma_wait3A_118 = tpu.memref_squeeze %dma_wait3A_117 : memref<1x256xf32, #tpu.memory_space<hbm>> -> memref<256xf32, #tpu.memory_space<hbm>>
      %dma_wait3A_119 = arith.constant 0 : i32
      %dma_wait3A_120 = tpu.memref_slice %arg7[%add3A, %dma_wait3A_119] : memref<16x256xf32, #tpu.memory_space<hbm>> -> memref<1x256xf32, #tpu.memory_space<hbm>>
      %dma_wait3A_121 = tpu.memref_squeeze %dma_wait3A_120 : memref<1x256xf32, #tpu.memory_space<hbm>> -> memref<256xf32, #tpu.memory_space<hbm>>
      tpu.wait_dma2 semaphore(%run_scoped3A : memref<!tpu.dma_semaphore, #tpu.memory_space<semaphore_mem>>) src(%arg20 : memref<256xf32, #tpu.memory_space<vmem>>) dst(%dma_wait3A_121 : memref<256xf32, #tpu.memory_space<hbm>>)
      tpu.yield
    }) : () -> ()
    return
  }
}

module attributes {stable_mosaic.version = 14 : i64} {
  func.func @_alpha_body(%arg0: memref<10000x256xf32, #tpu.memory_space<vmem>>, %arg1: memref<256x256xf32, #tpu.memory_space<vmem>>, %arg2: memref<8x32xf32, #tpu.memory_space<vmem>>, %arg3: memref<8x32xf32, #tpu.memory_space<vmem>>, %arg4: memref<10000x128xf32, #tpu.memory_space<vmem>>) attributes {dimension_semantics = [], scalar_prefetch = 0 : i64, scratch_operands = 0 : i64, tpu.core_type = #tpu.core_type<tc>} {
    %get3A = arith.constant 0 : index
    %get3A_0 = arith.constant 0 : index
    %get3A_1 = vector.load %arg1[%get3A, %get3A_0] : memref<256x256xf32, #tpu.memory_space<vmem>>, vector<256x256xf32>
    %reshape3A = vector.shape_cast %get3A_1 : vector<256x256xf32> to vector<256x8x32xf32>
    %get3A_2 = arith.constant 0 : index
    %get3A_3 = arith.constant 0 : index
    %get3A_4 = vector.load %arg2[%get3A_2, %get3A_3] : memref<8x32xf32, #tpu.memory_space<vmem>>, vector<8x32xf32>
    %broadcast_in_dim3A = vector.shape_cast %get3A_4 : vector<8x32xf32> to vector<1x8x32xf32>
    %mul3A = vector.broadcast %broadcast_in_dim3A : vector<1x8x32xf32> to vector<256x8x32xf32>
    %mul3A_5 = arith.mulf %reshape3A, %mul3A : vector<256x8x32xf32>
    %reduce_sum3A = arith.constant dense<0.000000e+00> : vector<256x8xf32>
    %reduce_sum3A_6 = vector.multi_reduction <add>, %mul3A_5, %reduce_sum3A [2] : vector<256x8x32xf32> to vector<256x8xf32>
    %get3A_7 = arith.constant 0 : index
    %get3A_8 = arith.constant 0 : index
    %get3A_9 = vector.load %arg3[%get3A_7, %get3A_8] : memref<8x32xf32, #tpu.memory_space<vmem>>, vector<8x32xf32>
    %broadcast_in_dim3A_10 = vector.shape_cast %get3A_9 : vector<8x32xf32> to vector<1x8x32xf32>
    %mul3A_11 = vector.broadcast %broadcast_in_dim3A_10 : vector<1x8x32xf32> to vector<256x8x32xf32>
    %mul3A_12 = arith.mulf %reshape3A, %mul3A_11 : vector<256x8x32xf32>
    %reduce_sum3A_13 = arith.constant dense<0.000000e+00> : vector<256x8xf32>
    %reduce_sum3A_14 = vector.multi_reduction <add>, %mul3A_12, %reduce_sum3A_13 [2] : vector<256x8x32xf32> to vector<256x8xf32>
    %broadcast_in_dim3A_15 = arith.constant 0.000000e+00 : f32
    %broadcast_in_dim3A_16 = vector.broadcast %broadcast_in_dim3A_15 : f32 to vector<256x112xf32>
    %concatenate3A = tpu.concatenate %reduce_sum3A_6, %reduce_sum3A_14, %broadcast_in_dim3A_16 in 1 : vector<256x8xf32>, vector<256x8xf32>, vector<256x112xf32> -> vector<256x128xf32>
    %get3A_17 = arith.constant 0 : index
    %get3A_18 = arith.constant 0 : index
    %get3A_19 = vector.load %arg0[%get3A_17, %get3A_18] : memref<10000x256xf32, #tpu.memory_space<vmem>>, vector<10000x256xf32>
    %dot_general3A = arith.constant dense<0.000000e+00> : vector<10000x128xf32>
    %dot_general3A_20 = tpu.matmul %get3A_19, %concatenate3A, %dot_general3A {dimension_numbers = #tpu.dot_dimension_numbers<[1], [0], [0], [1], [0, 0, 1, 1], [], []>, transpose_lhs_hint = false} : vector<10000x256xf32>, vector<256x128xf32>, vector<10000x128xf32> -> vector<10000x128xf32>
    %swap3A = arith.constant 0 : index
    %swap3A_21 = arith.constant 0 : index
    %swap3A_22 = vector.load %arg4[%swap3A, %swap3A_21] : memref<10000x128xf32, #tpu.memory_space<vmem>>, vector<10000x128xf32>
    tpu.vector_store %arg4[%swap3A, %swap3A_21], %dot_general3A_20 {strides = array<i32>} : memref<10000x128xf32, #tpu.memory_space<vmem>>, vector<10000x128xf32>,
    return
  }
}

module attributes {stable_mosaic.version = 14 : i64} {
  func.func @_combine_body(%arg0: memref<16x16x2048xf32, #tpu.memory_space<vmem>>, %arg1: memref<16x16x16xf32, #tpu.memory_space<vmem>>, %arg2: memref<16x256xf32, #tpu.memory_space<vmem>>, %arg3: memref<256x256xf32, #tpu.memory_space<vmem>>, %arg4: memref<256xf32, #tpu.memory_space<vmem>>, %arg5: memref<256x256xf32, #tpu.memory_space<vmem>>, %arg6: memref<256xf32, #tpu.memory_space<vmem>>, %arg7: memref<256x256xf32, #tpu.memory_space<vmem>>, %arg8: memref<256xf32, #tpu.memory_space<vmem>>, %arg9: memref<16x256xf32, #tpu.memory_space<vmem>>) attributes {dimension_semantics = [], scalar_prefetch = 0 : i64, scratch_operands = 0 : i64, tpu.core_type = #tpu.core_type<tc>} {
    %get3A = arith.constant 0 : index
    %get3A_0 = arith.constant 0 : index
    %get3A_1 = arith.constant 0 : index
    %get3A_2 = vector.load %arg0[%get3A, %get3A_0, %get3A_1] : memref<16x16x2048xf32, #tpu.memory_space<vmem>>, vector<16x16x2048xf32>
    %reduce_sum3A = arith.constant dense<0.000000e+00> : vector<16x2048xf32>
    %reduce_sum3A_3 = vector.multi_reduction <add>, %get3A_2, %reduce_sum3A [0] : vector<16x16x2048xf32> to vector<16x2048xf32>
    %get3A_4 = arith.constant 0 : index
    %get3A_5 = arith.constant 0 : index
    %get3A_6 = arith.constant 0 : index
    %get3A_7 = vector.load %arg1[%get3A_4, %get3A_5, %get3A_6] : memref<16x16x16xf32, #tpu.memory_space<vmem>>, vector<16x16x16xf32>
    %reduce_sum3A_8 = arith.constant dense<0.000000e+00> : vector<16x16xf32>
    %reduce_sum3A_9 = vector.multi_reduction <add>, %get3A_7, %reduce_sum3A_8 [0] : vector<16x16x16xf32> to vector<16x16xf32>
    %slice3A = vector.extract_strided_slice %reduce_sum3A_9 {offsets = [0, 0], sizes = [16, 8], strides = [1, 1]} : vector<16x16xf32> to vector<16x8xf32>
    %get3A_10 = arith.constant 0 : index
    %get3A_11 = arith.constant 0 : index
    %get3A_12 = vector.load %arg5[%get3A_10, %get3A_11] : memref<256x256xf32, #tpu.memory_space<vmem>>, vector<256x256xf32>
    %concatenate3A = tpu.concatenate %get3A_12, %get3A_12, %get3A_12, %get3A_12, %get3A_12, %get3A_12, %get3A_12, %get3A_12 in 0 : vector<256x256xf32>, vector<256x256xf32>, vector<256x256xf32>, vector<256x256xf32>, vector<256x256xf32>, vector<256x256xf32>, vector<256x256xf32>, vector<256x256xf32> -> vector<2048x256xf32>
    %iota3A = tpu.iota {dimensions = array<i32: 0>} : vector<2048x256xi32>
    %jit3A = arith.constant 256 : i32
    %div3A = vector.broadcast %jit3A : i32 to vector<2048x256xi32>
    %div3A_13 = arith.divsi %iota3A, %div3A : vector<2048x256xi32>
    %sign3A = arith.constant 0 : i32
    %sign3A_14 = vector.broadcast %sign3A : i32 to vector<2048x256xi32>
    %sign3A_15 = arith.cmpi sgt, %iota3A, %sign3A_14 : vector<2048x256xi32>
    %sign3A_16 = arith.extui %sign3A_15 : vector<2048x256xi1> to vector<2048x256xi32>
    %sign3A_17 = arith.constant 0 : i32
    %sign3A_18 = vector.broadcast %sign3A_17 : i32 to vector<2048x256xi32>
    %sign3A_19 = arith.cmpi slt, %iota3A, %sign3A_18 : vector<2048x256xi32>
    %sign3A_20 = arith.extui %sign3A_19 : vector<2048x256xi1> to vector<2048x256xi32>
    %sign3A_21 = arith.subi %sign3A_16, %sign3A_20 : vector<2048x256xi32>
    %sign3A_22 = arith.constant 0 : i32
    %sign3A_23 = arith.cmpi sgt, %jit3A, %sign3A_22 : i32
    %sign3A_24 = arith.extui %sign3A_23 : i1 to i32
    %sign3A_25 = arith.constant 0 : i32
    %sign3A_26 = arith.cmpi slt, %jit3A, %sign3A_25 : i32
    %sign3A_27 = arith.extui %sign3A_26 : i1 to i32
    %sign3A_28 = arith.subi %sign3A_24, %sign3A_27 : i32
    %ne3A = vector.broadcast %sign3A_28 : i32 to vector<2048x256xi32>
    %ne3A_29 = arith.cmpi ne, %sign3A_21, %ne3A : vector<2048x256xi32>
    %rem3A = vector.broadcast %jit3A : i32 to vector<2048x256xi32>
    %rem3A_30 = arith.remsi %iota3A, %rem3A : vector<2048x256xi32>
    %ne3A_31 = arith.constant 0 : i32
    %ne3A_32 = vector.broadcast %ne3A_31 : i32 to vector<2048x256xi32>
    %ne3A_33 = arith.cmpi ne, %rem3A_30, %ne3A_32 : vector<2048x256xi32>
    %and3A = arith.andi %ne3A_29, %ne3A_33 : vector<2048x256xi1>
    %sub3A = arith.constant 1 : i32
    %sub3A_34 = vector.broadcast %sub3A : i32 to vector<2048x256xi32>
    %sub3A_35 = arith.subi %div3A_13, %sub3A_34 : vector<2048x256xi32>
    %select_n3A = arith.select %and3A, %sub3A_35, %div3A_13 : vector<2048x256xi1>, vector<2048x256xi32>
    %iota3A_36 = tpu.iota {dimensions = array<i32: 1>} : vector<2048x256xi32>
    %jit3A_37 = arith.constant 32 : i32
    %div3A_38 = vector.broadcast %jit3A_37 : i32 to vector<2048x256xi32>
    %div3A_39 = arith.divsi %iota3A_36, %div3A_38 : vector<2048x256xi32>
    %sign3A_40 = arith.constant 0 : i32
    %sign3A_41 = vector.broadcast %sign3A_40 : i32 to vector<2048x256xi32>
    %sign3A_42 = arith.cmpi sgt, %iota3A_36, %sign3A_41 : vector<2048x256xi32>
    %sign3A_43 = arith.extui %sign3A_42 : vector<2048x256xi1> to vector<2048x256xi32>
    %sign3A_44 = arith.constant 0 : i32
    %sign3A_45 = vector.broadcast %sign3A_44 : i32 to vector<2048x256xi32>
    %sign3A_46 = arith.cmpi slt, %iota3A_36, %sign3A_45 : vector<2048x256xi32>
    %sign3A_47 = arith.extui %sign3A_46 : vector<2048x256xi1> to vector<2048x256xi32>
    %sign3A_48 = arith.subi %sign3A_43, %sign3A_47 : vector<2048x256xi32>
    %sign3A_49 = arith.constant 0 : i32
    %sign3A_50 = arith.cmpi sgt, %jit3A_37, %sign3A_49 : i32
    %sign3A_51 = arith.extui %sign3A_50 : i1 to i32
    %sign3A_52 = arith.constant 0 : i32
    %sign3A_53 = arith.cmpi slt, %jit3A_37, %sign3A_52 : i32
    %sign3A_54 = arith.extui %sign3A_53 : i1 to i32
    %sign3A_55 = arith.subi %sign3A_51, %sign3A_54 : i32
    %ne3A_56 = vector.broadcast %sign3A_55 : i32 to vector<2048x256xi32>
    %ne3A_57 = arith.cmpi ne, %sign3A_48, %ne3A_56 : vector<2048x256xi32>
    %rem3A_58 = vector.broadcast %jit3A_37 : i32 to vector<2048x256xi32>
    %rem3A_59 = arith.remsi %iota3A_36, %rem3A_58 : vector<2048x256xi32>
    %ne3A_60 = arith.constant 0 : i32
    %ne3A_61 = vector.broadcast %ne3A_60 : i32 to vector<2048x256xi32>
    %ne3A_62 = arith.cmpi ne, %rem3A_59, %ne3A_61 : vector<2048x256xi32>
    %and3A_63 = arith.andi %ne3A_57, %ne3A_62 : vector<2048x256xi1>
    %sub3A_64 = arith.constant 1 : i32
    %sub3A_65 = vector.broadcast %sub3A_64 : i32 to vector<2048x256xi32>
    %sub3A_66 = arith.subi %div3A_39, %sub3A_65 : vector<2048x256xi32>
    %select_n3A_67 = arith.select %and3A_63, %sub3A_66, %div3A_39 : vector<2048x256xi1>, vector<2048x256xi32>
    %eq3A = arith.cmpi eq, %select_n3A, %select_n3A_67 : vector<2048x256xi32>
    %jit3A_68 = arith.constant 0.000000e+00 : f32
    %broadcast_in_dim3A = vector.broadcast %jit3A_68 : f32 to vector<2048x256xf32>
    %select_n3A_69 = arith.select %eq3A, %concatenate3A, %broadcast_in_dim3A : vector<2048x256xi1>, vector<2048x256xf32>
    %dot_general3A = arith.constant dense<0.000000e+00> : vector<16x256xf32>
    %dot_general3A_70 = tpu.matmul %reduce_sum3A_3, %select_n3A_69, %dot_general3A {dimension_numbers = #tpu.dot_dimension_numbers<[1], [0], [0], [1], [0, 0, 1, 1], [], []>, transpose_lhs_hint = false} : vector<16x2048xf32>, vector<2048x256xf32>, vector<16x256xf32> -> vector<16x256xf32>
    %add3A = arith.constant 1.000000e-16 : f32
    %add3A_71 = vector.broadcast %add3A : f32 to vector<16x8xf32>
    %add3A_72 = arith.addf %slice3A, %add3A_71 : vector<16x8xf32>
    %div3A_73 = arith.constant 1.000000e+00 : f32
    %div3A_74 = vector.broadcast %div3A_73 : f32 to vector<16x8xf32>
    %div3A_75 = arith.divf %div3A_74, %add3A_72 : vector<16x8xf32>
    %iota3A_76 = tpu.iota {dimensions = array<i32: 0>} : vector<8x256xi32>
    %iota3A_77 = tpu.iota {dimensions = array<i32: 1>} : vector<8x256xi32>
    %jit3A_78 = arith.constant 32 : i32
    %div3A_79 = vector.broadcast %jit3A_78 : i32 to vector<8x256xi32>
    %div3A_80 = arith.divsi %iota3A_77, %div3A_79 : vector<8x256xi32>
    %sign3A_81 = arith.constant 0 : i32
    %sign3A_82 = vector.broadcast %sign3A_81 : i32 to vector<8x256xi32>
    %sign3A_83 = arith.cmpi sgt, %iota3A_77, %sign3A_82 : vector<8x256xi32>
    %sign3A_84 = arith.extui %sign3A_83 : vector<8x256xi1> to vector<8x256xi32>
    %sign3A_85 = arith.constant 0 : i32
    %sign3A_86 = vector.broadcast %sign3A_85 : i32 to vector<8x256xi32>
    %sign3A_87 = arith.cmpi slt, %iota3A_77, %sign3A_86 : vector<8x256xi32>
    %sign3A_88 = arith.extui %sign3A_87 : vector<8x256xi1> to vector<8x256xi32>
    %sign3A_89 = arith.subi %sign3A_84, %sign3A_88 : vector<8x256xi32>
    %sign3A_90 = arith.constant 0 : i32
    %sign3A_91 = arith.cmpi sgt, %jit3A_78, %sign3A_90 : i32
    %sign3A_92 = arith.extui %sign3A_91 : i1 to i32
    %sign3A_93 = arith.constant 0 : i32
    %sign3A_94 = arith.cmpi slt, %jit3A_78, %sign3A_93 : i32
    %sign3A_95 = arith.extui %sign3A_94 : i1 to i32
    %sign3A_96 = arith.subi %sign3A_92, %sign3A_95 : i32
    %ne3A_97 = vector.broadcast %sign3A_96 : i32 to vector<8x256xi32>
    %ne3A_98 = arith.cmpi ne, %sign3A_89, %ne3A_97 : vector<8x256xi32>
    %rem3A_99 = vector.broadcast %jit3A_78 : i32 to vector<8x256xi32>
    %rem3A_100 = arith.remsi %iota3A_77, %rem3A_99 : vector<8x256xi32>
    %ne3A_101 = arith.constant 0 : i32
    %ne3A_102 = vector.broadcast %ne3A_101 : i32 to vector<8x256xi32>
    %ne3A_103 = arith.cmpi ne, %rem3A_100, %ne3A_102 : vector<8x256xi32>
    %and3A_104 = arith.andi %ne3A_98, %ne3A_103 : vector<8x256xi1>
    %sub3A_105 = arith.constant 1 : i32
    %sub3A_106 = vector.broadcast %sub3A_105 : i32 to vector<8x256xi32>
    %sub3A_107 = arith.subi %div3A_80, %sub3A_106 : vector<8x256xi32>
    %select_n3A_108 = arith.select %and3A_104, %sub3A_107, %div3A_80 : vector<8x256xi1>, vector<8x256xi32>
    %eq3A_109 = arith.cmpi eq, %iota3A_76, %select_n3A_108 : vector<8x256xi32>
    %jit3A_110 = arith.constant 1.000000e+00 : f32
    %jit3A_111 = arith.constant 0.000000e+00 : f32
    %broadcast_in_dim3A_112 = vector.broadcast %jit3A_110 : f32 to vector<8x256xf32>
    %broadcast_in_dim3A_113 = vector.broadcast %jit3A_111 : f32 to vector<8x256xf32>
    %select_n3A_114 = arith.select %eq3A_109, %broadcast_in_dim3A_112, %broadcast_in_dim3A_113 : vector<8x256xi1>, vector<8x256xf32>
    %dot_general3A_115 = arith.constant dense<0.000000e+00> : vector<16x256xf32>
    %dot_general3A_116 = tpu.matmul %div3A_75, %select_n3A_114, %dot_general3A_115 {dimension_numbers = #tpu.dot_dimension_numbers<[1], [0], [0], [1], [0, 0, 1, 1], [], []>, transpose_lhs_hint = false} : vector<16x8xf32>, vector<8x256xf32>, vector<16x256xf32> -> vector<16x256xf32>
    %mul3A = arith.mulf %dot_general3A_70, %dot_general3A_116 : vector<16x256xf32>
    %get3A_117 = arith.constant 0 : index
    %get3A_118 = vector.load %arg6[%get3A_117] : memref<256xf32, #tpu.memory_space<vmem>>, vector<256xf32>
    %broadcast_in_dim3A_119 = vector.shape_cast %get3A_118 : vector<256xf32> to vector<1x256xf32>
    %add3A_120 = vector.broadcast %broadcast_in_dim3A_119 : vector<1x256xf32> to vector<16x256xf32>
    %add3A_121 = arith.addf %mul3A, %add3A_120 : vector<16x256xf32>
    %get3A_122 = arith.constant 0 : index
    %get3A_123 = arith.constant 0 : index
    %get3A_124 = vector.load %arg2[%get3A_122, %get3A_123] : memref<16x256xf32, #tpu.memory_space<vmem>>, vector<16x256xf32>
    %get3A_125 = arith.constant 0 : index
    %get3A_126 = arith.constant 0 : index
    %get3A_127 = vector.load %arg3[%get3A_125, %get3A_126] : memref<256x256xf32, #tpu.memory_space<vmem>>, vector<256x256xf32>
    %dot_general3A_128 = arith.constant dense<0.000000e+00> : vector<16x256xf32>
    %dot_general3A_129 = tpu.matmul %get3A_124, %get3A_127, %dot_general3A_128 {dimension_numbers = #tpu.dot_dimension_numbers<[1], [0], [0], [1], [0, 0, 1, 1], [], []>, transpose_lhs_hint = false} : vector<16x256xf32>, vector<256x256xf32>, vector<16x256xf32> -> vector<16x256xf32>
    %get3A_130 = arith.constant 0 : index
    %get3A_131 = vector.load %arg4[%get3A_130] : memref<256xf32, #tpu.memory_space<vmem>>, vector<256xf32>
    %broadcast_in_dim3A_132 = vector.shape_cast %get3A_131 : vector<256xf32> to vector<1x256xf32>
    %add3A_133 = vector.broadcast %broadcast_in_dim3A_132 : vector<1x256xf32> to vector<16x256xf32>
    %add3A_134 = arith.addf %dot_general3A_129, %add3A_133 : vector<16x256xf32>
    %add3A_135 = arith.addf %add3A_134, %add3A_121 : vector<16x256xf32>
    %get3A_136 = arith.constant 0 : index
    %get3A_137 = arith.constant 0 : index
    %get3A_138 = vector.load %arg7[%get3A_136, %get3A_137] : memref<256x256xf32, #tpu.memory_space<vmem>>, vector<256x256xf32>
    %dot_general3A_139 = arith.constant dense<0.000000e+00> : vector<16x256xf32>
    %dot_general3A_140 = tpu.matmul %add3A_135, %get3A_138, %dot_general3A_139 {dimension_numbers = #tpu.dot_dimension_numbers<[1], [0], [0], [1], [0, 0, 1, 1], [], []>, transpose_lhs_hint = false} : vector<16x256xf32>, vector<256x256xf32>, vector<16x256xf32> -> vector<16x256xf32>
    %get3A_141 = arith.constant 0 : index
    %get3A_142 = vector.load %arg8[%get3A_141] : memref<256xf32, #tpu.memory_space<vmem>>, vector<256xf32>
    %broadcast_in_dim3A_143 = vector.shape_cast %get3A_142 : vector<256xf32> to vector<1x256xf32>
    %add3A_144 = vector.broadcast %broadcast_in_dim3A_143 : vector<1x256xf32> to vector<16x256xf32>
    %add3A_145 = arith.addf %dot_general3A_140, %add3A_144 : vector<16x256xf32>
    %swap3A = arith.constant 0 : index
    %swap3A_146 = arith.constant 0 : index
    %swap3A_147 = vector.load %arg9[%swap3A, %swap3A_146] : memref<16x256xf32, #tpu.memory_space<vmem>>, vector<16x256xf32>
    tpu.vector_store %arg9[%swap3A, %swap3A_146], %add3A_145 {strides = array<i32>} : memref<16x256xf32, #tpu.memory_space<vmem>>, vector<16x256xf32>,
    return
  }
}

</mosaic_0001>

<sc_bundles>
// kernel: kernel.5.cloned.1.call-start
scs
__scs_entry_jumppad:
0x0: {  	(pc) =	sbr.rel $0x88, $3  }
0x1: {  	(tag) =	ssettag $0x0;
	lr =	simm.s32 $0x1  }
0x2: {  	[smem:$0x3F95] =	sst lr;
	_ =	strace $0xD0000000  }
0x3: {  	_ = 	snop  }
0x4: {  	_ = 	snop  }
0x5: {  	_ = 	snop  }
0x6: {  	_ = 	snop  }
0x7: {  	_ = 	snop  }
__scs_overlays_trampoline_lowered:
0x8: {  	[smem:$0x3FA4] =	sst s0  }
0x9: {  	[smem:$0x3FA5] =	sst s1  }
0xa: {  	[smem:$0x3FA6] =	sst s2  }
0xb: {  	[smem:$0x3FA7] =	sst s3  }
0xc: {  	[smem:$0x3FA8] =	sst s4  }
0xd: {  	[smem:$0x3FA9] =	sst s5  }
0xe: {  	[smem:$0x3FAA] =	sst s6  }
0xf: {  	[smem:$0x3FAB] =	sst s7  }
0x10: {  	[smem:$0x3FAC] =	sst s8  }
0x11: {  	[smem:$0x3FAD] =	sst s9;
	s0 =	simm.s32 @!p0 $0x0  }
0x12: {  	s1 =	sld [smem:$0x3F93];
	s0 =	simm.s32 @p0 $0x1  }
0x13: {  	[smem:$0x3FAE] =	sst s0;
	s0 =	simm.s32 @!p1 $0x0  }
0x14: {  	s2 =	sld [smem:$0x3F92];
	s0 =	simm.s32 @p1 $0x1  }
0x15: {  	[smem:$0x3FAF] =	sst s0;
	s0 =	simm.s32 @!p2 $0x0  }
0x16: {  	s3 =	sld [smem:$0x3FDB];
	s0 =	simm.s32 @p2 $0x1  }
0x17: {  	s4 =	simm.s32 $0x1BF5;
	[smem:$0x3FB1] =	sst s0  }
0x18: {  	s0 =	sld [smem:$0x3F94];
	_ =	swait.ge [sflag:s4], $0x0  }
0x19: {  	s7 =	sld [smem:$0x3F95]  }
0x1a: {  	s8 =	sadd.s32 $0xFFFFE003, lr  }
0x1b: {  	s9 =	sadd.s32 $0xFFFFFEF7, lr;
	s5 =	simm.s32 $0xFFFFFFFF;
	p2 =	slt.u32 s8, $0xFFFFF086  }
0x1c: {  	p1 =	slt.u32 s9, $0xF7A;
	s5 =	simm.s32 @!p2 $0x0  }
0x1d: {  	s5 =	simm.s32 @p1 $0x1;
	p0 =	seq.s32 s7, s2  }
0x1e: {  	s7 =	smul.u32 @!p0 $0xF7A, s2;
	p2 =	seq.s32 @!p0 s5, $0x0  }
0x1f: {  	s9 =	smul.u32 $0xF7A, s1;
	s8 =	simm.s32 @!p0 $0x1BF5;
	p2 =	por !p2, p0  }
0x20: {  	[sflag:s8] =	ssyncset.s32 @!p0 $0xFFFFF086;
	s6 =	sadd.s32 @!p0 s3, s7;
	s7 =	simm.s32 @!p0 $0x108  }
0x21: {  	s3 =	sadd.s32 s3, s9;
	s6 =	sadd.s32 @!p0 $0x88, s6;
	s7 =	simm.s32 @p2 $0x1082  }
0x22: {  	[simem:s7], [sflag:s8] =	dma.local @!p0 [hbm:s6], $0xF7A  }
0x23: {  	s9 =	sor.u32 $0xD0000000, s2;
	s6 =	simm.s32 $0x108;
	_ =	swait.ge @!p0 [sflag:s8], $0x0  }
0x24: {  	s3 =	sadd.s32 $0x88, s3;
	s6 =	simm.s32 @!p1 $0x1082;
	[sflag:s4] =	ssyncset.s32 $0xFFFFF086  }
0x25: {  	[simem:s6], [sflag:s4] =	dma.local [hbm:s3], $0xF7A  }
0x26: {  	[smem:$0x3F95] =	sst s1;
	(tag) =	ssettag s2;
	_ =	strace s9  }
0x27: {  	s1 =	sld [smem:$0x3FA5]  }
0x28: {  	s2 =	sld [smem:$0x3FA6]  }
0x29: {  	s4 =	sld [smem:$0x3FA8]  }
0x2a: {  	p0 =	seq.s32 s5, $0x0;
	s5 =	sld [smem:$0x3FA9]  }
0x2b: {  	s6 =	sld [smem:$0x3FAA]  }
0x2c: {  	s7 =	sld [smem:$0x3FAB]  }
0x2d: {  	s3 =	simm.s32 $0x108;
	s8 =	sld [smem:$0x3FAC]  }
0x2e: {  	s3 =	simm.s32 @!p0 $0x1082;
	s9 =	sld [smem:$0x3FAD]  }
0x2f: {  	lr =	sadd.s32 s0, s3;
	s0 =	sld [smem:$0x3FA4]  }
0x30: {  	s3 =	sld [smem:$0x3FA7]  }
0x31: {  	[smem:$0x3FB0] =	sst s10  }
0x32: {  	s10 =	sld [smem:$0x3FAE];
	_ =	sdelay $0x3  }
0x33: {  	p0 =	seq.s32 s10, $0x1;
	s10 =	sld [smem:$0x3FB0];
	_ =	sdelay $0x3  }
0x34: {  	[smem:$0x3FB0] =	sst s10  }
0x35: {  	s10 =	sld [smem:$0x3FAF];
	_ =	sdelay $0x3  }
0x36: {  	p1 =	seq.s32 s10, $0x1;
	s10 =	sld [smem:$0x3FB0];
	_ =	sdelay $0x3  }
0x37: {  	[smem:$0x3FB0] =	sst s10  }
0x38: {  	s10 =	sld [smem:$0x3FB1]  }
0x39: {  	_ = 	snop;
	(pc) =	sbr.ind lr, $3  }
0x3a: {  	_ = 	snop  }
0x3b: {  	_ = 	snop  }
0x3c: {  	p2 =	seq.s32 s10, $0x1;
	s10 =	sld [smem:$0x3FB0]  }
0x3d: {  	_ =	shalt  }
0x3e: {  	_ =	shalt  }
0x3f: {  	_ =	shalt  }
0x40: {  	_ =	shalt  }
0x41: {  	_ =	shalt  }
0x42: {  	_ =	shalt  }
0x43: {  	_ =	shalt  }
0x44: {  	_ =	shalt  }
0x45: {  	_ =	shalt  }
0x46: {  	_ =	shalt  }
0x47: {  	_ =	shalt  }
0x48: {  	_ =	shalt  }
0x49: {  	_ =	shalt  }
0x4a: {  	_ =	shalt  }
0x4b: {  	_ =	shalt  }
0x4c: {  	_ =	shalt  }
0x4d: {  	_ =	shalt  }
0x4e: {  	_ =	shalt  }
0x4f: {  	_ =	shalt  }
0x50: {  	_ =	shalt  }
0x51: {  	_ =	shalt  }
0x52: {  	_ =	shalt  }
0x53: {  	_ =	shalt  }
0x54: {  	_ =	shalt  }
0x55: {  	_ =	shalt  }
0x56: {  	_ =	shalt  }
0x57: {  	_ =	shalt  }
0x58: {  	_ =	shalt  }
0x59: {  	_ =	shalt  }
0x5a: {  	_ =	shalt  }
0x5b: {  	_ =	shalt  }
0x5c: {  	_ =	shalt  }
0x5d: {  	_ =	shalt  }
0x5e: {  	_ =	shalt  }
0x5f: {  	_ =	shalt  }
0x60: {  	_ =	shalt  }
0x61: {  	_ =	shalt  }
0x62: {  	_ =	shalt  }
0x63: {  	_ =	shalt  }
0x64: {  	_ =	shalt  }
0x65: {  	_ =	shalt  }
0x66: {  	_ =	shalt  }
0x67: {  	_ =	shalt  }
0x68: {  	_ =	shalt  }
0x69: {  	_ =	shalt  }
0x6a: {  	_ =	shalt  }
0x6b: {  	_ =	shalt  }
0x6c: {  	_ =	shalt  }
0x6d: {  	_ =	shalt  }
0x6e: {  	_ =	shalt  }
0x6f: {  	_ =	shalt  }
0x70: {  	_ =	shalt  }
0x71: {  	_ =	shalt  }
0x72: {  	_ =	shalt  }
0x73: {  	_ =	shalt  }
0x74: {  	_ =	shalt  }
0x75: {  	_ =	shalt  }
0x76: {  	_ =	shalt  }
0x77: {  	_ =	shalt  }
0x78: {  	_ =	shalt  }
0x79: {  	_ =	shalt  }
0x7a: {  	_ =	shalt  }
0x7b: {  	_ =	shalt  }
0x7c: {  	_ =	shalt  }
0x7d: {  	_ =	shalt  }
0x7e: {  	_ =	shalt  }
0x7f: {  	_ =	shalt  }
0x80: {  	_ =	shalt  }
0x81: {  	_ =	shalt  }
0x82: {  	_ =	shalt  }
0x83: {  	_ =	shalt  }
0x84: {  	_ =	shalt  }
0x85: {  	_ =	shalt  }
0x86: {  	_ =	shalt  }
0x87: {  	_ =	shalt  }
.Lfunc_end0:
.L_simem_size_0:
called_computation_lowered:
.L_overlay_start_0:
0x88: {  	s0 =	sld [smem:$0x3FD9]  }
0x89: {  	s1 =	sld [smem:$0x3FFE];
	_ =	sdelay $0x3  }
0x8a: {  	s0 =	sadd.s32 s1, s0  }
0x8b: {  	[smem:$0x3FBC] =	sst s0  }
0x8c: {  	_ = 	snop  }
0x8d: {  	s0 =	sld [smem:$0x3FC9]  }
0x8e: {  	s16 =	sld [smem:$0x3FD0];
	(tm) =	ssettm $0x1  }
0x8f: {  	s2 =	sld [smem:$0x3FFB];
	_ =	sdelay $0x3  }
0x90: {  	_ =	strace s2  }
0x91: {  	s2 =	sld [smem:$0x3FFC];
	_ =	sdelay $0x3  }
0x92: {  	_ =	strace s2  }
0x93: {  	s2 =	sld [smem:$0x3FFD];
	_ =	sdelay $0x3  }
0x94: {  	_ =	strace s2  }
0x95: {  	_ =	strace $0x8FFFFFFF  }
0x96: {  	s17 =	sld [smem:$0x3FDB];
	_ =	sdelay $0x1  }
0x97: {  	s3 =	simm.s32 $_scs_section_size  }
0x98: {  	s4 =	simm.s32 $_size__tile_overlayer_lowered;
	s5 =	simm.s32 $_tile_overlayer_lowered  }
0x99: {  	s20 =	simm.s32 $0x1BFF;
	s19 =	sshll.u32 s5, $0x1;
	s2 =	sadd.s32 s3, s17  }
0x9a: {  	s6 =	simm.s32 $0x0;
	s18 =	sshll.u32 s4, $0x1;
	s4 =	sadd.s32 s19, s2  }
0x9b: {  	[timem:s6], [sflag:s20] =	dma.local [hbm:s4], s18  }
0x9c: {  	_ =	swait.ge [sflag:s20], s18  }
0x9d: {  	s3 =	ssub.s32 $0x0, s18;
	[sflag:s20] =	ssyncset.done $0x0  }
0x9e: {  	[sflag:s20] =	ssyncadd.s32 s3;
	_ =	sdelay $0x1  }
0x9f: {  	s21 =	simm.s32 $0x1B8B  }
0xa0: {  	_ =	swait.ge [sflag:s21], $0x1  }
0xa1: {  	[sflag:s21] =	ssyncset.done $0x0  }
0xa2: {  	s23 =	simm.s32 $0x1B8E;
	s22 =	sld [smem:$0x3FFE];
	[sflag:s21] =	ssyncadd.s32 $0xFFFFFFFF  }
0xa3: {  	s24 =	simm.s32 $execute0_lowered;
	[smem:$0x3FD2] =	sst s23  }
0xa4: {  	s4 =	sshll.u32 s24, $0x1;
	_ =	strace $0x80000046;
	[dreg:$0x1] =	wrdreg $0xFFFFFFFF  }
0xa5: {  	s25 =	simm.s32 $_size_execute0_lowered;
	s2 =	sadd.s32 s2, s4;
	[dreg:$0x0] =	wrdreg $0x0  }
0xa6: {  	s4 =	sshll.u32 s25, $0x1;
	[dreg:$0x2] =	wrdreg s2  }
0xa7: {  	[dreg:$0x3] =	wrdreg s4  }
0xa8: {  	[dreg:$0x4] =	wrdreg $0xC0  }
0xa9: {  	_ =	task [dreg:s6], $0x5FFFF  }
0xaa: {  	[dreg:$0x1] =	wrdreg $0xFFFFFFFF  }
0xab: {  	[dreg:$0x0] =	wrdreg $0x60  }
0xac: {  	[dreg:$0x2] =	wrdreg s22  }
0xad: {  	[dreg:$0x3] =	wrdreg s0  }
0xae: {  	[dreg:$0x4] =	wrdreg s16  }
0xaf: {  	[dreg:$0x5] =	wrdreg $0x9  }
0xb0: {  	_ =	task.clear_ibuf [dreg:s6], $0x6FFFF;
	_ =	strace $0x90000046  }
0xb1: {  	s26 =	simm.s32 $0x9;
	_ =	strace $0x8000004B  }
0xb2: {  	_ =	swait.ge [sflag:s26], $0x1  }
0xb3: {  	[sflag:s26] =	ssyncadd.s32 $0xFFFFFFFF  }
0xb4: {  	_ =	strace $0x9000004B  }
0xb5: {  	_ =	sfence  }
0xb6: {  	s28 =	sld [smem:$0x0];
	_ =	sdelay $0x1  }
0xb7: {  	s29 =	srdreg.scid  }
0xb8: {  	s30 =	sshll.u32 s29, $0xD;
	s31 =	sshrl.u32 s29, $0x2  }
0xb9: {  	s1 =	sand.u32 $0x1, s29;
	s2 =	sand.u32 $0x4000, s30;
	s0 =	sadd.s32 s31, s28  }
0xba: {  	s1 =	sor.u32 s2, s1;
	s0 =	sshll.u32 s0, $0x11  }
0xbb: {  	s0 =	sor.u32 s0, s1  }
0xbc: {  	s0 =	sadd.s32 $0x8F2B, s0  }
0xbd: {  	[sflag:s0] =	ssyncadd.remote.s32 $0x1  }
0xbe: {  	_ =	sfence.sel $0xFFFF  }
0xbf: {  	[dreg:$0x0] =	wrdreg $0xFFFFFFFF;
	(pc) =	sbr.abs _section_cstart, $3  }
0xc0: {  	[dreg:$0x1] =	wrdreg $0xFFFFFFFF  }
0xc1: {  	_ =	task.clear_ibuf [dreg:s6], $0x2FFFF;
	_ =	strace $0x9FFFFFFF  }
0xc2: {  	(tm) =	ssettm $0x7FFFFFFF  }
0xc3: {  	_ =	shalt  }
tec
execute0_lowered:
.L_overlay_start_1:
0x0: {  	(tag) =	ssettag $0x1  }
0x1: {  	s4 =	stileid.u32  }
0x2: {  	s2 =	smul.u32 $0x2710, s4  }
0x3: {  	s6 =	rddreg [dreg:$0x0]  }
0x4: {  	s1 =	rddreg [dreg:$0x1];
	s5 =	simm.s32 $0x0;
	s2 =	sshrl.u32 s2, $0x3  }
0x5: {  	[smem:$0x7FF] =	sst s5;
	s2 =	sadd.s32 s2, s6  }
0x6: {  	s3 =	rddreg [dreg:$0x2];
	_ =	strace $0x80000047;
	s7 =	sadd.s32 $0x2400, s2  }
0x7: {  	[tilespmem:s5], [sflag:$0x1] =	stream.linear.gather [hbm4b:s7+s5], $0x2710, $0x38;
	[tilespmem:$0x14080] =	vst v63  }
0x8: {  	s26 =	simm.s32 $0x2780;
	s2 =	sadd.s32 $0x7220, s2  }
0x9: {  	[tilespmem:s26], [sflag:$0x1] =	stream.linear.gather [hbm4b:s2+s5], $0x2710, $0x38;
	[tilespmem:$0x14080] =	vst v63  }
0xa: {  	s29 =	simm.s32 $0x9E00;
	s30 =	simm.s32 $0x3;
	s28 =	sadd.s32 $0xC200, s6  }
0xb: {  	[tilespmem:s29], [sflag:$0x3] =	stream.linear.gather [hbm4b:s28+s5], $0x80, $0x38;
	[tilespmem:$0x14080] =	vst v63  }
0xc: {  	s31 =	simm.s32 $0x10;
	_ =	swait.ge [sflag:s30], $0x80  }
0xd: {  	s8 =	simm.s32 $0x9E80;
	s7 =	simm.s32 $0x0;
	[sflag:s30] =	ssyncset.done $0x0  }
0xe: {  	s2 =	sadd.s32 $0xC400, s6;
	s5 =	sadd.s32 $0x33600, s6;
	[sflag:s30] =	ssyncadd.s32 $0xFFFFFF80  }
0xf: {  	[tilespmem:s8], [sflag:$0x2] =	stream.indirect.gather [hbm4b:s2+s31], $0x80, s29, s31, $0xb8;
	[tilespmem:$0x14080] =	vst v63  }
0x10: {  	v0 =	vimm.f32 $0.0e+00;
	s6 =	sadd.s32 $0x43600, s6;
	s8 =	simm.s32 $0x400;
	_ =	strace $0x80000048  }
.LBB2_1:
0x11: {  	p0 =	sne.s32 s8, $0x1FC00;
	[tilespmem:s7+$0xC070] =	vst v0  }
0x12: {  	[tilespmem:s7+$0xBF80] =	vst v0  }
0x13: {  	[tilespmem:s7+$0xBF90] =	vst v0  }
0x14: {  	[tilespmem:s7+$0xBFA0] =	vst v0  }
0x15: {  	[tilespmem:s7+$0xBFB0] =	vst v0  }
0x16: {  	[tilespmem:s7+$0xBFC0] =	vst v0  }
0x17: {  	[tilespmem:s7+$0xBFD0] =	vst v0  }
0x18: {  	[tilespmem:s7+$0xBFE0] =	vst v0  }
0x19: {  	[tilespmem:s7+$0xBFF0] =	vst v0  }
0x1a: {  	[tilespmem:s7+$0xC000] =	vst v0  }
0x1b: {  	[tilespmem:s7+$0xC010] =	vst v0  }
.Ltmp0:
0x1c: {  	[tilespmem:s7+$0xC020] =	vst v0;
	(pc) =	sbr.rel @p0 .LBB2_1-.Ltmp0, $4  }
0x1d: {  	[tilespmem:s7+$0xC030] =	vst v0  }
0x1e: {  	[tilespmem:s7+$0xC040] =	vst v0  }
0x1f: {  	[tilespmem:s7+$0xC050] =	vst v0  }
0x20: {  	[tilespmem:s7+$0xC060] =	vst v0;
	s7 =	sshra.s32 s8, $0x2;
	s8 =	sadd.s32 $0x400, s8  }
0x21: {  	[tilespmem:s7+$0xC070] =	vst v0  }
0x22: {  	[tilespmem:s7+$0xBF80] =	vst v0  }
0x23: {  	[tilespmem:s7+$0xBF90] =	vst v0  }
0x24: {  	[tilespmem:s7+$0xBFA0] =	vst v0  }
0x25: {  	[tilespmem:s7+$0xBFB0] =	vst v0  }
0x26: {  	[tilespmem:s7+$0xBFC0] =	vst v0  }
0x27: {  	[tilespmem:s7+$0xBFD0] =	vst v0  }
0x28: {  	[tilespmem:s7+$0xBFE0] =	vst v0  }
0x29: {  	[tilespmem:s7+$0xBFF0] =	vst v0  }
0x2a: {  	[tilespmem:s7+$0xC000] =	vst v0  }
0x2b: {  	[tilespmem:s7+$0xC010] =	vst v0  }
0x2c: {  	[tilespmem:s7+$0xC020] =	vst v0  }
0x2d: {  	[tilespmem:s7+$0xC030] =	vst v0  }
0x2e: {  	[tilespmem:s7+$0xC040] =	vst v0  }
0x2f: {  	[tilespmem:s7+$0xC050] =	vst v0  }
0x30: {  	[tilespmem:s7+$0xC060] =	vst v0;
	v0 =	vimm.f32 $0.0e+00  }
0x31: {  	[tilespmem:$0x13F80] =	vst v0  }
0x32: {  	[tilespmem:$0x13F90] =	vst v0  }
0x33: {  	[tilespmem:$0x13FA0] =	vst v0  }
0x34: {  	[tilespmem:$0x13FB0] =	vst v0  }
0x35: {  	[tilespmem:$0x13FC0] =	vst v0  }
0x36: {  	[tilespmem:$0x13FD0] =	vst v0  }
0x37: {  	[tilespmem:$0x13FE0] =	vst v0  }
0x38: {  	[tilespmem:$0x13FF0] =	vst v0  }
0x39: {  	[tilespmem:$0x14000] =	vst v0  }
0x3a: {  	[tilespmem:$0x14010] =	vst v0  }
0x3b: {  	[tilespmem:$0x14020] =	vst v0  }
0x3c: {  	[tilespmem:$0x14030] =	vst v0  }
0x3d: {  	[tilespmem:$0x14040] =	vst v0  }
0x3e: {  	[tilespmem:$0x14050] =	vst v0  }
0x3f: {  	[tilespmem:$0x14060] =	vst v0  }
0x40: {  	[tilespmem:$0x14070] =	vst v0  }
0x41: {  	s25 =	simm.s32 $0x1;
	_ =	strace $0x90000048  }
0x42: {  	_ =	swait.ge [sflag:s25], $0x2710  }
0x43: {  	[sflag:s25] =	ssyncset.done $0x0  }
0x44: {  	[sflag:s25] =	ssyncadd.s32 $0xFFFFD8F0  }
0x45: {  	_ =	swait.ge [sflag:s25], $0x2710  }
0x46: {  	[sflag:s25] =	ssyncset.done $0x0  }
0x47: {  	s26 =	simm.s32 $0x2;
	[sflag:s25] =	ssyncadd.s32 $0xFFFFD8F0  }
0x48: {  	_ =	swait.ge [sflag:s26], $0x800  }
0x49: {  	[sflag:s26] =	ssyncset.done $0x0  }
0x4a: {  	p0 =	sne.s32 s4, $0x0;
	[sflag:s26] =	ssyncadd.s32 $0xFFFFF800  }
0x4b: {  	v1 =	vld @!p0 [tilespmem:$0x9E00];
	_ =	sdelay $0x4  }
0x4c: {  	v2 =	vshll.u32 @!p0 v1, $0x1  }
0x4d: {  	v3 =	vlaneseq.u32 @!p0;
	v1 =	vand.u32 @!p0 $0x7, v1;
	v2 =	vand.u32 @!p0 $0xFFFFFFF0, v2  }
0x4e: {  	v4 =	vshrl.u32 @!p0 v3, $0x3;
	v1 =	vor.u32 @!p0 v1, v2;
	v2 =	vand.u32 @!p0 $0x7, v3  }
0x4f: {  	v4 =	vmul.u32 @!p0 $0x8, v4;
	v2 =	vperm.xlane @!p0 v1, v2  }
0x50: {  	v3 =	vor.u32 @!p0 $0x8, v3  }
0x51: {  	v1 =	vperm.xlane @!p0 v1, v3;
	v2 =	vadd.s32 @!p0 v4, v2;
	_ =	sdelay $0x1  }
0x52: {  	v1 =	vadd.s32 @!p0 v4, v1;
	_ =	sdelay $0x1  }
0x53: {  	vm0 =	vmmov @!p0 $0xffff;
	s7 =	simm.s32 @!p0 $0x0;
	s8 =	simm.s32 @!p0 $0xAE80  }
0x54: {  	[tilespmem:s8], [sflag:$0x2] =	stream.indirect_vreg.gather @!p0 [hbm4b:s1+s7], $0x80, v2, vm0, $0xb8;
	[tilespmem:$0x14080] =	vst v63  }
0x55: {  	s9 =	simm.s32 @!p0 $0xB680  }
0x56: {  	[tilespmem:s9], [sflag:$0x2] =	stream.indirect_vreg.gather @!p0 [hbm4b:s1+s7], $0x80, v1, vm0, $0xb8;
	[tilespmem:$0x14080] =	vst v63  }
0x57: {  	s9 =	simm.s32 @!p0 $0x2  }
0x58: {  	_ =	swait.ge @!p0 [sflag:s9], $0x1000  }
0x59: {  	s28 =	sshrl.u32 s4, $0x3;
	s29 =	sshll.u32 s4, $0x7;
	[sflag:s9] =	ssyncset.done @!p0 $0x0  }
0x5a: {  	s30 =	sshll.u32 s28, $0x12;
	s4 =	sand.u32 $0x380, s29;
	[sflag:s9] =	ssyncadd.s32 @!p0 $0xFFFFF000  }
0x5b: {  	[hbm4b:s6+s7] =	stream.linear.scatter @!p0 [tilespmem:s8], [sflag:$0x3], $0x1000, $0x38;
	[tilespmem:$0x14080] =	vst v63  }
0x5c: {  	s8 =	simm.s32 @!p0 $0x3;
	s7 =	sor.u32 s4, s30;
	s6 =	sshll.u32 s28, $0xB  }
.Ltmp1:
0x5d: {  	_ =	swait.ge @!p0 [sflag:s8], $0x1000;
	s6 =	sor.u32 s4, s6;
	(pc) =	sbr.rel .LBB2_3-.Ltmp1, $4  }
0x5e: {  	s7 =	sshrl.u32 s7, $0x3;
	[sflag:s8] =	ssyncset.done @!p0 $0x0;
	s31 =	sshrl.u32 s6, $0x3  }
0x5f: {  	s4 =	sadd.s32 s5, s7;
	s5 =	simm.s32 $0x0;
	s0 =	sadd.s32 s3, s31  }
0x60: {  	s6 =	simm.s32 $0x9E00;
	[sflag:s8] =	ssyncadd.s32 @!p0 $0xFFFFF000;
	[dreg:$0x4] =	wrdreg s0  }
0x61: {  	v2 =	vimm.s32 $0x0;
	v1 =	vimm.s32 $0x0;
	s7 =	simm.s32 $0x4F00;
	s8 =	simm.s32 $0x7680;
	_ =	strace $0x80000049  }
.LBB2_5:
0x62: {  	s5 =	sadd.s32 $0x200, s5  }
0x63: {  	p1 =	sne.s32 s5, $0x9C00  }
.Ltmp2:
0x64: {  	_ = 	snop;
	(pc) =	sbr.rel @!p1 .LBB2_6-.Ltmp2, $1  }
0x65: {  	_ =	sdelay $0x3  }
.LBB2_3:
0x66: {  	s9 =	sshra.s32 s5, $0x2  }
0x67: {  	v11 =	vld [tilespmem:s9+$0x2780]  }
0x68: {  	v12 =	vld [tilespmem:s9+$0x2790]  }
0x69: {  	v13 =	vld [tilespmem:s9+$0x27A0]  }
0x6a: {  	v14 =	vld [tilespmem:s9+$0x27B0]  }
0x6b: {  	v16 =	vld [tilespmem:s9+$0x27D0]  }
0x6c: {  	v20 =	vld [tilespmem:s9+$0x27E0];
	_ =	sdelay $0x3  }
0x6d: {  	v3 =	vmul.u32 $0xD1B8, v11;
	v4 =	vmul.u32 $0xD1B8, v12;
	v17 =	vmul.u32 $0xD1B8, v13  }
0x6e: {  	v15 =	vld [tilespmem:s9+$0x27C0];
	v18 =	vmul.u32 $0xD1B8, v14;
	v23 =	vmul.u32 $0xD1B8, v16;
	v24 =	vmul.u32 $0xD1B8, v20  }
0x6f: {  	v21 =	vld [tilespmem:s9+$0x27F0];
	v10 =	vshra.s32 v3, $0x19;
	v9 =	vshra.s32 v4, $0x19;
	v3 =	vshrl.u32 v3, $0x19  }
0x70: {  	v4 =	vshrl.u32 v4, $0x19;
	v8 =	vshra.s32 v17, $0x19;
	v7 =	vshra.s32 v18, $0x19  }
0x71: {  	v17 =	vshrl.u32 v17, $0x19;
	v18 =	vshrl.u32 v18, $0x19;
	v5 =	vand.u32 $0xFFFFFF80, v10  }
0x72: {  	v6 =	vand.u32 $0xFFFFFF80, v9;
	v22 =	vand.u32 $0xFFFFFF80, v7;
	v3 =	vor.u32 v3, v5  }
0x73: {  	v19 =	vor.u32 v4, v6;
	v4 =	vmul.u32 $0xD1B8, v15;
	v5 =	vand.u32 $0xFFFFFF80, v8  }
0x74: {  	v26 =	vmul.u32 $0xD1B8, v21;
	v18 =	vor.u32 v18, v22;
	v17 =	vor.u32 v17, v5  }
0x75: {  	v5 =	vshra.s32 v23, $0x19;
	v23 =	vshrl.u32 v23, $0x19;
	v6 =	vshra.s32 v4, $0x19  }
0x76: {  	v4 =	vshrl.u32 v4, $0x19;
	v25 =	vand.u32 $0xFFFFFF80, v5;
	v60 =	vand.u32 $0xFFFFFF80, v6  }
0x77: {  	v23 =	vor.u32 v23, v25;
	v22 =	vor.u32 v4, v60;
	v4 =	vshra.s32 v24, $0x19  }
0x78: {  	v24 =	vshrl.u32 v24, $0x19;
	v61 =	vld.idx.msk [tilespmem:v3+s6+$0x0], $0xffff;
	v27 =	vand.u32 $0xFFFFFF80, v4;
	v3 =	vshra.s32 v26, $0x19  }
0x79: {  	v19 =	vld.idx.msk [tilespmem:v19+s6+$0x0], $0xffff;
	v26 =	vshrl.u32 v26, $0x19;
	v24 =	vor.u32 v24, v27;
	v62 =	vand.u32 $0xFFFFFF80, v3  }
0x7a: {  	v17 =	vld.idx.msk [tilespmem:v17+s6+$0x0], $0xffff;
	v26 =	vor.u32 v26, v62  }
0x7b: {  	v18 =	vld.idx.msk [tilespmem:v18+s6+$0x0], $0xffff  }
0x7c: {  	v22 =	vld.idx.msk [tilespmem:v22+s6+$0x0], $0xffff  }
0x7d: {  	v23 =	vld.idx.msk [tilespmem:v23+s6+$0x0], $0xffff  }
0x7e: {  	vm7 =	veq.s32 v11, v61;
	vm6 =	veq.s32 v12, v19;
	v11 =	vld.idx.msk [tilespmem:v24+s6+$0x0], $0xffff  }
0x7f: {  	vm5 =	veq.s32 v13, v17;
	vm0 =	vmor vm7, vm6;
	v63 =	vld.idx.msk [tilespmem:v26+s6+$0x0], $0xffff  }
0x80: {  	vm4 =	veq.s32 v14, v18;
	vm0 =	vmor vm0, vm5  }
0x81: {  	vm0 =	vmor vm0, vm4;
	vm3 =	veq.s32 v15, v22  }
0x82: {  	vm2 =	veq.s32 v16, v23;
	vm0 =	vmor vm0, vm3  }
0x83: {  	vm1 =	veq.s32 v20, v11;
	vm8 =	vmor vm0, vm2  }
0x84: {  	vm0 =	veq.s32 v21, v63;
	vm8 =	vmor vm8, vm1  }
0x85: {  	vm8 =	vmor vm8, vm0  }
0x86: {  	v11 =	vsel vm8, $0x3F800000, v0  }
0x87: {  	(xrf0) =	vmax.scan.msk.f32 $0xffff, v11;
	_ =	sdelay $0x5  }
0x88: {  	v11, _, _ =	vpop (xrf0)  }
0x89: {  	(v2sf) =	vpush v11, $0xF;
	_ =	sdelay $0xe  }
0x8a: {  	s10 =	spop (v2sf)  }
0x8b: {  	p1 =	sgt.f32 s10, $0.0e+00  }
.Ltmp3:
0x8c: {  	_ = 	snop;
	(pc) =	sbr.rel @!p1 .LBB2_5-.Ltmp3, $1  }
0x8d: {  	_ =	sdelay $0x3  }
0x8e: {  	v11 =	vsel vm7, $0x1, v1  }
0x8f: {  	(xrf0) =	vadd.scan.msk.s32 $0xffff, v11;
	_ =	sdelay $0x5  }
0x90: {  	v12 =	vsel vm6, $0x1, v1;
	v11, _, _ =	vpop (xrf0)  }
0x91: {  	(xrf0) =	vadd.scan.msk.s32 $0xffff, v12;
	v11 =	vadd.s32 v11, v2  }
0x92: {  	v11 =	vadd.s32 $0xFFFFFFFF, v11  }
0x93: {  	vm8 =	vgt.s32 v11, $0x0  }
0x94: {  	v36 =	vld [tilespmem:s9+$0x0];
	v11 =	vnsel vm8, $0x0, v11  }
0x95: {  	v13 =	vmpcnt.ones.xlane vm7;
	_ =	sdelay $0x1  }
0x96: {  	v14 =	vsel vm5, $0x1, v1;
	v2 =	vadd.s32 v2, v13;
	v37, _, _ =	vpop (xrf0)  }
0x97: {  	(xrf0) =	vadd.scan.msk.s32 $0xffff, v14;
	v13 =	vadd.s32 v2, v37  }
0x98: {  	v38 =	vadd.s32 $0xFFFFFFFF, v13;
	[tilespmem:v11+s7+$0x0] =	vst.idx.msk vm7, v36  }
0x99: {  	vm9 =	vgt.s32 v38, $0x0;
	[tilespmem:v11+s8+$0x0] =	vst.idx.msk vm7, v10  }
0x9a: {  	v39 =	vnsel vm9, $0x0, v38;
	v10 =	vld [tilespmem:s9+$0x10]  }
0x9b: {  	v40 =	vmpcnt.ones.xlane vm6;
	_ =	sdelay $0x1  }
0x9c: {  	v42 =	vsel vm4, $0x1, v1;
	v2 =	vadd.s32 v2, v40;
	v41, _, _ =	vpop (xrf0)  }
0x9d: {  	(xrf0) =	vadd.scan.msk.s32 $0xffff, v42;
	v12 =	vadd.s32 v2, v41  }
0x9e: {  	v43 =	vadd.s32 $0xFFFFFFFF, v12;
	[tilespmem:v39+s7+$0x0] =	vst.idx.msk vm6, v10  }
0x9f: {  	vm10 =	vgt.s32 v43, $0x0;
	[tilespmem:v39+s8+$0x0] =	vst.idx.msk vm6, v9  }
0xa0: {  	v10 =	vnsel vm10, $0x0, v43;
	v9 =	vld [tilespmem:s9+$0x20]  }
0xa1: {  	v44 =	vmpcnt.ones.xlane vm5;
	_ =	sdelay $0x1  }
0xa2: {  	v46 =	vsel vm3, $0x1, v1;
	v2 =	vadd.s32 v2, v44;
	v45, _, _ =	vpop (xrf0)  }
0xa3: {  	(xrf0) =	vadd.scan.msk.s32 $0xffff, v46;
	v11 =	vadd.s32 v2, v45  }
0xa4: {  	v47 =	vadd.s32 $0xFFFFFFFF, v11;
	[tilespmem:v10+s7+$0x0] =	vst.idx.msk vm5, v9  }
0xa5: {  	vm11 =	vgt.s32 v47, $0x0;
	[tilespmem:v10+s8+$0x0] =	vst.idx.msk vm5, v8  }
0xa6: {  	v9 =	vnsel vm11, $0x0, v47;
	v8 =	vld [tilespmem:s9+$0x30]  }
0xa7: {  	v48 =	vmpcnt.ones.xlane vm4;
	_ =	sdelay $0x1  }
0xa8: {  	v50 =	vsel vm2, $0x1, v1;
	v2 =	vadd.s32 v2, v48;
	v49, _, _ =	vpop (xrf0)  }
0xa9: {  	(xrf0) =	vadd.scan.msk.s32 $0xffff, v50;
	v10 =	vadd.s32 v2, v49  }
0xaa: {  	v51 =	vadd.s32 $0xFFFFFFFF, v10;
	[tilespmem:v9+s7+$0x0] =	vst.idx.msk vm4, v8  }
0xab: {  	vm12 =	vgt.s32 v51, $0x0;
	[tilespmem:v9+s8+$0x0] =	vst.idx.msk vm4, v7  }
0xac: {  	v8 =	vnsel vm12, $0x0, v51;
	v7 =	vld [tilespmem:s9+$0x40]  }
0xad: {  	v52 =	vmpcnt.ones.xlane vm3;
	_ =	sdelay $0x1  }
0xae: {  	v54 =	vsel vm1, $0x1, v1;
	v2 =	vadd.s32 v2, v52;
	v53, _, _ =	vpop (xrf0)  }
0xaf: {  	(xrf0) =	vadd.scan.msk.s32 $0xffff, v54;
	v9 =	vadd.s32 v2, v53  }
0xb0: {  	v55 =	vadd.s32 $0xFFFFFFFF, v9;
	[tilespmem:v8+s7+$0x0] =	vst.idx.msk vm3, v7  }
0xb1: {  	vm13 =	vgt.s32 v55, $0x0;
	[tilespmem:v8+s8+$0x0] =	vst.idx.msk vm3, v6  }
0xb2: {  	v7 =	vnsel vm13, $0x0, v55;
	v6 =	vld [tilespmem:s9+$0x50]  }
0xb3: {  	v56 =	vmpcnt.ones.xlane vm2;
	_ =	sdelay $0x1  }
0xb4: {  	v58 =	vsel vm0, $0x1, v1;
	v2 =	vadd.s32 v2, v56;
	v57, _, _ =	vpop (xrf0)  }
0xb5: {  	(xrf0) =	vadd.scan.msk.s32 $0xffff, v58;
	v8 =	vadd.s32 v2, v57  }
0xb6: {  	v59 =	vadd.s32 $0xFFFFFFFF, v8;
	[tilespmem:v7+s7+$0x0] =	vst.idx.msk vm2, v6  }
0xb7: {  	vm14 =	vgt.s32 v59, $0x0;
	[tilespmem:v7+s8+$0x0] =	vst.idx.msk vm2, v5  }
0xb8: {  	v6 =	vnsel vm14, $0x0, v59;
	v5 =	vld [tilespmem:s9+$0x60]  }
0xb9: {  	v60 =	vmpcnt.ones.xlane vm1;
	_ =	sdelay $0x1  }
0xba: {  	v2 =	vadd.s32 v2, v60;
	v61, _, _ =	vpop (xrf0)  }
0xbb: {  	v7 =	vadd.s32 v2, v61  }
0xbc: {  	v62 =	vadd.s32 $0xFFFFFFFF, v7;
	[tilespmem:v6+s7+$0x0] =	vst.idx.msk vm1, v5  }
0xbd: {  	vm15 =	vgt.s32 v62, $0x0;
	[tilespmem:v6+s8+$0x0] =	vst.idx.msk vm1, v4  }
0xbe: {  	v5 =	vnsel vm15, $0x0, v62;
	v4 =	vld [tilespmem:s9+$0x70];
	_ =	sdelay $0x1  }
.Ltmp4:
0xbf: {  	_ = 	snop;
	(pc) =	sbr.rel .LBB2_5-.Ltmp4, $4  }
0xc0: {  	_ = 	snop  }
0xc1: {  	v63 =	vmpcnt.ones.xlane vm0  }
0xc2: {  	[tilespmem:v5+s7+$0x0] =	vst.idx.msk vm0, v4  }
0xc3: {  	v2 =	vadd.s32 v2, v63;
	[tilespmem:v5+s8+$0x0] =	vst.idx.msk vm0, v3  }
.LBB2_6:
0xc4: {  	v0 =	vld [tilespmem:$0x4E80];
	_ =	sdelay $0x4  }
0xc5: {  	v1 =	vmul.u32 $0xD1B8, v0;
	_ =	sdelay $0x1  }
0xc6: {  	v3 =	vshra.s32 v1, $0x19  }
0xc7: {  	v1 =	vshrl.u32 v1, $0x19;
	v4 =	vand.u32 $0xFFFFFF80, v3  }
0xc8: {  	v1 =	vor.u32 v1, v4;
	_ =	sdelay $0x3  }
0xc9: {  	s5 =	simm.s32 $0x9E00  }
0xca: {  	v1 =	vld.idx.msk [tilespmem:v1+s5+$0x0], $0xffff;
	_ =	sdelay $0x4  }
0xcb: {  	v62 =	vimm.f32 $0.0e+00;
	vm0 =	veq.s32 v0, v1  }
0xcc: {  	v4 =	vsel vm0, $0x3F800000, v62  }
0xcd: {  	(xrf0) =	vmax.scan.msk.f32 $0xffff, v4;
	_ =	sdelay $0x5  }
0xce: {  	v4, _, _ =	vpop (xrf0)  }
0xcf: {  	(v2sf) =	vpush v4, $0xF;
	_ =	sdelay $0xe  }
0xd0: {  	s30 =	spop (v2sf)  }
0xd1: {  	p1 =	sgt.f32 s30, $0.0e+00;
	_ =	sdelay $0x1  }
0xd2: {  	vm0 =	veq.s32 @p1 v0, v1;
	v0 =	vimm.s32 @p1 $0x0  }
0xd3: {  	v0 =	vsel @p1 vm0, $0x1, v0  }
0xd4: {  	(xrf0) =	vadd.scan.msk.s32 @p1 $0xffff, v0;
	_ =	sdelay $0x5  }
0xd5: {  	v0, _, _ =	vpop @p1 (xrf0)  }
0xd6: {  	v0 =	vadd.s32 @p1 v0, v2  }
0xd7: {  	v0 =	vadd.s32 @p1 $0xFFFFFFFF, v0  }
0xd8: {  	vm1 =	vgt.s32 @p1 v0, $0x0  }
0xd9: {  	v1 =	vld @p1 [tilespmem:$0x2700];
	v0 =	vnsel @p1 vm1, $0x0, v0;
	_ =	sdelay $0x2  }
0xda: {  	v4 =	vmpcnt.ones.xlane @p1 vm0  }
0xdb: {  	s5 =	simm.s32 @p1 $0x4F00  }
0xdc: {  	[tilespmem:v0+s5+$0x0] =	vst.idx.msk @p1 vm0, v1;
	s5 =	simm.s32 @p1 $0x7680;
	v1 =	vadd.s32 @p1 v2, v4  }
0xdd: {  	[tilespmem:v0+s5+$0x0] =	vst.idx.msk @p1 vm0, v3;
	v63 =	vpsel p1, v1, v2  }
0xde: {  	_ =	strace $0x90000049;
	v0 =	vxor.u32 $0x80000000, v63  }
0xdf: {  	(xrf0) =	vmax.scan.msk.u32 $0xffff, v0;
	_ =	sdelay $0x5  }
0xe0: {  	v0, _, _ =	vpop (xrf0)  }
0xe1: {  	(v2sf) =	vpush v0, $0xF;
	_ =	sdelay $0xe  }
0xe2: {  	s6 =	spop (v2sf)  }
0xe3: {  	s31 =	sadd.s32 $0x8000000F, s6  }
0xe4: {  	s5 =	sshra.s32 s31, $0x4  }
0xe5: {  	p1 =	slt.s32 s5, $0x1  }
.Ltmp5:
0xe6: {  	_ = 	snop;
	(pc) =	sbr.rel @p1 .LBB2_17-.Ltmp5, $2  }
0xe7: {  	_ =	sdelay $0x2  }
0xe8: {  	_ =	strace $0x8000004A  }
0xe9: {  	v23 =	vlaneseq.u32  }
0xea: {  	s6 =	sxor.u32 $0x80000000, s6;
	vm0 =	vmmov $0xffff;
	v0 =	vshrl.u32 v23, $0x3  }
0xeb: {  	v1 =	vmul.u32 $0x80, v23;
	v2 =	vmov s6;
	v55 =	vand.u32 $0x7, v23  }
0xec: {  	v56 =	vor.u32 $0x8, v23;
	v26 =	vor.u32 $0x100, v23;
	v27 =	vor.u32 $0x200, v23;
	[tilespmem:$0x1FF30] =	vst v2  }
0xed: {  	v28 =	vor.u32 $0x300, v23;
	v29 =	vor.u32 $0x400, v23;
	v18 =	vor.u32 $0x500, v23;
	[tilespmem:$0x1FF40] =	vst v55  }
0xee: {  	v19 =	vor.u32 $0x600, v23;
	v20 =	vor.u32 $0x700, v23;
	v45 =	vor.u32 $0x330, v23;
	[tilespmem:$0x1FF60] =	vst v56  }
0xef: {  	v21 =	vor.u32 $0x10, v23;
	v22 =	vor.u32 $0x110, v23;
	v0 =	vmul.u32 $0x8, v0;
	[tilespmem:$0x1FFF0] =	vst v45  }
0xf0: {  	v24 =	vor.u32 $0x210, v23;
	v25 =	vor.u32 $0x310, v23;
	v30 =	vor.u32 $0x410, v23;
	[tilespmem:$0x1FFD0] =	vst v1  }
0xf1: {  	v31 =	vor.u32 $0x510, v23;
	v32 =	vor.u32 $0x610, v23;
	v57 =	vor.u32 $0x1, v1;
	[tilespmem:$0x1FF50] =	vst v0  }
0xf2: {  	v33 =	vor.u32 $0x710, v23;
	v34 =	vor.u32 $0x20, v23;
	v58 =	vor.u32 $0x2, v1;
	[tilespmem:$0x1FF70] =	vst v57  }
0xf3: {  	s7 =	simm.s32 $0x0;
	s8 =	simm.s32 $0xAE80;
	v35 =	vor.u32 $0x120, v23;
	v36 =	vor.u32 $0x220, v23;
	v59 =	vor.u32 $0x3, v1;
	[tilespmem:$0x1FF80] =	vst v58  }
.Ltmp6:
0xf4: {  	s9 =	simm.s32 $0xB680;
	s10 =	simm.s32 $0x10;
	v37 =	vor.u32 $0x320, v23;
	v38 =	vor.u32 $0x420, v23;
	v60 =	vor.u32 $0x4, v1;
	[tilespmem:$0x1FF90] =	vst v59;
	(pc) =	sbr.rel .LBB2_8-.Ltmp6, $4  }
0xf5: {  	s11 =	simm.s32 $0xBF00;
	s12 =	simm.s32 $0xA680;
	s13 =	simm.s32 $0x2;
	v39 =	vor.u32 $0x520, v23;
	v40 =	vor.u32 $0x620, v23;
	v61 =	vor.u32 $0x5, v1;
	[tilespmem:$0x1FFA0] =	vst v60  }
0xf6: {  	s14 =	simm.s32 $0x9E80;
	s15 =	simm.s32 $0x13F80;
	s16 =	simm.s32 $0x1;
	v52 =	vor.u32 $0x720, v23;
	v53 =	vor.u32 $0x30, v23;
	v62 =	vor.u32 $0x6, v1;
	[tilespmem:$0x1FFB0] =	vst v61  }
0xf7: {  	s17 =	simm.s32 $0x7680;
	s18 =	simm.s32 $0xBE80;
	s19 =	simm.s32 $0xBF80;
	v54 =	vor.u32 $0x130, v23;
	v55 =	vor.u32 $0x230, v23;
	v63 =	vor.u32 $0x7, v1;
	[tilespmem:$0x1FFC0] =	vst v62  }
0xf8: {  	s20 =	simm.s32 $0x0;
	s22 =	simm.s32 $0x0;
	s21 =	smov.u32 s6;
	[tilespmem:$0x1FFE0] =	vst v63;
	v57 =	vor.u32 $0x430, v23;
	v58 =	vor.u32 $0x530, v23;
	v59 =	vor.u32 $0x630, v23  }
.LBB2_10:
0xf9: {  	s23 =	simm.s32 $0x0;
	s26 =	simm.s32 $0x0;
	s25 =	simm.s32 $0x0  }
.LBB2_15:
0xfa: {  	_ =	sdelay $0x2  }
0xfb: {  	s0 =	sadd.s32 $0x10, s23  }
0xfc: {  	s3 =	sadd.s32 @p1 $0x80, s26;
	s24 =	simm.s32 $0x0;
	[tilespmem:v16+s19+$0x0] =	vst.idx.add.f32.msk @p1 $0xffff, v14;
	s31 =	sadd.s32 $0x20, s23;
	v1 =	vmov s0  }
0xfd: {  	s28 =	sadd.s32 $0x40, s23;
	s24 =	smov.u32 @p1 s3;
	v2 =	vld.idx.msk [tilespmem:v13+s17+$0x0], $0xffff;
	v3 =	vmov s31  }
0xfe: {  	s26 =	sand.u32 $0xFFFFF800, s25;
	s3 =	sadd.s32 $0x30, s23;
	v9 =	vmov s28;
	s24 =	sand.u32 $0x380, s24  }
0xff: {  	s29 =	sadd.s32 $0x50, s23;
	v6 =	vld.idx.msk [tilespmem:v0+s18+$0x0], $0xffff;
	v4 =	vmov s3;
	s24 =	sor.u32 s24, s26  }
0x100: {  	s30 =	sadd.s32 $0x60, s23;
	v11 =	vmov s29;
	v10 =	vld [tilespmem:s24+$0xAE80]  }
0x101: {  	v12 =	vmov s30;
	s31 =	sadd.s32 $0x70, s23;
	v7 =	vld.idx.msk [tilespmem:v1+s18+$0x0], $0xffff  }
0x102: {  	v46 =	vmov s31;
	v0 =	vshll.u32 v2, $0xB;
	v8 =	vld.idx.msk [tilespmem:v3+s18+$0x0], $0xffff  }
0x103: {  	v3 =	vld.idx.msk [tilespmem:v9+s18+$0x0], $0xffff;
	v47 =	vor.u32 v23, v0  }
0x104: {  	v5 =	vld.idx.msk [tilespmem:v4+s18+$0x0], $0xffff;
	v48 =	vor.u32 v26, v0  }
0x105: {  	v1 =	vld.idx.msk [tilespmem:v11+s18+$0x0], $0xffff;
	v49 =	vor.u32 v27, v0  }
0x106: {  	v2 =	vld.idx.msk [tilespmem:v12+s18+$0x0], $0xffff;
	v15 =	vor.u32 v28, v0;
	v50 =	vmul.f32 v10, v6  }
0x107: {  	v4 =	vld.idx.msk [tilespmem:v46+s18+$0x0], $0xffff;
	v16 =	vor.u32 v29, v0;
	v51 =	vmul.f32 v10, v7  }
0x108: {  	v60 =	vor.u32 v18, v0;
	v56 =	vmul.f32 v10, v8;
	[tilespmem:v47+s19+$0x0] =	vst.idx.add.f32.msk $0xffff, v50  }
0x109: {  	v62 =	vor.u32 v19, v0;
	v61 =	vmul.f32 v10, v5;
	[tilespmem:v48+s19+$0x0] =	vst.idx.add.f32.msk $0xffff, v51  }
0x10a: {  	v41 =	vor.u32 v20, v0;
	v63 =	vmul.f32 v10, v3;
	[tilespmem:v49+s19+$0x0] =	vst.idx.add.f32.msk $0xffff, v56  }
0x10b: {  	v42 =	vmul.f32 v10, v1;
	[tilespmem:v15+s19+$0x0] =	vst.idx.add.f32.msk $0xffff, v61  }
0x10c: {  	v43 =	vmul.f32 v10, v2;
	[tilespmem:v16+s19+$0x0] =	vst.idx.add.f32.msk $0xffff, v63  }
0x10d: {  	v44 =	vmul.f32 v10, v4;
	[tilespmem:v60+s19+$0x0] =	vst.idx.add.f32.msk $0xffff, v42  }
0x10e: {  	[tilespmem:v62+s19+$0x0] =	vst.idx.add.f32.msk $0xffff, v43  }
0x10f: {  	[tilespmem:v41+s19+$0x0] =	vst.idx.add.f32.msk $0xffff, v44  }
0x110: {  	v9 =	vld [tilespmem:s24+$0xAE90];
	_ =	sdelay $0x1  }
0x111: {  	v46 =	vor.u32 v21, v0  }
0x112: {  	v47 =	vor.u32 v22, v0  }
0x113: {  	v48 =	vor.u32 v24, v0  }
0x114: {  	v50 =	vor.u32 v25, v0;
	v49 =	vmul.f32 v9, v6  }
0x115: {  	v16 =	vor.u32 v30, v0;
	v51 =	vmul.f32 v9, v7  }
0x116: {  	v60 =	vor.u32 v31, v0;
	v56 =	vmul.f32 v9, v8;
	[tilespmem:v46+s19+$0x0] =	vst.idx.add.f32.msk $0xffff, v49  }
0x117: {  	v62 =	vor.u32 v32, v0;
	v61 =	vmul.f32 v9, v5;
	[tilespmem:v47+s19+$0x0] =	vst.idx.add.f32.msk $0xffff, v51  }
0x118: {  	v41 =	vor.u32 v33, v0;
	v63 =	vmul.f32 v9, v3;
	[tilespmem:v48+s19+$0x0] =	vst.idx.add.f32.msk $0xffff, v56  }
0x119: {  	v42 =	vmul.f32 v9, v1;
	[tilespmem:v50+s19+$0x0] =	vst.idx.add.f32.msk $0xffff, v61  }
0x11a: {  	v43 =	vmul.f32 v9, v2;
	[tilespmem:v16+s19+$0x0] =	vst.idx.add.f32.msk $0xffff, v63  }
0x11b: {  	v9 =	vmul.f32 v9, v4;
	[tilespmem:v60+s19+$0x0] =	vst.idx.add.f32.msk $0xffff, v42  }
0x11c: {  	[tilespmem:v62+s19+$0x0] =	vst.idx.add.f32.msk $0xffff, v43  }
0x11d: {  	[tilespmem:v41+s19+$0x0] =	vst.idx.add.f32.msk $0xffff, v9  }
0x11e: {  	v9 =	vld [tilespmem:s24+$0xAEA0];
	_ =	sdelay $0x1  }
0x11f: {  	v44 =	vor.u32 v34, v0  }
0x120: {  	v46 =	vor.u32 v35, v0  }
0x121: {  	v47 =	vor.u32 v36, v0  }
0x122: {  	v49 =	vor.u32 v37, v0;
	v48 =	vmul.f32 v9, v6  }
0x123: {  	v16 =	vor.u32 v38, v0;
	v50 =	vmul.f32 v9, v7  }
0x124: {  	v56 =	vor.u32 v39, v0;
	v51 =	vmul.f32 v9, v8;
	[tilespmem:v44+s19+$0x0] =	vst.idx.add.f32.msk $0xffff, v48  }
0x125: {  	v61 =	vor.u32 v40, v0;
	v60 =	vmul.f32 v9, v5;
	[tilespmem:v46+s19+$0x0] =	vst.idx.add.f32.msk $0xffff, v50  }
0x126: {  	v63 =	vor.u32 v52, v0;
	v62 =	vmul.f32 v9, v3;
	[tilespmem:v47+s19+$0x0] =	vst.idx.add.f32.msk $0xffff, v51  }
0x127: {  	v14 =	vmul.f32 v9, v1;
	[tilespmem:v49+s19+$0x0] =	vst.idx.add.f32.msk $0xffff, v60  }
0x128: {  	v41 =	vmul.f32 v9, v2;
	[tilespmem:v16+s19+$0x0] =	vst.idx.add.f32.msk $0xffff, v62  }
0x129: {  	v9 =	vmul.f32 v9, v4;
	[tilespmem:v56+s19+$0x0] =	vst.idx.add.f32.msk $0xffff, v14  }
0x12a: {  	[tilespmem:v61+s19+$0x0] =	vst.idx.add.f32.msk $0xffff, v41  }
0x12b: {  	[tilespmem:v63+s19+$0x0] =	vst.idx.add.f32.msk $0xffff, v9  }
0x12c: {  	v9 =	vld [tilespmem:s24+$0xAEB0];
	_ =	sdelay $0x1  }
0x12d: {  	v42 =	vor.u32 v53, v0  }
0x12e: {  	v43 =	vor.u32 v54, v0  }
0x12f: {  	v44 =	vor.u32 v55, v0  }
0x130: {  	v47 =	vor.u32 v45, v0;
	v46 =	vmul.f32 v9, v6  }
0x131: {  	v16 =	vor.u32 v57, v0;
	v48 =	vmul.f32 v9, v7  }
0x132: {  	v50 =	vor.u32 v58, v0;
	v49 =	vmul.f32 v9, v8;
	[tilespmem:v42+s19+$0x0] =	vst.idx.add.f32.msk $0xffff, v46  }
0x133: {  	v17 =	vor.u32 $0x730, v23;
	v56 =	vor.u32 v59, v0;
	v51 =	vmul.f32 v9, v5;
	[tilespmem:v43+s19+$0x0] =	vst.idx.add.f32.msk $0xffff, v48  }
0x134: {  	v61 =	vor.u32 v17, v0;
	v60 =	vmul.f32 v9, v3;
	[tilespmem:v44+s19+$0x0] =	vst.idx.add.f32.msk $0xffff, v49  }
0x135: {  	v62 =	vmul.f32 v9, v1;
	[tilespmem:v47+s19+$0x0] =	vst.idx.add.f32.msk $0xffff, v51  }
0x136: {  	v63 =	vmul.f32 v9, v2;
	[tilespmem:v16+s19+$0x0] =	vst.idx.add.f32.msk $0xffff, v60  }
0x137: {  	v9 =	vmul.f32 v9, v4;
	[tilespmem:v50+s19+$0x0] =	vst.idx.add.f32.msk $0xffff, v62  }
0x138: {  	[tilespmem:v56+s19+$0x0] =	vst.idx.add.f32.msk $0xffff, v63  }
0x139: {  	[tilespmem:v61+s19+$0x0] =	vst.idx.add.f32.msk $0xffff, v9  }
0x13a: {  	v9 =	vld [tilespmem:s24+$0xAEC0]  }
0x13b: {  	v14 =	vor.u32 $0x40, v23  }
0x13c: {  	v15 =	vor.u32 $0x140, v23;
	v10 =	vor.u32 v14, v0  }
0x13d: {  	v11 =	vor.u32 v15, v0;
	v41 =	vor.u32 $0x240, v23  }
0x13e: {  	v12 =	vor.u32 v41, v0;
	v42 =	vor.u32 $0x340, v23  }
0x13f: {  	v13 =	vor.u32 v42, v0;
	v44 =	vor.u32 $0x440, v23;
	v43 =	vmul.f32 v9, v6  }
0x140: {  	v17 =	vor.u32 $0x540, v23;
	v15 =	vor.u32 v44, v0;
	v16 =	vmul.f32 v9, v7  }
0x141: {  	v47 =	vor.u32 v17, v0;
	v17 =	vor.u32 $0x640, v23;
	v46 =	vmul.f32 v9, v8;
	[tilespmem:v10+s19+$0x0] =	vst.idx.add.f32.msk $0xffff, v43  }
0x142: {  	v48 =	vmul.f32 v9, v5;
	[tilespmem:v11+s19+$0x0] =	vst.idx.add.f32.msk $0xffff, v16;
	v16 =	vor.u32 v17, v0;
	v17 =	vor.u32 $0x740, v23  }
0x143: {  	v49 =	vmul.f32 v9, v3;
	[tilespmem:v12+s19+$0x0] =	vst.idx.add.f32.msk $0xffff, v46;
	v50 =	vor.u32 v17, v0  }
0x144: {  	v51 =	vmul.f32 v9, v1;
	[tilespmem:v13+s19+$0x0] =	vst.idx.add.f32.msk $0xffff, v48  }
0x145: {  	v56 =	vmul.f32 v9, v2;
	[tilespmem:v15+s19+$0x0] =	vst.idx.add.f32.msk $0xffff, v49  }
0x146: {  	v9 =	vmul.f32 v9, v4;
	[tilespmem:v47+s19+$0x0] =	vst.idx.add.f32.msk $0xffff, v51  }
0x147: {  	[tilespmem:v16+s19+$0x0] =	vst.idx.add.f32.msk $0xffff, v56  }
0x148: {  	[tilespmem:v50+s19+$0x0] =	vst.idx.add.f32.msk $0xffff, v9  }
0x149: {  	v9 =	vld [tilespmem:s24+$0xAED0]  }
0x14a: {  	v60 =	vor.u32 $0x50, v23  }
0x14b: {  	v61 =	vor.u32 $0x150, v23;
	v10 =	vor.u32 v60, v0  }
0x14c: {  	v62 =	vor.u32 $0x250, v23;
	v11 =	vor.u32 v61, v0  }
0x14d: {  	v63 =	vor.u32 $0x350, v23;
	v12 =	vor.u32 v62, v0  }
0x14e: {  	v42 =	vor.u32 $0x450, v23;
	v13 =	vor.u32 v63, v0;
	v41 =	vmul.f32 v9, v6  }
0x14f: {  	v17 =	vor.u32 $0x550, v23;
	v15 =	vor.u32 v42, v0;
	v16 =	vmul.f32 v9, v7  }
0x150: {  	v44 =	vor.u32 v17, v0;
	v17 =	vor.u32 $0x650, v23;
	v43 =	vmul.f32 v9, v8;
	[tilespmem:v10+s19+$0x0] =	vst.idx.add.f32.msk $0xffff, v41  }
0x151: {  	v46 =	vmul.f32 v9, v5;
	[tilespmem:v11+s19+$0x0] =	vst.idx.add.f32.msk $0xffff, v16;
	v16 =	vor.u32 v17, v0;
	v17 =	vor.u32 $0x750, v23  }
0x152: {  	v47 =	vmul.f32 v9, v3;
	[tilespmem:v12+s19+$0x0] =	vst.idx.add.f32.msk $0xffff, v43;
	v48 =	vor.u32 v17, v0  }
0x153: {  	v49 =	vmul.f32 v9, v1;
	[tilespmem:v13+s19+$0x0] =	vst.idx.add.f32.msk $0xffff, v46  }
0x154: {  	v50 =	vmul.f32 v9, v2;
	[tilespmem:v15+s19+$0x0] =	vst.idx.add.f32.msk $0xffff, v47  }
0x155: {  	v9 =	vmul.f32 v9, v4;
	[tilespmem:v44+s19+$0x0] =	vst.idx.add.f32.msk $0xffff, v49  }
0x156: {  	[tilespmem:v16+s19+$0x0] =	vst.idx.add.f32.msk $0xffff, v50  }
0x157: {  	[tilespmem:v48+s19+$0x0] =	vst.idx.add.f32.msk $0xffff, v9  }
0x158: {  	v9 =	vld [tilespmem:s24+$0xAEE0]  }
0x159: {  	v51 =	vor.u32 $0x60, v23  }
0x15a: {  	v56 =	vor.u32 $0x160, v23;
	v10 =	vor.u32 v51, v0  }
0x15b: {  	v60 =	vor.u32 $0x260, v23;
	v11 =	vor.u32 v56, v0  }
0x15c: {  	v61 =	vor.u32 $0x360, v23;
	v12 =	vor.u32 v60, v0  }
0x15d: {  	v63 =	vor.u32 $0x460, v23;
	v13 =	vor.u32 v61, v0;
	v62 =	vmul.f32 v9, v6  }
0x15e: {  	v17 =	vor.u32 $0x560, v23;
	v15 =	vor.u32 v63, v0;
	v16 =	vmul.f32 v9, v7  }
0x15f: {  	v42 =	vor.u32 v17, v0;
	v17 =	vor.u32 $0x660, v23;
	v41 =	vmul.f32 v9, v8;
	[tilespmem:v10+s19+$0x0] =	vst.idx.add.f32.msk $0xffff, v62  }
0x160: {  	v43 =	vmul.f32 v9, v5;
	[tilespmem:v11+s19+$0x0] =	vst.idx.add.f32.msk $0xffff, v16;
	v16 =	vor.u32 v17, v0;
	v17 =	vor.u32 $0x760, v23  }
0x161: {  	v44 =	vmul.f32 v9, v3;
	[tilespmem:v12+s19+$0x0] =	vst.idx.add.f32.msk $0xffff, v41;
	v46 =	vor.u32 v17, v0  }
0x162: {  	v47 =	vmul.f32 v9, v1;
	[tilespmem:v13+s19+$0x0] =	vst.idx.add.f32.msk $0xffff, v43  }
0x163: {  	v48 =	vmul.f32 v9, v2;
	[tilespmem:v15+s19+$0x0] =	vst.idx.add.f32.msk $0xffff, v44  }
0x164: {  	v9 =	vmul.f32 v9, v4;
	[tilespmem:v42+s19+$0x0] =	vst.idx.add.f32.msk $0xffff, v47  }
0x165: {  	[tilespmem:v16+s19+$0x0] =	vst.idx.add.f32.msk $0xffff, v48  }
0x166: {  	[tilespmem:v46+s19+$0x0] =	vst.idx.add.f32.msk $0xffff, v9  }
0x167: {  	v9 =	vld [tilespmem:s24+$0xAEF0]  }
0x168: {  	v49 =	vor.u32 $0x70, v23  }
0x169: {  	v50 =	vor.u32 $0x170, v23;
	v10 =	vor.u32 v49, v0  }
0x16a: {  	v51 =	vor.u32 $0x270, v23;
	v11 =	vor.u32 v50, v0  }
0x16b: {  	v56 =	vor.u32 $0x370, v23;
	v12 =	vor.u32 v51, v0  }
0x16c: {  	v61 =	vor.u32 $0x470, v23;
	v13 =	vor.u32 v56, v0;
	v60 =	vmul.f32 v9, v6  }
0x16d: {  	v17 =	vor.u32 $0x570, v23;
	v15 =	vor.u32 v61, v0;
	v16 =	vmul.f32 v9, v7  }
0x16e: {  	v63 =	vor.u32 v17, v0;
	v17 =	vor.u32 $0x670, v23;
	v62 =	vmul.f32 v9, v8;
	[tilespmem:v10+s19+$0x0] =	vst.idx.add.f32.msk $0xffff, v60  }
0x16f: {  	v41 =	vmul.f32 v9, v5;
	[tilespmem:v11+s19+$0x0] =	vst.idx.add.f32.msk $0xffff, v16;
	v16 =	vor.u32 v17, v0;
	v17 =	vor.u32 $0x770, v23  }
0x170: {  	v42 =	vmul.f32 v9, v3;
	[tilespmem:v12+s19+$0x0] =	vst.idx.add.f32.msk $0xffff, v62;
	v43 =	vor.u32 v17, v0  }
0x171: {  	v44 =	vmul.f32 v9, v1;
	[tilespmem:v13+s19+$0x0] =	vst.idx.add.f32.msk $0xffff, v41  }
0x172: {  	v46 =	vmul.f32 v9, v2;
	[tilespmem:v15+s19+$0x0] =	vst.idx.add.f32.msk $0xffff, v42  }
0x173: {  	v9 =	vmul.f32 v9, v4;
	[tilespmem:v63+s19+$0x0] =	vst.idx.add.f32.msk $0xffff, v44  }
0x174: {  	[tilespmem:v16+s19+$0x0] =	vst.idx.add.f32.msk $0xffff, v46  }
0x175: {  	[tilespmem:v43+s19+$0x0] =	vst.idx.add.f32.msk $0xffff, v9  }
0x176: {  	v9 =	vld [tilespmem:s24+$0xB280]  }
0x177: {  	v47 =	vor.u32 $0x80, v23  }
0x178: {  	v48 =	vor.u32 $0x180, v23;
	v10 =	vor.u32 v47, v0  }
0x179: {  	v49 =	vor.u32 $0x280, v23;
	v11 =	vor.u32 v48, v0  }
0x17a: {  	v50 =	vor.u32 $0x380, v23;
	v12 =	vor.u32 v49, v0  }
0x17b: {  	v56 =	vor.u32 $0x480, v23;
	v13 =	vor.u32 v50, v0;
	v51 =	vmul.f32 v9, v6  }
0x17c: {  	v17 =	vor.u32 $0x580, v23;
	v15 =	vor.u32 v56, v0;
	v16 =	vmul.f32 v9, v7  }
0x17d: {  	v61 =	vor.u32 v17, v0;
	v17 =	vor.u32 $0x680, v23;
	v60 =	vmul.f32 v9, v8;
	[tilespmem:v10+s19+$0x0] =	vst.idx.add.f32.msk $0xffff, v51  }
0x17e: {  	v62 =	vmul.f32 v9, v5;
	[tilespmem:v11+s19+$0x0] =	vst.idx.add.f32.msk $0xffff, v16;
	v16 =	vor.u32 v17, v0;
	v17 =	vor.u32 $0x780, v23  }
0x17f: {  	v63 =	vmul.f32 v9, v3;
	[tilespmem:v12+s19+$0x0] =	vst.idx.add.f32.msk $0xffff, v60;
	v41 =	vor.u32 v17, v0  }
0x180: {  	v42 =	vmul.f32 v9, v1;
	[tilespmem:v13+s19+$0x0] =	vst.idx.add.f32.msk $0xffff, v62  }
0x181: {  	v43 =	vmul.f32 v9, v2;
	[tilespmem:v15+s19+$0x0] =	vst.idx.add.f32.msk $0xffff, v63  }
0x182: {  	v9 =	vmul.f32 v9, v4;
	[tilespmem:v61+s19+$0x0] =	vst.idx.add.f32.msk $0xffff, v42  }
0x183: {  	[tilespmem:v16+s19+$0x0] =	vst.idx.add.f32.msk $0xffff, v43  }
0x184: {  	[tilespmem:v41+s19+$0x0] =	vst.idx.add.f32.msk $0xffff, v9  }
0x185: {  	v9 =	vld [tilespmem:s24+$0xB290]  }
0x186: {  	v44 =	vor.u32 $0x90, v23  }
0x187: {  	v46 =	vor.u32 $0x190, v23;
	v10 =	vor.u32 v44, v0  }
0x188: {  	v47 =	vor.u32 $0x290, v23;
	v11 =	vor.u32 v46, v0  }
0x189: {  	v48 =	vor.u32 $0x390, v23;
	v12 =	vor.u32 v47, v0  }
0x18a: {  	v50 =	vor.u32 $0x490, v23;
	v13 =	vor.u32 v48, v0;
	v49 =	vmul.f32 v9, v6  }
0x18b: {  	v17 =	vor.u32 $0x590, v23;
	v15 =	vor.u32 v50, v0;
	v16 =	vmul.f32 v9, v7  }
0x18c: {  	v56 =	vor.u32 v17, v0;
	v17 =	vor.u32 $0x690, v23;
	v51 =	vmul.f32 v9, v8;
	[tilespmem:v10+s19+$0x0] =	vst.idx.add.f32.msk $0xffff, v49  }
0x18d: {  	v60 =	vmul.f32 v9, v5;
	[tilespmem:v11+s19+$0x0] =	vst.idx.add.f32.msk $0xffff, v16;
	v16 =	vor.u32 v17, v0;
	v17 =	vor.u32 $0x790, v23  }
0x18e: {  	v61 =	vmul.f32 v9, v3;
	[tilespmem:v12+s19+$0x0] =	vst.idx.add.f32.msk $0xffff, v51;
	v62 =	vor.u32 v17, v0  }
0x18f: {  	v63 =	vmul.f32 v9, v1;
	[tilespmem:v13+s19+$0x0] =	vst.idx.add.f32.msk $0xffff, v60  }
0x190: {  	v13 =	vmul.f32 v9, v2;
	[tilespmem:v15+s19+$0x0] =	vst.idx.add.f32.msk $0xffff, v61  }
0x191: {  	v9 =	vmul.f32 v9, v4;
	[tilespmem:v56+s19+$0x0] =	vst.idx.add.f32.msk $0xffff, v63  }
0x192: {  	[tilespmem:v16+s19+$0x0] =	vst.idx.add.f32.msk $0xffff, v13  }
0x193: {  	[tilespmem:v62+s19+$0x0] =	vst.idx.add.f32.msk $0xffff, v9  }
0x194: {  	v9 =	vld [tilespmem:s24+$0xB2A0]  }
0x195: {  	v14 =	vor.u32 $0xA0, v23  }
0x196: {  	v10 =	vor.u32 v14, v0;
	v15 =	vor.u32 $0x1A0, v23  }
0x197: {  	v41 =	vor.u32 $0x2A0, v23;
	v11 =	vor.u32 v15, v0  }
0x198: {  	v42 =	vor.u32 $0x3A0, v23;
	v12 =	vor.u32 v41, v0  }
0x199: {  	v44 =	vor.u32 $0x4A0, v23;
	v13 =	vor.u32 v42, v0;
	v43 =	vmul.f32 v9, v6  }
0x19a: {  	v17 =	vor.u32 $0x5A0, v23;
	v15 =	vor.u32 v44, v0;
	v16 =	vmul.f32 v9, v7  }
0x19b: {  	v47 =	vor.u32 v17, v0;
	v17 =	vor.u32 $0x6A0, v23;
	v46 =	vmul.f32 v9, v8;
	[tilespmem:v10+s19+$0x0] =	vst.idx.add.f32.msk $0xffff, v43  }
0x19c: {  	v48 =	vmul.f32 v9, v5;
	[tilespmem:v11+s19+$0x0] =	vst.idx.add.f32.msk $0xffff, v16;
	v16 =	vor.u32 v17, v0;
	v17 =	vor.u32 $0x7A0, v23  }
0x19d: {  	v49 =	vmul.f32 v9, v3;
	[tilespmem:v12+s19+$0x0] =	vst.idx.add.f32.msk $0xffff, v46;
	v50 =	vor.u32 v17, v0  }
0x19e: {  	v51 =	vmul.f32 v9, v1;
	[tilespmem:v13+s19+$0x0] =	vst.idx.add.f32.msk $0xffff, v48  }
0x19f: {  	v56 =	vmul.f32 v9, v2;
	[tilespmem:v15+s19+$0x0] =	vst.idx.add.f32.msk $0xffff, v49  }
0x1a0: {  	v9 =	vmul.f32 v9, v4;
	[tilespmem:v47+s19+$0x0] =	vst.idx.add.f32.msk $0xffff, v51  }
0x1a1: {  	[tilespmem:v16+s19+$0x0] =	vst.idx.add.f32.msk $0xffff, v56  }
0x1a2: {  	[tilespmem:v50+s19+$0x0] =	vst.idx.add.f32.msk $0xffff, v9  }
0x1a3: {  	v9 =	vld [tilespmem:s24+$0xB2B0]  }
0x1a4: {  	v60 =	vor.u32 $0xB0, v23  }
0x1a5: {  	v61 =	vor.u32 $0x1B0, v23;
	v10 =	vor.u32 v60, v0  }
0x1a6: {  	v62 =	vor.u32 $0x2B0, v23;
	v11 =	vor.u32 v61, v0  }
0x1a7: {  	v63 =	vor.u32 $0x3B0, v23;
	v12 =	vor.u32 v62, v0  }
0x1a8: {  	v42 =	vor.u32 $0x4B0, v23;
	v13 =	vor.u32 v63, v0;
	v41 =	vmul.f32 v9, v6  }
0x1a9: {  	v17 =	vor.u32 $0x5B0, v23;
	v15 =	vor.u32 v42, v0;
	v16 =	vmul.f32 v9, v7  }
0x1aa: {  	v44 =	vor.u32 v17, v0;
	v17 =	vor.u32 $0x6B0, v23;
	v43 =	vmul.f32 v9, v8;
	[tilespmem:v10+s19+$0x0] =	vst.idx.add.f32.msk $0xffff, v41  }
0x1ab: {  	v46 =	vmul.f32 v9, v5;
	[tilespmem:v11+s19+$0x0] =	vst.idx.add.f32.msk $0xffff, v16;
	v16 =	vor.u32 v17, v0;
	v17 =	vor.u32 $0x7B0, v23  }
0x1ac: {  	v47 =	vmul.f32 v9, v3;
	[tilespmem:v12+s19+$0x0] =	vst.idx.add.f32.msk $0xffff, v43;
	v48 =	vor.u32 v17, v0  }
0x1ad: {  	v49 =	vmul.f32 v9, v1;
	[tilespmem:v13+s19+$0x0] =	vst.idx.add.f32.msk $0xffff, v46  }
0x1ae: {  	v50 =	vmul.f32 v9, v2;
	[tilespmem:v15+s19+$0x0] =	vst.idx.add.f32.msk $0xffff, v47  }
0x1af: {  	v9 =	vmul.f32 v9, v4;
	[tilespmem:v44+s19+$0x0] =	vst.idx.add.f32.msk $0xffff, v49  }
0x1b0: {  	[tilespmem:v16+s19+$0x0] =	vst.idx.add.f32.msk $0xffff, v50  }
0x1b1: {  	[tilespmem:v48+s19+$0x0] =	vst.idx.add.f32.msk $0xffff, v9  }
0x1b2: {  	v9 =	vld [tilespmem:s24+$0xB2C0]  }
0x1b3: {  	v51 =	vor.u32 $0xC0, v23  }
0x1b4: {  	v56 =	vor.u32 $0x1C0, v23;
	v10 =	vor.u32 v51, v0  }
0x1b5: {  	v60 =	vor.u32 $0x2C0, v23;
	v11 =	vor.u32 v56, v0  }
0x1b6: {  	v61 =	vor.u32 $0x3C0, v23;
	v12 =	vor.u32 v60, v0  }
0x1b7: {  	v63 =	vor.u32 $0x4C0, v23;
	v13 =	vor.u32 v61, v0;
	v62 =	vmul.f32 v9, v6  }
0x1b8: {  	v17 =	vor.u32 $0x5C0, v23;
	v15 =	vor.u32 v63, v0;
	v16 =	vmul.f32 v9, v7  }
0x1b9: {  	v42 =	vor.u32 v17, v0;
	v17 =	vor.u32 $0x6C0, v23;
	v41 =	vmul.f32 v9, v8;
	[tilespmem:v10+s19+$0x0] =	vst.idx.add.f32.msk $0xffff, v62  }
0x1ba: {  	v43 =	vmul.f32 v9, v5;
	[tilespmem:v11+s19+$0x0] =	vst.idx.add.f32.msk $0xffff, v16;
	v16 =	vor.u32 v17, v0;
	v17 =	vor.u32 $0x7C0, v23  }
0x1bb: {  	v44 =	vmul.f32 v9, v3;
	[tilespmem:v12+s19+$0x0] =	vst.idx.add.f32.msk $0xffff, v41;
	v46 =	vor.u32 v17, v0  }
0x1bc: {  	v47 =	vmul.f32 v9, v1;
	[tilespmem:v13+s19+$0x0] =	vst.idx.add.f32.msk $0xffff, v43  }
0x1bd: {  	v48 =	vmul.f32 v9, v2;
	[tilespmem:v15+s19+$0x0] =	vst.idx.add.f32.msk $0xffff, v44  }
0x1be: {  	v9 =	vmul.f32 v9, v4;
	[tilespmem:v42+s19+$0x0] =	vst.idx.add.f32.msk $0xffff, v47  }
0x1bf: {  	[tilespmem:v16+s19+$0x0] =	vst.idx.add.f32.msk $0xffff, v48  }
0x1c0: {  	[tilespmem:v46+s19+$0x0] =	vst.idx.add.f32.msk $0xffff, v9  }
0x1c1: {  	v9 =	vld [tilespmem:s24+$0xB2D0]  }
0x1c2: {  	v49 =	vor.u32 $0xD0, v23  }
0x1c3: {  	v50 =	vor.u32 $0x1D0, v23;
	v10 =	vor.u32 v49, v0  }
0x1c4: {  	v51 =	vor.u32 $0x2D0, v23;
	v11 =	vor.u32 v50, v0  }
0x1c5: {  	v56 =	vor.u32 $0x3D0, v23;
	v12 =	vor.u32 v51, v0  }
0x1c6: {  	v61 =	vor.u32 $0x4D0, v23;
	v13 =	vor.u32 v56, v0;
	v60 =	vmul.f32 v9, v6  }
0x1c7: {  	v17 =	vor.u32 $0x5D0, v23;
	v15 =	vor.u32 v61, v0;
	v16 =	vmul.f32 v9, v7  }
0x1c8: {  	v63 =	vor.u32 v17, v0;
	v17 =	vor.u32 $0x6D0, v23;
	v62 =	vmul.f32 v9, v8;
	[tilespmem:v10+s19+$0x0] =	vst.idx.add.f32.msk $0xffff, v60  }
0x1c9: {  	v41 =	vmul.f32 v9, v5;
	[tilespmem:v11+s19+$0x0] =	vst.idx.add.f32.msk $0xffff, v16;
	v16 =	vor.u32 v17, v0;
	v17 =	vor.u32 $0x7D0, v23  }
0x1ca: {  	v42 =	vmul.f32 v9, v3;
	[tilespmem:v12+s19+$0x0] =	vst.idx.add.f32.msk $0xffff, v62;
	v43 =	vor.u32 v17, v0  }
0x1cb: {  	v44 =	vmul.f32 v9, v1;
	[tilespmem:v13+s19+$0x0] =	vst.idx.add.f32.msk $0xffff, v41  }
0x1cc: {  	v46 =	vmul.f32 v9, v2;
	[tilespmem:v15+s19+$0x0] =	vst.idx.add.f32.msk $0xffff, v42  }
0x1cd: {  	v9 =	vmul.f32 v9, v4;
	[tilespmem:v63+s19+$0x0] =	vst.idx.add.f32.msk $0xffff, v44  }
0x1ce: {  	[tilespmem:v16+s19+$0x0] =	vst.idx.add.f32.msk $0xffff, v46  }
0x1cf: {  	[tilespmem:v43+s19+$0x0] =	vst.idx.add.f32.msk $0xffff, v9  }
0x1d0: {  	v9 =	vld [tilespmem:s24+$0xB2E0]  }
0x1d1: {  	v47 =	vor.u32 $0xE0, v23  }
0x1d2: {  	v48 =	vor.u32 $0x1E0, v23;
	v10 =	vor.u32 v47, v0  }
0x1d3: {  	v49 =	vor.u32 $0x2E0, v23;
	v11 =	vor.u32 v48, v0  }
0x1d4: {  	v50 =	vor.u32 $0x3E0, v23;
	v12 =	vor.u32 v49, v0  }
0x1d5: {  	v56 =	vor.u32 $0x4E0, v23;
	v13 =	vor.u32 v50, v0;
	v51 =	vmul.f32 v9, v6  }
0x1d6: {  	v17 =	vor.u32 $0x5E0, v23;
	v15 =	vor.u32 v56, v0;
	v16 =	vmul.f32 v9, v7  }
0x1d7: {  	v61 =	vor.u32 v17, v0;
	v17 =	vor.u32 $0x6E0, v23;
	v60 =	vmul.f32 v9, v8;
	[tilespmem:v10+s19+$0x0] =	vst.idx.add.f32.msk $0xffff, v51  }
0x1d8: {  	v62 =	vmul.f32 v9, v5;
	[tilespmem:v11+s19+$0x0] =	vst.idx.add.f32.msk $0xffff, v16;
	v16 =	vor.u32 v17, v0;
	v17 =	vor.u32 $0x7E0, v23  }
0x1d9: {  	v63 =	vmul.f32 v9, v3;
	[tilespmem:v12+s19+$0x0] =	vst.idx.add.f32.msk $0xffff, v60;
	v41 =	vor.u32 v17, v0  }
0x1da: {  	v42 =	vmul.f32 v9, v1;
	[tilespmem:v13+s19+$0x0] =	vst.idx.add.f32.msk $0xffff, v62  }
0x1db: {  	v43 =	vmul.f32 v9, v2;
	[tilespmem:v15+s19+$0x0] =	vst.idx.add.f32.msk $0xffff, v63  }
0x1dc: {  	v9 =	vmul.f32 v9, v4;
	[tilespmem:v61+s19+$0x0] =	vst.idx.add.f32.msk $0xffff, v42  }
0x1dd: {  	[tilespmem:v16+s19+$0x0] =	vst.idx.add.f32.msk $0xffff, v43  }
0x1de: {  	[tilespmem:v41+s19+$0x0] =	vst.idx.add.f32.msk $0xffff, v9  }
0x1df: {  	v9 =	vld [tilespmem:s24+$0xB2F0]  }
0x1e0: {  	v44 =	vor.u32 $0xF0, v23  }
0x1e1: {  	v46 =	vor.u32 $0x1F0, v23;
	v10 =	vor.u32 v44, v0  }
0x1e2: {  	v47 =	vor.u32 $0x2F0, v23;
	v11 =	vor.u32 v46, v0  }
0x1e3: {  	v48 =	vor.u32 $0x3F0, v23;
	v12 =	vor.u32 v47, v0  }
0x1e4: {  	v49 =	vor.u32 $0x4F0, v23;
	v13 =	vor.u32 v48, v0;
	v6 =	vmul.f32 v9, v6  }
0x1e5: {  	v14 =	vor.u32 v49, v0;
	v50 =	vor.u32 $0x5F0, v23;
	v7 =	vmul.f32 v9, v7  }
0x1e6: {  	v56 =	vor.u32 v50, v0;
	v60 =	vor.u32 $0x6F0, v23;
	v51 =	vmul.f32 v9, v8;
	[tilespmem:v10+s19+$0x0] =	vst.idx.add.f32.msk $0xffff, v6  }
0x1e7: {  	v62 =	vor.u32 $0x7F0, v23;
	v61 =	vor.u32 v60, v0;
	v5 =	vmul.f32 v9, v5;
	[tilespmem:v11+s19+$0x0] =	vst.idx.add.f32.msk $0xffff, v7  }
0x1e8: {  	v0 =	vor.u32 v62, v0;
	v3 =	vmul.f32 v9, v3;
	[tilespmem:v12+s19+$0x0] =	vst.idx.add.f32.msk $0xffff, v51  }
0x1e9: {  	v1 =	vmul.f32 v9, v1;
	[tilespmem:v13+s19+$0x0] =	vst.idx.add.f32.msk $0xffff, v5  }
0x1ea: {  	v2 =	vmul.f32 v9, v2;
	[tilespmem:v14+s19+$0x0] =	vst.idx.add.f32.msk $0xffff, v3  }
0x1eb: {  	v63 =	vmul.f32 v9, v4;
	[tilespmem:v56+s19+$0x0] =	vst.idx.add.f32.msk $0xffff, v1  }
0x1ec: {  	[tilespmem:v61+s19+$0x0] =	vst.idx.add.f32.msk $0xffff, v2  }
0x1ed: {  	[tilespmem:v0+s19+$0x0] =	vst.idx.add.f32.msk $0xffff, v63  }
.LBB2_16:
0x1ee: {  	s22 =	sadd.s32 $0x1, s22  }
0x1ef: {  	p1 =	sne.s32 s22, s5  }
.Ltmp7:
0x1f0: {  	_ = 	snop;
	(pc) =	sbr.rel @!p1 .LBB2_17-.Ltmp7, $2  }
0x1f1: {  	_ =	sdelay $0x2  }
0x1f2: {  	s21 =	sadd.s32 $0xFFFFFFF0, s21;
	s20 =	sadd.s32 $0x10, s20  }
.LBB2_8:
0x1f3: {  	s23 =	sshll.u32 s22, $0x4;
	v2 =	vld [tilespmem:$0x1FF30]  }
0x1f4: {  	v0 =	vld [tilespmem:s23+$0x4F00];
	_ =	sdelay $0x2  }
0x1f5: {  	v1 =	vor.u32 s23, v23  }
0x1f6: {  	v56 =	vld [tilespmem:$0x1FF40];
	vm1 =	vlt.s32 v1, v2  }
0x1f7: {  	v4 =	vld [tilespmem:$0x1FF50];
	v0 =	vnsel vm1, $0x0, v0  }
0x1f8: {  	v3 =	vld [tilespmem:$0x1FF60];
	v50 =	vshll.u32 v0, $0x1  }
0x1f9: {  	v51 =	vand.u32 $0x7, v0;
	v1 =	vand.u32 $0xFFFFFFF0, v50  }
0x1fa: {  	v1 =	vor.u32 v51, v1  }
0x1fb: {  	v2 =	vperm.xlane v1, v56;
	_ =	sdelay $0x1  }
0x1fc: {  	v1 =	vperm.xlane v1, v3;
	v2 =	vadd.s32 v4, v2;
	_ =	sdelay $0x1  }
0x1fd: {  	v1 =	vadd.s32 v4, v1;
	_ =	sdelay $0x1  }
0x1fe: {  	v60 =	vld [tilespmem:s23+$0x7680];
	[tilespmem:$0xBF00] =	vst v0  }
0x1ff: {  	[tilespmem:s8], [sflag:$0x1] =	stream.indirect_vreg.gather [hbm4b:s1+s7], $0x80, v2, vm0, $0x2000b8;
	[tilespmem:$0x14080] =	vst v63  }
0x200: {  	_ = 	snop  }
0x201: {  	[tilespmem:s9], [sflag:$0x1] =	stream.indirect_vreg.gather [hbm4b:s1+s7], $0x80, v1, vm0, $0x2000b8;
	[tilespmem:$0x14080] =	vst v63  }
0x202: {  	_ = 	snop  }
0x203: {  	[tilespmem:s12], [sflag:$0x2] =	stream.indirect.gather [hbm4b:s2+s10], $0x80, s11, s10, $0x2000b8;
	[tilespmem:$0x14080] =	vst v63  }
0x204: {  	_ =	swait.ge [sflag:s13], $0x800  }
0x205: {  	v61 =	vnsel vm1, $0x0, v60;
	v63 =	vld [tilespmem:$0x1FFD0]  }
0x206: {  	v1 =	vshll.u32 v61, $0x7  }
0x207: {  	v62 =	vor.u32 $0x8, v1;
	_ =	sdelay $0x2  }
0x208: {  	[sflag:s13] =	ssyncset.done $0x0  }
0x209: {  	[sflag:s13] =	ssyncadd.s32 $0xFFFFF800  }
0x20a: {  	v2 =	vld.idx.msk [tilespmem:v62+s14+$0x0], $0xffff  }
0x20b: {  	v3 =	vld.idx.msk [tilespmem:v63+s12+$0x0], $0xffff;
	_ =	sdelay $0x4  }
0x20c: {  	v2 =	vadd.f32 v2, v3;
	_ =	sdelay $0x1  }
0x20d: {  	v3 =	vmul.f32 $2.000000030e-01, v2  }
0x20e: {  	vm2 =	vge.f32 v2, $0.0e+00  }
0x20f: {  	v2 =	vsel vm2, v2, v3  }
0x210: {  	v2 =	vmul.f32 $1.442695020e+00, v2;
	_ =	sdelay $0x1  }
0x211: {  	(erf) = vpow2.f32 v2;
	_ =	sdelay $0x4  }
0x212: {  	v7 =	vld [tilespmem:$0x1FF70]  }
0x213: {  	v0 =	vshll.u32 v61, $0x4;
	_ =	sdelay $0x2  }
0x214: {  	v6 =	vor.u32 $0x9, v1;
	v2 =	vpop (erf)  }
0x215: {  	v2 =	vnsel vm1, $0x0, v2  }
0x216: {  	[tilespmem:v0+s15+$0x0] =	vst.idx.add.f32.msk vm1, v2  }
0x217: {  	[tilespmem:$0xBE80] =	vst v2  }
0x218: {  	v2 =	vld.idx.msk [tilespmem:v7+s12+$0x0], $0xffff  }
0x219: {  	v3 =	vld.idx.msk [tilespmem:v6+s14+$0x0], $0xffff;
	_ =	sdelay $0x4  }
0x21a: {  	v2 =	vadd.f32 v3, v2;
	_ =	sdelay $0x1  }
0x21b: {  	v3 =	vmul.f32 $2.000000030e-01, v2  }
0x21c: {  	vm2 =	vge.f32 v2, $0.0e+00  }
0x21d: {  	v2 =	vsel vm2, v2, v3  }
0x21e: {  	v2 =	vmul.f32 $1.442695020e+00, v2;
	_ =	sdelay $0x1  }
0x21f: {  	(erf) = vpow2.f32 v2;
	_ =	sdelay $0x4  }
0x220: {  	v11 =	vld [tilespmem:$0x1FF80]  }
0x221: {  	v8 =	vor.u32 $0x1, v0;
	_ =	sdelay $0x2  }
0x222: {  	v10 =	vor.u32 $0xA, v1;
	v9 =	vpop (erf)  }
0x223: {  	v3 =	vnsel vm1, $0x0, v9  }
0x224: {  	[tilespmem:v8+s15+$0x0] =	vst.idx.add.f32.msk vm1, v3  }
0x225: {  	[tilespmem:$0xBE90] =	vst v3  }
0x226: {  	v2 =	vld.idx.msk [tilespmem:v11+s12+$0x0], $0xffff  }
0x227: {  	v3 =	vld.idx.msk [tilespmem:v10+s14+$0x0], $0xffff;
	_ =	sdelay $0x4  }
0x228: {  	v2 =	vadd.f32 v3, v2;
	_ =	sdelay $0x1  }
0x229: {  	v3 =	vmul.f32 $2.000000030e-01, v2  }
0x22a: {  	vm2 =	vge.f32 v2, $0.0e+00  }
0x22b: {  	v2 =	vsel vm2, v2, v3  }
0x22c: {  	v2 =	vmul.f32 $1.442695020e+00, v2;
	_ =	sdelay $0x1  }
0x22d: {  	(erf) = vpow2.f32 v2;
	_ =	sdelay $0x4  }
0x22e: {  	v15 =	vld [tilespmem:$0x1FF90]  }
0x22f: {  	v12 =	vor.u32 $0x2, v0;
	_ =	sdelay $0x2  }
0x230: {  	v14 =	vor.u32 $0xB, v1;
	v13 =	vpop (erf)  }
0x231: {  	v3 =	vnsel vm1, $0x0, v13  }
0x232: {  	[tilespmem:v12+s15+$0x0] =	vst.idx.add.f32.msk vm1, v3  }
0x233: {  	[tilespmem:$0xBEA0] =	vst v3  }
0x234: {  	v2 =	vld.idx.msk [tilespmem:v15+s12+$0x0], $0xffff  }
0x235: {  	v3 =	vld.idx.msk [tilespmem:v14+s14+$0x0], $0xffff;
	_ =	sdelay $0x4  }
0x236: {  	v2 =	vadd.f32 v3, v2;
	_ =	sdelay $0x1  }
0x237: {  	v3 =	vmul.f32 $2.000000030e-01, v2  }
0x238: {  	vm2 =	vge.f32 v2, $0.0e+00  }
0x239: {  	v2 =	vsel vm2, v2, v3  }
0x23a: {  	v2 =	vmul.f32 $1.442695020e+00, v2;
	_ =	sdelay $0x1  }
0x23b: {  	(erf) = vpow2.f32 v2;
	_ =	sdelay $0x4  }
0x23c: {  	v44 =	vld [tilespmem:$0x1FFA0]  }
0x23d: {  	v41 =	vor.u32 $0x3, v0;
	_ =	sdelay $0x2  }
0x23e: {  	v43 =	vor.u32 $0xC, v1;
	v42 =	vpop (erf)  }
0x23f: {  	v3 =	vnsel vm1, $0x0, v42  }
0x240: {  	[tilespmem:v41+s15+$0x0] =	vst.idx.add.f32.msk vm1, v3  }
0x241: {  	[tilespmem:$0xBEB0] =	vst v3  }
0x242: {  	v2 =	vld.idx.msk [tilespmem:v44+s12+$0x0], $0xffff  }
0x243: {  	v3 =	vld.idx.msk [tilespmem:v43+s14+$0x0], $0xffff;
	_ =	sdelay $0x4  }
0x244: {  	v2 =	vadd.f32 v3, v2;
	_ =	sdelay $0x1  }
0x245: {  	v3 =	vmul.f32 $2.000000030e-01, v2  }
0x246: {  	vm2 =	vge.f32 v2, $0.0e+00  }
0x247: {  	v2 =	vsel vm2, v2, v3  }
0x248: {  	v2 =	vmul.f32 $1.442695020e+00, v2;
	_ =	sdelay $0x1  }
0x249: {  	(erf) = vpow2.f32 v2;
	_ =	sdelay $0x4  }
0x24a: {  	v49 =	vld [tilespmem:$0x1FFB0]  }
0x24b: {  	v46 =	vor.u32 $0x4, v0;
	_ =	sdelay $0x2  }
0x24c: {  	v48 =	vor.u32 $0xD, v1;
	v47 =	vpop (erf)  }
0x24d: {  	v3 =	vnsel vm1, $0x0, v47  }
0x24e: {  	[tilespmem:v46+s15+$0x0] =	vst.idx.add.f32.msk vm1, v3  }
0x24f: {  	[tilespmem:$0xBEC0] =	vst v3  }
0x250: {  	v2 =	vld.idx.msk [tilespmem:v49+s12+$0x0], $0xffff  }
0x251: {  	v3 =	vld.idx.msk [tilespmem:v48+s14+$0x0], $0xffff;
	_ =	sdelay $0x4  }
0x252: {  	v2 =	vadd.f32 v3, v2;
	_ =	sdelay $0x1  }
0x253: {  	v3 =	vmul.f32 $2.000000030e-01, v2  }
0x254: {  	vm2 =	vge.f32 v2, $0.0e+00  }
0x255: {  	v2 =	vsel vm2, v2, v3  }
0x256: {  	v2 =	vmul.f32 $1.442695020e+00, v2;
	_ =	sdelay $0x1  }
0x257: {  	(erf) = vpow2.f32 v2;
	_ =	sdelay $0x4  }
0x258: {  	v60 =	vld [tilespmem:$0x1FFC0]  }
0x259: {  	v50 =	vor.u32 $0x5, v0;
	_ =	sdelay $0x2  }
0x25a: {  	v56 =	vor.u32 $0xE, v1;
	v51 =	vpop (erf)  }
0x25b: {  	v3 =	vnsel vm1, $0x0, v51  }
0x25c: {  	[tilespmem:v50+s15+$0x0] =	vst.idx.add.f32.msk vm1, v3  }
0x25d: {  	[tilespmem:$0xBED0] =	vst v3  }
0x25e: {  	v2 =	vld.idx.msk [tilespmem:v60+s12+$0x0], $0xffff  }
0x25f: {  	v3 =	vld.idx.msk [tilespmem:v56+s14+$0x0], $0xffff;
	_ =	sdelay $0x4  }
0x260: {  	v2 =	vadd.f32 v3, v2;
	_ =	sdelay $0x1  }
0x261: {  	v3 =	vmul.f32 $2.000000030e-01, v2  }
0x262: {  	vm2 =	vge.f32 v2, $0.0e+00  }
0x263: {  	v2 =	vsel vm2, v2, v3  }
0x264: {  	v2 =	vmul.f32 $1.442695020e+00, v2;
	_ =	sdelay $0x1  }
0x265: {  	(erf) = vpow2.f32 v2;
	_ =	sdelay $0x4  }
0x266: {  	v63 =	vld [tilespmem:$0x1FFE0]  }
0x267: {  	v61 =	vor.u32 $0x6, v0;
	_ =	sdelay $0x2  }
0x268: {  	v1 =	vor.u32 $0xF, v1;
	v62 =	vpop (erf)  }
0x269: {  	v3 =	vnsel vm1, $0x0, v62  }
0x26a: {  	[tilespmem:v61+s15+$0x0] =	vst.idx.add.f32.msk vm1, v3  }
0x26b: {  	[tilespmem:$0xBEE0] =	vst v3  }
0x26c: {  	v2 =	vld.idx.msk [tilespmem:v63+s12+$0x0], $0xffff  }
0x26d: {  	v1 =	vld.idx.msk [tilespmem:v1+s14+$0x0], $0xffff;
	_ =	sdelay $0x4  }
0x26e: {  	v1 =	vadd.f32 v1, v2;
	_ =	sdelay $0x1  }
0x26f: {  	v2 =	vmul.f32 $2.000000030e-01, v1  }
0x270: {  	vm2 =	vge.f32 v1, $0.0e+00  }
0x271: {  	v1 =	vsel vm2, v1, v2  }
0x272: {  	v1 =	vmul.f32 $1.442695020e+00, v1;
	_ =	sdelay $0x1  }
0x273: {  	(erf) = vpow2.f32 v1;
	_ =	sdelay $0x5  }
0x274: {  	v0 =	vor.u32 $0x7, v0;
	_ =	sdelay $0x1  }
0x275: {  	p1 =	sle.s32 s6, s23;
	s23 =	ssub.s32 s6, s23  }
0x276: {  	p2 =	slt.s32 @!p1 s23, $0x1;
	v1 =	vpop (erf)  }
0x277: {  	p1 =	por p1, p2;
	v1 =	vnsel vm1, $0x0, v1  }
.Ltmp8:
0x278: {  	[tilespmem:v0+s15+$0x0] =	vst.idx.add.f32.msk vm1, v1;
	(pc) =	sbr.rel @p1 .LBB2_16-.Ltmp8, $4  }
0x279: {  	[tilespmem:$0xBEF0] =	vst v1  }
0x27a: {  	_ =	swait.ge [sflag:s16], $0x1000  }
0x27b: {  	[sflag:s16] =	ssyncset.done $0x0  }
0x27c: {  	[sflag:s16] =	ssyncadd.s32 $0xFFFFF000  }
0x27d: {  	p1 =	sgt.s32 s21, $0x1;
	s23 =	smov.u32 s21  }
0x27e: {  	s23 =	simm.s32 @!p1 $0x1  }
0x27f: {  	s24 =	smin.u32 s23, $0x10  }
0x280: {  	p2 =	sne.s32 s24, $0x1  }
.Ltmp9:
0x281: {  	_ = 	snop;
	(pc) =	sbr.rel @!p2 .LBB2_10-.Ltmp9, $3  }
0x282: {  	_ =	sdelay $0x1  }
0x283: {  	s25 =	sadd.s32 $0x0, s20  }
0x284: {  	v0 =	vmov s7;
	v13 =	vmov s25;
	p1 =	por $0x0, $0x0;
	s23 =	simm.s32 $0x1  }
0x285: {  	_ =	sdelay $0x1  }
0x286: {  	s25 =	simm.s32 $0x10  }
0x287: {  	s30 =	simm.s32 $0x20;
	v2 =	vmov s25  }
0x288: {  	v3 =	vld.idx.msk [tilespmem:v13+s17+$0x0], $0xffff;
	s31 =	simm.s32 $0x30;
	v4 =	vmov s30  }
0x289: {  	s26 =	sand.u32 $0xFFFFF800, s7;
	s28 =	sand.u32 $0x380, s7;
	s29 =	simm.s32 $0x40;
	v5 =	vmov s31  }
0x28a: {  	s3 =	simm.s32 $0x50;
	v1 =	vld.idx.msk [tilespmem:v0+s18+$0x0], $0xffff;
	s0 =	sor.u32 s28, s26;
	v6 =	vmov s29  }
0x28b: {  	v8 =	vmov s3;
	s29 =	simm.s32 $0x60;
	v7 =	vld [tilespmem:s0+$0xAE80]  }
0x28c: {  	s30 =	simm.s32 $0x70;
	v12 =	vld.idx.msk [tilespmem:v2+s18+$0x0], $0xffff;
	v2 =	vmov s29  }
0x28d: {  	v0 =	vshll.u32 v3, $0xB;
	v3 =	vmov s30;
	v17 =	vld.idx.msk [tilespmem:v4+s18+$0x0], $0xffff  }
0x28e: {  	v15 =	vld.idx.msk [tilespmem:v5+s18+$0x0], $0xffff;
	v5 =	vor.u32 v23, v0  }
0x28f: {  	v49 =	vld.idx.msk [tilespmem:v6+s18+$0x0], $0xffff;
	v6 =	vor.u32 v26, v0  }
0x290: {  	v50 =	vld.idx.msk [tilespmem:v8+s18+$0x0], $0xffff;
	v8 =	vor.u32 v27, v0  }
0x291: {  	v9 =	vor.u32 v28, v0;
	v51 =	vld.idx.msk [tilespmem:v2+s18+$0x0], $0xffff;
	v2 =	vmul.f32 v7, v1  }
0x292: {  	v10 =	vor.u32 v29, v0;
	v16 =	vld.idx.msk [tilespmem:v3+s18+$0x0], $0xffff;
	v3 =	vmul.f32 v7, v12  }
0x293: {  	[tilespmem:v5+s19+$0x0] =	vst.idx.add.f32.msk $0xffff, v2;
	v2 =	vmul.f32 v7, v17;
	v5 =	vor.u32 v18, v0  }
0x294: {  	[tilespmem:v6+s19+$0x0] =	vst.idx.add.f32.msk $0xffff, v3;
	v3 =	vmul.f32 v7, v15;
	v6 =	vor.u32 v19, v0  }
0x295: {  	[tilespmem:v8+s19+$0x0] =	vst.idx.add.f32.msk $0xffff, v2;
	v2 =	vmul.f32 v7, v49;
	v8 =	vor.u32 v20, v0  }
0x296: {  	[tilespmem:v9+s19+$0x0] =	vst.idx.add.f32.msk $0xffff, v3;
	v3 =	vmul.f32 v7, v50  }
0x297: {  	[tilespmem:v10+s19+$0x0] =	vst.idx.add.f32.msk $0xffff, v2;
	v2 =	vmul.f32 v7, v51  }
0x298: {  	[tilespmem:v5+s19+$0x0] =	vst.idx.add.f32.msk $0xffff, v3;
	v3 =	vmul.f32 v7, v16  }
0x299: {  	[tilespmem:v6+s19+$0x0] =	vst.idx.add.f32.msk $0xffff, v2  }
0x29a: {  	[tilespmem:v8+s19+$0x0] =	vst.idx.add.f32.msk $0xffff, v3  }
0x29b: {  	v2 =	vld [tilespmem:s0+$0xAE90];
	_ =	sdelay $0x1  }
0x29c: {  	v3 =	vor.u32 v21, v0  }
0x29d: {  	v5 =	vor.u32 v22, v0  }
0x29e: {  	v6 =	vor.u32 v24, v0  }
0x29f: {  	v8 =	vor.u32 v25, v0;
	v7 =	vmul.f32 v2, v1  }
0x2a0: {  	v10 =	vor.u32 v30, v0;
	v9 =	vmul.f32 v2, v12  }
0x2a1: {  	[tilespmem:v3+s19+$0x0] =	vst.idx.add.f32.msk $0xffff, v7;
	v3 =	vmul.f32 v2, v17;
	v7 =	vor.u32 v31, v0  }
0x2a2: {  	[tilespmem:v5+s19+$0x0] =	vst.idx.add.f32.msk $0xffff, v9;
	v5 =	vmul.f32 v2, v15;
	v9 =	vor.u32 v32, v0  }
0x2a3: {  	[tilespmem:v6+s19+$0x0] =	vst.idx.add.f32.msk $0xffff, v3;
	v3 =	vmul.f32 v2, v49;
	v6 =	vor.u32 v33, v0  }
0x2a4: {  	[tilespmem:v8+s19+$0x0] =	vst.idx.add.f32.msk $0xffff, v5;
	v5 =	vmul.f32 v2, v50  }
0x2a5: {  	[tilespmem:v10+s19+$0x0] =	vst.idx.add.f32.msk $0xffff, v3;
	v3 =	vmul.f32 v2, v51  }
0x2a6: {  	v2 =	vmul.f32 v2, v16;
	[tilespmem:v7+s19+$0x0] =	vst.idx.add.f32.msk $0xffff, v5  }
0x2a7: {  	[tilespmem:v9+s19+$0x0] =	vst.idx.add.f32.msk $0xffff, v3  }
0x2a8: {  	[tilespmem:v6+s19+$0x0] =	vst.idx.add.f32.msk $0xffff, v2  }
0x2a9: {  	v2 =	vld [tilespmem:s0+$0xAEA0];
	_ =	sdelay $0x1  }
0x2aa: {  	v3 =	vor.u32 v34, v0  }
0x2ab: {  	v5 =	vor.u32 v35, v0  }
0x2ac: {  	v6 =	vor.u32 v36, v0  }
0x2ad: {  	v8 =	vor.u32 v37, v0;
	v7 =	vmul.f32 v2, v1  }
0x2ae: {  	v10 =	vor.u32 v38, v0;
	v9 =	vmul.f32 v2, v12  }
0x2af: {  	[tilespmem:v3+s19+$0x0] =	vst.idx.add.f32.msk $0xffff, v7;
	v3 =	vmul.f32 v2, v17;
	v7 =	vor.u32 v39, v0  }
0x2b0: {  	[tilespmem:v5+s19+$0x0] =	vst.idx.add.f32.msk $0xffff, v9;
	v5 =	vmul.f32 v2, v15;
	v9 =	vor.u32 v40, v0  }
0x2b1: {  	[tilespmem:v6+s19+$0x0] =	vst.idx.add.f32.msk $0xffff, v3;
	v3 =	vmul.f32 v2, v49;
	v6 =	vor.u32 v52, v0  }
0x2b2: {  	[tilespmem:v8+s19+$0x0] =	vst.idx.add.f32.msk $0xffff, v5;
	v5 =	vmul.f32 v2, v50  }
0x2b3: {  	[tilespmem:v10+s19+$0x0] =	vst.idx.add.f32.msk $0xffff, v3;
	v3 =	vmul.f32 v2, v51  }
0x2b4: {  	v2 =	vmul.f32 v2, v16;
	[tilespmem:v7+s19+$0x0] =	vst.idx.add.f32.msk $0xffff, v5  }
0x2b5: {  	[tilespmem:v9+s19+$0x0] =	vst.idx.add.f32.msk $0xffff, v3  }
0x2b6: {  	[tilespmem:v6+s19+$0x0] =	vst.idx.add.f32.msk $0xffff, v2  }
0x2b7: {  	v2 =	vld [tilespmem:s0+$0xAEB0];
	_ =	sdelay $0x1  }
0x2b8: {  	v3 =	vor.u32 v53, v0  }
0x2b9: {  	v5 =	vor.u32 v54, v0  }
0x2ba: {  	v6 =	vor.u32 v55, v0  }
0x2bb: {  	v8 =	vor.u32 v45, v0;
	v7 =	vmul.f32 v2, v1  }
0x2bc: {  	v10 =	vor.u32 v57, v0;
	v9 =	vmul.f32 v2, v12  }
0x2bd: {  	[tilespmem:v3+s19+$0x0] =	vst.idx.add.f32.msk $0xffff, v7;
	v3 =	vmul.f32 v2, v17;
	v7 =	vor.u32 v58, v0  }
0x2be: {  	v4 =	vor.u32 $0x730, v23;
	[tilespmem:v5+s19+$0x0] =	vst.idx.add.f32.msk $0xffff, v9;
	v5 =	vmul.f32 v2, v15;
	v9 =	vor.u32 v59, v0  }
0x2bf: {  	[tilespmem:v6+s19+$0x0] =	vst.idx.add.f32.msk $0xffff, v3;
	v3 =	vmul.f32 v2, v49;
	v6 =	vor.u32 v4, v0  }
0x2c0: {  	[tilespmem:v8+s19+$0x0] =	vst.idx.add.f32.msk $0xffff, v5;
	v5 =	vmul.f32 v2, v50  }
0x2c1: {  	[tilespmem:v10+s19+$0x0] =	vst.idx.add.f32.msk $0xffff, v3;
	v3 =	vmul.f32 v2, v51  }
0x2c2: {  	v2 =	vmul.f32 v2, v16;
	[tilespmem:v7+s19+$0x0] =	vst.idx.add.f32.msk $0xffff, v5  }
0x2c3: {  	[tilespmem:v9+s19+$0x0] =	vst.idx.add.f32.msk $0xffff, v3  }
0x2c4: {  	[tilespmem:v6+s19+$0x0] =	vst.idx.add.f32.msk $0xffff, v2  }
0x2c5: {  	[tilespmem:$0x1FA30] =	vst v4;
	v4 =	vor.u32 $0x140, v23;
	v2 =	vld [tilespmem:s0+$0xAEC0]  }
0x2c6: {  	[tilespmem:$0x1FA50] =	vst v4;
	v3 =	vor.u32 $0x40, v23  }
0x2c7: {  	v5 =	vor.u32 v4, v0;
	v4 =	vor.u32 $0x240, v23;
	[tilespmem:$0x1FA40] =	vst v3;
	v3 =	vor.u32 v3, v0  }
0x2c8: {  	[tilespmem:$0x1FA60] =	vst v4;
	v6 =	vor.u32 v4, v0;
	v4 =	vor.u32 $0x340, v23  }
0x2c9: {  	[tilespmem:$0x1FA70] =	vst v4;
	v8 =	vor.u32 v4, v0;
	v4 =	vor.u32 $0x440, v23  }
0x2ca: {  	[tilespmem:$0x1FA80] =	vst v4;
	v10 =	vor.u32 v4, v0;
	v4 =	vor.u32 $0x540, v23;
	v7 =	vmul.f32 v2, v1  }
0x2cb: {  	[tilespmem:$0x1FA90] =	vst v4;
	v9 =	vmul.f32 v2, v12  }
0x2cc: {  	[tilespmem:v3+s19+$0x0] =	vst.idx.add.f32.msk $0xffff, v7  }
0x2cd: {  	v3 =	vmul.f32 v2, v17;
	v7 =	vor.u32 v4, v0;
	v4 =	vor.u32 $0x640, v23;
	[tilespmem:v5+s19+$0x0] =	vst.idx.add.f32.msk $0xffff, v9  }
0x2ce: {  	v5 =	vmul.f32 v2, v15;
	[tilespmem:$0x1FAA0] =	vst v4;
	v9 =	vor.u32 v4, v0;
	v4 =	vor.u32 $0x740, v23  }
0x2cf: {  	[tilespmem:v6+s19+$0x0] =	vst.idx.add.f32.msk $0xffff, v3;
	v3 =	vmul.f32 v2, v49;
	v6 =	vor.u32 v4, v0  }
0x2d0: {  	[tilespmem:v8+s19+$0x0] =	vst.idx.add.f32.msk $0xffff, v5;
	v5 =	vmul.f32 v2, v50  }
0x2d1: {  	[tilespmem:v10+s19+$0x0] =	vst.idx.add.f32.msk $0xffff, v3;
	v3 =	vmul.f32 v2, v51  }
0x2d2: {  	v2 =	vmul.f32 v2, v16;
	[tilespmem:v7+s19+$0x0] =	vst.idx.add.f32.msk $0xffff, v5  }
0x2d3: {  	[tilespmem:v9+s19+$0x0] =	vst.idx.add.f32.msk $0xffff, v3  }
0x2d4: {  	[tilespmem:v6+s19+$0x0] =	vst.idx.add.f32.msk $0xffff, v2  }
0x2d5: {  	[tilespmem:$0x1FAB0] =	vst v4;
	v4 =	vor.u32 $0x150, v23;
	v2 =	vld [tilespmem:s0+$0xAED0]  }
0x2d6: {  	[tilespmem:$0x1FAD0] =	vst v4;
	v3 =	vor.u32 $0x50, v23  }
0x2d7: {  	v5 =	vor.u32 v4, v0;
	v4 =	vor.u32 $0x250, v23;
	[tilespmem:$0x1FAC0] =	vst v3;
	v3 =	vor.u32 v3, v0  }
0x2d8: {  	[tilespmem:$0x1FAE0] =	vst v4;
	v6 =	vor.u32 v4, v0;
	v4 =	vor.u32 $0x350, v23  }
0x2d9: {  	[tilespmem:$0x1FAF0] =	vst v4;
	v8 =	vor.u32 v4, v0;
	v4 =	vor.u32 $0x450, v23  }
0x2da: {  	[tilespmem:$0x1FB00] =	vst v4;
	v10 =	vor.u32 v4, v0;
	v4 =	vor.u32 $0x550, v23;
	v7 =	vmul.f32 v2, v1  }
0x2db: {  	[tilespmem:$0x1FB10] =	vst v4;
	v9 =	vmul.f32 v2, v12  }
0x2dc: {  	[tilespmem:v3+s19+$0x0] =	vst.idx.add.f32.msk $0xffff, v7  }
0x2dd: {  	v3 =	vmul.f32 v2, v17;
	v7 =	vor.u32 v4, v0;
	v4 =	vor.u32 $0x650, v23;
	[tilespmem:v5+s19+$0x0] =	vst.idx.add.f32.msk $0xffff, v9  }
0x2de: {  	v5 =	vmul.f32 v2, v15;
	[tilespmem:$0x1FB20] =	vst v4;
	v9 =	vor.u32 v4, v0;
	v4 =	vor.u32 $0x750, v23  }
0x2df: {  	[tilespmem:v6+s19+$0x0] =	vst.idx.add.f32.msk $0xffff, v3;
	v3 =	vmul.f32 v2, v49;
	v6 =	vor.u32 v4, v0  }
0x2e0: {  	[tilespmem:v8+s19+$0x0] =	vst.idx.add.f32.msk $0xffff, v5;
	v5 =	vmul.f32 v2, v50  }
0x2e1: {  	[tilespmem:v10+s19+$0x0] =	vst.idx.add.f32.msk $0xffff, v3;
	v3 =	vmul.f32 v2, v51  }
0x2e2: {  	v2 =	vmul.f32 v2, v16;
	[tilespmem:v7+s19+$0x0] =	vst.idx.add.f32.msk $0xffff, v5  }
0x2e3: {  	[tilespmem:v9+s19+$0x0] =	vst.idx.add.f32.msk $0xffff, v3  }
0x2e4: {  	[tilespmem:v6+s19+$0x0] =	vst.idx.add.f32.msk $0xffff, v2  }
0x2e5: {  	[tilespmem:$0x1FB30] =	vst v4;
	v4 =	vor.u32 $0x160, v23;
	v2 =	vld [tilespmem:s0+$0xAEE0]  }
0x2e6: {  	[tilespmem:$0x1FB50] =	vst v4;
	v3 =	vor.u32 $0x60, v23  }
0x2e7: {  	v5 =	vor.u32 v4, v0;
	v4 =	vor.u32 $0x260, v23;
	[tilespmem:$0x1FB40] =	vst v3;
	v3 =	vor.u32 v3, v0  }
0x2e8: {  	[tilespmem:$0x1FB60] =	vst v4;
	v6 =	vor.u32 v4, v0;
	v4 =	vor.u32 $0x360, v23  }
0x2e9: {  	[tilespmem:$0x1FB70] =	vst v4;
	v8 =	vor.u32 v4, v0;
	v4 =	vor.u32 $0x460, v23  }
0x2ea: {  	[tilespmem:$0x1FB80] =	vst v4;
	v10 =	vor.u32 v4, v0;
	v4 =	vor.u32 $0x560, v23;
	v7 =	vmul.f32 v2, v1  }
0x2eb: {  	[tilespmem:$0x1FB90] =	vst v4;
	v9 =	vmul.f32 v2, v12  }
0x2ec: {  	[tilespmem:v3+s19+$0x0] =	vst.idx.add.f32.msk $0xffff, v7  }
0x2ed: {  	v3 =	vmul.f32 v2, v17;
	v7 =	vor.u32 v4, v0;
	v4 =	vor.u32 $0x660, v23;
	[tilespmem:v5+s19+$0x0] =	vst.idx.add.f32.msk $0xffff, v9  }
0x2ee: {  	v5 =	vmul.f32 v2, v15;
	[tilespmem:$0x1FBA0] =	vst v4;
	v9 =	vor.u32 v4, v0;
	v4 =	vor.u32 $0x760, v23  }
0x2ef: {  	[tilespmem:v6+s19+$0x0] =	vst.idx.add.f32.msk $0xffff, v3;
	v3 =	vmul.f32 v2, v49;
	v6 =	vor.u32 v4, v0  }
0x2f0: {  	[tilespmem:v8+s19+$0x0] =	vst.idx.add.f32.msk $0xffff, v5;
	v5 =	vmul.f32 v2, v50  }
0x2f1: {  	[tilespmem:v10+s19+$0x0] =	vst.idx.add.f32.msk $0xffff, v3;
	v3 =	vmul.f32 v2, v51  }
0x2f2: {  	v2 =	vmul.f32 v2, v16;
	[tilespmem:v7+s19+$0x0] =	vst.idx.add.f32.msk $0xffff, v5  }
0x2f3: {  	[tilespmem:v9+s19+$0x0] =	vst.idx.add.f32.msk $0xffff, v3  }
0x2f4: {  	[tilespmem:v6+s19+$0x0] =	vst.idx.add.f32.msk $0xffff, v2  }
0x2f5: {  	[tilespmem:$0x1FBB0] =	vst v4;
	v4 =	vor.u32 $0x170, v23;
	v2 =	vld [tilespmem:s0+$0xAEF0]  }
0x2f6: {  	[tilespmem:$0x1FBD0] =	vst v4;
	v3 =	vor.u32 $0x70, v23  }
0x2f7: {  	v5 =	vor.u32 v4, v0;
	v4 =	vor.u32 $0x270, v23;
	[tilespmem:$0x1FBC0] =	vst v3;
	v3 =	vor.u32 v3, v0  }
0x2f8: {  	[tilespmem:$0x1FBE0] =	vst v4;
	v6 =	vor.u32 v4, v0;
	v4 =	vor.u32 $0x370, v23  }
0x2f9: {  	[tilespmem:$0x1FBF0] =	vst v4;
	v8 =	vor.u32 v4, v0;
	v4 =	vor.u32 $0x470, v23  }
0x2fa: {  	[tilespmem:$0x1FC00] =	vst v4;
	v10 =	vor.u32 v4, v0;
	v4 =	vor.u32 $0x570, v23;
	v7 =	vmul.f32 v2, v1  }
0x2fb: {  	[tilespmem:$0x1FC10] =	vst v4;
	v9 =	vmul.f32 v2, v12  }
0x2fc: {  	[tilespmem:v3+s19+$0x0] =	vst.idx.add.f32.msk $0xffff, v7  }
0x2fd: {  	v3 =	vmul.f32 v2, v17;
	v7 =	vor.u32 v4, v0;
	v4 =	vor.u32 $0x670, v23;
	[tilespmem:v5+s19+$0x0] =	vst.idx.add.f32.msk $0xffff, v9  }
0x2fe: {  	v5 =	vmul.f32 v2, v15;
	[tilespmem:$0x1FC20] =	vst v4;
	v9 =	vor.u32 v4, v0;
	v4 =	vor.u32 $0x770, v23  }
0x2ff: {  	[tilespmem:v6+s19+$0x0] =	vst.idx.add.f32.msk $0xffff, v3;
	v3 =	vmul.f32 v2, v49;
	v6 =	vor.u32 v4, v0  }
0x300: {  	[tilespmem:v8+s19+$0x0] =	vst.idx.add.f32.msk $0xffff, v5;
	v5 =	vmul.f32 v2, v50  }
0x301: {  	[tilespmem:v10+s19+$0x0] =	vst.idx.add.f32.msk $0xffff, v3;
	v3 =	vmul.f32 v2, v51  }
0x302: {  	v2 =	vmul.f32 v2, v16;
	[tilespmem:v7+s19+$0x0] =	vst.idx.add.f32.msk $0xffff, v5  }
0x303: {  	[tilespmem:v9+s19+$0x0] =	vst.idx.add.f32.msk $0xffff, v3  }
0x304: {  	[tilespmem:v6+s19+$0x0] =	vst.idx.add.f32.msk $0xffff, v2  }
0x305: {  	[tilespmem:$0x1FC30] =	vst v4;
	v4 =	vor.u32 $0x180, v23;
	v2 =	vld [tilespmem:s0+$0xB280]  }
0x306: {  	[tilespmem:$0x1FC50] =	vst v4;
	v3 =	vor.u32 $0x80, v23  }
0x307: {  	v5 =	vor.u32 v4, v0;
	v4 =	vor.u32 $0x280, v23;
	[tilespmem:$0x1FC40] =	vst v3;
	v3 =	vor.u32 v3, v0  }
0x308: {  	[tilespmem:$0x1FC60] =	vst v4;
	v6 =	vor.u32 v4, v0;
	v4 =	vor.u32 $0x380, v23  }
0x309: {  	[tilespmem:$0x1FC70] =	vst v4;
	v8 =	vor.u32 v4, v0;
	v4 =	vor.u32 $0x480, v23  }
0x30a: {  	[tilespmem:$0x1FC80] =	vst v4;
	v10 =	vor.u32 v4, v0;
	v4 =	vor.u32 $0x580, v23;
	v7 =	vmul.f32 v2, v1  }
0x30b: {  	[tilespmem:$0x1FC90] =	vst v4;
	v9 =	vmul.f32 v2, v12  }
0x30c: {  	[tilespmem:v3+s19+$0x0] =	vst.idx.add.f32.msk $0xffff, v7  }
0x30d: {  	v3 =	vmul.f32 v2, v17;
	v7 =	vor.u32 v4, v0;
	v4 =	vor.u32 $0x680, v23;
	[tilespmem:v5+s19+$0x0] =	vst.idx.add.f32.msk $0xffff, v9  }
0x30e: {  	v5 =	vmul.f32 v2, v15;
	[tilespmem:$0x1FCA0] =	vst v4;
	v9 =	vor.u32 v4, v0;
	v4 =	vor.u32 $0x780, v23  }
0x30f: {  	[tilespmem:v6+s19+$0x0] =	vst.idx.add.f32.msk $0xffff, v3;
	v3 =	vmul.f32 v2, v49;
	v6 =	vor.u32 v4, v0  }
0x310: {  	[tilespmem:v8+s19+$0x0] =	vst.idx.add.f32.msk $0xffff, v5;
	v5 =	vmul.f32 v2, v50  }
0x311: {  	[tilespmem:v10+s19+$0x0] =	vst.idx.add.f32.msk $0xffff, v3;
	v3 =	vmul.f32 v2, v51  }
0x312: {  	v2 =	vmul.f32 v2, v16;
	[tilespmem:v7+s19+$0x0] =	vst.idx.add.f32.msk $0xffff, v5  }
0x313: {  	[tilespmem:v9+s19+$0x0] =	vst.idx.add.f32.msk $0xffff, v3  }
0x314: {  	[tilespmem:v6+s19+$0x0] =	vst.idx.add.f32.msk $0xffff, v2  }
0x315: {  	[tilespmem:$0x1FCB0] =	vst v4;
	v4 =	vor.u32 $0x190, v23;
	v2 =	vld [tilespmem:s0+$0xB290]  }
0x316: {  	[tilespmem:$0x1FCD0] =	vst v4;
	v3 =	vor.u32 $0x90, v23  }
0x317: {  	v5 =	vor.u32 v4, v0;
	v4 =	vor.u32 $0x290, v23;
	[tilespmem:$0x1FCC0] =	vst v3;
	v3 =	vor.u32 v3, v0  }
0x318: {  	[tilespmem:$0x1FCE0] =	vst v4;
	v6 =	vor.u32 v4, v0;
	v4 =	vor.u32 $0x390, v23  }
0x319: {  	[tilespmem:$0x1FCF0] =	vst v4;
	v8 =	vor.u32 v4, v0;
	v4 =	vor.u32 $0x490, v23  }
0x31a: {  	[tilespmem:$0x1FD00] =	vst v4;
	v10 =	vor.u32 v4, v0;
	v4 =	vor.u32 $0x590, v23;
	v7 =	vmul.f32 v2, v1  }
0x31b: {  	[tilespmem:$0x1FD10] =	vst v4;
	v9 =	vmul.f32 v2, v12  }
0x31c: {  	[tilespmem:v3+s19+$0x0] =	vst.idx.add.f32.msk $0xffff, v7  }
0x31d: {  	v3 =	vmul.f32 v2, v17;
	v7 =	vor.u32 v4, v0;
	v4 =	vor.u32 $0x690, v23;
	[tilespmem:v5+s19+$0x0] =	vst.idx.add.f32.msk $0xffff, v9  }
0x31e: {  	v5 =	vmul.f32 v2, v15;
	[tilespmem:$0x1FD20] =	vst v4;
	v9 =	vor.u32 v4, v0;
	v4 =	vor.u32 $0x790, v23  }
0x31f: {  	[tilespmem:v6+s19+$0x0] =	vst.idx.add.f32.msk $0xffff, v3;
	v3 =	vmul.f32 v2, v49;
	v6 =	vor.u32 v4, v0  }
0x320: {  	[tilespmem:v8+s19+$0x0] =	vst.idx.add.f32.msk $0xffff, v5;
	v5 =	vmul.f32 v2, v50  }
0x321: {  	[tilespmem:v10+s19+$0x0] =	vst.idx.add.f32.msk $0xffff, v3;
	v3 =	vmul.f32 v2, v51  }
0x322: {  	v2 =	vmul.f32 v2, v16;
	[tilespmem:v7+s19+$0x0] =	vst.idx.add.f32.msk $0xffff, v5  }
0x323: {  	[tilespmem:v9+s19+$0x0] =	vst.idx.add.f32.msk $0xffff, v3  }
0x324: {  	[tilespmem:v6+s19+$0x0] =	vst.idx.add.f32.msk $0xffff, v2  }
0x325: {  	[tilespmem:$0x1FD30] =	vst v4;
	v4 =	vor.u32 $0x1A0, v23;
	v2 =	vld [tilespmem:s0+$0xB2A0]  }
0x326: {  	[tilespmem:$0x1FD50] =	vst v4;
	v3 =	vor.u32 $0xA0, v23  }
0x327: {  	v5 =	vor.u32 v4, v0;
	v4 =	vor.u32 $0x2A0, v23;
	[tilespmem:$0x1FD40] =	vst v3;
	v3 =	vor.u32 v3, v0  }
0x328: {  	[tilespmem:$0x1FD60] =	vst v4;
	v6 =	vor.u32 v4, v0;
	v4 =	vor.u32 $0x3A0, v23  }
0x329: {  	[tilespmem:$0x1FD70] =	vst v4;
	v8 =	vor.u32 v4, v0;
	v4 =	vor.u32 $0x4A0, v23  }
0x32a: {  	[tilespmem:$0x1FD80] =	vst v4;
	v10 =	vor.u32 v4, v0;
	v4 =	vor.u32 $0x5A0, v23;
	v7 =	vmul.f32 v2, v1  }
0x32b: {  	[tilespmem:$0x1FD90] =	vst v4;
	v9 =	vmul.f32 v2, v12  }
0x32c: {  	[tilespmem:v3+s19+$0x0] =	vst.idx.add.f32.msk $0xffff, v7  }
0x32d: {  	v3 =	vmul.f32 v2, v17;
	v7 =	vor.u32 v4, v0;
	v4 =	vor.u32 $0x6A0, v23;
	[tilespmem:v5+s19+$0x0] =	vst.idx.add.f32.msk $0xffff, v9  }
0x32e: {  	v5 =	vmul.f32 v2, v15;
	[tilespmem:$0x1FDA0] =	vst v4;
	v9 =	vor.u32 v4, v0;
	v4 =	vor.u32 $0x7A0, v23  }
0x32f: {  	[tilespmem:v6+s19+$0x0] =	vst.idx.add.f32.msk $0xffff, v3;
	v3 =	vmul.f32 v2, v49;
	v6 =	vor.u32 v4, v0  }
0x330: {  	[tilespmem:v8+s19+$0x0] =	vst.idx.add.f32.msk $0xffff, v5;
	v5 =	vmul.f32 v2, v50  }
0x331: {  	[tilespmem:v10+s19+$0x0] =	vst.idx.add.f32.msk $0xffff, v3;
	v3 =	vmul.f32 v2, v51  }
0x332: {  	v2 =	vmul.f32 v2, v16;
	[tilespmem:v7+s19+$0x0] =	vst.idx.add.f32.msk $0xffff, v5  }
0x333: {  	[tilespmem:v9+s19+$0x0] =	vst.idx.add.f32.msk $0xffff, v3  }
0x334: {  	[tilespmem:v6+s19+$0x0] =	vst.idx.add.f32.msk $0xffff, v2  }
0x335: {  	[tilespmem:$0x1FDB0] =	vst v4;
	v4 =	vor.u32 $0x1B0, v23;
	v2 =	vld [tilespmem:s0+$0xB2B0]  }
0x336: {  	[tilespmem:$0x1FDD0] =	vst v4;
	v3 =	vor.u32 $0xB0, v23  }
0x337: {  	v5 =	vor.u32 v4, v0;
	v4 =	vor.u32 $0x2B0, v23;
	[tilespmem:$0x1FDC0] =	vst v3;
	v3 =	vor.u32 v3, v0  }
0x338: {  	[tilespmem:$0x1FDE0] =	vst v4;
	v6 =	vor.u32 v4, v0;
	v4 =	vor.u32 $0x3B0, v23  }
0x339: {  	[tilespmem:$0x1FDF0] =	vst v4;
	v8 =	vor.u32 v4, v0;
	v4 =	vor.u32 $0x4B0, v23  }
0x33a: {  	[tilespmem:$0x1FE00] =	vst v4;
	v10 =	vor.u32 v4, v0;
	v4 =	vor.u32 $0x5B0, v23;
	v7 =	vmul.f32 v2, v1  }
0x33b: {  	[tilespmem:$0x1FE10] =	vst v4;
	v9 =	vmul.f32 v2, v12  }
0x33c: {  	[tilespmem:v3+s19+$0x0] =	vst.idx.add.f32.msk $0xffff, v7  }
0x33d: {  	v3 =	vmul.f32 v2, v17;
	v7 =	vor.u32 v4, v0;
	v4 =	vor.u32 $0x6B0, v23;
	[tilespmem:v5+s19+$0x0] =	vst.idx.add.f32.msk $0xffff, v9  }
0x33e: {  	v5 =	vmul.f32 v2, v15;
	[tilespmem:$0x1FE20] =	vst v4;
	v9 =	vor.u32 v4, v0;
	v4 =	vor.u32 $0x7B0, v23  }
0x33f: {  	[tilespmem:v6+s19+$0x0] =	vst.idx.add.f32.msk $0xffff, v3;
	v3 =	vmul.f32 v2, v49;
	v6 =	vor.u32 v4, v0  }
0x340: {  	[tilespmem:v8+s19+$0x0] =	vst.idx.add.f32.msk $0xffff, v5;
	v5 =	vmul.f32 v2, v50  }
0x341: {  	[tilespmem:v10+s19+$0x0] =	vst.idx.add.f32.msk $0xffff, v3;
	v3 =	vmul.f32 v2, v51  }
0x342: {  	v2 =	vmul.f32 v2, v16;
	[tilespmem:v7+s19+$0x0] =	vst.idx.add.f32.msk $0xffff, v5  }
0x343: {  	[tilespmem:v9+s19+$0x0] =	vst.idx.add.f32.msk $0xffff, v3  }
0x344: {  	[tilespmem:v6+s19+$0x0] =	vst.idx.add.f32.msk $0xffff, v2  }
0x345: {  	[tilespmem:$0x1FE30] =	vst v4;
	v4 =	vor.u32 $0x1C0, v23;
	v2 =	vld [tilespmem:s0+$0xB2C0]  }
0x346: {  	[tilespmem:$0x1FE50] =	vst v4;
	v3 =	vor.u32 $0xC0, v23  }
0x347: {  	v5 =	vor.u32 v4, v0;
	v4 =	vor.u32 $0x2C0, v23;
	[tilespmem:$0x1FE40] =	vst v3;
	v3 =	vor.u32 v3, v0  }
0x348: {  	[tilespmem:$0x1FE60] =	vst v4;
	v6 =	vor.u32 v4, v0;
	v4 =	vor.u32 $0x3C0, v23  }
0x349: {  	[tilespmem:$0x1FE70] =	vst v4;
	v8 =	vor.u32 v4, v0;
	v4 =	vor.u32 $0x4C0, v23  }
0x34a: {  	[tilespmem:$0x1FE80] =	vst v4;
	v10 =	vor.u32 v4, v0;
	v4 =	vor.u32 $0x5C0, v23;
	v7 =	vmul.f32 v2, v1  }
0x34b: {  	[tilespmem:$0x1FE90] =	vst v4;
	v9 =	vmul.f32 v2, v12  }
0x34c: {  	[tilespmem:v3+s19+$0x0] =	vst.idx.add.f32.msk $0xffff, v7  }
0x34d: {  	v3 =	vmul.f32 v2, v17;
	v7 =	vor.u32 v4, v0;
	v4 =	vor.u32 $0x6C0, v23;
	[tilespmem:v5+s19+$0x0] =	vst.idx.add.f32.msk $0xffff, v9  }
0x34e: {  	v5 =	vmul.f32 v2, v15;
	[tilespmem:$0x1FEA0] =	vst v4;
	v9 =	vor.u32 v4, v0;
	v4 =	vor.u32 $0x7C0, v23  }
0x34f: {  	[tilespmem:v6+s19+$0x0] =	vst.idx.add.f32.msk $0xffff, v3;
	v3 =	vmul.f32 v2, v49;
	v6 =	vor.u32 v4, v0  }
0x350: {  	[tilespmem:v8+s19+$0x0] =	vst.idx.add.f32.msk $0xffff, v5;
	v5 =	vmul.f32 v2, v50  }
0x351: {  	[tilespmem:v10+s19+$0x0] =	vst.idx.add.f32.msk $0xffff, v3;
	v3 =	vmul.f32 v2, v51  }
0x352: {  	v2 =	vmul.f32 v2, v16;
	[tilespmem:v7+s19+$0x0] =	vst.idx.add.f32.msk $0xffff, v5  }
0x353: {  	[tilespmem:v9+s19+$0x0] =	vst.idx.add.f32.msk $0xffff, v3  }
0x354: {  	[tilespmem:v6+s19+$0x0] =	vst.idx.add.f32.msk $0xffff, v2  }
0x355: {  	[tilespmem:$0x1FEB0] =	vst v4;
	v4 =	vor.u32 $0x1D0, v23;
	v2 =	vld [tilespmem:s0+$0xB2D0]  }
0x356: {  	[tilespmem:$0x1FED0] =	vst v4;
	v3 =	vor.u32 $0xD0, v23  }
0x357: {  	v5 =	vor.u32 v4, v0;
	v4 =	vor.u32 $0x2D0, v23;
	[tilespmem:$0x1FEC0] =	vst v3;
	v3 =	vor.u32 v3, v0  }
0x358: {  	[tilespmem:$0x1FEE0] =	vst v4;
	v6 =	vor.u32 v4, v0;
	v4 =	vor.u32 $0x3D0, v23  }
0x359: {  	[tilespmem:$0x1FEF0] =	vst v4;
	v8 =	vor.u32 v4, v0;
	v4 =	vor.u32 $0x4D0, v23  }
0x35a: {  	[tilespmem:$0x1FF00] =	vst v4;
	v10 =	vor.u32 v4, v0;
	v4 =	vor.u32 $0x5D0, v23;
	v7 =	vmul.f32 v2, v1  }
0x35b: {  	[tilespmem:$0x1FF10] =	vst v4;
	v9 =	vmul.f32 v2, v12  }
0x35c: {  	[tilespmem:v3+s19+$0x0] =	vst.idx.add.f32.msk $0xffff, v7  }
0x35d: {  	v3 =	vmul.f32 v2, v17;
	v7 =	vor.u32 v4, v0;
	v4 =	vor.u32 $0x6D0, v23;
	[tilespmem:v5+s19+$0x0] =	vst.idx.add.f32.msk $0xffff, v9  }
0x35e: {  	v5 =	vmul.f32 v2, v15;
	[tilespmem:$0x1FF20] =	vst v4;
	v9 =	vor.u32 v4, v0;
	v4 =	vor.u32 $0x7D0, v23  }
0x35f: {  	[tilespmem:v6+s19+$0x0] =	vst.idx.add.f32.msk $0xffff, v3;
	v3 =	vmul.f32 v2, v49;
	v6 =	vor.u32 v4, v0  }
0x360: {  	[tilespmem:v8+s19+$0x0] =	vst.idx.add.f32.msk $0xffff, v5;
	v5 =	vmul.f32 v2, v50  }
0x361: {  	[tilespmem:v10+s19+$0x0] =	vst.idx.add.f32.msk $0xffff, v3;
	v3 =	vmul.f32 v2, v51  }
0x362: {  	v2 =	vmul.f32 v2, v16;
	[tilespmem:v7+s19+$0x0] =	vst.idx.add.f32.msk $0xffff, v5  }
0x363: {  	[tilespmem:v9+s19+$0x0] =	vst.idx.add.f32.msk $0xffff, v3  }
0x364: {  	[tilespmem:v6+s19+$0x0] =	vst.idx.add.f32.msk $0xffff, v2  }
0x365: {  	v7 =	vld [tilespmem:s0+$0xB2E0]  }
0x366: {  	v2 =	vor.u32 $0xE0, v23  }
0x367: {  	v60 =	vmov v2;
	v5 =	vor.u32 v2, v0;
	v2 =	vor.u32 $0x1E0, v23  }
0x368: {  	v62 =	vmov v2;
	v6 =	vor.u32 v2, v0;
	v2 =	vor.u32 $0x2E0, v23  }
0x369: {  	v63 =	vor.u32 $0x3E0, v23;
	v46 =	vmovc v35;
	v47 =	vmovc v36;
	v35 =	vmov v19;
	v8 =	vor.u32 v2, v0  }
0x36a: {  	v36 =	vmovc v20;
	v10 =	vor.u32 v63, v0;
	v56 =	vmovc v2;
	v2 =	vor.u32 $0x4E0, v23;
	v9 =	vmul.f32 v7, v1  }
0x36b: {  	v45 =	vmovc v34;
	v34 =	vmovc v18;
	v3 =	vor.u32 $0x5E0, v23;
	v18 =	vor.u32 v2, v0;
	v11 =	vmul.f32 v7, v12  }
0x36c: {  	v19 =	vor.u32 v3, v0;
	[tilespmem:v5+s19+$0x0] =	vst.idx.add.f32.msk $0xffff, v9;
	v9 =	vmul.f32 v7, v17;
	v5 =	vor.u32 $0x6E0, v23  }
0x36d: {  	[tilespmem:v6+s19+$0x0] =	vst.idx.add.f32.msk $0xffff, v11;
	v11 =	vmul.f32 v7, v15;
	v20 =	vor.u32 v5, v0;
	v6 =	vor.u32 $0x7E0, v23  }
0x36e: {  	[tilespmem:v8+s19+$0x0] =	vst.idx.add.f32.msk $0xffff, v9;
	v8 =	vmul.f32 v7, v49;
	v9 =	vor.u32 v6, v0  }
0x36f: {  	[tilespmem:v10+s19+$0x0] =	vst.idx.add.f32.msk $0xffff, v11;
	v10 =	vmul.f32 v7, v50  }
0x370: {  	[tilespmem:v18+s19+$0x0] =	vst.idx.add.f32.msk $0xffff, v8;
	v8 =	vmul.f32 v7, v51  }
0x371: {  	v7 =	vmul.f32 v7, v16;
	[tilespmem:v19+s19+$0x0] =	vst.idx.add.f32.msk $0xffff, v10  }
0x372: {  	[tilespmem:v20+s19+$0x0] =	vst.idx.add.f32.msk $0xffff, v8  }
0x373: {  	[tilespmem:v9+s19+$0x0] =	vst.idx.add.f32.msk $0xffff, v7  }
0x374: {  	v18 =	vld [tilespmem:s0+$0xB2F0]  }
0x375: {  	v7 =	vor.u32 $0xF0, v23  }
0x376: {  	v8 =	vor.u32 $0x1F0, v23;
	v19 =	vor.u32 v7, v0  }
0x377: {  	v20 =	vor.u32 v8, v0;
	v9 =	vor.u32 $0x2F0, v23  }
0x378: {  	v48 =	vmovc v37;
	v37 =	vmov v21;
	v10 =	vor.u32 $0x3F0, v23;
	v21 =	vor.u32 v9, v0  }
0x379: {  	v11 =	vor.u32 $0x4F0, v23;
	v14 =	vor.u32 v10, v0;
	v1 =	vmul.f32 v18, v1  }
0x37a: {  	v61 =	vmovc v4;
	v13 =	vor.u32 v11, v0;
	v4 =	vmul.f32 v18, v12;
	v12 =	vor.u32 $0x5F0, v23  }
0x37b: {  	v17 =	vmul.f32 v18, v17;
	[tilespmem:v19+s19+$0x0] =	vst.idx.add.f32.msk $0xffff, v1;
	v19 =	vor.u32 v12, v0  }
0x37c: {  	v1 =	vor.u32 $0x6F0, v23;
	[tilespmem:v20+s19+$0x0] =	vst.idx.add.f32.msk $0xffff, v4;
	v4 =	vmul.f32 v18, v15  }
0x37d: {  	p2 =	sne.s32 s24, $0x2;
	v15 =	vor.u32 v1, v0;
	[tilespmem:v21+s19+$0x0] =	vst.idx.add.f32.msk $0xffff, v17;
	v17 =	vmul.f32 v18, v49  }
.Ltmp10:
0x37e: {  	[tilespmem:v14+s19+$0x0] =	vst.idx.add.f32.msk $0xffff, v4;
	v4 =	vmul.f32 v18, v50;
	(pc) =	sbr.rel @!p2 .LBB2_12-.Ltmp10, $4  }
0x37f: {  	v41 =	vmov v30;
	v42 =	vmov v31;
	[tilespmem:v13+s19+$0x0] =	vst.idx.add.f32.msk $0xffff, v17  }
0x380: {  	v43 =	vmovc v32;
	v44 =	vmov v33;
	v13 =	vmul.f32 v18, v51;
	[tilespmem:v19+s19+$0x0] =	vst.idx.add.f32.msk $0xffff, v4;
	v4 =	vor.u32 $0x7F0, v23  }
0x381: {  	p1 =	por $0x1, $0x1;
	s31 =	sadd.s32 $0x1, s20;
	v49 =	vmovc v38;
	v38 =	vmovc v22;
	v14 =	vmul.f32 v18, v16;
	v50 =	vmov v39;
	v16 =	vor.u32 v4, v0  }
0x382: {  	s28 =	simm.s32 $0x2;
	s25 =	simm.s32 $0x100;
	s26 =	simm.s32 $0x0;
	v39 =	vmovc v24;
	v51 =	vmovc v40;
	v40 =	vmov v25;
	[tilespmem:v15+s19+$0x0] =	vst.idx.add.f32.msk $0xffff, v13;
	v0 =	vmov s23;
	v13 =	vmov s31  }
.LBB2_13:
0x383: {  	_ =	sdelay $0x1  }
0x384: {  	s29 =	sadd.s32 $0x10, s23  }
0x385: {  	s0 =	sadd.s32 $0x20, s23;
	[tilespmem:v16+s19+$0x0] =	vst.idx.add.f32.msk $0xffff, v14;
	v14 =	vmov s29  }
0x386: {  	s26 =	sadd.s32 $0x80, s26;
	s3 =	sadd.s32 $0x30, s23;
	v17 =	vmov s0;
	v13 =	vld.idx.msk [tilespmem:v13+s17+$0x0], $0xffff  }
0x387: {  	s31 =	sand.u32 $0xFFFFF800, s25;
	s0 =	sand.u32 $0x380, s26;
	v18 =	vmov s3;
	s3 =	sadd.s32 $0x40, s23  }
0x388: {  	s29 =	sor.u32 s0, s31;
	v22 =	vmov s3;
	s3 =	sadd.s32 $0x50, s23;
	v16 =	vld.idx.msk [tilespmem:v0+s18+$0x0], $0xffff  }
0x389: {  	v15 =	vmov s28;
	s31 =	sadd.s32 $0x60, s23;
	v23 =	vld [tilespmem:s29+$0xAE80];
	v24 =	vmov s3  }
0x38a: {  	v0 =	vmov v15;
	v15 =	vmov s31;
	s3 =	sadd.s32 $0x70, s23;
	v19 =	vld.idx.msk [tilespmem:v14+s18+$0x0], $0xffff  }
0x38b: {  	v21 =	vld.idx.msk [tilespmem:v17+s18+$0x0], $0xffff;
	v17 =	vmov s3;
	v14 =	vlaneseq.u32;
	v13 =	vshll.u32 v13, $0xB  }
0x38c: {  	v20 =	vld.idx.msk [tilespmem:v18+s18+$0x0], $0xffff;
	v25 =	vor.u32 v14, v13  }
0x38d: {  	v18 =	vld.idx.msk [tilespmem:v22+s18+$0x0], $0xffff;
	v22 =	vor.u32 v26, v13  }
0x38e: {  	v14 =	vld.idx.msk [tilespmem:v24+s18+$0x0], $0xffff;
	v24 =	vor.u32 v27, v13  }
0x38f: {  	v30 =	vmovc v26;
	v31 =	vmov v27;
	v15 =	vld.idx.msk [tilespmem:v15+s18+$0x0], $0xffff;
	v26 =	vmul.f32 v23, v16;
	v27 =	vor.u32 v28, v13  }
0x390: {  	v32 =	vmovc v28;
	v33 =	vmov v29;
	v29 =	vor.u32 v29, v13;
	v17 =	vld.idx.msk [tilespmem:v17+s18+$0x0], $0xffff;
	v28 =	vmul.f32 v23, v19  }
0x391: {  	[tilespmem:v25+s19+$0x0] =	vst.idx.add.f32.msk $0xffff, v26;
	v25 =	vmul.f32 v23, v21;
	v26 =	vor.u32 v34, v13  }
0x392: {  	[tilespmem:v22+s19+$0x0] =	vst.idx.add.f32.msk $0xffff, v28;
	v22 =	vmul.f32 v23, v20;
	v28 =	vor.u32 v35, v13  }
0x393: {  	[tilespmem:v24+s19+$0x0] =	vst.idx.add.f32.msk $0xffff, v25;
	v24 =	vmul.f32 v23, v18;
	v25 =	vor.u32 v36, v13  }
0x394: {  	[tilespmem:v27+s19+$0x0] =	vst.idx.add.f32.msk $0xffff, v22;
	v22 =	vmul.f32 v23, v14  }
0x395: {  	[tilespmem:v29+s19+$0x0] =	vst.idx.add.f32.msk $0xffff, v24;
	v24 =	vmul.f32 v23, v15  }
0x396: {  	[tilespmem:v26+s19+$0x0] =	vst.idx.add.f32.msk $0xffff, v22;
	v22 =	vmul.f32 v23, v17  }
0x397: {  	[tilespmem:v28+s19+$0x0] =	vst.idx.add.f32.msk $0xffff, v24  }
0x398: {  	[tilespmem:v25+s19+$0x0] =	vst.idx.add.f32.msk $0xffff, v22  }
0x399: {  	v22 =	vld [tilespmem:s29+$0xAE90];
	_ =	sdelay $0x1  }
0x39a: {  	v23 =	vor.u32 v37, v13  }
0x39b: {  	v24 =	vor.u32 v38, v13  }
0x39c: {  	v25 =	vor.u32 v39, v13  }
0x39d: {  	v27 =	vor.u32 v40, v13;
	v26 =	vmul.f32 v22, v16  }
0x39e: {  	v29 =	vor.u32 v41, v13;
	v28 =	vmul.f32 v22, v19  }
0x39f: {  	[tilespmem:v23+s19+$0x0] =	vst.idx.add.f32.msk $0xffff, v26;
	v23 =	vmul.f32 v22, v21;
	v26 =	vor.u32 v42, v13  }
0x3a0: {  	[tilespmem:v24+s19+$0x0] =	vst.idx.add.f32.msk $0xffff, v28;
	v24 =	vmul.f32 v22, v20;
	v28 =	vor.u32 v43, v13  }
0x3a1: {  	[tilespmem:v25+s19+$0x0] =	vst.idx.add.f32.msk $0xffff, v23;
	v23 =	vmul.f32 v22, v18;
	v25 =	vor.u32 v44, v13  }
0x3a2: {  	[tilespmem:v27+s19+$0x0] =	vst.idx.add.f32.msk $0xffff, v24;
	v24 =	vmul.f32 v22, v14  }
0x3a3: {  	[tilespmem:v29+s19+$0x0] =	vst.idx.add.f32.msk $0xffff, v23;
	v23 =	vmul.f32 v22, v15  }
0x3a4: {  	v22 =	vmul.f32 v22, v17;
	[tilespmem:v26+s19+$0x0] =	vst.idx.add.f32.msk $0xffff, v24  }
0x3a5: {  	[tilespmem:v28+s19+$0x0] =	vst.idx.add.f32.msk $0xffff, v23  }
0x3a6: {  	[tilespmem:v25+s19+$0x0] =	vst.idx.add.f32.msk $0xffff, v22  }
0x3a7: {  	v22 =	vld [tilespmem:s29+$0xAEA0];
	_ =	sdelay $0x1  }
0x3a8: {  	v23 =	vor.u32 v45, v13  }
0x3a9: {  	v24 =	vor.u32 v46, v13  }
0x3aa: {  	v25 =	vor.u32 v47, v13  }
0x3ab: {  	v27 =	vor.u32 v48, v13;
	v26 =	vmul.f32 v22, v16  }
0x3ac: {  	v29 =	vor.u32 v49, v13;
	v28 =	vmul.f32 v22, v19  }
0x3ad: {  	[tilespmem:v23+s19+$0x0] =	vst.idx.add.f32.msk $0xffff, v26;
	v23 =	vmul.f32 v22, v21;
	v26 =	vor.u32 v50, v13  }
0x3ae: {  	[tilespmem:v24+s19+$0x0] =	vst.idx.add.f32.msk $0xffff, v28;
	v24 =	vmul.f32 v22, v20;
	v28 =	vor.u32 v51, v13  }
0x3af: {  	[tilespmem:v25+s19+$0x0] =	vst.idx.add.f32.msk $0xffff, v23;
	v23 =	vmul.f32 v22, v18;
	v25 =	vor.u32 v52, v13  }
0x3b0: {  	[tilespmem:v27+s19+$0x0] =	vst.idx.add.f32.msk $0xffff, v24;
	v24 =	vmul.f32 v22, v14  }
0x3b1: {  	[tilespmem:v29+s19+$0x0] =	vst.idx.add.f32.msk $0xffff, v23;
	v23 =	vmul.f32 v22, v15  }
0x3b2: {  	v22 =	vmul.f32 v22, v17;
	[tilespmem:v26+s19+$0x0] =	vst.idx.add.f32.msk $0xffff, v24  }
0x3b3: {  	[tilespmem:v28+s19+$0x0] =	vst.idx.add.f32.msk $0xffff, v23  }
0x3b4: {  	[tilespmem:v25+s19+$0x0] =	vst.idx.add.f32.msk $0xffff, v22  }
0x3b5: {  	v22 =	vld [tilespmem:s29+$0xAEB0];
	_ =	sdelay $0x1  }
0x3b6: {  	v23 =	vor.u32 v53, v13  }
0x3b7: {  	v24 =	vor.u32 v54, v13  }
0x3b8: {  	v27 =	vld [tilespmem:$0x1FFF0];
	v25 =	vor.u32 v55, v13  }
0x3b9: {  	v26 =	vmul.f32 v22, v16  }
0x3ba: {  	v28 =	vmul.f32 v22, v19  }
0x3bb: {  	[tilespmem:v23+s19+$0x0] =	vst.idx.add.f32.msk $0xffff, v26;
	v23 =	vmul.f32 v22, v21  }
0x3bc: {  	[tilespmem:v24+s19+$0x0] =	vst.idx.add.f32.msk $0xffff, v28  }
0x3bd: {  	v27 =	vor.u32 v27, v13;
	[tilespmem:v25+s19+$0x0] =	vst.idx.add.f32.msk $0xffff, v23  }
0x3be: {  	v29 =	vor.u32 v57, v13;
	v25 =	vld [tilespmem:$0x1FA30]  }
0x3bf: {  	v26 =	vor.u32 v58, v13  }
0x3c0: {  	v24 =	vmul.f32 v22, v20;
	v28 =	vor.u32 v59, v13  }
0x3c1: {  	v23 =	vmul.f32 v22, v18  }
0x3c2: {  	[tilespmem:v27+s19+$0x0] =	vst.idx.add.f32.msk $0xffff, v24;
	v24 =	vmul.f32 v22, v14  }
0x3c3: {  	[tilespmem:v29+s19+$0x0] =	vst.idx.add.f32.msk $0xffff, v23;
	v23 =	vmul.f32 v22, v15;
	v25 =	vor.u32 v25, v13  }
0x3c4: {  	[tilespmem:v26+s19+$0x0] =	vst.idx.add.f32.msk $0xffff, v24  }
0x3c5: {  	[tilespmem:v28+s19+$0x0] =	vst.idx.add.f32.msk $0xffff, v23  }
0x3c6: {  	v22 =	vmul.f32 v22, v17;
	v23 =	vld [tilespmem:$0x1FA40]  }
0x3c7: {  	v24 =	vld [tilespmem:$0x1FA50]  }
0x3c8: {  	[tilespmem:v25+s19+$0x0] =	vst.idx.add.f32.msk $0xffff, v22  }
0x3c9: {  	v22 =	vld [tilespmem:s29+$0xAEC0];
	_ =	sdelay $0x1  }
0x3ca: {  	v23 =	vor.u32 v23, v13;
	v25 =	vld [tilespmem:$0x1FA60];
	_ =	sdelay $0x1  }
0x3cb: {  	v24 =	vor.u32 v24, v13  }
0x3cc: {  	v27 =	vld [tilespmem:$0x1FA70];
	v26 =	vmul.f32 v22, v16  }
0x3cd: {  	v29 =	vld [tilespmem:$0x1FA80]  }
0x3ce: {  	v25 =	vor.u32 v25, v13;
	v28 =	vmul.f32 v22, v19;
	[tilespmem:v23+s19+$0x0] =	vst.idx.add.f32.msk $0xffff, v26  }
0x3cf: {  	v26 =	vld [tilespmem:$0x1FA90]  }
0x3d0: {  	[tilespmem:v24+s19+$0x0] =	vst.idx.add.f32.msk $0xffff, v28  }
0x3d1: {  	v23 =	vmul.f32 v22, v21;
	v28 =	vld [tilespmem:$0x1FAA0];
	_ =	sdelay $0x1  }
0x3d2: {  	v27 =	vor.u32 v27, v13;
	[tilespmem:v25+s19+$0x0] =	vst.idx.add.f32.msk $0xffff, v23  }
0x3d3: {  	v29 =	vor.u32 v29, v13;
	v25 =	vld [tilespmem:$0x1FAB0]  }
0x3d4: {  	v26 =	vor.u32 v26, v13  }
0x3d5: {  	v24 =	vmul.f32 v22, v20;
	v28 =	vor.u32 v28, v13  }
0x3d6: {  	v23 =	vmul.f32 v22, v18  }
0x3d7: {  	[tilespmem:v27+s19+$0x0] =	vst.idx.add.f32.msk $0xffff, v24;
	v24 =	vmul.f32 v22, v14  }
0x3d8: {  	[tilespmem:v29+s19+$0x0] =	vst.idx.add.f32.msk $0xffff, v23;
	v23 =	vmul.f32 v22, v15;
	v25 =	vor.u32 v25, v13  }
0x3d9: {  	[tilespmem:v26+s19+$0x0] =	vst.idx.add.f32.msk $0xffff, v24  }
0x3da: {  	[tilespmem:v28+s19+$0x0] =	vst.idx.add.f32.msk $0xffff, v23  }
0x3db: {  	v22 =	vmul.f32 v22, v17;
	v23 =	vld [tilespmem:$0x1FAC0]  }
0x3dc: {  	v24 =	vld [tilespmem:$0x1FAD0]  }
0x3dd: {  	[tilespmem:v25+s19+$0x0] =	vst.idx.add.f32.msk $0xffff, v22  }
0x3de: {  	v22 =	vld [tilespmem:s29+$0xAED0];
	_ =	sdelay $0x1  }
0x3df: {  	v25 =	vld [tilespmem:$0x1FAE0];
	v23 =	vor.u32 v23, v13;
	_ =	sdelay $0x1  }
0x3e0: {  	v24 =	vor.u32 v24, v13  }
0x3e1: {  	v27 =	vld [tilespmem:$0x1FAF0];
	v26 =	vmul.f32 v22, v16  }
0x3e2: {  	v29 =	vld [tilespmem:$0x1FB00]  }
0x3e3: {  	v25 =	vor.u32 v25, v13;
	v28 =	vmul.f32 v22, v19;
	[tilespmem:v23+s19+$0x0] =	vst.idx.add.f32.msk $0xffff, v26  }
0x3e4: {  	v26 =	vld [tilespmem:$0x1FB10]  }
0x3e5: {  	[tilespmem:v24+s19+$0x0] =	vst.idx.add.f32.msk $0xffff, v28  }
0x3e6: {  	v23 =	vmul.f32 v22, v21;
	v28 =	vld [tilespmem:$0x1FB20];
	_ =	sdelay $0x1  }
0x3e7: {  	v27 =	vor.u32 v27, v13;
	[tilespmem:v25+s19+$0x0] =	vst.idx.add.f32.msk $0xffff, v23  }
0x3e8: {  	v29 =	vor.u32 v29, v13;
	v25 =	vld [tilespmem:$0x1FB30]  }
0x3e9: {  	v26 =	vor.u32 v26, v13  }
0x3ea: {  	v24 =	vmul.f32 v22, v20;
	v28 =	vor.u32 v28, v13  }
0x3eb: {  	v23 =	vmul.f32 v22, v18  }
0x3ec: {  	[tilespmem:v27+s19+$0x0] =	vst.idx.add.f32.msk $0xffff, v24;
	v24 =	vmul.f32 v22, v14  }
0x3ed: {  	[tilespmem:v29+s19+$0x0] =	vst.idx.add.f32.msk $0xffff, v23;
	v23 =	vmul.f32 v22, v15;
	v25 =	vor.u32 v25, v13  }
0x3ee: {  	[tilespmem:v26+s19+$0x0] =	vst.idx.add.f32.msk $0xffff, v24  }
0x3ef: {  	[tilespmem:v28+s19+$0x0] =	vst.idx.add.f32.msk $0xffff, v23  }
0x3f0: {  	v22 =	vmul.f32 v22, v17;
	v23 =	vld [tilespmem:$0x1FB40]  }
0x3f1: {  	v24 =	vld [tilespmem:$0x1FB50]  }
0x3f2: {  	[tilespmem:v25+s19+$0x0] =	vst.idx.add.f32.msk $0xffff, v22  }
0x3f3: {  	v22 =	vld [tilespmem:s29+$0xAEE0];
	_ =	sdelay $0x1  }
0x3f4: {  	v25 =	vld [tilespmem:$0x1FB60];
	v23 =	vor.u32 v23, v13;
	_ =	sdelay $0x1  }
0x3f5: {  	v24 =	vor.u32 v24, v13  }
0x3f6: {  	v27 =	vld [tilespmem:$0x1FB70];
	v26 =	vmul.f32 v22, v16  }
0x3f7: {  	v29 =	vld [tilespmem:$0x1FB80]  }
0x3f8: {  	v25 =	vor.u32 v25, v13;
	v28 =	vmul.f32 v22, v19;
	[tilespmem:v23+s19+$0x0] =	vst.idx.add.f32.msk $0xffff, v26  }
0x3f9: {  	v26 =	vld [tilespmem:$0x1FB90]  }
0x3fa: {  	[tilespmem:v24+s19+$0x0] =	vst.idx.add.f32.msk $0xffff, v28  }
0x3fb: {  	v23 =	vmul.f32 v22, v21;
	v28 =	vld [tilespmem:$0x1FBA0];
	_ =	sdelay $0x1  }
0x3fc: {  	v27 =	vor.u32 v27, v13;
	[tilespmem:v25+s19+$0x0] =	vst.idx.add.f32.msk $0xffff, v23  }
0x3fd: {  	v29 =	vor.u32 v29, v13;
	v25 =	vld [tilespmem:$0x1FBB0]  }
0x3fe: {  	v26 =	vor.u32 v26, v13  }
0x3ff: {  	v24 =	vmul.f32 v22, v20;
	v28 =	vor.u32 v28, v13  }
0x400: {  	v23 =	vmul.f32 v22, v18  }
0x401: {  	[tilespmem:v27+s19+$0x0] =	vst.idx.add.f32.msk $0xffff, v24;
	v24 =	vmul.f32 v22, v14  }
0x402: {  	[tilespmem:v29+s19+$0x0] =	vst.idx.add.f32.msk $0xffff, v23;
	v23 =	vmul.f32 v22, v15;
	v25 =	vor.u32 v25, v13  }
0x403: {  	[tilespmem:v26+s19+$0x0] =	vst.idx.add.f32.msk $0xffff, v24  }
0x404: {  	[tilespmem:v28+s19+$0x0] =	vst.idx.add.f32.msk $0xffff, v23  }
0x405: {  	v22 =	vmul.f32 v22, v17;
	v23 =	vld [tilespmem:$0x1FBC0]  }
0x406: {  	v24 =	vld [tilespmem:$0x1FBD0]  }
0x407: {  	[tilespmem:v25+s19+$0x0] =	vst.idx.add.f32.msk $0xffff, v22  }
0x408: {  	v22 =	vld [tilespmem:s29+$0xAEF0];
	_ =	sdelay $0x1  }
0x409: {  	v25 =	vld [tilespmem:$0x1FBE0];
	v23 =	vor.u32 v23, v13;
	_ =	sdelay $0x1  }
0x40a: {  	v24 =	vor.u32 v24, v13  }
0x40b: {  	v27 =	vld [tilespmem:$0x1FBF0];
	v26 =	vmul.f32 v22, v16  }
0x40c: {  	v29 =	vld [tilespmem:$0x1FC00]  }
0x40d: {  	v25 =	vor.u32 v25, v13;
	v28 =	vmul.f32 v22, v19;
	[tilespmem:v23+s19+$0x0] =	vst.idx.add.f32.msk $0xffff, v26  }
0x40e: {  	v26 =	vld [tilespmem:$0x1FC10]  }
0x40f: {  	[tilespmem:v24+s19+$0x0] =	vst.idx.add.f32.msk $0xffff, v28  }
0x410: {  	v23 =	vmul.f32 v22, v21;
	v28 =	vld [tilespmem:$0x1FC20];
	_ =	sdelay $0x1  }
0x411: {  	v27 =	vor.u32 v27, v13;
	[tilespmem:v25+s19+$0x0] =	vst.idx.add.f32.msk $0xffff, v23  }
0x412: {  	v29 =	vor.u32 v29, v13;
	v25 =	vld [tilespmem:$0x1FC30]  }
0x413: {  	v26 =	vor.u32 v26, v13  }
0x414: {  	v24 =	vmul.f32 v22, v20;
	v28 =	vor.u32 v28, v13  }
0x415: {  	v23 =	vmul.f32 v22, v18  }
0x416: {  	[tilespmem:v27+s19+$0x0] =	vst.idx.add.f32.msk $0xffff, v24;
	v24 =	vmul.f32 v22, v14  }
0x417: {  	[tilespmem:v29+s19+$0x0] =	vst.idx.add.f32.msk $0xffff, v23;
	v23 =	vmul.f32 v22, v15;
	v25 =	vor.u32 v25, v13  }
0x418: {  	[tilespmem:v26+s19+$0x0] =	vst.idx.add.f32.msk $0xffff, v24  }
0x419: {  	[tilespmem:v28+s19+$0x0] =	vst.idx.add.f32.msk $0xffff, v23  }
0x41a: {  	v22 =	vmul.f32 v22, v17;
	v23 =	vld [tilespmem:$0x1FC40]  }
0x41b: {  	v24 =	vld [tilespmem:$0x1FC50]  }
0x41c: {  	[tilespmem:v25+s19+$0x0] =	vst.idx.add.f32.msk $0xffff, v22  }
0x41d: {  	v22 =	vld [tilespmem:s29+$0xB280];
	_ =	sdelay $0x1  }
0x41e: {  	v25 =	vld [tilespmem:$0x1FC60];
	v23 =	vor.u32 v23, v13;
	_ =	sdelay $0x1  }
0x41f: {  	v24 =	vor.u32 v24, v13  }
0x420: {  	v27 =	vld [tilespmem:$0x1FC70];
	v26 =	vmul.f32 v22, v16  }
0x421: {  	v29 =	vld [tilespmem:$0x1FC80]  }
0x422: {  	v25 =	vor.u32 v25, v13;
	v28 =	vmul.f32 v22, v19;
	[tilespmem:v23+s19+$0x0] =	vst.idx.add.f32.msk $0xffff, v26  }
0x423: {  	v26 =	vld [tilespmem:$0x1FC90]  }
0x424: {  	[tilespmem:v24+s19+$0x0] =	vst.idx.add.f32.msk $0xffff, v28  }
0x425: {  	v23 =	vmul.f32 v22, v21;
	v28 =	vld [tilespmem:$0x1FCA0];
	_ =	sdelay $0x1  }
0x426: {  	v27 =	vor.u32 v27, v13;
	[tilespmem:v25+s19+$0x0] =	vst.idx.add.f32.msk $0xffff, v23  }
0x427: {  	v29 =	vor.u32 v29, v13;
	v25 =	vld [tilespmem:$0x1FCB0]  }
0x428: {  	v26 =	vor.u32 v26, v13  }
0x429: {  	v24 =	vmul.f32 v22, v20;
	v28 =	vor.u32 v28, v13  }
0x42a: {  	v23 =	vmul.f32 v22, v18  }
0x42b: {  	[tilespmem:v27+s19+$0x0] =	vst.idx.add.f32.msk $0xffff, v24;
	v24 =	vmul.f32 v22, v14  }
0x42c: {  	[tilespmem:v29+s19+$0x0] =	vst.idx.add.f32.msk $0xffff, v23;
	v23 =	vmul.f32 v22, v15;
	v25 =	vor.u32 v25, v13  }
0x42d: {  	[tilespmem:v26+s19+$0x0] =	vst.idx.add.f32.msk $0xffff, v24  }
0x42e: {  	[tilespmem:v28+s19+$0x0] =	vst.idx.add.f32.msk $0xffff, v23  }
0x42f: {  	v22 =	vmul.f32 v22, v17;
	v23 =	vld [tilespmem:$0x1FCC0]  }
0x430: {  	v24 =	vld [tilespmem:$0x1FCD0]  }
0x431: {  	[tilespmem:v25+s19+$0x0] =	vst.idx.add.f32.msk $0xffff, v22  }
0x432: {  	v22 =	vld [tilespmem:s29+$0xB290];
	_ =	sdelay $0x1  }
0x433: {  	v25 =	vld [tilespmem:$0x1FCE0];
	v23 =	vor.u32 v23, v13;
	_ =	sdelay $0x1  }
0x434: {  	v24 =	vor.u32 v24, v13  }
0x435: {  	v27 =	vld [tilespmem:$0x1FCF0];
	v26 =	vmul.f32 v22, v16  }
0x436: {  	v29 =	vld [tilespmem:$0x1FD00]  }
0x437: {  	v25 =	vor.u32 v25, v13;
	v28 =	vmul.f32 v22, v19;
	[tilespmem:v23+s19+$0x0] =	vst.idx.add.f32.msk $0xffff, v26  }
0x438: {  	v26 =	vld [tilespmem:$0x1FD10]  }
0x439: {  	[tilespmem:v24+s19+$0x0] =	vst.idx.add.f32.msk $0xffff, v28  }
0x43a: {  	v23 =	vmul.f32 v22, v21;
	v28 =	vld [tilespmem:$0x1FD20];
	_ =	sdelay $0x1  }
0x43b: {  	v27 =	vor.u32 v27, v13;
	[tilespmem:v25+s19+$0x0] =	vst.idx.add.f32.msk $0xffff, v23  }
0x43c: {  	v29 =	vor.u32 v29, v13;
	v25 =	vld [tilespmem:$0x1FD30]  }
0x43d: {  	v26 =	vor.u32 v26, v13  }
0x43e: {  	v24 =	vmul.f32 v22, v20;
	v28 =	vor.u32 v28, v13  }
0x43f: {  	v23 =	vmul.f32 v22, v18  }
0x440: {  	[tilespmem:v27+s19+$0x0] =	vst.idx.add.f32.msk $0xffff, v24;
	v24 =	vmul.f32 v22, v14  }
0x441: {  	[tilespmem:v29+s19+$0x0] =	vst.idx.add.f32.msk $0xffff, v23;
	v23 =	vmul.f32 v22, v15;
	v25 =	vor.u32 v25, v13  }
0x442: {  	[tilespmem:v26+s19+$0x0] =	vst.idx.add.f32.msk $0xffff, v24  }
0x443: {  	[tilespmem:v28+s19+$0x0] =	vst.idx.add.f32.msk $0xffff, v23  }
0x444: {  	v22 =	vmul.f32 v22, v17;
	v23 =	vld [tilespmem:$0x1FD40]  }
0x445: {  	v24 =	vld [tilespmem:$0x1FD50]  }
0x446: {  	[tilespmem:v25+s19+$0x0] =	vst.idx.add.f32.msk $0xffff, v22  }
0x447: {  	v22 =	vld [tilespmem:s29+$0xB2A0];
	_ =	sdelay $0x1  }
0x448: {  	v25 =	vld [tilespmem:$0x1FD60];
	v23 =	vor.u32 v23, v13;
	_ =	sdelay $0x1  }
0x449: {  	v24 =	vor.u32 v24, v13  }
0x44a: {  	v27 =	vld [tilespmem:$0x1FD70];
	v26 =	vmul.f32 v22, v16  }
0x44b: {  	v29 =	vld [tilespmem:$0x1FD80]  }
0x44c: {  	v25 =	vor.u32 v25, v13;
	v28 =	vmul.f32 v22, v19;
	[tilespmem:v23+s19+$0x0] =	vst.idx.add.f32.msk $0xffff, v26  }
0x44d: {  	v26 =	vld [tilespmem:$0x1FD90]  }
0x44e: {  	[tilespmem:v24+s19+$0x0] =	vst.idx.add.f32.msk $0xffff, v28  }
0x44f: {  	v23 =	vmul.f32 v22, v21;
	v28 =	vld [tilespmem:$0x1FDA0];
	_ =	sdelay $0x1  }
0x450: {  	v27 =	vor.u32 v27, v13;
	[tilespmem:v25+s19+$0x0] =	vst.idx.add.f32.msk $0xffff, v23  }
0x451: {  	v29 =	vor.u32 v29, v13;
	v25 =	vld [tilespmem:$0x1FDB0]  }
0x452: {  	v26 =	vor.u32 v26, v13  }
0x453: {  	v24 =	vmul.f32 v22, v20;
	v28 =	vor.u32 v28, v13  }
0x454: {  	v23 =	vmul.f32 v22, v18  }
0x455: {  	[tilespmem:v27+s19+$0x0] =	vst.idx.add.f32.msk $0xffff, v24;
	v24 =	vmul.f32 v22, v14  }
0x456: {  	[tilespmem:v29+s19+$0x0] =	vst.idx.add.f32.msk $0xffff, v23;
	v23 =	vmul.f32 v22, v15;
	v25 =	vor.u32 v25, v13  }
0x457: {  	[tilespmem:v26+s19+$0x0] =	vst.idx.add.f32.msk $0xffff, v24  }
0x458: {  	[tilespmem:v28+s19+$0x0] =	vst.idx.add.f32.msk $0xffff, v23  }
0x459: {  	v22 =	vmul.f32 v22, v17;
	v23 =	vld [tilespmem:$0x1FDC0]  }
0x45a: {  	v24 =	vld [tilespmem:$0x1FDD0]  }
0x45b: {  	[tilespmem:v25+s19+$0x0] =	vst.idx.add.f32.msk $0xffff, v22  }
0x45c: {  	v22 =	vld [tilespmem:s29+$0xB2B0];
	_ =	sdelay $0x1  }
0x45d: {  	v25 =	vld [tilespmem:$0x1FDE0];
	v23 =	vor.u32 v23, v13;
	_ =	sdelay $0x1  }
0x45e: {  	v24 =	vor.u32 v24, v13  }
0x45f: {  	v27 =	vld [tilespmem:$0x1FDF0];
	v26 =	vmul.f32 v22, v16  }
0x460: {  	v29 =	vld [tilespmem:$0x1FE00]  }
0x461: {  	v25 =	vor.u32 v25, v13;
	v28 =	vmul.f32 v22, v19;
	[tilespmem:v23+s19+$0x0] =	vst.idx.add.f32.msk $0xffff, v26  }
0x462: {  	v26 =	vld [tilespmem:$0x1FE10]  }
0x463: {  	[tilespmem:v24+s19+$0x0] =	vst.idx.add.f32.msk $0xffff, v28  }
0x464: {  	v23 =	vmul.f32 v22, v21;
	v28 =	vld [tilespmem:$0x1FE20];
	_ =	sdelay $0x1  }
0x465: {  	v27 =	vor.u32 v27, v13;
	[tilespmem:v25+s19+$0x0] =	vst.idx.add.f32.msk $0xffff, v23  }
0x466: {  	v29 =	vor.u32 v29, v13;
	v25 =	vld [tilespmem:$0x1FE30]  }
0x467: {  	v26 =	vor.u32 v26, v13  }
0x468: {  	v24 =	vmul.f32 v22, v20;
	v28 =	vor.u32 v28, v13  }
0x469: {  	v23 =	vmul.f32 v22, v18  }
0x46a: {  	[tilespmem:v27+s19+$0x0] =	vst.idx.add.f32.msk $0xffff, v24;
	v24 =	vmul.f32 v22, v14  }
0x46b: {  	[tilespmem:v29+s19+$0x0] =	vst.idx.add.f32.msk $0xffff, v23;
	v23 =	vmul.f32 v22, v15;
	v25 =	vor.u32 v25, v13  }
0x46c: {  	[tilespmem:v26+s19+$0x0] =	vst.idx.add.f32.msk $0xffff, v24  }
0x46d: {  	[tilespmem:v28+s19+$0x0] =	vst.idx.add.f32.msk $0xffff, v23  }
0x46e: {  	v22 =	vmul.f32 v22, v17;
	v23 =	vld [tilespmem:$0x1FE40]  }
0x46f: {  	v24 =	vld [tilespmem:$0x1FE50]  }
0x470: {  	[tilespmem:v25+s19+$0x0] =	vst.idx.add.f32.msk $0xffff, v22  }
0x471: {  	v22 =	vld [tilespmem:s29+$0xB2C0];
	_ =	sdelay $0x1  }
0x472: {  	v25 =	vld [tilespmem:$0x1FE60];
	v23 =	vor.u32 v23, v13;
	_ =	sdelay $0x1  }
0x473: {  	v24 =	vor.u32 v24, v13  }
0x474: {  	v27 =	vld [tilespmem:$0x1FE70];
	v26 =	vmul.f32 v22, v16  }
0x475: {  	v29 =	vld [tilespmem:$0x1FE80]  }
0x476: {  	v25 =	vor.u32 v25, v13;
	v28 =	vmul.f32 v22, v19;
	[tilespmem:v23+s19+$0x0] =	vst.idx.add.f32.msk $0xffff, v26  }
0x477: {  	v26 =	vld [tilespmem:$0x1FE90]  }
0x478: {  	[tilespmem:v24+s19+$0x0] =	vst.idx.add.f32.msk $0xffff, v28  }
0x479: {  	v23 =	vmul.f32 v22, v21;
	v28 =	vld [tilespmem:$0x1FEA0];
	_ =	sdelay $0x1  }
0x47a: {  	v27 =	vor.u32 v27, v13;
	[tilespmem:v25+s19+$0x0] =	vst.idx.add.f32.msk $0xffff, v23  }
0x47b: {  	v29 =	vor.u32 v29, v13;
	v25 =	vld [tilespmem:$0x1FEB0]  }
0x47c: {  	v26 =	vor.u32 v26, v13  }
0x47d: {  	v24 =	vmul.f32 v22, v20;
	v28 =	vor.u32 v28, v13  }
0x47e: {  	v23 =	vmul.f32 v22, v18  }
0x47f: {  	[tilespmem:v27+s19+$0x0] =	vst.idx.add.f32.msk $0xffff, v24;
	v24 =	vmul.f32 v22, v14  }
0x480: {  	[tilespmem:v29+s19+$0x0] =	vst.idx.add.f32.msk $0xffff, v23;
	v23 =	vmul.f32 v22, v15;
	v25 =	vor.u32 v25, v13  }
0x481: {  	[tilespmem:v26+s19+$0x0] =	vst.idx.add.f32.msk $0xffff, v24  }
0x482: {  	[tilespmem:v28+s19+$0x0] =	vst.idx.add.f32.msk $0xffff, v23  }
0x483: {  	v22 =	vmul.f32 v22, v17;
	v23 =	vld [tilespmem:$0x1FEC0]  }
0x484: {  	v24 =	vld [tilespmem:$0x1FED0]  }
0x485: {  	[tilespmem:v25+s19+$0x0] =	vst.idx.add.f32.msk $0xffff, v22  }
0x486: {  	v22 =	vld [tilespmem:s29+$0xB2D0];
	_ =	sdelay $0x1  }
0x487: {  	v23 =	vor.u32 v23, v13;
	_ =	sdelay $0x1  }
0x488: {  	v27 =	vld [tilespmem:$0x1FEF0];
	v24 =	vor.u32 v24, v13  }
0x489: {  	v29 =	vld [tilespmem:$0x1FF00];
	v26 =	vmul.f32 v22, v16  }
0x48a: {  	v25 =	vld [tilespmem:$0x1FEE0]  }
0x48b: {  	v28 =	vmul.f32 v22, v19;
	[tilespmem:v23+s19+$0x0] =	vst.idx.add.f32.msk $0xffff, v26  }
0x48c: {  	v26 =	vld [tilespmem:$0x1FF10]  }
0x48d: {  	[tilespmem:v24+s19+$0x0] =	vst.idx.add.f32.msk $0xffff, v28  }
0x48e: {  	v28 =	vld [tilespmem:$0x1FF20]  }
0x48f: {  	v25 =	vor.u32 v25, v13  }
0x490: {  	v27 =	vor.u32 v27, v13  }
0x491: {  	v29 =	vor.u32 v29, v13  }
0x492: {  	v23 =	vmul.f32 v22, v21;
	v26 =	vor.u32 v26, v13  }
0x493: {  	v24 =	vmul.f32 v22, v20;
	v28 =	vor.u32 v28, v13  }
0x494: {  	[tilespmem:v25+s19+$0x0] =	vst.idx.add.f32.msk $0xffff, v23;
	v23 =	vmul.f32 v22, v18;
	v25 =	vor.u32 v61, v13  }
0x495: {  	[tilespmem:v27+s19+$0x0] =	vst.idx.add.f32.msk $0xffff, v24;
	v24 =	vmul.f32 v22, v14  }
0x496: {  	[tilespmem:v29+s19+$0x0] =	vst.idx.add.f32.msk $0xffff, v23;
	v23 =	vmul.f32 v22, v15  }
0x497: {  	v22 =	vmul.f32 v22, v17;
	[tilespmem:v26+s19+$0x0] =	vst.idx.add.f32.msk $0xffff, v24  }
0x498: {  	[tilespmem:v28+s19+$0x0] =	vst.idx.add.f32.msk $0xffff, v23  }
0x499: {  	[tilespmem:v25+s19+$0x0] =	vst.idx.add.f32.msk $0xffff, v22  }
0x49a: {  	v22 =	vld [tilespmem:s29+$0xB2E0];
	_ =	sdelay $0x1  }
0x49b: {  	v23 =	vor.u32 v60, v13  }
0x49c: {  	v24 =	vor.u32 v62, v13  }
0x49d: {  	v25 =	vor.u32 v56, v13  }
0x49e: {  	v27 =	vor.u32 v63, v13;
	v26 =	vmul.f32 v22, v16  }
0x49f: {  	v29 =	vor.u32 v2, v13;
	v28 =	vmul.f32 v22, v19  }
0x4a0: {  	[tilespmem:v23+s19+$0x0] =	vst.idx.add.f32.msk $0xffff, v26;
	v23 =	vmul.f32 v22, v21;
	v26 =	vor.u32 v3, v13  }
0x4a1: {  	[tilespmem:v24+s19+$0x0] =	vst.idx.add.f32.msk $0xffff, v28;
	v24 =	vmul.f32 v22, v20;
	v28 =	vor.u32 v5, v13  }
0x4a2: {  	[tilespmem:v25+s19+$0x0] =	vst.idx.add.f32.msk $0xffff, v23;
	v23 =	vmul.f32 v22, v18;
	v25 =	vor.u32 v6, v13  }
0x4a3: {  	[tilespmem:v27+s19+$0x0] =	vst.idx.add.f32.msk $0xffff, v24;
	v24 =	vmul.f32 v22, v14  }
0x4a4: {  	[tilespmem:v29+s19+$0x0] =	vst.idx.add.f32.msk $0xffff, v23;
	v23 =	vmul.f32 v22, v15  }
0x4a5: {  	v22 =	vmul.f32 v22, v17;
	[tilespmem:v26+s19+$0x0] =	vst.idx.add.f32.msk $0xffff, v24  }
0x4a6: {  	[tilespmem:v28+s19+$0x0] =	vst.idx.add.f32.msk $0xffff, v23  }
0x4a7: {  	[tilespmem:v25+s19+$0x0] =	vst.idx.add.f32.msk $0xffff, v22  }
0x4a8: {  	v22 =	vld [tilespmem:s29+$0xB2F0];
	_ =	sdelay $0x1  }
0x4a9: {  	v23 =	vor.u32 v7, v13  }
0x4aa: {  	v24 =	vor.u32 v8, v13  }
0x4ab: {  	v25 =	vor.u32 v9, v13  }
0x4ac: {  	v26 =	vor.u32 v10, v13;
	v16 =	vmul.f32 v22, v16  }
0x4ad: {  	v27 =	vor.u32 v11, v13;
	v19 =	vmul.f32 v22, v19  }
0x4ae: {  	s30 =	smov.u32 s28;
	s28 =	sadd.s32 $0x1, s28;
	[tilespmem:v23+s19+$0x0] =	vst.idx.add.f32.msk $0xffff, v16;
	v16 =	vmul.f32 v22, v21;
	v21 =	vor.u32 v12, v13  }
0x4af: {  	p2 =	sne.s32 s28, s24;
	[tilespmem:v24+s19+$0x0] =	vst.idx.add.f32.msk $0xffff, v19;
	v19 =	vmul.f32 v22, v20;
	v20 =	vor.u32 v1, v13  }
.Ltmp11:
0x4b0: {  	v18 =	vmul.f32 v22, v18;
	[tilespmem:v25+s19+$0x0] =	vst.idx.add.f32.msk $0xffff, v16;
	(pc) =	sbr.rel @p2 .LBB2_13-.Ltmp11, $4  }
0x4b1: {  	v14 =	vmul.f32 v22, v14;
	[tilespmem:v26+s19+$0x0] =	vst.idx.add.f32.msk $0xffff, v19  }
0x4b2: {  	s23 =	smov.u32 s30;
	v15 =	vmul.f32 v22, v15;
	[tilespmem:v27+s19+$0x0] =	vst.idx.add.f32.msk $0xffff, v18  }
0x4b3: {  	s31 =	sadd.s32 s23, s20;
	v29 =	vmov v33;
	v28 =	vmov v32;
	v16 =	vor.u32 v4, v13;
	[tilespmem:v21+s19+$0x0] =	vst.idx.add.f32.msk $0xffff, v14  }
0x4b4: {  	s25 =	sadd.s32 $0x100, s25;
	v23 =	vlaneseq.u32;
	v13 =	vmov s31;
	v26 =	vmovc v30;
	v27 =	vmovc v31;
	v14 =	vmul.f32 v22, v17;
	[tilespmem:v20+s19+$0x0] =	vst.idx.add.f32.msk $0xffff, v15  }
.Ltmp12:
0x4b5: {  	(pc) =	sbr.rel .LBB2_15-.Ltmp12, $4  }
0x4b6: {  	v18 =	vmov v34;
	v19 =	vmov v35;
	v20 =	vmov v36  }
0x4b7: {  	v21 =	vmovc v37;
	v22 =	vmovc v38;
	v24 =	vmov v39;
	v25 =	vmov v40;
	v30 =	vmov v41  }
0x4b8: {  	v31 =	vmovc v42;
	v32 =	vmovc v43;
	v33 =	vmov v44;
	v34 =	vmov v45;
	v35 =	vmov v46  }
0x4b9: {  	v36 =	vmovc v47;
	v37 =	vmovc v48;
	v38 =	vmov v49;
	v39 =	vmov v50;
	v40 =	vmov v51;
	v45 =	vld [tilespmem:$0x1FFF0]  }
.LBB2_12:
.Ltmp13:
0x4ba: {  	(pc) =	sbr.rel .LBB2_15-.Ltmp13, $4  }
0x4bb: {  	v18 =	vmov v34;
	v19 =	vmov v35;
	v20 =	vmov v36  }
0x4bc: {  	v21 =	vmovc v37;
	v22 =	vmovc v38;
	v24 =	vmov v39;
	v25 =	vmov v40;
	v30 =	vmov v41  }
0x4bd: {  	v31 =	vmovc v42;
	v32 =	vmovc v43;
	v33 =	vmov v44;
	v34 =	vmov v45;
	v35 =	vmov v46  }
0x4be: {  	s26 =	simm.s32 $0x0;
	v36 =	vmovc v47;
	v37 =	vmovc v48;
	v38 =	vmov v49;
	v39 =	vmov v50;
	v40 =	vmov v51;
	v45 =	vld [tilespmem:$0x1FFF0]  }
.LBB2_17:
0x4bf: {  	_ =	strace $0x9000004A;
	s0 =	simm.s32 $0x80  }
0x4c0: {  	s1 =	simm.s32 $0x400;
	s2 =	simm.s32 $0xBF80;
	s30 =	simm.s32 $0x3  }
0x4c1: {  	[hbm4b:s4+s0] =	stream.strided.scatter [tilespmem:s2], [sflag:$0x3], $0x8000, s1, s0, $0x38;
	[tilespmem:$0x14080] =	vst v63  }
0x4c2: {  	_ =	swait.ge [sflag:s30], $0x8000  }
0x4c3: {  	[sflag:s30] =	ssyncset.done $0x0  }
0x4c4: {  	s3 =	simm.s32 $0x13F80;
	s31 =	rddreg [dreg:$0x4];
	[sflag:s30] =	ssyncadd.s32 $0xFFFF8000  }
0x4c5: {  	[hbm4b:s31+s0] =	stream.strided.scatter [tilespmem:s3], [sflag:$0x3], $0x100, s1, s0, $0x38;
	[tilespmem:$0x14080] =	vst v63  }
0x4c6: {  	_ =	swait.ge [sflag:s30], $0x100  }
0x4c7: {  	[sflag:s30] =	ssyncset.done $0x0  }
0x4c8: {  	[sflag:s30] =	ssyncadd.s32 $0xFFFFFF00  }
0x4c9: {  	_ =	sfence.sel $0x180000  }
0x4ca: {  	[bflag:$0x0] =	sbarrier.arrive $0xFFFF  }
0x4cb: {  	_ =	strace $0x90000047  }
0x4cc: {  	[bflag:$0x2] =	sbarrier.arrive $0xFFFF  }
0x4cd: {  	s0 =	rddreg [dreg:$0x3]  }
0x4ce: {  	s0 =	sadd.s32 @!p0 $0x100000, s0  }
0x4cf: {  	[sflag:s0] =	ssyncadd.tile.s32 @!p0 $0x1;
	_ =	shalt  }
.Lfunc_end2:
_tile_overlayer_lowered:
.L_overlay_start_2:
0x4d0: {  	(tag) =	ssettag $0x2  }
0x4d1: {  	s0 =	rddreg [dreg:$0x0];
	s2 =	stileid.u32  }
0x4d2: {  	s1 =	rddreg [dreg:$0x1];
	p0 =	sne.s32 s2, $0x0  }
0x4d3: {  	s3 =	rddreg [dreg:$0x2];
	[bflag:$0x3] =	sbarrier.arrive $0xFFFF;
	s2 =	simm.s32 @!p0 $0x1C03  }
0x4d4: {  	[timem:s3], [sflag:s2] =	dma.local @!p0 [hbm:s0], s1  }
0x4d5: {  	s0 =	simm.s32 @!p0 $0x3  }
0x4d6: {  	_ =	swait.ge @!p0 [sflag:s0], s1  }
0x4d7: {  	s1 =	ssub.s32 @!p0 $0x0, s1;
	[sflag:s0] =	ssyncset.done @!p0 $0x0  }
0x4d8: {  	[sflag:s0] =	ssyncadd.s32 @!p0 s1  }
0x4d9: {  	[bflag:$0x3] =	sbarrier.arrive $0xFFFF  }
0x4da: {  	_ =	shalt  }

</sc_bundles>
